<compile_context>
chip_gen: v7x
topology: tpu7x:2x2x1
jax: 0.10.2.dev20260603
libtpu: 0.0.44.dev20260713+nightly
codegen_flags: <defaults>
</compile_context>

<pallas_src>
import functools
import jax
import jax.numpy as jnp
import numpy as np
from jax.experimental import pallas as pl
from jax.experimental.pallas import tpu as pltpu
from jax._src.pallas.mosaic import sc_core as plsc

_B, _S, _D_IN, _D_OUT = 2, 2048, 2048, 2048
_E, _R = 8, 64
_RMOE = _E * _R
_SCALING = 16.0 / 64.0
_T = _B * _S

_BM = 512
_NBLK = _T // _BM
_TOK_PER_SUB = _T // 32
_GROUPS = _TOK_PER_SUB // 16


def _bodyA(x_ref, wg_ref, wa_ref, lt_ref, xb_ref, h_ref, wa16_ref):
    @pl.when(pl.program_id(0) == 0)
    def _():
        wa16_ref[...] = wa_ref[...].astype(jnp.bfloat16)

    xb = x_ref[...].astype(jnp.bfloat16)
    xb_ref[...] = xb
    lt_ref[...] = jax.lax.dot_general(
        wg_ref[...].astype(jnp.bfloat16), xb, (((1,), (1,)), ((), ())),
        preferred_element_type=jnp.float32)
    h = jax.lax.dot_general(
        xb, wa16_ref[...], (((1,), (1,)), ((), ())),
        preferred_element_type=jnp.float32)
    h_ref[...] = h.astype(jnp.bfloat16)


def _sc_gate_body(logits_ref, out_ref, vin, vout, sem_in, sem_out):
    c = jax.lax.axis_index("c")
    s = jax.lax.axis_index("s")
    base = (c * 16 + s) * _TOK_PER_SUB
    cp_in = pltpu.make_async_copy(
        logits_ref.at[:, pl.ds(base, _TOK_PER_SUB)], vin, sem_in)
    cp_in.start()
    cp_in.wait()
    for g in range(_GROUPS):
        sl = pl.ds(g * 16, 16)
        l = [vin[e, sl] for e in range(_E)]
        m1 = l[0]
        for e in range(1, _E):
            m1 = jnp.maximum(m1, l[e])
        wun = []
        den = None
        for e in range(_E):
            cnt = None
            for j in range(_E):
                if j == e:
                    continue
                beat = (l[j] >= l[e]) if j < e else (l[j] > l[e])
                b = jnp.where(beat, 1, 0)
                cnt = b if cnt is None else cnt + b
            we = jnp.where(cnt < 2, jnp.exp(l[e] - m1), 0.0)
            wun.append(we)
            den = we if den is None else den + we
        inv = 1.0 / den
        for e in range(_E):
            vout[e, sl] = wun[e] * inv
    cp_out = pltpu.make_async_copy(
        vout, out_ref.at[:, pl.ds(base, _TOK_PER_SUB)], sem_out)
    cp_out.start()
    cp_out.wait()


def _bodyC(xb_ref, h_ref, wt_ref, wb_ref, wbl_ref, o_ref, wb16_ref, wbl16_ref):
    @pl.when(pl.program_id(0) == 0)
    def _():
        wb16_ref[...] = wb_ref[...].astype(jnp.bfloat16)
        wbl16_ref[...] = (_SCALING * wbl_ref[...]).astype(jnp.bfloat16)

    expand = (jax.lax.broadcasted_iota(jnp.int32, (_E, _RMOE), 1) // _R ==
              jax.lax.broadcasted_iota(jnp.int32, (_E, _RMOE), 0)
              ).astype(jnp.float32)
    wfull = jax.lax.dot_general(
        wt_ref[...], expand, (((0,), (0,)), ((), ())),
        preferred_element_type=jnp.float32)
    hw = (h_ref[...].astype(jnp.float32) * wfull).astype(jnp.bfloat16)
    base = jax.lax.dot_general(
        xb_ref[...], wb16_ref[...], (((1,), (1,)), ((), ())),
        preferred_element_type=jnp.float32)
    lora = jax.lax.dot_general(
        hw, wbl16_ref[...], (((1,), (1,)), ((), ())),
        preferred_element_type=jnp.float32)
    o_ref[...] = base + lora


def kernel(x, W_base, W_gate, W_A, W_B):
    xf = x.reshape(_T, _D_IN)

    logitsT, xb16, h16 = pl.pallas_call(
        _bodyA,
        grid=(_NBLK,),
        in_specs=[
            pl.BlockSpec((_BM, _D_IN), lambda i: (i, 0)),
            pl.BlockSpec((_E, _D_IN), lambda i: (0, 0)),
            pl.BlockSpec((_RMOE, _D_IN), lambda i: (0, 0)),
        ],
        out_specs=[
            pl.BlockSpec((_E, _BM), lambda i: (0, i)),
            pl.BlockSpec((_BM, _D_IN), lambda i: (i, 0)),
            pl.BlockSpec((_BM, _RMOE), lambda i: (i, 0)),
        ],
        out_shape=[
            jax.ShapeDtypeStruct((_E, _T), jnp.float32),
            jax.ShapeDtypeStruct((_T, _D_IN), jnp.bfloat16),
            jax.ShapeDtypeStruct((_T, _RMOE), jnp.bfloat16),
        ],
        scratch_shapes=[pltpu.VMEM((_RMOE, _D_IN), jnp.bfloat16)],
        compiler_params=pltpu.CompilerParams(
            dimension_semantics=("arbitrary",),
            vmem_limit_bytes=100 * 1024 * 1024,
        ),
    )(xf, W_gate, W_A)

    sc_gate = pl.kernel(
        _sc_gate_body,
        out_type=jax.ShapeDtypeStruct((_E, _T), jnp.float32),
        mesh=plsc.VectorSubcoreMesh(core_axis_name="c", subcore_axis_name="s"),
        scratch_types=[
            pltpu.VMEM((_E, _TOK_PER_SUB), jnp.float32),
            pltpu.VMEM((_E, _TOK_PER_SUB), jnp.float32),
            pltpu.SemaphoreType.DMA,
            pltpu.SemaphoreType.DMA,
        ],
    )
    weightsT = sc_gate(logitsT)

    out = pl.pallas_call(
        _bodyC,
        grid=(_NBLK,),
        in_specs=[
            pl.BlockSpec((_BM, _D_IN), lambda i: (i, 0)),
            pl.BlockSpec((_BM, _RMOE), lambda i: (i, 0)),
            pl.BlockSpec((_E, _BM), lambda i: (0, i)),
            pl.BlockSpec((_D_OUT, _D_IN), lambda i: (0, 0)),
            pl.BlockSpec((_D_OUT, _RMOE), lambda i: (0, 0)),
        ],
        out_specs=pl.BlockSpec((_BM, _D_OUT), lambda i: (i, 0)),
        out_shape=jax.ShapeDtypeStruct((_T, _D_OUT), jnp.float32),
        scratch_shapes=[
            pltpu.VMEM((_D_OUT, _D_IN), jnp.bfloat16),
            pltpu.VMEM((_D_OUT, _RMOE), jnp.bfloat16),
        ],
        compiler_params=pltpu.CompilerParams(
            dimension_semantics=("arbitrary",),
            vmem_limit_bytes=100 * 1024 * 1024,
        ),
    )(xb16, h16, weightsT, W_base, W_B)
    return out.reshape(_B, _S, _D_OUT)

# --- scband reference (transcript-rebuilt; emitter-appended) ---
"""Pipeline reference for scband-mo-elinear-10282151706765 (READ-ONLY COPY).

The authoritative reference and input builder live on the scoring server;
editing this copy changes nothing except your own understanding.
"""

import jax, jax.numpy as jnp
import numpy as np

B, S, D_IN, D_OUT = 2, 2048, 2048, 2048
E, R = 8, 64
RMOE = E * R
TOP_K = 2
SCALING = 16.0 / 64.0  # lora_alpha / r


def setup_inputs(seed: int = 0) -> dict:
    key = jax.random.key(seed)
    ks = jax.random.split(key, 5)
    x = jax.random.normal(ks[0], (B, S, D_IN), dtype=jnp.float32)
    # base nn.Linear(2048, 2048, bias=False) weight [out, in]
    W_base = jax.random.normal(ks[1], (D_OUT, D_IN), dtype=jnp.float32) * (1.0 / np.sqrt(D_IN))
    # moe_gate nn.Linear(in, n_loras) weight, init normal_ per reset_lora_parameters
    W_gate = jax.random.normal(ks[2], (E, D_IN), dtype=jnp.float32)
    # lora_A nn.Linear(in, rmoe) weight (kaiming-ish scale)
    W_A = jax.random.normal(ks[3], (RMOE, D_IN), dtype=jnp.float32) * (1.0 / np.sqrt(D_IN))
    # lora_B nn.Linear(rmoe, out) weight (zeros at init; use small random for a nontrivial reference)
    W_B = jax.random.normal(ks[4], (D_OUT, RMOE), dtype=jnp.float32) * 0.01
    return {"x": x, "W_base": W_base, "W_gate": W_gate, "W_A": W_A, "W_B": W_B}


def reference(x, W_base, W_gate, W_A, W_B):
    # base layer output
    base = jnp.einsum('bsd,od->bso', x, W_base)
    # MoE gate over the n_loras adapters
    gate_logits = jnp.einsum('bsd,ed->bse', x, W_gate)
    probs = jax.nn.softmax(gate_logits, axis=-1)
    top_vals, top_idx = jax.lax.top_k(probs, TOP_K)
    top_vals = top_vals / jnp.sum(top_vals, axis=-1, keepdims=True)
    # dense per-expert routing weights [B, S, E]
    weights = jnp.sum(jax.nn.one_hot(top_idx, E, dtype=probs.dtype) * top_vals[..., None], axis=-2)
    # shared lora_A projection into concatenated rank space [B, S, rmoe]
    h = jnp.einsum('bsd,rd->bsr', x, W_A)
    h = h.reshape(B, S, E, R)
    # weight each expert's rank-slice by its gate weight, then project with lora_B slices
    hw = h * weights[..., None]
    W_B_e = W_B.reshape(D_OUT, E, R)
    lora_out = jnp.einsum('bser,oer->bso', hw, W_B_e)
    return base + SCALING * lora_out

if __name__ == "__main__":
    import jax
    _d = setup_inputs()
    print(jax.jit(kernel)(*tuple(_d.values())))

</pallas_src>

<mosaic_0001>
#map = affine_map<(d0, d1) -> (0, 0)>
module attributes {stable_mosaic.version = 14 : i64} {
  func.func @_sc_gate_body(%arg0: i32, %arg1: i32, %arg2: memref<8x4096xf32, #tpu.memory_space<hbm>>, %arg3: memref<8x4096xf32, #tpu.memory_space<hbm>>, %arg4: memref<8x128xf32, #tpu.memory_space<vmem>>, %arg5: memref<8x128xf32, #tpu.memory_space<vmem>>, %arg6: memref<!tpu.dma_semaphore, #tpu.memory_space<semaphore_mem>>, %arg7: memref<!tpu.dma_semaphore, #tpu.memory_space<semaphore_mem>>) attributes {dimension_semantics = [#tpu.dimension_semantics<core_parallel>, #tpu.dimension_semantics<subcore_parallel>], iteration_bounds = array<i64: 2, 16>, scalar_prefetch = 0 : i64, scratch_operands = 4 : i64, tpu.core_type = #tpu.core_type<sc_vector_subcore>, window_params = [{transform_indices = #map}, {transform_indices = #map}]} {
    %mul3A = arith.constant 16 : i32
    %mul3A_0 = arith.muli %arg0, %mul3A : i32
    %add3A = arith.addi %mul3A_0, %arg1 : i32
    %mul3A_1 = arith.constant 128 : i32
    %mul3A_2 = arith.muli %add3A, %mul3A_1 : i32
    %dma_start3A = arith.constant 0 : i32
    %dma_start3A_3 = tpu.memref_slice %arg2[%dma_start3A, %mul3A_2] : memref<8x4096xf32, #tpu.memory_space<hbm>> -> memref<8x128xf32, #tpu.memory_space<hbm>>
    %dma_start3A_4 = arith.constant 0 : i32
    %dma_start3A_5 = tpu.memref_slice %arg2[%dma_start3A_4, %mul3A_2] : memref<8x4096xf32, #tpu.memory_space<hbm>> -> memref<8x128xf32, #tpu.memory_space<hbm>>
    tpu.enqueue_dma source(%dma_start3A_5 : memref<8x128xf32, #tpu.memory_space<hbm>>) target(%arg4 : memref<8x128xf32, #tpu.memory_space<vmem>>) target_semaphore(%arg6 : memref<!tpu.dma_semaphore, #tpu.memory_space<semaphore_mem>>)
    %dma_wait3A = arith.constant 0 : i32
    %dma_wait3A_6 = tpu.memref_slice %arg2[%dma_wait3A, %mul3A_2] : memref<8x4096xf32, #tpu.memory_space<hbm>> -> memref<8x128xf32, #tpu.memory_space<hbm>>
    %dma_wait3A_7 = arith.constant 0 : i32
    %dma_wait3A_8 = tpu.memref_slice %arg2[%dma_wait3A_7, %mul3A_2] : memref<8x4096xf32, #tpu.memory_space<hbm>> -> memref<8x128xf32, #tpu.memory_space<hbm>>
    tpu.wait_dma2 semaphore(%arg6 : memref<!tpu.dma_semaphore, #tpu.memory_space<semaphore_mem>>) src(%dma_wait3A_8 : memref<8x128xf32, #tpu.memory_space<hbm>>) dst(%arg4 : memref<8x128xf32, #tpu.memory_space<vmem>>)
    %get3A = arith.constant 0 : i32
    %get3A_9 = arith.index_cast %get3A : i32 to index
    %get3A_10 = arith.constant 0 : index
    %get3A_11 = tpu.vector_load %arg4[%get3A_9, %get3A_10] {strides = array<i32>} : memref<8x128xf32, #tpu.memory_space<vmem>>, vector<1x16xf32>,
    %get3A_12 = vector.shape_cast %get3A_11 : vector<1x16xf32> to vector<16xf32>
    %get3A_13 = arith.constant 1 : i32
    %get3A_14 = arith.index_cast %get3A_13 : i32 to index
    %get3A_15 = arith.constant 0 : index
    %get3A_16 = tpu.vector_load %arg4[%get3A_14, %get3A_15] {strides = array<i32>} : memref<8x128xf32, #tpu.memory_space<vmem>>, vector<1x16xf32>,
    %get3A_17 = vector.shape_cast %get3A_16 : vector<1x16xf32> to vector<16xf32>
    %get3A_18 = arith.constant 2 : i32
    %get3A_19 = arith.index_cast %get3A_18 : i32 to index
    %get3A_20 = arith.constant 0 : index
    %get3A_21 = tpu.vector_load %arg4[%get3A_19, %get3A_20] {strides = array<i32>} : memref<8x128xf32, #tpu.memory_space<vmem>>, vector<1x16xf32>,
    %get3A_22 = vector.shape_cast %get3A_21 : vector<1x16xf32> to vector<16xf32>
    %get3A_23 = arith.constant 3 : i32
    %get3A_24 = arith.index_cast %get3A_23 : i32 to index
    %get3A_25 = arith.constant 0 : index
    %get3A_26 = tpu.vector_load %arg4[%get3A_24, %get3A_25] {strides = array<i32>} : memref<8x128xf32, #tpu.memory_space<vmem>>, vector<1x16xf32>,
    %get3A_27 = vector.shape_cast %get3A_26 : vector<1x16xf32> to vector<16xf32>
    %get3A_28 = arith.constant 4 : i32
    %get3A_29 = arith.index_cast %get3A_28 : i32 to index
    %get3A_30 = arith.constant 0 : index
    %get3A_31 = tpu.vector_load %arg4[%get3A_29, %get3A_30] {strides = array<i32>} : memref<8x128xf32, #tpu.memory_space<vmem>>, vector<1x16xf32>,
    %get3A_32 = vector.shape_cast %get3A_31 : vector<1x16xf32> to vector<16xf32>
    %get3A_33 = arith.constant 5 : i32
    %get3A_34 = arith.index_cast %get3A_33 : i32 to index
    %get3A_35 = arith.constant 0 : index
    %get3A_36 = tpu.vector_load %arg4[%get3A_34, %get3A_35] {strides = array<i32>} : memref<8x128xf32, #tpu.memory_space<vmem>>, vector<1x16xf32>,
    %get3A_37 = vector.shape_cast %get3A_36 : vector<1x16xf32> to vector<16xf32>
    %get3A_38 = arith.constant 6 : i32
    %get3A_39 = arith.index_cast %get3A_38 : i32 to index
    %get3A_40 = arith.constant 0 : index
    %get3A_41 = tpu.vector_load %arg4[%get3A_39, %get3A_40] {strides = array<i32>} : memref<8x128xf32, #tpu.memory_space<vmem>>, vector<1x16xf32>,
    %get3A_42 = vector.shape_cast %get3A_41 : vector<1x16xf32> to vector<16xf32>
    %get3A_43 = arith.constant 7 : i32
    %get3A_44 = arith.index_cast %get3A_43 : i32 to index
    %get3A_45 = arith.constant 0 : index
    %get3A_46 = tpu.vector_load %arg4[%get3A_44, %get3A_45] {strides = array<i32>} : memref<8x128xf32, #tpu.memory_space<vmem>>, vector<1x16xf32>,
    %get3A_47 = vector.shape_cast %get3A_46 : vector<1x16xf32> to vector<16xf32>
    %max3A = arith.maximumf %get3A_12, %get3A_17 : vector<16xf32>
    %max3A_48 = arith.maximumf %max3A, %get3A_22 : vector<16xf32>
    %max3A_49 = arith.maximumf %max3A_48, %get3A_27 : vector<16xf32>
    %max3A_50 = arith.maximumf %max3A_49, %get3A_32 : vector<16xf32>
    %max3A_51 = arith.maximumf %max3A_50, %get3A_37 : vector<16xf32>
    %max3A_52 = arith.maximumf %max3A_51, %get3A_42 : vector<16xf32>
    %max3A_53 = arith.maximumf %max3A_52, %get3A_47 : vector<16xf32>
    %gt3A = arith.cmpf ogt, %get3A_17, %get3A_12 : vector<16xf32>
    %jit3A = arith.constant 1 : i32
    %jit3A_54 = arith.constant 0 : i32
    %broadcast_in_dim3A = vector.broadcast %jit3A : i32 to vector<16xi32>
    %broadcast_in_dim3A_55 = vector.broadcast %jit3A_54 : i32 to vector<16xi32>
    %select_n3A = arith.select %gt3A, %broadcast_in_dim3A, %broadcast_in_dim3A_55 : vector<16xi1>, vector<16xi32>
    %gt3A_56 = arith.cmpf ogt, %get3A_22, %get3A_12 : vector<16xf32>
    %jit3A_57 = arith.constant 1 : i32
    %jit3A_58 = arith.constant 0 : i32
    %broadcast_in_dim3A_59 = vector.broadcast %jit3A_57 : i32 to vector<16xi32>
    %broadcast_in_dim3A_60 = vector.broadcast %jit3A_58 : i32 to vector<16xi32>
    %select_n3A_61 = arith.select %gt3A_56, %broadcast_in_dim3A_59, %broadcast_in_dim3A_60 : vector<16xi1>, vector<16xi32>
    %add3A_62 = arith.addi %select_n3A, %select_n3A_61 : vector<16xi32>
    %gt3A_63 = arith.cmpf ogt, %get3A_27, %get3A_12 : vector<16xf32>
    %jit3A_64 = arith.constant 1 : i32
    %jit3A_65 = arith.constant 0 : i32
    %broadcast_in_dim3A_66 = vector.broadcast %jit3A_64 : i32 to vector<16xi32>
    %broadcast_in_dim3A_67 = vector.broadcast %jit3A_65 : i32 to vector<16xi32>
    %select_n3A_68 = arith.select %gt3A_63, %broadcast_in_dim3A_66, %broadcast_in_dim3A_67 : vector<16xi1>, vector<16xi32>
    %add3A_69 = arith.addi %add3A_62, %select_n3A_68 : vector<16xi32>
    %gt3A_70 = arith.cmpf ogt, %get3A_32, %get3A_12 : vector<16xf32>
    %jit3A_71 = arith.constant 1 : i32
    %jit3A_72 = arith.constant 0 : i32
    %broadcast_in_dim3A_73 = vector.broadcast %jit3A_71 : i32 to vector<16xi32>
    %broadcast_in_dim3A_74 = vector.broadcast %jit3A_72 : i32 to vector<16xi32>
    %select_n3A_75 = arith.select %gt3A_70, %broadcast_in_dim3A_73, %broadcast_in_dim3A_74 : vector<16xi1>, vector<16xi32>
    %add3A_76 = arith.addi %add3A_69, %select_n3A_75 : vector<16xi32>
    %gt3A_77 = arith.cmpf ogt, %get3A_37, %get3A_12 : vector<16xf32>
    %jit3A_78 = arith.constant 1 : i32
    %jit3A_79 = arith.constant 0 : i32
    %broadcast_in_dim3A_80 = vector.broadcast %jit3A_78 : i32 to vector<16xi32>
    %broadcast_in_dim3A_81 = vector.broadcast %jit3A_79 : i32 to vector<16xi32>
    %select_n3A_82 = arith.select %gt3A_77, %broadcast_in_dim3A_80, %broadcast_in_dim3A_81 : vector<16xi1>, vector<16xi32>
    %add3A_83 = arith.addi %add3A_76, %select_n3A_82 : vector<16xi32>
    %gt3A_84 = arith.cmpf ogt, %get3A_42, %get3A_12 : vector<16xf32>
    %jit3A_85 = arith.constant 1 : i32
    %jit3A_86 = arith.constant 0 : i32
    %broadcast_in_dim3A_87 = vector.broadcast %jit3A_85 : i32 to vector<16xi32>
    %broadcast_in_dim3A_88 = vector.broadcast %jit3A_86 : i32 to vector<16xi32>
    %select_n3A_89 = arith.select %gt3A_84, %broadcast_in_dim3A_87, %broadcast_in_dim3A_88 : vector<16xi1>, vector<16xi32>
    %add3A_90 = arith.addi %add3A_83, %select_n3A_89 : vector<16xi32>
    %gt3A_91 = arith.cmpf ogt, %get3A_47, %get3A_12 : vector<16xf32>
    %jit3A_92 = arith.constant 1 : i32
    %jit3A_93 = arith.constant 0 : i32
    %broadcast_in_dim3A_94 = vector.broadcast %jit3A_92 : i32 to vector<16xi32>
    %broadcast_in_dim3A_95 = vector.broadcast %jit3A_93 : i32 to vector<16xi32>
    %select_n3A_96 = arith.select %gt3A_91, %broadcast_in_dim3A_94, %broadcast_in_dim3A_95 : vector<16xi1>, vector<16xi32>
    %add3A_97 = arith.addi %add3A_90, %select_n3A_96 : vector<16xi32>
    %lt3A = arith.constant 2 : i32
    %lt3A_98 = vector.broadcast %lt3A : i32 to vector<16xi32>
    %lt3A_99 = arith.cmpi slt, %add3A_97, %lt3A_98 : vector<16xi32>
    %sub3A = arith.subf %get3A_12, %max3A_53 : vector<16xf32>
    %exp3A = math.exp %sub3A : vector<16xf32>
    %jit3A_100 = arith.constant 0.000000e+00 : f32
    %broadcast_in_dim3A_101 = vector.broadcast %jit3A_100 : f32 to vector<16xf32>
    %select_n3A_102 = arith.select %lt3A_99, %exp3A, %broadcast_in_dim3A_101 : vector<16xi1>, vector<16xf32>
    %ge3A = arith.cmpf oge, %get3A_12, %get3A_17 : vector<16xf32>
    %jit3A_103 = arith.constant 1 : i32
    %jit3A_104 = arith.constant 0 : i32
    %broadcast_in_dim3A_105 = vector.broadcast %jit3A_103 : i32 to vector<16xi32>
    %broadcast_in_dim3A_106 = vector.broadcast %jit3A_104 : i32 to vector<16xi32>
    %select_n3A_107 = arith.select %ge3A, %broadcast_in_dim3A_105, %broadcast_in_dim3A_106 : vector<16xi1>, vector<16xi32>
    %gt3A_108 = arith.cmpf ogt, %get3A_22, %get3A_17 : vector<16xf32>
    %jit3A_109 = arith.constant 1 : i32
    %jit3A_110 = arith.constant 0 : i32
    %broadcast_in_dim3A_111 = vector.broadcast %jit3A_109 : i32 to vector<16xi32>
    %broadcast_in_dim3A_112 = vector.broadcast %jit3A_110 : i32 to vector<16xi32>
    %select_n3A_113 = arith.select %gt3A_108, %broadcast_in_dim3A_111, %broadcast_in_dim3A_112 : vector<16xi1>, vector<16xi32>
    %add3A_114 = arith.addi %select_n3A_107, %select_n3A_113 : vector<16xi32>
    %gt3A_115 = arith.cmpf ogt, %get3A_27, %get3A_17 : vector<16xf32>
    %jit3A_116 = arith.constant 1 : i32
    %jit3A_117 = arith.constant 0 : i32
    %broadcast_in_dim3A_118 = vector.broadcast %jit3A_116 : i32 to vector<16xi32>
    %broadcast_in_dim3A_119 = vector.broadcast %jit3A_117 : i32 to vector<16xi32>
    %select_n3A_120 = arith.select %gt3A_115, %broadcast_in_dim3A_118, %broadcast_in_dim3A_119 : vector<16xi1>, vector<16xi32>
    %add3A_121 = arith.addi %add3A_114, %select_n3A_120 : vector<16xi32>
    %gt3A_122 = arith.cmpf ogt, %get3A_32, %get3A_17 : vector<16xf32>
    %jit3A_123 = arith.constant 1 : i32
    %jit3A_124 = arith.constant 0 : i32
    %broadcast_in_dim3A_125 = vector.broadcast %jit3A_123 : i32 to vector<16xi32>
    %broadcast_in_dim3A_126 = vector.broadcast %jit3A_124 : i32 to vector<16xi32>
    %select_n3A_127 = arith.select %gt3A_122, %broadcast_in_dim3A_125, %broadcast_in_dim3A_126 : vector<16xi1>, vector<16xi32>
    %add3A_128 = arith.addi %add3A_121, %select_n3A_127 : vector<16xi32>
    %gt3A_129 = arith.cmpf ogt, %get3A_37, %get3A_17 : vector<16xf32>
    %jit3A_130 = arith.constant 1 : i32
    %jit3A_131 = arith.constant 0 : i32
    %broadcast_in_dim3A_132 = vector.broadcast %jit3A_130 : i32 to vector<16xi32>
    %broadcast_in_dim3A_133 = vector.broadcast %jit3A_131 : i32 to vector<16xi32>
    %select_n3A_134 = arith.select %gt3A_129, %broadcast_in_dim3A_132, %broadcast_in_dim3A_133 : vector<16xi1>, vector<16xi32>
    %add3A_135 = arith.addi %add3A_128, %select_n3A_134 : vector<16xi32>
    %gt3A_136 = arith.cmpf ogt, %get3A_42, %get3A_17 : vector<16xf32>
    %jit3A_137 = arith.constant 1 : i32
    %jit3A_138 = arith.constant 0 : i32
    %broadcast_in_dim3A_139 = vector.broadcast %jit3A_137 : i32 to vector<16xi32>
    %broadcast_in_dim3A_140 = vector.broadcast %jit3A_138 : i32 to vector<16xi32>
    %select_n3A_141 = arith.select %gt3A_136, %broadcast_in_dim3A_139, %broadcast_in_dim3A_140 : vector<16xi1>, vector<16xi32>
    %add3A_142 = arith.addi %add3A_135, %select_n3A_141 : vector<16xi32>
    %gt3A_143 = arith.cmpf ogt, %get3A_47, %get3A_17 : vector<16xf32>
    %jit3A_144 = arith.constant 1 : i32
    %jit3A_145 = arith.constant 0 : i32
    %broadcast_in_dim3A_146 = vector.broadcast %jit3A_144 : i32 to vector<16xi32>
    %broadcast_in_dim3A_147 = vector.broadcast %jit3A_145 : i32 to vector<16xi32>
    %select_n3A_148 = arith.select %gt3A_143, %broadcast_in_dim3A_146, %broadcast_in_dim3A_147 : vector<16xi1>, vector<16xi32>
    %add3A_149 = arith.addi %add3A_142, %select_n3A_148 : vector<16xi32>
    %lt3A_150 = arith.constant 2 : i32
    %lt3A_151 = vector.broadcast %lt3A_150 : i32 to vector<16xi32>
    %lt3A_152 = arith.cmpi slt, %add3A_149, %lt3A_151 : vector<16xi32>
    %sub3A_153 = arith.subf %get3A_17, %max3A_53 : vector<16xf32>
    %exp3A_154 = math.exp %sub3A_153 : vector<16xf32>
    %jit3A_155 = arith.constant 0.000000e+00 : f32
    %broadcast_in_dim3A_156 = vector.broadcast %jit3A_155 : f32 to vector<16xf32>
    %select_n3A_157 = arith.select %lt3A_152, %exp3A_154, %broadcast_in_dim3A_156 : vector<16xi1>, vector<16xf32>
    %add3A_158 = arith.addf %select_n3A_102, %select_n3A_157 : vector<16xf32>
    %ge3A_159 = arith.cmpf oge, %get3A_12, %get3A_22 : vector<16xf32>
    %jit3A_160 = arith.constant 1 : i32
    %jit3A_161 = arith.constant 0 : i32
    %broadcast_in_dim3A_162 = vector.broadcast %jit3A_160 : i32 to vector<16xi32>
    %broadcast_in_dim3A_163 = vector.broadcast %jit3A_161 : i32 to vector<16xi32>
    %select_n3A_164 = arith.select %ge3A_159, %broadcast_in_dim3A_162, %broadcast_in_dim3A_163 : vector<16xi1>, vector<16xi32>
    %ge3A_165 = arith.cmpf oge, %get3A_17, %get3A_22 : vector<16xf32>
    %jit3A_166 = arith.constant 1 : i32
    %jit3A_167 = arith.constant 0 : i32
    %broadcast_in_dim3A_168 = vector.broadcast %jit3A_166 : i32 to vector<16xi32>
    %broadcast_in_dim3A_169 = vector.broadcast %jit3A_167 : i32 to vector<16xi32>
    %select_n3A_170 = arith.select %ge3A_165, %broadcast_in_dim3A_168, %broadcast_in_dim3A_169 : vector<16xi1>, vector<16xi32>
    %add3A_171 = arith.addi %select_n3A_164, %select_n3A_170 : vector<16xi32>
    %gt3A_172 = arith.cmpf ogt, %get3A_27, %get3A_22 : vector<16xf32>
    %jit3A_173 = arith.constant 1 : i32
    %jit3A_174 = arith.constant 0 : i32
    %broadcast_in_dim3A_175 = vector.broadcast %jit3A_173 : i32 to vector<16xi32>
    %broadcast_in_dim3A_176 = vector.broadcast %jit3A_174 : i32 to vector<16xi32>
    %select_n3A_177 = arith.select %gt3A_172, %broadcast_in_dim3A_175, %broadcast_in_dim3A_176 : vector<16xi1>, vector<16xi32>
    %add3A_178 = arith.addi %add3A_171, %select_n3A_177 : vector<16xi32>
    %gt3A_179 = arith.cmpf ogt, %get3A_32, %get3A_22 : vector<16xf32>
    %jit3A_180 = arith.constant 1 : i32
    %jit3A_181 = arith.constant 0 : i32
    %broadcast_in_dim3A_182 = vector.broadcast %jit3A_180 : i32 to vector<16xi32>
    %broadcast_in_dim3A_183 = vector.broadcast %jit3A_181 : i32 to vector<16xi32>
    %select_n3A_184 = arith.select %gt3A_179, %broadcast_in_dim3A_182, %broadcast_in_dim3A_183 : vector<16xi1>, vector<16xi32>
    %add3A_185 = arith.addi %add3A_178, %select_n3A_184 : vector<16xi32>
    %gt3A_186 = arith.cmpf ogt, %get3A_37, %get3A_22 : vector<16xf32>
    %jit3A_187 = arith.constant 1 : i32
    %jit3A_188 = arith.constant 0 : i32
    %broadcast_in_dim3A_189 = vector.broadcast %jit3A_187 : i32 to vector<16xi32>
    %broadcast_in_dim3A_190 = vector.broadcast %jit3A_188 : i32 to vector<16xi32>
    %select_n3A_191 = arith.select %gt3A_186, %broadcast_in_dim3A_189, %broadcast_in_dim3A_190 : vector<16xi1>, vector<16xi32>
    %add3A_192 = arith.addi %add3A_185, %select_n3A_191 : vector<16xi32>
    %gt3A_193 = arith.cmpf ogt, %get3A_42, %get3A_22 : vector<16xf32>
    %jit3A_194 = arith.constant 1 : i32
    %jit3A_195 = arith.constant 0 : i32
    %broadcast_in_dim3A_196 = vector.broadcast %jit3A_194 : i32 to vector<16xi32>
    %broadcast_in_dim3A_197 = vector.broadcast %jit3A_195 : i32 to vector<16xi32>
    %select_n3A_198 = arith.select %gt3A_193, %broadcast_in_dim3A_196, %broadcast_in_dim3A_197 : vector<16xi1>, vector<16xi32>
    %add3A_199 = arith.addi %add3A_192, %select_n3A_198 : vector<16xi32>
    %gt3A_200 = arith.cmpf ogt, %get3A_47, %get3A_22 : vector<16xf32>
    %jit3A_201 = arith.constant 1 : i32
    %jit3A_202 = arith.constant 0 : i32
    %broadcast_in_dim3A_203 = vector.broadcast %jit3A_201 : i32 to vector<16xi32>
    %broadcast_in_dim3A_204 = vector.broadcast %jit3A_202 : i32 to vector<16xi32>
    %select_n3A_205 = arith.select %gt3A_200, %broadcast_in_dim3A_203, %broadcast_in_dim3A_204 : vector<16xi1>, vector<16xi32>
    %add3A_206 = arith.addi %add3A_199, %select_n3A_205 : vector<16xi32>
    %lt3A_207 = arith.constant 2 : i32
    %lt3A_208 = vector.broadcast %lt3A_207 : i32 to vector<16xi32>
    %lt3A_209 = arith.cmpi slt, %add3A_206, %lt3A_208 : vector<16xi32>
    %sub3A_210 = arith.subf %get3A_22, %max3A_53 : vector<16xf32>
    %exp3A_211 = math.exp %sub3A_210 : vector<16xf32>
    %jit3A_212 = arith.constant 0.000000e+00 : f32
    %broadcast_in_dim3A_213 = vector.broadcast %jit3A_212 : f32 to vector<16xf32>
    %select_n3A_214 = arith.select %lt3A_209, %exp3A_211, %broadcast_in_dim3A_213 : vector<16xi1>, vector<16xf32>
    %add3A_215 = arith.addf %add3A_158, %select_n3A_214 : vector<16xf32>
    %ge3A_216 = arith.cmpf oge, %get3A_12, %get3A_27 : vector<16xf32>
    %jit3A_217 = arith.constant 1 : i32
    %jit3A_218 = arith.constant 0 : i32
    %broadcast_in_dim3A_219 = vector.broadcast %jit3A_217 : i32 to vector<16xi32>
    %broadcast_in_dim3A_220 = vector.broadcast %jit3A_218 : i32 to vector<16xi32>
    %select_n3A_221 = arith.select %ge3A_216, %broadcast_in_dim3A_219, %broadcast_in_dim3A_220 : vector<16xi1>, vector<16xi32>
    %ge3A_222 = arith.cmpf oge, %get3A_17, %get3A_27 : vector<16xf32>
    %jit3A_223 = arith.constant 1 : i32
    %jit3A_224 = arith.constant 0 : i32
    %broadcast_in_dim3A_225 = vector.broadcast %jit3A_223 : i32 to vector<16xi32>
    %broadcast_in_dim3A_226 = vector.broadcast %jit3A_224 : i32 to vector<16xi32>
    %select_n3A_227 = arith.select %ge3A_222, %broadcast_in_dim3A_225, %broadcast_in_dim3A_226 : vector<16xi1>, vector<16xi32>
    %add3A_228 = arith.addi %select_n3A_221, %select_n3A_227 : vector<16xi32>
    %ge3A_229 = arith.cmpf oge, %get3A_22, %get3A_27 : vector<16xf32>
    %jit3A_230 = arith.constant 1 : i32
    %jit3A_231 = arith.constant 0 : i32
    %broadcast_in_dim3A_232 = vector.broadcast %jit3A_230 : i32 to vector<16xi32>
    %broadcast_in_dim3A_233 = vector.broadcast %jit3A_231 : i32 to vector<16xi32>
    %select_n3A_234 = arith.select %ge3A_229, %broadcast_in_dim3A_232, %broadcast_in_dim3A_233 : vector<16xi1>, vector<16xi32>
    %add3A_235 = arith.addi %add3A_228, %select_n3A_234 : vector<16xi32>
    %gt3A_236 = arith.cmpf ogt, %get3A_32, %get3A_27 : vector<16xf32>
    %jit3A_237 = arith.constant 1 : i32
    %jit3A_238 = arith.constant 0 : i32
    %broadcast_in_dim3A_239 = vector.broadcast %jit3A_237 : i32 to vector<16xi32>
    %broadcast_in_dim3A_240 = vector.broadcast %jit3A_238 : i32 to vector<16xi32>
    %select_n3A_241 = arith.select %gt3A_236, %broadcast_in_dim3A_239, %broadcast_in_dim3A_240 : vector<16xi1>, vector<16xi32>
    %add3A_242 = arith.addi %add3A_235, %select_n3A_241 : vector<16xi32>
    %gt3A_243 = arith.cmpf ogt, %get3A_37, %get3A_27 : vector<16xf32>
    %jit3A_244 = arith.constant 1 : i32
    %jit3A_245 = arith.constant 0 : i32
    %broadcast_in_dim3A_246 = vector.broadcast %jit3A_244 : i32 to vector<16xi32>
    %broadcast_in_dim3A_247 = vector.broadcast %jit3A_245 : i32 to vector<16xi32>
    %select_n3A_248 = arith.select %gt3A_243, %broadcast_in_dim3A_246, %broadcast_in_dim3A_247 : vector<16xi1>, vector<16xi32>
    %add3A_249 = arith.addi %add3A_242, %select_n3A_248 : vector<16xi32>
    %gt3A_250 = arith.cmpf ogt, %get3A_42, %get3A_27 : vector<16xf32>
    %jit3A_251 = arith.constant 1 : i32
    %jit3A_252 = arith.constant 0 : i32
    %broadcast_in_dim3A_253 = vector.broadcast %jit3A_251 : i32 to vector<16xi32>
    %broadcast_in_dim3A_254 = vector.broadcast %jit3A_252 : i32 to vector<16xi32>
    %select_n3A_255 = arith.select %gt3A_250, %broadcast_in_dim3A_253, %broadcast_in_dim3A_254 : vector<16xi1>, vector<16xi32>
    %add3A_256 = arith.addi %add3A_249, %select_n3A_255 : vector<16xi32>
    %gt3A_257 = arith.cmpf ogt, %get3A_47, %get3A_27 : vector<16xf32>
    %jit3A_258 = arith.constant 1 : i32
    %jit3A_259 = arith.constant 0 : i32
    %broadcast_in_dim3A_260 = vector.broadcast %jit3A_258 : i32 to vector<16xi32>
    %broadcast_in_dim3A_261 = vector.broadcast %jit3A_259 : i32 to vector<16xi32>
    %select_n3A_262 = arith.select %gt3A_257, %broadcast_in_dim3A_260, %broadcast_in_dim3A_261 : vector<16xi1>, vector<16xi32>
    %add3A_263 = arith.addi %add3A_256, %select_n3A_262 : vector<16xi32>
    %lt3A_264 = arith.constant 2 : i32
    %lt3A_265 = vector.broadcast %lt3A_264 : i32 to vector<16xi32>
    %lt3A_266 = arith.cmpi slt, %add3A_263, %lt3A_265 : vector<16xi32>
    %sub3A_267 = arith.subf %get3A_27, %max3A_53 : vector<16xf32>
    %exp3A_268 = math.exp %sub3A_267 : vector<16xf32>
    %jit3A_269 = arith.constant 0.000000e+00 : f32
    %broadcast_in_dim3A_270 = vector.broadcast %jit3A_269 : f32 to vector<16xf32>
    %select_n3A_271 = arith.select %lt3A_266, %exp3A_268, %broadcast_in_dim3A_270 : vector<16xi1>, vector<16xf32>
    %add3A_272 = arith.addf %add3A_215, %select_n3A_271 : vector<16xf32>
    %ge3A_273 = arith.cmpf oge, %get3A_12, %get3A_32 : vector<16xf32>
    %jit3A_274 = arith.constant 1 : i32
    %jit3A_275 = arith.constant 0 : i32
    %broadcast_in_dim3A_276 = vector.broadcast %jit3A_274 : i32 to vector<16xi32>
    %broadcast_in_dim3A_277 = vector.broadcast %jit3A_275 : i32 to vector<16xi32>
    %select_n3A_278 = arith.select %ge3A_273, %broadcast_in_dim3A_276, %broadcast_in_dim3A_277 : vector<16xi1>, vector<16xi32>
    %ge3A_279 = arith.cmpf oge, %get3A_17, %get3A_32 : vector<16xf32>
    %jit3A_280 = arith.constant 1 : i32
    %jit3A_281 = arith.constant 0 : i32
    %broadcast_in_dim3A_282 = vector.broadcast %jit3A_280 : i32 to vector<16xi32>
    %broadcast_in_dim3A_283 = vector.broadcast %jit3A_281 : i32 to vector<16xi32>
    %select_n3A_284 = arith.select %ge3A_279, %broadcast_in_dim3A_282, %broadcast_in_dim3A_283 : vector<16xi1>, vector<16xi32>
    %add3A_285 = arith.addi %select_n3A_278, %select_n3A_284 : vector<16xi32>
    %ge3A_286 = arith.cmpf oge, %get3A_22, %get3A_32 : vector<16xf32>
    %jit3A_287 = arith.constant 1 : i32
    %jit3A_288 = arith.constant 0 : i32
    %broadcast_in_dim3A_289 = vector.broadcast %jit3A_287 : i32 to vector<16xi32>
    %broadcast_in_dim3A_290 = vector.broadcast %jit3A_288 : i32 to vector<16xi32>
    %select_n3A_291 = arith.select %ge3A_286, %broadcast_in_dim3A_289, %broadcast_in_dim3A_290 : vector<16xi1>, vector<16xi32>
    %add3A_292 = arith.addi %add3A_285, %select_n3A_291 : vector<16xi32>
    %ge3A_293 = arith.cmpf oge, %get3A_27, %get3A_32 : vector<16xf32>
    %jit3A_294 = arith.constant 1 : i32
    %jit3A_295 = arith.constant 0 : i32
    %broadcast_in_dim3A_296 = vector.broadcast %jit3A_294 : i32 to vector<16xi32>
    %broadcast_in_dim3A_297 = vector.broadcast %jit3A_295 : i32 to vector<16xi32>
    %select_n3A_298 = arith.select %ge3A_293, %broadcast_in_dim3A_296, %broadcast_in_dim3A_297 : vector<16xi1>, vector<16xi32>
    %add3A_299 = arith.addi %add3A_292, %select_n3A_298 : vector<16xi32>
    %gt3A_300 = arith.cmpf ogt, %get3A_37, %get3A_32 : vector<16xf32>
    %jit3A_301 = arith.constant 1 : i32
    %jit3A_302 = arith.constant 0 : i32
    %broadcast_in_dim3A_303 = vector.broadcast %jit3A_301 : i32 to vector<16xi32>
    %broadcast_in_dim3A_304 = vector.broadcast %jit3A_302 : i32 to vector<16xi32>
    %select_n3A_305 = arith.select %gt3A_300, %broadcast_in_dim3A_303, %broadcast_in_dim3A_304 : vector<16xi1>, vector<16xi32>
    %add3A_306 = arith.addi %add3A_299, %select_n3A_305 : vector<16xi32>
    %gt3A_307 = arith.cmpf ogt, %get3A_42, %get3A_32 : vector<16xf32>
    %jit3A_308 = arith.constant 1 : i32
    %jit3A_309 = arith.constant 0 : i32
    %broadcast_in_dim3A_310 = vector.broadcast %jit3A_308 : i32 to vector<16xi32>
    %broadcast_in_dim3A_311 = vector.broadcast %jit3A_309 : i32 to vector<16xi32>
    %select_n3A_312 = arith.select %gt3A_307, %broadcast_in_dim3A_310, %broadcast_in_dim3A_311 : vector<16xi1>, vector<16xi32>
    %add3A_313 = arith.addi %add3A_306, %select_n3A_312 : vector<16xi32>
    %gt3A_314 = arith.cmpf ogt, %get3A_47, %get3A_32 : vector<16xf32>
    %jit3A_315 = arith.constant 1 : i32
    %jit3A_316 = arith.constant 0 : i32
    %broadcast_in_dim3A_317 = vector.broadcast %jit3A_315 : i32 to vector<16xi32>
    %broadcast_in_dim3A_318 = vector.broadcast %jit3A_316 : i32 to vector<16xi32>
    %select_n3A_319 = arith.select %gt3A_314, %broadcast_in_dim3A_317, %broadcast_in_dim3A_318 : vector<16xi1>, vector<16xi32>
    %add3A_320 = arith.addi %add3A_313, %select_n3A_319 : vector<16xi32>
    %lt3A_321 = arith.constant 2 : i32
    %lt3A_322 = vector.broadcast %lt3A_321 : i32 to vector<16xi32>
    %lt3A_323 = arith.cmpi slt, %add3A_320, %lt3A_322 : vector<16xi32>
    %sub3A_324 = arith.subf %get3A_32, %max3A_53 : vector<16xf32>
    %exp3A_325 = math.exp %sub3A_324 : vector<16xf32>
    %jit3A_326 = arith.constant 0.000000e+00 : f32
    %broadcast_in_dim3A_327 = vector.broadcast %jit3A_326 : f32 to vector<16xf32>
    %select_n3A_328 = arith.select %lt3A_323, %exp3A_325, %broadcast_in_dim3A_327 : vector<16xi1>, vector<16xf32>
    %add3A_329 = arith.addf %add3A_272, %select_n3A_328 : vector<16xf32>
    %ge3A_330 = arith.cmpf oge, %get3A_12, %get3A_37 : vector<16xf32>
    %jit3A_331 = arith.constant 1 : i32
    %jit3A_332 = arith.constant 0 : i32
    %broadcast_in_dim3A_333 = vector.broadcast %jit3A_331 : i32 to vector<16xi32>
    %broadcast_in_dim3A_334 = vector.broadcast %jit3A_332 : i32 to vector<16xi32>
    %select_n3A_335 = arith.select %ge3A_330, %broadcast_in_dim3A_333, %broadcast_in_dim3A_334 : vector<16xi1>, vector<16xi32>
    %ge3A_336 = arith.cmpf oge, %get3A_17, %get3A_37 : vector<16xf32>
    %jit3A_337 = arith.constant 1 : i32
    %jit3A_338 = arith.constant 0 : i32
    %broadcast_in_dim3A_339 = vector.broadcast %jit3A_337 : i32 to vector<16xi32>
    %broadcast_in_dim3A_340 = vector.broadcast %jit3A_338 : i32 to vector<16xi32>
    %select_n3A_341 = arith.select %ge3A_336, %broadcast_in_dim3A_339, %broadcast_in_dim3A_340 : vector<16xi1>, vector<16xi32>
    %add3A_342 = arith.addi %select_n3A_335, %select_n3A_341 : vector<16xi32>
    %ge3A_343 = arith.cmpf oge, %get3A_22, %get3A_37 : vector<16xf32>
    %jit3A_344 = arith.constant 1 : i32
    %jit3A_345 = arith.constant 0 : i32
    %broadcast_in_dim3A_346 = vector.broadcast %jit3A_344 : i32 to vector<16xi32>
    %broadcast_in_dim3A_347 = vector.broadcast %jit3A_345 : i32 to vector<16xi32>
    %select_n3A_348 = arith.select %ge3A_343, %broadcast_in_dim3A_346, %broadcast_in_dim3A_347 : vector<16xi1>, vector<16xi32>
    %add3A_349 = arith.addi %add3A_342, %select_n3A_348 : vector<16xi32>
    %ge3A_350 = arith.cmpf oge, %get3A_27, %get3A_37 : vector<16xf32>
    %jit3A_351 = arith.constant 1 : i32
    %jit3A_352 = arith.constant 0 : i32
    %broadcast_in_dim3A_353 = vector.broadcast %jit3A_351 : i32 to vector<16xi32>
    %broadcast_in_dim3A_354 = vector.broadcast %jit3A_352 : i32 to vector<16xi32>
    %select_n3A_355 = arith.select %ge3A_350, %broadcast_in_dim3A_353, %broadcast_in_dim3A_354 : vector<16xi1>, vector<16xi32>
    %add3A_356 = arith.addi %add3A_349, %select_n3A_355 : vector<16xi32>
    %ge3A_357 = arith.cmpf oge, %get3A_32, %get3A_37 : vector<16xf32>
    %jit3A_358 = arith.constant 1 : i32
    %jit3A_359 = arith.constant 0 : i32
    %broadcast_in_dim3A_360 = vector.broadcast %jit3A_358 : i32 to vector<16xi32>
    %broadcast_in_dim3A_361 = vector.broadcast %jit3A_359 : i32 to vector<16xi32>
    %select_n3A_362 = arith.select %ge3A_357, %broadcast_in_dim3A_360, %broadcast_in_dim3A_361 : vector<16xi1>, vector<16xi32>
    %add3A_363 = arith.addi %add3A_356, %select_n3A_362 : vector<16xi32>
    %gt3A_364 = arith.cmpf ogt, %get3A_42, %get3A_37 : vector<16xf32>
    %jit3A_365 = arith.constant 1 : i32
    %jit3A_366 = arith.constant 0 : i32
    %broadcast_in_dim3A_367 = vector.broadcast %jit3A_365 : i32 to vector<16xi32>
    %broadcast_in_dim3A_368 = vector.broadcast %jit3A_366 : i32 to vector<16xi32>
    %select_n3A_369 = arith.select %gt3A_364, %broadcast_in_dim3A_367, %broadcast_in_dim3A_368 : vector<16xi1>, vector<16xi32>
    %add3A_370 = arith.addi %add3A_363, %select_n3A_369 : vector<16xi32>
    %gt3A_371 = arith.cmpf ogt, %get3A_47, %get3A_37 : vector<16xf32>
    %jit3A_372 = arith.constant 1 : i32
    %jit3A_373 = arith.constant 0 : i32
    %broadcast_in_dim3A_374 = vector.broadcast %jit3A_372 : i32 to vector<16xi32>
    %broadcast_in_dim3A_375 = vector.broadcast %jit3A_373 : i32 to vector<16xi32>
    %select_n3A_376 = arith.select %gt3A_371, %broadcast_in_dim3A_374, %broadcast_in_dim3A_375 : vector<16xi1>, vector<16xi32>
    %add3A_377 = arith.addi %add3A_370, %select_n3A_376 : vector<16xi32>
    %lt3A_378 = arith.constant 2 : i32
    %lt3A_379 = vector.broadcast %lt3A_378 : i32 to vector<16xi32>
    %lt3A_380 = arith.cmpi slt, %add3A_377, %lt3A_379 : vector<16xi32>
    %sub3A_381 = arith.subf %get3A_37, %max3A_53 : vector<16xf32>
    %exp3A_382 = math.exp %sub3A_381 : vector<16xf32>
    %jit3A_383 = arith.constant 0.000000e+00 : f32
    %broadcast_in_dim3A_384 = vector.broadcast %jit3A_383 : f32 to vector<16xf32>
    %select_n3A_385 = arith.select %lt3A_380, %exp3A_382, %broadcast_in_dim3A_384 : vector<16xi1>, vector<16xf32>
    %add3A_386 = arith.addf %add3A_329, %select_n3A_385 : vector<16xf32>
    %ge3A_387 = arith.cmpf oge, %get3A_12, %get3A_42 : vector<16xf32>
    %jit3A_388 = arith.constant 1 : i32
    %jit3A_389 = arith.constant 0 : i32
    %broadcast_in_dim3A_390 = vector.broadcast %jit3A_388 : i32 to vector<16xi32>
    %broadcast_in_dim3A_391 = vector.broadcast %jit3A_389 : i32 to vector<16xi32>
    %select_n3A_392 = arith.select %ge3A_387, %broadcast_in_dim3A_390, %broadcast_in_dim3A_391 : vector<16xi1>, vector<16xi32>
    %ge3A_393 = arith.cmpf oge, %get3A_17, %get3A_42 : vector<16xf32>
    %jit3A_394 = arith.constant 1 : i32
    %jit3A_395 = arith.constant 0 : i32
    %broadcast_in_dim3A_396 = vector.broadcast %jit3A_394 : i32 to vector<16xi32>
    %broadcast_in_dim3A_397 = vector.broadcast %jit3A_395 : i32 to vector<16xi32>
    %select_n3A_398 = arith.select %ge3A_393, %broadcast_in_dim3A_396, %broadcast_in_dim3A_397 : vector<16xi1>, vector<16xi32>
    %add3A_399 = arith.addi %select_n3A_392, %select_n3A_398 : vector<16xi32>
    %ge3A_400 = arith.cmpf oge, %get3A_22, %get3A_42 : vector<16xf32>
    %jit3A_401 = arith.constant 1 : i32
    %jit3A_402 = arith.constant 0 : i32
    %broadcast_in_dim3A_403 = vector.broadcast %jit3A_401 : i32 to vector<16xi32>
    %broadcast_in_dim3A_404 = vector.broadcast %jit3A_402 : i32 to vector<16xi32>
    %select_n3A_405 = arith.select %ge3A_400, %broadcast_in_dim3A_403, %broadcast_in_dim3A_404 : vector<16xi1>, vector<16xi32>
    %add3A_406 = arith.addi %add3A_399, %select_n3A_405 : vector<16xi32>
    %ge3A_407 = arith.cmpf oge, %get3A_27, %get3A_42 : vector<16xf32>
    %jit3A_408 = arith.constant 1 : i32
    %jit3A_409 = arith.constant 0 : i32
    %broadcast_in_dim3A_410 = vector.broadcast %jit3A_408 : i32 to vector<16xi32>
    %broadcast_in_dim3A_411 = vector.broadcast %jit3A_409 : i32 to vector<16xi32>
    %select_n3A_412 = arith.select %ge3A_407, %broadcast_in_dim3A_410, %broadcast_in_dim3A_411 : vector<16xi1>, vector<16xi32>
    %add3A_413 = arith.addi %add3A_406, %select_n3A_412 : vector<16xi32>
    %ge3A_414 = arith.cmpf oge, %get3A_32, %get3A_42 : vector<16xf32>
    %jit3A_415 = arith.constant 1 : i32
    %jit3A_416 = arith.constant 0 : i32
    %broadcast_in_dim3A_417 = vector.broadcast %jit3A_415 : i32 to vector<16xi32>
    %broadcast_in_dim3A_418 = vector.broadcast %jit3A_416 : i32 to vector<16xi32>
    %select_n3A_419 = arith.select %ge3A_414, %broadcast_in_dim3A_417, %broadcast_in_dim3A_418 : vector<16xi1>, vector<16xi32>
    %add3A_420 = arith.addi %add3A_413, %select_n3A_419 : vector<16xi32>
    %ge3A_421 = arith.cmpf oge, %get3A_37, %get3A_42 : vector<16xf32>
    %jit3A_422 = arith.constant 1 : i32
    %jit3A_423 = arith.constant 0 : i32
    %broadcast_in_dim3A_424 = vector.broadcast %jit3A_422 : i32 to vector<16xi32>
    %broadcast_in_dim3A_425 = vector.broadcast %jit3A_423 : i32 to vector<16xi32>
    %select_n3A_426 = arith.select %ge3A_421, %broadcast_in_dim3A_424, %broadcast_in_dim3A_425 : vector<16xi1>, vector<16xi32>
    %add3A_427 = arith.addi %add3A_420, %select_n3A_426 : vector<16xi32>
    %gt3A_428 = arith.cmpf ogt, %get3A_47, %get3A_42 : vector<16xf32>
    %jit3A_429 = arith.constant 1 : i32
    %jit3A_430 = arith.constant 0 : i32
    %broadcast_in_dim3A_431 = vector.broadcast %jit3A_429 : i32 to vector<16xi32>
    %broadcast_in_dim3A_432 = vector.broadcast %jit3A_430 : i32 to vector<16xi32>
    %select_n3A_433 = arith.select %gt3A_428, %broadcast_in_dim3A_431, %broadcast_in_dim3A_432 : vector<16xi1>, vector<16xi32>
    %add3A_434 = arith.addi %add3A_427, %select_n3A_433 : vector<16xi32>
    %lt3A_435 = arith.constant 2 : i32
    %lt3A_436 = vector.broadcast %lt3A_435 : i32 to vector<16xi32>
    %lt3A_437 = arith.cmpi slt, %add3A_434, %lt3A_436 : vector<16xi32>
    %sub3A_438 = arith.subf %get3A_42, %max3A_53 : vector<16xf32>
    %exp3A_439 = math.exp %sub3A_438 : vector<16xf32>
    %jit3A_440 = arith.constant 0.000000e+00 : f32
    %broadcast_in_dim3A_441 = vector.broadcast %jit3A_440 : f32 to vector<16xf32>
    %select_n3A_442 = arith.select %lt3A_437, %exp3A_439, %broadcast_in_dim3A_441 : vector<16xi1>, vector<16xf32>
    %add3A_443 = arith.addf %add3A_386, %select_n3A_442 : vector<16xf32>
    %ge3A_444 = arith.cmpf oge, %get3A_12, %get3A_47 : vector<16xf32>
    %jit3A_445 = arith.constant 1 : i32
    %jit3A_446 = arith.constant 0 : i32
    %broadcast_in_dim3A_447 = vector.broadcast %jit3A_445 : i32 to vector<16xi32>
    %broadcast_in_dim3A_448 = vector.broadcast %jit3A_446 : i32 to vector<16xi32>
    %select_n3A_449 = arith.select %ge3A_444, %broadcast_in_dim3A_447, %broadcast_in_dim3A_448 : vector<16xi1>, vector<16xi32>
    %ge3A_450 = arith.cmpf oge, %get3A_17, %get3A_47 : vector<16xf32>
    %jit3A_451 = arith.constant 1 : i32
    %jit3A_452 = arith.constant 0 : i32
    %broadcast_in_dim3A_453 = vector.broadcast %jit3A_451 : i32 to vector<16xi32>
    %broadcast_in_dim3A_454 = vector.broadcast %jit3A_452 : i32 to vector<16xi32>
    %select_n3A_455 = arith.select %ge3A_450, %broadcast_in_dim3A_453, %broadcast_in_dim3A_454 : vector<16xi1>, vector<16xi32>
    %add3A_456 = arith.addi %select_n3A_449, %select_n3A_455 : vector<16xi32>
    %ge3A_457 = arith.cmpf oge, %get3A_22, %get3A_47 : vector<16xf32>
    %jit3A_458 = arith.constant 1 : i32
    %jit3A_459 = arith.constant 0 : i32
    %broadcast_in_dim3A_460 = vector.broadcast %jit3A_458 : i32 to vector<16xi32>
    %broadcast_in_dim3A_461 = vector.broadcast %jit3A_459 : i32 to vector<16xi32>
    %select_n3A_462 = arith.select %ge3A_457, %broadcast_in_dim3A_460, %broadcast_in_dim3A_461 : vector<16xi1>, vector<16xi32>
    %add3A_463 = arith.addi %add3A_456, %select_n3A_462 : vector<16xi32>
    %ge3A_464 = arith.cmpf oge, %get3A_27, %get3A_47 : vector<16xf32>
    %jit3A_465 = arith.constant 1 : i32
    %jit3A_466 = arith.constant 0 : i32
    %broadcast_in_dim3A_467 = vector.broadcast %jit3A_465 : i32 to vector<16xi32>
    %broadcast_in_dim3A_468 = vector.broadcast %jit3A_466 : i32 to vector<16xi32>
    %select_n3A_469 = arith.select %ge3A_464, %broadcast_in_dim3A_467, %broadcast_in_dim3A_468 : vector<16xi1>, vector<16xi32>
    %add3A_470 = arith.addi %add3A_463, %select_n3A_469 : vector<16xi32>
    %ge3A_471 = arith.cmpf oge, %get3A_32, %get3A_47 : vector<16xf32>
    %jit3A_472 = arith.constant 1 : i32
    %jit3A_473 = arith.constant 0 : i32
    %broadcast_in_dim3A_474 = vector.broadcast %jit3A_472 : i32 to vector<16xi32>
    %broadcast_in_dim3A_475 = vector.broadcast %jit3A_473 : i32 to vector<16xi32>
    %select_n3A_476 = arith.select %ge3A_471, %broadcast_in_dim3A_474, %broadcast_in_dim3A_475 : vector<16xi1>, vector<16xi32>
    %add3A_477 = arith.addi %add3A_470, %select_n3A_476 : vector<16xi32>
    %ge3A_478 = arith.cmpf oge, %get3A_37, %get3A_47 : vector<16xf32>
    %jit3A_479 = arith.constant 1 : i32
    %jit3A_480 = arith.constant 0 : i32
    %broadcast_in_dim3A_481 = vector.broadcast %jit3A_479 : i32 to vector<16xi32>
    %broadcast_in_dim3A_482 = vector.broadcast %jit3A_480 : i32 to vector<16xi32>
    %select_n3A_483 = arith.select %ge3A_478, %broadcast_in_dim3A_481, %broadcast_in_dim3A_482 : vector<16xi1>, vector<16xi32>
    %add3A_484 = arith.addi %add3A_477, %select_n3A_483 : vector<16xi32>
    %ge3A_485 = arith.cmpf oge, %get3A_42, %get3A_47 : vector<16xf32>
    %jit3A_486 = arith.constant 1 : i32
    %jit3A_487 = arith.constant 0 : i32
    %broadcast_in_dim3A_488 = vector.broadcast %jit3A_486 : i32 to vector<16xi32>
    %broadcast_in_dim3A_489 = vector.broadcast %jit3A_487 : i32 to vector<16xi32>
    %select_n3A_490 = arith.select %ge3A_485, %broadcast_in_dim3A_488, %broadcast_in_dim3A_489 : vector<16xi1>, vector<16xi32>
    %add3A_491 = arith.addi %add3A_484, %select_n3A_490 : vector<16xi32>
    %lt3A_492 = arith.constant 2 : i32
    %lt3A_493 = vector.broadcast %lt3A_492 : i32 to vector<16xi32>
    %lt3A_494 = arith.cmpi slt, %add3A_491, %lt3A_493 : vector<16xi32>
    %sub3A_495 = arith.subf %get3A_47, %max3A_53 : vector<16xf32>
    %exp3A_496 = math.exp %sub3A_495 : vector<16xf32>
    %jit3A_497 = arith.constant 0.000000e+00 : f32
    %broadcast_in_dim3A_498 = vector.broadcast %jit3A_497 : f32 to vector<16xf32>
    %select_n3A_499 = arith.select %lt3A_494, %exp3A_496, %broadcast_in_dim3A_498 : vector<16xi1>, vector<16xf32>
    %add3A_500 = arith.addf %add3A_443, %select_n3A_499 : vector<16xf32>
    %div3A = arith.constant 1.000000e+00 : f32
    %div3A_501 = vector.broadcast %div3A : f32 to vector<16xf32>
    %div3A_502 = arith.divf %div3A_501, %add3A_500 : vector<16xf32>
    %mul3A_503 = arith.mulf %select_n3A_102, %div3A_502 : vector<16xf32>
    %swap3A = arith.constant 0 : i32
    %swap3A_504 = arith.index_cast %swap3A : i32 to index
    %swap3A_505 = arith.constant 0 : index
    %swap3A_506 = tpu.vector_load %arg5[%swap3A_504, %swap3A_505] {strides = array<i32>} : memref<8x128xf32, #tpu.memory_space<vmem>>, vector<1x16xf32>,
    %swap3A_507 = vector.shape_cast %swap3A_506 : vector<1x16xf32> to vector<16xf32>
    %swap3A_508 = vector.shape_cast %mul3A_503 : vector<16xf32> to vector<1x16xf32>
    tpu.vector_store %arg5[%swap3A_504, %swap3A_505], %swap3A_508 {strides = array<i32>} : memref<8x128xf32, #tpu.memory_space<vmem>>, vector<1x16xf32>,
    %mul3A_509 = arith.mulf %select_n3A_157, %div3A_502 : vector<16xf32>
    %swap3A_510 = arith.constant 1 : i32
    %swap3A_511 = arith.index_cast %swap3A_510 : i32 to index
    %swap3A_512 = arith.constant 0 : index
    %swap3A_513 = tpu.vector_load %arg5[%swap3A_511, %swap3A_512] {strides = array<i32>} : memref<8x128xf32, #tpu.memory_space<vmem>>, vector<1x16xf32>,
    %swap3A_514 = vector.shape_cast %swap3A_513 : vector<1x16xf32> to vector<16xf32>
    %swap3A_515 = vector.shape_cast %mul3A_509 : vector<16xf32> to vector<1x16xf32>
    tpu.vector_store %arg5[%swap3A_511, %swap3A_512], %swap3A_515 {strides = array<i32>} : memref<8x128xf32, #tpu.memory_space<vmem>>, vector<1x16xf32>,
    %mul3A_516 = arith.mulf %select_n3A_214, %div3A_502 : vector<16xf32>
    %swap3A_517 = arith.constant 2 : i32
    %swap3A_518 = arith.index_cast %swap3A_517 : i32 to index
    %swap3A_519 = arith.constant 0 : index
    %swap3A_520 = tpu.vector_load %arg5[%swap3A_518, %swap3A_519] {strides = array<i32>} : memref<8x128xf32, #tpu.memory_space<vmem>>, vector<1x16xf32>,
    %swap3A_521 = vector.shape_cast %swap3A_520 : vector<1x16xf32> to vector<16xf32>
    %swap3A_522 = vector.shape_cast %mul3A_516 : vector<16xf32> to vector<1x16xf32>
    tpu.vector_store %arg5[%swap3A_518, %swap3A_519], %swap3A_522 {strides = array<i32>} : memref<8x128xf32, #tpu.memory_space<vmem>>, vector<1x16xf32>,
    %mul3A_523 = arith.mulf %select_n3A_271, %div3A_502 : vector<16xf32>
    %swap3A_524 = arith.constant 3 : i32
    %swap3A_525 = arith.index_cast %swap3A_524 : i32 to index
    %swap3A_526 = arith.constant 0 : index
    %swap3A_527 = tpu.vector_load %arg5[%swap3A_525, %swap3A_526] {strides = array<i32>} : memref<8x128xf32, #tpu.memory_space<vmem>>, vector<1x16xf32>,
    %swap3A_528 = vector.shape_cast %swap3A_527 : vector<1x16xf32> to vector<16xf32>
    %swap3A_529 = vector.shape_cast %mul3A_523 : vector<16xf32> to vector<1x16xf32>
    tpu.vector_store %arg5[%swap3A_525, %swap3A_526], %swap3A_529 {strides = array<i32>} : memref<8x128xf32, #tpu.memory_space<vmem>>, vector<1x16xf32>,
    %mul3A_530 = arith.mulf %select_n3A_328, %div3A_502 : vector<16xf32>
    %swap3A_531 = arith.constant 4 : i32
    %swap3A_532 = arith.index_cast %swap3A_531 : i32 to index
    %swap3A_533 = arith.constant 0 : index
    %swap3A_534 = tpu.vector_load %arg5[%swap3A_532, %swap3A_533] {strides = array<i32>} : memref<8x128xf32, #tpu.memory_space<vmem>>, vector<1x16xf32>,
    %swap3A_535 = vector.shape_cast %swap3A_534 : vector<1x16xf32> to vector<16xf32>
    %swap3A_536 = vector.shape_cast %mul3A_530 : vector<16xf32> to vector<1x16xf32>
    tpu.vector_store %arg5[%swap3A_532, %swap3A_533], %swap3A_536 {strides = array<i32>} : memref<8x128xf32, #tpu.memory_space<vmem>>, vector<1x16xf32>,
    %mul3A_537 = arith.mulf %select_n3A_385, %div3A_502 : vector<16xf32>
    %swap3A_538 = arith.constant 5 : i32
    %swap3A_539 = arith.index_cast %swap3A_538 : i32 to index
    %swap3A_540 = arith.constant 0 : index
    %swap3A_541 = tpu.vector_load %arg5[%swap3A_539, %swap3A_540] {strides = array<i32>} : memref<8x128xf32, #tpu.memory_space<vmem>>, vector<1x16xf32>,
    %swap3A_542 = vector.shape_cast %swap3A_541 : vector<1x16xf32> to vector<16xf32>
    %swap3A_543 = vector.shape_cast %mul3A_537 : vector<16xf32> to vector<1x16xf32>
    tpu.vector_store %arg5[%swap3A_539, %swap3A_540], %swap3A_543 {strides = array<i32>} : memref<8x128xf32, #tpu.memory_space<vmem>>, vector<1x16xf32>,
    %mul3A_544 = arith.mulf %select_n3A_442, %div3A_502 : vector<16xf32>
    %swap3A_545 = arith.constant 6 : i32
    %swap3A_546 = arith.index_cast %swap3A_545 : i32 to index
    %swap3A_547 = arith.constant 0 : index
    %swap3A_548 = tpu.vector_load %arg5[%swap3A_546, %swap3A_547] {strides = array<i32>} : memref<8x128xf32, #tpu.memory_space<vmem>>, vector<1x16xf32>,
    %swap3A_549 = vector.shape_cast %swap3A_548 : vector<1x16xf32> to vector<16xf32>
    %swap3A_550 = vector.shape_cast %mul3A_544 : vector<16xf32> to vector<1x16xf32>
    tpu.vector_store %arg5[%swap3A_546, %swap3A_547], %swap3A_550 {strides = array<i32>} : memref<8x128xf32, #tpu.memory_space<vmem>>, vector<1x16xf32>,
    %mul3A_551 = arith.mulf %select_n3A_499, %div3A_502 : vector<16xf32>
    %swap3A_552 = arith.constant 7 : i32
    %swap3A_553 = arith.index_cast %swap3A_552 : i32 to index
    %swap3A_554 = arith.constant 0 : index
    %swap3A_555 = tpu.vector_load %arg5[%swap3A_553, %swap3A_554] {strides = array<i32>} : memref<8x128xf32, #tpu.memory_space<vmem>>, vector<1x16xf32>,
    %swap3A_556 = vector.shape_cast %swap3A_555 : vector<1x16xf32> to vector<16xf32>
    %swap3A_557 = vector.shape_cast %mul3A_551 : vector<16xf32> to vector<1x16xf32>
    tpu.vector_store %arg5[%swap3A_553, %swap3A_554], %swap3A_557 {strides = array<i32>} : memref<8x128xf32, #tpu.memory_space<vmem>>, vector<1x16xf32>,
    %get3A_558 = arith.constant 0 : i32
    %get3A_559 = arith.index_cast %get3A_558 : i32 to index
    %get3A_560 = arith.constant 16 : index
    %get3A_561 = tpu.vector_load %arg4[%get3A_559, %get3A_560] {strides = array<i32>} : memref<8x128xf32, #tpu.memory_space<vmem>>, vector<1x16xf32>,
    %get3A_562 = vector.shape_cast %get3A_561 : vector<1x16xf32> to vector<16xf32>
    %get3A_563 = arith.constant 1 : i32
    %get3A_564 = arith.index_cast %get3A_563 : i32 to index
    %get3A_565 = arith.constant 16 : index
    %get3A_566 = tpu.vector_load %arg4[%get3A_564, %get3A_565] {strides = array<i32>} : memref<8x128xf32, #tpu.memory_space<vmem>>, vector<1x16xf32>,
    %get3A_567 = vector.shape_cast %get3A_566 : vector<1x16xf32> to vector<16xf32>
    %get3A_568 = arith.constant 2 : i32
    %get3A_569 = arith.index_cast %get3A_568 : i32 to index
    %get3A_570 = arith.constant 16 : index
    %get3A_571 = tpu.vector_load %arg4[%get3A_569, %get3A_570] {strides = array<i32>} : memref<8x128xf32, #tpu.memory_space<vmem>>, vector<1x16xf32>,
    %get3A_572 = vector.shape_cast %get3A_571 : vector<1x16xf32> to vector<16xf32>
    %get3A_573 = arith.constant 3 : i32
    %get3A_574 = arith.index_cast %get3A_573 : i32 to index
    %get3A_575 = arith.constant 16 : index
    %get3A_576 = tpu.vector_load %arg4[%get3A_574, %get3A_575] {strides = array<i32>} : memref<8x128xf32, #tpu.memory_space<vmem>>, vector<1x16xf32>,
    %get3A_577 = vector.shape_cast %get3A_576 : vector<1x16xf32> to vector<16xf32>
    %get3A_578 = arith.constant 4 : i32
    %get3A_579 = arith.index_cast %get3A_578 : i32 to index
    %get3A_580 = arith.constant 16 : index
    %get3A_581 = tpu.vector_load %arg4[%get3A_579, %get3A_580] {strides = array<i32>} : memref<8x128xf32, #tpu.memory_space<vmem>>, vector<1x16xf32>,
    %get3A_582 = vector.shape_cast %get3A_581 : vector<1x16xf32> to vector<16xf32>
    %get3A_583 = arith.constant 5 : i32
    %get3A_584 = arith.index_cast %get3A_583 : i32 to index
    %get3A_585 = arith.constant 16 : index
    %get3A_586 = tpu.vector_load %arg4[%get3A_584, %get3A_585] {strides = array<i32>} : memref<8x128xf32, #tpu.memory_space<vmem>>, vector<1x16xf32>,
    %get3A_587 = vector.shape_cast %get3A_586 : vector<1x16xf32> to vector<16xf32>
    %get3A_588 = arith.constant 6 : i32
    %get3A_589 = arith.index_cast %get3A_588 : i32 to index
    %get3A_590 = arith.constant 16 : index
    %get3A_591 = tpu.vector_load %arg4[%get3A_589, %get3A_590] {strides = array<i32>} : memref<8x128xf32, #tpu.memory_space<vmem>>, vector<1x16xf32>,
    %get3A_592 = vector.shape_cast %get3A_591 : vector<1x16xf32> to vector<16xf32>
    %get3A_593 = arith.constant 7 : i32
    %get3A_594 = arith.index_cast %get3A_593 : i32 to index
    %get3A_595 = arith.constant 16 : index
    %get3A_596 = tpu.vector_load %arg4[%get3A_594, %get3A_595] {strides = array<i32>} : memref<8x128xf32, #tpu.memory_space<vmem>>, vector<1x16xf32>,
    %get3A_597 = vector.shape_cast %get3A_596 : vector<1x16xf32> to vector<16xf32>
    %max3A_598 = arith.maximumf %get3A_562, %get3A_567 : vector<16xf32>
    %max3A_599 = arith.maximumf %max3A_598, %get3A_572 : vector<16xf32>
    %max3A_600 = arith.maximumf %max3A_599, %get3A_577 : vector<16xf32>
    %max3A_601 = arith.maximumf %max3A_600, %get3A_582 : vector<16xf32>
    %max3A_602 = arith.maximumf %max3A_601, %get3A_587 : vector<16xf32>
    %max3A_603 = arith.maximumf %max3A_602, %get3A_592 : vector<16xf32>
    %max3A_604 = arith.maximumf %max3A_603, %get3A_597 : vector<16xf32>
    %gt3A_605 = arith.cmpf ogt, %get3A_567, %get3A_562 : vector<16xf32>
    %jit3A_606 = arith.constant 1 : i32
    %jit3A_607 = arith.constant 0 : i32
    %broadcast_in_dim3A_608 = vector.broadcast %jit3A_606 : i32 to vector<16xi32>
    %broadcast_in_dim3A_609 = vector.broadcast %jit3A_607 : i32 to vector<16xi32>
    %select_n3A_610 = arith.select %gt3A_605, %broadcast_in_dim3A_608, %broadcast_in_dim3A_609 : vector<16xi1>, vector<16xi32>
    %gt3A_611 = arith.cmpf ogt, %get3A_572, %get3A_562 : vector<16xf32>
    %jit3A_612 = arith.constant 1 : i32
    %jit3A_613 = arith.constant 0 : i32
    %broadcast_in_dim3A_614 = vector.broadcast %jit3A_612 : i32 to vector<16xi32>
    %broadcast_in_dim3A_615 = vector.broadcast %jit3A_613 : i32 to vector<16xi32>
    %select_n3A_616 = arith.select %gt3A_611, %broadcast_in_dim3A_614, %broadcast_in_dim3A_615 : vector<16xi1>, vector<16xi32>
    %add3A_617 = arith.addi %select_n3A_610, %select_n3A_616 : vector<16xi32>
    %gt3A_618 = arith.cmpf ogt, %get3A_577, %get3A_562 : vector<16xf32>
    %jit3A_619 = arith.constant 1 : i32
    %jit3A_620 = arith.constant 0 : i32
    %broadcast_in_dim3A_621 = vector.broadcast %jit3A_619 : i32 to vector<16xi32>
    %broadcast_in_dim3A_622 = vector.broadcast %jit3A_620 : i32 to vector<16xi32>
    %select_n3A_623 = arith.select %gt3A_618, %broadcast_in_dim3A_621, %broadcast_in_dim3A_622 : vector<16xi1>, vector<16xi32>
    %add3A_624 = arith.addi %add3A_617, %select_n3A_623 : vector<16xi32>
    %gt3A_625 = arith.cmpf ogt, %get3A_582, %get3A_562 : vector<16xf32>
    %jit3A_626 = arith.constant 1 : i32
    %jit3A_627 = arith.constant 0 : i32
    %broadcast_in_dim3A_628 = vector.broadcast %jit3A_626 : i32 to vector<16xi32>
    %broadcast_in_dim3A_629 = vector.broadcast %jit3A_627 : i32 to vector<16xi32>
    %select_n3A_630 = arith.select %gt3A_625, %broadcast_in_dim3A_628, %broadcast_in_dim3A_629 : vector<16xi1>, vector<16xi32>
    %add3A_631 = arith.addi %add3A_624, %select_n3A_630 : vector<16xi32>
    %gt3A_632 = arith.cmpf ogt, %get3A_587, %get3A_562 : vector<16xf32>
    %jit3A_633 = arith.constant 1 : i32
    %jit3A_634 = arith.constant 0 : i32
    %broadcast_in_dim3A_635 = vector.broadcast %jit3A_633 : i32 to vector<16xi32>
    %broadcast_in_dim3A_636 = vector.broadcast %jit3A_634 : i32 to vector<16xi32>
    %select_n3A_637 = arith.select %gt3A_632, %broadcast_in_dim3A_635, %broadcast_in_dim3A_636 : vector<16xi1>, vector<16xi32>
    %add3A_638 = arith.addi %add3A_631, %select_n3A_637 : vector<16xi32>
    %gt3A_639 = arith.cmpf ogt, %get3A_592, %get3A_562 : vector<16xf32>
    %jit3A_640 = arith.constant 1 : i32
    %jit3A_641 = arith.constant 0 : i32
    %broadcast_in_dim3A_642 = vector.broadcast %jit3A_640 : i32 to vector<16xi32>
    %broadcast_in_dim3A_643 = vector.broadcast %jit3A_641 : i32 to vector<16xi32>
    %select_n3A_644 = arith.select %gt3A_639, %broadcast_in_dim3A_642, %broadcast_in_dim3A_643 : vector<16xi1>, vector<16xi32>
    %add3A_645 = arith.addi %add3A_638, %select_n3A_644 : vector<16xi32>
    %gt3A_646 = arith.cmpf ogt, %get3A_597, %get3A_562 : vector<16xf32>
    %jit3A_647 = arith.constant 1 : i32
    %jit3A_648 = arith.constant 0 : i32
    %broadcast_in_dim3A_649 = vector.broadcast %jit3A_647 : i32 to vector<16xi32>
    %broadcast_in_dim3A_650 = vector.broadcast %jit3A_648 : i32 to vector<16xi32>
    %select_n3A_651 = arith.select %gt3A_646, %broadcast_in_dim3A_649, %broadcast_in_dim3A_650 : vector<16xi1>, vector<16xi32>
    %add3A_652 = arith.addi %add3A_645, %select_n3A_651 : vector<16xi32>
    %lt3A_653 = arith.constant 2 : i32
    %lt3A_654 = vector.broadcast %lt3A_653 : i32 to vector<16xi32>
    %lt3A_655 = arith.cmpi slt, %add3A_652, %lt3A_654 : vector<16xi32>
    %sub3A_656 = arith.subf %get3A_562, %max3A_604 : vector<16xf32>
    %exp3A_657 = math.exp %sub3A_656 : vector<16xf32>
    %jit3A_658 = arith.constant 0.000000e+00 : f32
    %broadcast_in_dim3A_659 = vector.broadcast %jit3A_658 : f32 to vector<16xf32>
    %select_n3A_660 = arith.select %lt3A_655, %exp3A_657, %broadcast_in_dim3A_659 : vector<16xi1>, vector<16xf32>
    %ge3A_661 = arith.cmpf oge, %get3A_562, %get3A_567 : vector<16xf32>
    %jit3A_662 = arith.constant 1 : i32
    %jit3A_663 = arith.constant 0 : i32
    %broadcast_in_dim3A_664 = vector.broadcast %jit3A_662 : i32 to vector<16xi32>
    %broadcast_in_dim3A_665 = vector.broadcast %jit3A_663 : i32 to vector<16xi32>
    %select_n3A_666 = arith.select %ge3A_661, %broadcast_in_dim3A_664, %broadcast_in_dim3A_665 : vector<16xi1>, vector<16xi32>
    %gt3A_667 = arith.cmpf ogt, %get3A_572, %get3A_567 : vector<16xf32>
    %jit3A_668 = arith.constant 1 : i32
    %jit3A_669 = arith.constant 0 : i32
    %broadcast_in_dim3A_670 = vector.broadcast %jit3A_668 : i32 to vector<16xi32>
    %broadcast_in_dim3A_671 = vector.broadcast %jit3A_669 : i32 to vector<16xi32>
    %select_n3A_672 = arith.select %gt3A_667, %broadcast_in_dim3A_670, %broadcast_in_dim3A_671 : vector<16xi1>, vector<16xi32>
    %add3A_673 = arith.addi %select_n3A_666, %select_n3A_672 : vector<16xi32>
    %gt3A_674 = arith.cmpf ogt, %get3A_577, %get3A_567 : vector<16xf32>
    %jit3A_675 = arith.constant 1 : i32
    %jit3A_676 = arith.constant 0 : i32
    %broadcast_in_dim3A_677 = vector.broadcast %jit3A_675 : i32 to vector<16xi32>
    %broadcast_in_dim3A_678 = vector.broadcast %jit3A_676 : i32 to vector<16xi32>
    %select_n3A_679 = arith.select %gt3A_674, %broadcast_in_dim3A_677, %broadcast_in_dim3A_678 : vector<16xi1>, vector<16xi32>
    %add3A_680 = arith.addi %add3A_673, %select_n3A_679 : vector<16xi32>
    %gt3A_681 = arith.cmpf ogt, %get3A_582, %get3A_567 : vector<16xf32>
    %jit3A_682 = arith.constant 1 : i32
    %jit3A_683 = arith.constant 0 : i32
    %broadcast_in_dim3A_684 = vector.broadcast %jit3A_682 : i32 to vector<16xi32>
    %broadcast_in_dim3A_685 = vector.broadcast %jit3A_683 : i32 to vector<16xi32>
    %select_n3A_686 = arith.select %gt3A_681, %broadcast_in_dim3A_684, %broadcast_in_dim3A_685 : vector<16xi1>, vector<16xi32>
    %add3A_687 = arith.addi %add3A_680, %select_n3A_686 : vector<16xi32>
    %gt3A_688 = arith.cmpf ogt, %get3A_587, %get3A_567 : vector<16xf32>
    %jit3A_689 = arith.constant 1 : i32
    %jit3A_690 = arith.constant 0 : i32
    %broadcast_in_dim3A_691 = vector.broadcast %jit3A_689 : i32 to vector<16xi32>
    %broadcast_in_dim3A_692 = vector.broadcast %jit3A_690 : i32 to vector<16xi32>
    %select_n3A_693 = arith.select %gt3A_688, %broadcast_in_dim3A_691, %broadcast_in_dim3A_692 : vector<16xi1>, vector<16xi32>
    %add3A_694 = arith.addi %add3A_687, %select_n3A_693 : vector<16xi32>
    %gt3A_695 = arith.cmpf ogt, %get3A_592, %get3A_567 : vector<16xf32>
    %jit3A_696 = arith.constant 1 : i32
    %jit3A_697 = arith.constant 0 : i32
    %broadcast_in_dim3A_698 = vector.broadcast %jit3A_696 : i32 to vector<16xi32>
    %broadcast_in_dim3A_699 = vector.broadcast %jit3A_697 : i32 to vector<16xi32>
    %select_n3A_700 = arith.select %gt3A_695, %broadcast_in_dim3A_698, %broadcast_in_dim3A_699 : vector<16xi1>, vector<16xi32>
    %add3A_701 = arith.addi %add3A_694, %select_n3A_700 : vector<16xi32>
    %gt3A_702 = arith.cmpf ogt, %get3A_597, %get3A_567 : vector<16xf32>
    %jit3A_703 = arith.constant 1 : i32
    %jit3A_704 = arith.constant 0 : i32
    %broadcast_in_dim3A_705 = vector.broadcast %jit3A_703 : i32 to vector<16xi32>
    %broadcast_in_dim3A_706 = vector.broadcast %jit3A_704 : i32 to vector<16xi32>
    %select_n3A_707 = arith.select %gt3A_702, %broadcast_in_dim3A_705, %broadcast_in_dim3A_706 : vector<16xi1>, vector<16xi32>
    %add3A_708 = arith.addi %add3A_701, %select_n3A_707 : vector<16xi32>
    %lt3A_709 = arith.constant 2 : i32
    %lt3A_710 = vector.broadcast %lt3A_709 : i32 to vector<16xi32>
    %lt3A_711 = arith.cmpi slt, %add3A_708, %lt3A_710 : vector<16xi32>
    %sub3A_712 = arith.subf %get3A_567, %max3A_604 : vector<16xf32>
    %exp3A_713 = math.exp %sub3A_712 : vector<16xf32>
    %jit3A_714 = arith.constant 0.000000e+00 : f32
    %broadcast_in_dim3A_715 = vector.broadcast %jit3A_714 : f32 to vector<16xf32>
    %select_n3A_716 = arith.select %lt3A_711, %exp3A_713, %broadcast_in_dim3A_715 : vector<16xi1>, vector<16xf32>
    %add3A_717 = arith.addf %select_n3A_660, %select_n3A_716 : vector<16xf32>
    %ge3A_718 = arith.cmpf oge, %get3A_562, %get3A_572 : vector<16xf32>
    %jit3A_719 = arith.constant 1 : i32
    %jit3A_720 = arith.constant 0 : i32
    %broadcast_in_dim3A_721 = vector.broadcast %jit3A_719 : i32 to vector<16xi32>
    %broadcast_in_dim3A_722 = vector.broadcast %jit3A_720 : i32 to vector<16xi32>
    %select_n3A_723 = arith.select %ge3A_718, %broadcast_in_dim3A_721, %broadcast_in_dim3A_722 : vector<16xi1>, vector<16xi32>
    %ge3A_724 = arith.cmpf oge, %get3A_567, %get3A_572 : vector<16xf32>
    %jit3A_725 = arith.constant 1 : i32
    %jit3A_726 = arith.constant 0 : i32
    %broadcast_in_dim3A_727 = vector.broadcast %jit3A_725 : i32 to vector<16xi32>
    %broadcast_in_dim3A_728 = vector.broadcast %jit3A_726 : i32 to vector<16xi32>
    %select_n3A_729 = arith.select %ge3A_724, %broadcast_in_dim3A_727, %broadcast_in_dim3A_728 : vector<16xi1>, vector<16xi32>
    %add3A_730 = arith.addi %select_n3A_723, %select_n3A_729 : vector<16xi32>
    %gt3A_731 = arith.cmpf ogt, %get3A_577, %get3A_572 : vector<16xf32>
    %jit3A_732 = arith.constant 1 : i32
    %jit3A_733 = arith.constant 0 : i32
    %broadcast_in_dim3A_734 = vector.broadcast %jit3A_732 : i32 to vector<16xi32>
    %broadcast_in_dim3A_735 = vector.broadcast %jit3A_733 : i32 to vector<16xi32>
    %select_n3A_736 = arith.select %gt3A_731, %broadcast_in_dim3A_734, %broadcast_in_dim3A_735 : vector<16xi1>, vector<16xi32>
    %add3A_737 = arith.addi %add3A_730, %select_n3A_736 : vector<16xi32>
    %gt3A_738 = arith.cmpf ogt, %get3A_582, %get3A_572 : vector<16xf32>
    %jit3A_739 = arith.constant 1 : i32
    %jit3A_740 = arith.constant 0 : i32
    %broadcast_in_dim3A_741 = vector.broadcast %jit3A_739 : i32 to vector<16xi32>
    %broadcast_in_dim3A_742 = vector.broadcast %jit3A_740 : i32 to vector<16xi32>
    %select_n3A_743 = arith.select %gt3A_738, %broadcast_in_dim3A_741, %broadcast_in_dim3A_742 : vector<16xi1>, vector<16xi32>
    %add3A_744 = arith.addi %add3A_737, %select_n3A_743 : vector<16xi32>
    %gt3A_745 = arith.cmpf ogt, %get3A_587, %get3A_572 : vector<16xf32>
    %jit3A_746 = arith.constant 1 : i32
    %jit3A_747 = arith.constant 0 : i32
    %broadcast_in_dim3A_748 = vector.broadcast %jit3A_746 : i32 to vector<16xi32>
    %broadcast_in_dim3A_749 = vector.broadcast %jit3A_747 : i32 to vector<16xi32>
    %select_n3A_750 = arith.select %gt3A_745, %broadcast_in_dim3A_748, %broadcast_in_dim3A_749 : vector<16xi1>, vector<16xi32>
    %add3A_751 = arith.addi %add3A_744, %select_n3A_750 : vector<16xi32>
    %gt3A_752 = arith.cmpf ogt, %get3A_592, %get3A_572 : vector<16xf32>
    %jit3A_753 = arith.constant 1 : i32
    %jit3A_754 = arith.constant 0 : i32
    %broadcast_in_dim3A_755 = vector.broadcast %jit3A_753 : i32 to vector<16xi32>
    %broadcast_in_dim3A_756 = vector.broadcast %jit3A_754 : i32 to vector<16xi32>
    %select_n3A_757 = arith.select %gt3A_752, %broadcast_in_dim3A_755, %broadcast_in_dim3A_756 : vector<16xi1>, vector<16xi32>
    %add3A_758 = arith.addi %add3A_751, %select_n3A_757 : vector<16xi32>
    %gt3A_759 = arith.cmpf ogt, %get3A_597, %get3A_572 : vector<16xf32>
    %jit3A_760 = arith.constant 1 : i32
    %jit3A_761 = arith.constant 0 : i32
    %broadcast_in_dim3A_762 = vector.broadcast %jit3A_760 : i32 to vector<16xi32>
    %broadcast_in_dim3A_763 = vector.broadcast %jit3A_761 : i32 to vector<16xi32>
    %select_n3A_764 = arith.select %gt3A_759, %broadcast_in_dim3A_762, %broadcast_in_dim3A_763 : vector<16xi1>, vector<16xi32>
    %add3A_765 = arith.addi %add3A_758, %select_n3A_764 : vector<16xi32>
    %lt3A_766 = arith.constant 2 : i32
    %lt3A_767 = vector.broadcast %lt3A_766 : i32 to vector<16xi32>
    %lt3A_768 = arith.cmpi slt, %add3A_765, %lt3A_767 : vector<16xi32>
    %sub3A_769 = arith.subf %get3A_572, %max3A_604 : vector<16xf32>
    %exp3A_770 = math.exp %sub3A_769 : vector<16xf32>
    %jit3A_771 = arith.constant 0.000000e+00 : f32
    %broadcast_in_dim3A_772 = vector.broadcast %jit3A_771 : f32 to vector<16xf32>
    %select_n3A_773 = arith.select %lt3A_768, %exp3A_770, %broadcast_in_dim3A_772 : vector<16xi1>, vector<16xf32>
    %add3A_774 = arith.addf %add3A_717, %select_n3A_773 : vector<16xf32>
    %ge3A_775 = arith.cmpf oge, %get3A_562, %get3A_577 : vector<16xf32>
    %jit3A_776 = arith.constant 1 : i32
    %jit3A_777 = arith.constant 0 : i32
    %broadcast_in_dim3A_778 = vector.broadcast %jit3A_776 : i32 to vector<16xi32>
    %broadcast_in_dim3A_779 = vector.broadcast %jit3A_777 : i32 to vector<16xi32>
    %select_n3A_780 = arith.select %ge3A_775, %broadcast_in_dim3A_778, %broadcast_in_dim3A_779 : vector<16xi1>, vector<16xi32>
    %ge3A_781 = arith.cmpf oge, %get3A_567, %get3A_577 : vector<16xf32>
    %jit3A_782 = arith.constant 1 : i32
    %jit3A_783 = arith.constant 0 : i32
    %broadcast_in_dim3A_784 = vector.broadcast %jit3A_782 : i32 to vector<16xi32>
    %broadcast_in_dim3A_785 = vector.broadcast %jit3A_783 : i32 to vector<16xi32>
    %select_n3A_786 = arith.select %ge3A_781, %broadcast_in_dim3A_784, %broadcast_in_dim3A_785 : vector<16xi1>, vector<16xi32>
    %add3A_787 = arith.addi %select_n3A_780, %select_n3A_786 : vector<16xi32>
    %ge3A_788 = arith.cmpf oge, %get3A_572, %get3A_577 : vector<16xf32>
    %jit3A_789 = arith.constant 1 : i32
    %jit3A_790 = arith.constant 0 : i32
    %broadcast_in_dim3A_791 = vector.broadcast %jit3A_789 : i32 to vector<16xi32>
    %broadcast_in_dim3A_792 = vector.broadcast %jit3A_790 : i32 to vector<16xi32>
    %select_n3A_793 = arith.select %ge3A_788, %broadcast_in_dim3A_791, %broadcast_in_dim3A_792 : vector<16xi1>, vector<16xi32>
    %add3A_794 = arith.addi %add3A_787, %select_n3A_793 : vector<16xi32>
    %gt3A_795 = arith.cmpf ogt, %get3A_582, %get3A_577 : vector<16xf32>
    %jit3A_796 = arith.constant 1 : i32
    %jit3A_797 = arith.constant 0 : i32
    %broadcast_in_dim3A_798 = vector.broadcast %jit3A_796 : i32 to vector<16xi32>
    %broadcast_in_dim3A_799 = vector.broadcast %jit3A_797 : i32 to vector<16xi32>
    %select_n3A_800 = arith.select %gt3A_795, %broadcast_in_dim3A_798, %broadcast_in_dim3A_799 : vector<16xi1>, vector<16xi32>
    %add3A_801 = arith.addi %add3A_794, %select_n3A_800 : vector<16xi32>
    %gt3A_802 = arith.cmpf ogt, %get3A_587, %get3A_577 : vector<16xf32>
    %jit3A_803 = arith.constant 1 : i32
    %jit3A_804 = arith.constant 0 : i32
    %broadcast_in_dim3A_805 = vector.broadcast %jit3A_803 : i32 to vector<16xi32>
    %broadcast_in_dim3A_806 = vector.broadcast %jit3A_804 : i32 to vector<16xi32>
    %select_n3A_807 = arith.select %gt3A_802, %broadcast_in_dim3A_805, %broadcast_in_dim3A_806 : vector<16xi1>, vector<16xi32>
    %add3A_808 = arith.addi %add3A_801, %select_n3A_807 : vector<16xi32>
    %gt3A_809 = arith.cmpf ogt, %get3A_592, %get3A_577 : vector<16xf32>
    %jit3A_810 = arith.constant 1 : i32
    %jit3A_811 = arith.constant 0 : i32
    %broadcast_in_dim3A_812 = vector.broadcast %jit3A_810 : i32 to vector<16xi32>
    %broadcast_in_dim3A_813 = vector.broadcast %jit3A_811 : i32 to vector<16xi32>
    %select_n3A_814 = arith.select %gt3A_809, %broadcast_in_dim3A_812, %broadcast_in_dim3A_813 : vector<16xi1>, vector<16xi32>
    %add3A_815 = arith.addi %add3A_808, %select_n3A_814 : vector<16xi32>
    %gt3A_816 = arith.cmpf ogt, %get3A_597, %get3A_577 : vector<16xf32>
    %jit3A_817 = arith.constant 1 : i32
    %jit3A_818 = arith.constant 0 : i32
    %broadcast_in_dim3A_819 = vector.broadcast %jit3A_817 : i32 to vector<16xi32>
    %broadcast_in_dim3A_820 = vector.broadcast %jit3A_818 : i32 to vector<16xi32>
    %select_n3A_821 = arith.select %gt3A_816, %broadcast_in_dim3A_819, %broadcast_in_dim3A_820 : vector<16xi1>, vector<16xi32>
    %add3A_822 = arith.addi %add3A_815, %select_n3A_821 : vector<16xi32>
    %lt3A_823 = arith.constant 2 : i32
    %lt3A_824 = vector.broadcast %lt3A_823 : i32 to vector<16xi32>
    %lt3A_825 = arith.cmpi slt, %add3A_822, %lt3A_824 : vector<16xi32>
    %sub3A_826 = arith.subf %get3A_577, %max3A_604 : vector<16xf32>
    %exp3A_827 = math.exp %sub3A_826 : vector<16xf32>
    %jit3A_828 = arith.constant 0.000000e+00 : f32
    %broadcast_in_dim3A_829 = vector.broadcast %jit3A_828 : f32 to vector<16xf32>
    %select_n3A_830 = arith.select %lt3A_825, %exp3A_827, %broadcast_in_dim3A_829 : vector<16xi1>, vector<16xf32>
    %add3A_831 = arith.addf %add3A_774, %select_n3A_830 : vector<16xf32>
    %ge3A_832 = arith.cmpf oge, %get3A_562, %get3A_582 : vector<16xf32>
    %jit3A_833 = arith.constant 1 : i32
    %jit3A_834 = arith.constant 0 : i32
    %broadcast_in_dim3A_835 = vector.broadcast %jit3A_833 : i32 to vector<16xi32>
    %broadcast_in_dim3A_836 = vector.broadcast %jit3A_834 : i32 to vector<16xi32>
    %select_n3A_837 = arith.select %ge3A_832, %broadcast_in_dim3A_835, %broadcast_in_dim3A_836 : vector<16xi1>, vector<16xi32>
    %ge3A_838 = arith.cmpf oge, %get3A_567, %get3A_582 : vector<16xf32>
    %jit3A_839 = arith.constant 1 : i32
    %jit3A_840 = arith.constant 0 : i32
    %broadcast_in_dim3A_841 = vector.broadcast %jit3A_839 : i32 to vector<16xi32>
    %broadcast_in_dim3A_842 = vector.broadcast %jit3A_840 : i32 to vector<16xi32>
    %select_n3A_843 = arith.select %ge3A_838, %broadcast_in_dim3A_841, %broadcast_in_dim3A_842 : vector<16xi1>, vector<16xi32>
    %add3A_844 = arith.addi %select_n3A_837, %select_n3A_843 : vector<16xi32>
    %ge3A_845 = arith.cmpf oge, %get3A_572, %get3A_582 : vector<16xf32>
    %jit3A_846 = arith.constant 1 : i32
    %jit3A_847 = arith.constant 0 : i32
    %broadcast_in_dim3A_848 = vector.broadcast %jit3A_846 : i32 to vector<16xi32>
    %broadcast_in_dim3A_849 = vector.broadcast %jit3A_847 : i32 to vector<16xi32>
    %select_n3A_850 = arith.select %ge3A_845, %broadcast_in_dim3A_848, %broadcast_in_dim3A_849 : vector<16xi1>, vector<16xi32>
    %add3A_851 = arith.addi %add3A_844, %select_n3A_850 : vector<16xi32>
    %ge3A_852 = arith.cmpf oge, %get3A_577, %get3A_582 : vector<16xf32>
    %jit3A_853 = arith.constant 1 : i32
    %jit3A_854 = arith.constant 0 : i32
    %broadcast_in_dim3A_855 = vector.broadcast %jit3A_853 : i32 to vector<16xi32>
    %broadcast_in_dim3A_856 = vector.broadcast %jit3A_854 : i32 to vector<16xi32>
    %select_n3A_857 = arith.select %ge3A_852, %broadcast_in_dim3A_855, %broadcast_in_dim3A_856 : vector<16xi1>, vector<16xi32>
    %add3A_858 = arith.addi %add3A_851, %select_n3A_857 : vector<16xi32>
    %gt3A_859 = arith.cmpf ogt, %get3A_587, %get3A_582 : vector<16xf32>
    %jit3A_860 = arith.constant 1 : i32
    %jit3A_861 = arith.constant 0 : i32
    %broadcast_in_dim3A_862 = vector.broadcast %jit3A_860 : i32 to vector<16xi32>
    %broadcast_in_dim3A_863 = vector.broadcast %jit3A_861 : i32 to vector<16xi32>
    %select_n3A_864 = arith.select %gt3A_859, %broadcast_in_dim3A_862, %broadcast_in_dim3A_863 : vector<16xi1>, vector<16xi32>
    %add3A_865 = arith.addi %add3A_858, %select_n3A_864 : vector<16xi32>
    %gt3A_866 = arith.cmpf ogt, %get3A_592, %get3A_582 : vector<16xf32>
    %jit3A_867 = arith.constant 1 : i32
    %jit3A_868 = arith.constant 0 : i32
    %broadcast_in_dim3A_869 = vector.broadcast %jit3A_867 : i32 to vector<16xi32>
    %broadcast_in_dim3A_870 = vector.broadcast %jit3A_868 : i32 to vector<16xi32>
    %select_n3A_871 = arith.select %gt3A_866, %broadcast_in_dim3A_869, %broadcast_in_dim3A_870 : vector<16xi1>, vector<16xi32>
    %add3A_872 = arith.addi %add3A_865, %select_n3A_871 : vector<16xi32>
    %gt3A_873 = arith.cmpf ogt, %get3A_597, %get3A_582 : vector<16xf32>
    %jit3A_874 = arith.constant 1 : i32
    %jit3A_875 = arith.constant 0 : i32
    %broadcast_in_dim3A_876 = vector.broadcast %jit3A_874 : i32 to vector<16xi32>
    %broadcast_in_dim3A_877 = vector.broadcast %jit3A_875 : i32 to vector<16xi32>
    %select_n3A_878 = arith.select %gt3A_873, %broadcast_in_dim3A_876, %broadcast_in_dim3A_877 : vector<16xi1>, vector<16xi32>
    %add3A_879 = arith.addi %add3A_872, %select_n3A_878 : vector<16xi32>
    %lt3A_880 = arith.constant 2 : i32
    %lt3A_881 = vector.broadcast %lt3A_880 : i32 to vector<16xi32>
    %lt3A_882 = arith.cmpi slt, %add3A_879, %lt3A_881 : vector<16xi32>
    %sub3A_883 = arith.subf %get3A_582, %max3A_604 : vector<16xf32>
    %exp3A_884 = math.exp %sub3A_883 : vector<16xf32>
    %jit3A_885 = arith.constant 0.000000e+00 : f32
    %broadcast_in_dim3A_886 = vector.broadcast %jit3A_885 : f32 to vector<16xf32>
    %select_n3A_887 = arith.select %lt3A_882, %exp3A_884, %broadcast_in_dim3A_886 : vector<16xi1>, vector<16xf32>
    %add3A_888 = arith.addf %add3A_831, %select_n3A_887 : vector<16xf32>
    %ge3A_889 = arith.cmpf oge, %get3A_562, %get3A_587 : vector<16xf32>
    %jit3A_890 = arith.constant 1 : i32
    %jit3A_891 = arith.constant 0 : i32
    %broadcast_in_dim3A_892 = vector.broadcast %jit3A_890 : i32 to vector<16xi32>
    %broadcast_in_dim3A_893 = vector.broadcast %jit3A_891 : i32 to vector<16xi32>
    %select_n3A_894 = arith.select %ge3A_889, %broadcast_in_dim3A_892, %broadcast_in_dim3A_893 : vector<16xi1>, vector<16xi32>
    %ge3A_895 = arith.cmpf oge, %get3A_567, %get3A_587 : vector<16xf32>
    %jit3A_896 = arith.constant 1 : i32
    %jit3A_897 = arith.constant 0 : i32
    %broadcast_in_dim3A_898 = vector.broadcast %jit3A_896 : i32 to vector<16xi32>
    %broadcast_in_dim3A_899 = vector.broadcast %jit3A_897 : i32 to vector<16xi32>
    %select_n3A_900 = arith.select %ge3A_895, %broadcast_in_dim3A_898, %broadcast_in_dim3A_899 : vector<16xi1>, vector<16xi32>
    %add3A_901 = arith.addi %select_n3A_894, %select_n3A_900 : vector<16xi32>
    %ge3A_902 = arith.cmpf oge, %get3A_572, %get3A_587 : vector<16xf32>
    %jit3A_903 = arith.constant 1 : i32
    %jit3A_904 = arith.constant 0 : i32
    %broadcast_in_dim3A_905 = vector.broadcast %jit3A_903 : i32 to vector<16xi32>
    %broadcast_in_dim3A_906 = vector.broadcast %jit3A_904 : i32 to vector<16xi32>
    %select_n3A_907 = arith.select %ge3A_902, %broadcast_in_dim3A_905, %broadcast_in_dim3A_906 : vector<16xi1>, vector<16xi32>
    %add3A_908 = arith.addi %add3A_901, %select_n3A_907 : vector<16xi32>
    %ge3A_909 = arith.cmpf oge, %get3A_577, %get3A_587 : vector<16xf32>
    %jit3A_910 = arith.constant 1 : i32
    %jit3A_911 = arith.constant 0 : i32
    %broadcast_in_dim3A_912 = vector.broadcast %jit3A_910 : i32 to vector<16xi32>
    %broadcast_in_dim3A_913 = vector.broadcast %jit3A_911 : i32 to vector<16xi32>
    %select_n3A_914 = arith.select %ge3A_909, %broadcast_in_dim3A_912, %broadcast_in_dim3A_913 : vector<16xi1>, vector<16xi32>
    %add3A_915 = arith.addi %add3A_908, %select_n3A_914 : vector<16xi32>
    %ge3A_916 = arith.cmpf oge, %get3A_582, %get3A_587 : vector<16xf32>
    %jit3A_917 = arith.constant 1 : i32
    %jit3A_918 = arith.constant 0 : i32
    %broadcast_in_dim3A_919 = vector.broadcast %jit3A_917 : i32 to vector<16xi32>
    %broadcast_in_dim3A_920 = vector.broadcast %jit3A_918 : i32 to vector<16xi32>
    %select_n3A_921 = arith.select %ge3A_916, %broadcast_in_dim3A_919, %broadcast_in_dim3A_920 : vector<16xi1>, vector<16xi32>
    %add3A_922 = arith.addi %add3A_915, %select_n3A_921 : vector<16xi32>
    %gt3A_923 = arith.cmpf ogt, %get3A_592, %get3A_587 : vector<16xf32>
    %jit3A_924 = arith.constant 1 : i32
    %jit3A_925 = arith.constant 0 : i32
    %broadcast_in_dim3A_926 = vector.broadcast %jit3A_924 : i32 to vector<16xi32>
    %broadcast_in_dim3A_927 = vector.broadcast %jit3A_925 : i32 to vector<16xi32>
    %select_n3A_928 = arith.select %gt3A_923, %broadcast_in_dim3A_926, %broadcast_in_dim3A_927 : vector<16xi1>, vector<16xi32>
    %add3A_929 = arith.addi %add3A_922, %select_n3A_928 : vector<16xi32>
    %gt3A_930 = arith.cmpf ogt, %get3A_597, %get3A_587 : vector<16xf32>
    %jit3A_931 = arith.constant 1 : i32
    %jit3A_932 = arith.constant 0 : i32
    %broadcast_in_dim3A_933 = vector.broadcast %jit3A_931 : i32 to vector<16xi32>
    %broadcast_in_dim3A_934 = vector.broadcast %jit3A_932 : i32 to vector<16xi32>
    %select_n3A_935 = arith.select %gt3A_930, %broadcast_in_dim3A_933, %broadcast_in_dim3A_934 : vector<16xi1>, vector<16xi32>
    %add3A_936 = arith.addi %add3A_929, %select_n3A_935 : vector<16xi32>
    %lt3A_937 = arith.constant 2 : i32
    %lt3A_938 = vector.broadcast %lt3A_937 : i32 to vector<16xi32>
    %lt3A_939 = arith.cmpi slt, %add3A_936, %lt3A_938 : vector<16xi32>
    %sub3A_940 = arith.subf %get3A_587, %max3A_604 : vector<16xf32>
    %exp3A_941 = math.exp %sub3A_940 : vector<16xf32>
    %jit3A_942 = arith.constant 0.000000e+00 : f32
    %broadcast_in_dim3A_943 = vector.broadcast %jit3A_942 : f32 to vector<16xf32>
    %select_n3A_944 = arith.select %lt3A_939, %exp3A_941, %broadcast_in_dim3A_943 : vector<16xi1>, vector<16xf32>
    %add3A_945 = arith.addf %add3A_888, %select_n3A_944 : vector<16xf32>
    %ge3A_946 = arith.cmpf oge, %get3A_562, %get3A_592 : vector<16xf32>
    %jit3A_947 = arith.constant 1 : i32
    %jit3A_948 = arith.constant 0 : i32
    %broadcast_in_dim3A_949 = vector.broadcast %jit3A_947 : i32 to vector<16xi32>
    %broadcast_in_dim3A_950 = vector.broadcast %jit3A_948 : i32 to vector<16xi32>
    %select_n3A_951 = arith.select %ge3A_946, %broadcast_in_dim3A_949, %broadcast_in_dim3A_950 : vector<16xi1>, vector<16xi32>
    %ge3A_952 = arith.cmpf oge, %get3A_567, %get3A_592 : vector<16xf32>
    %jit3A_953 = arith.constant 1 : i32
    %jit3A_954 = arith.constant 0 : i32
    %broadcast_in_dim3A_955 = vector.broadcast %jit3A_953 : i32 to vector<16xi32>
    %broadcast_in_dim3A_956 = vector.broadcast %jit3A_954 : i32 to vector<16xi32>
    %select_n3A_957 = arith.select %ge3A_952, %broadcast_in_dim3A_955, %broadcast_in_dim3A_956 : vector<16xi1>, vector<16xi32>
    %add3A_958 = arith.addi %select_n3A_951, %select_n3A_957 : vector<16xi32>
    %ge3A_959 = arith.cmpf oge, %get3A_572, %get3A_592 : vector<16xf32>
    %jit3A_960 = arith.constant 1 : i32
    %jit3A_961 = arith.constant 0 : i32
    %broadcast_in_dim3A_962 = vector.broadcast %jit3A_960 : i32 to vector<16xi32>
    %broadcast_in_dim3A_963 = vector.broadcast %jit3A_961 : i32 to vector<16xi32>
    %select_n3A_964 = arith.select %ge3A_959, %broadcast_in_dim3A_962, %broadcast_in_dim3A_963 : vector<16xi1>, vector<16xi32>
    %add3A_965 = arith.addi %add3A_958, %select_n3A_964 : vector<16xi32>
    %ge3A_966 = arith.cmpf oge, %get3A_577, %get3A_592 : vector<16xf32>
    %jit3A_967 = arith.constant 1 : i32
    %jit3A_968 = arith.constant 0 : i32
    %broadcast_in_dim3A_969 = vector.broadcast %jit3A_967 : i32 to vector<16xi32>
    %broadcast_in_dim3A_970 = vector.broadcast %jit3A_968 : i32 to vector<16xi32>
    %select_n3A_971 = arith.select %ge3A_966, %broadcast_in_dim3A_969, %broadcast_in_dim3A_970 : vector<16xi1>, vector<16xi32>
    %add3A_972 = arith.addi %add3A_965, %select_n3A_971 : vector<16xi32>
    %ge3A_973 = arith.cmpf oge, %get3A_582, %get3A_592 : vector<16xf32>
    %jit3A_974 = arith.constant 1 : i32
    %jit3A_975 = arith.constant 0 : i32
    %broadcast_in_dim3A_976 = vector.broadcast %jit3A_974 : i32 to vector<16xi32>
    %broadcast_in_dim3A_977 = vector.broadcast %jit3A_975 : i32 to vector<16xi32>
    %select_n3A_978 = arith.select %ge3A_973, %broadcast_in_dim3A_976, %broadcast_in_dim3A_977 : vector<16xi1>, vector<16xi32>
    %add3A_979 = arith.addi %add3A_972, %select_n3A_978 : vector<16xi32>
    %ge3A_980 = arith.cmpf oge, %get3A_587, %get3A_592 : vector<16xf32>
    %jit3A_981 = arith.constant 1 : i32
    %jit3A_982 = arith.constant 0 : i32
    %broadcast_in_dim3A_983 = vector.broadcast %jit3A_981 : i32 to vector<16xi32>
    %broadcast_in_dim3A_984 = vector.broadcast %jit3A_982 : i32 to vector<16xi32>
    %select_n3A_985 = arith.select %ge3A_980, %broadcast_in_dim3A_983, %broadcast_in_dim3A_984 : vector<16xi1>, vector<16xi32>
    %add3A_986 = arith.addi %add3A_979, %select_n3A_985 : vector<16xi32>
    %gt3A_987 = arith.cmpf ogt, %get3A_597, %get3A_592 : vector<16xf32>
    %jit3A_988 = arith.constant 1 : i32
    %jit3A_989 = arith.constant 0 : i32
    %broadcast_in_dim3A_990 = vector.broadcast %jit3A_988 : i32 to vector<16xi32>
    %broadcast_in_dim3A_991 = vector.broadcast %jit3A_989 : i32 to vector<16xi32>
    %select_n3A_992 = arith.select %gt3A_987, %broadcast_in_dim3A_990, %broadcast_in_dim3A_991 : vector<16xi1>, vector<16xi32>
    %add3A_993 = arith.addi %add3A_986, %select_n3A_992 : vector<16xi32>
    %lt3A_994 = arith.constant 2 : i32
    %lt3A_995 = vector.broadcast %lt3A_994 : i32 to vector<16xi32>
    %lt3A_996 = arith.cmpi slt, %add3A_993, %lt3A_995 : vector<16xi32>
    %sub3A_997 = arith.subf %get3A_592, %max3A_604 : vector<16xf32>
    %exp3A_998 = math.exp %sub3A_997 : vector<16xf32>
    %jit3A_999 = arith.constant 0.000000e+00 : f32
    %broadcast_in_dim3A_1000 = vector.broadcast %jit3A_999 : f32 to vector<16xf32>
    %select_n3A_1001 = arith.select %lt3A_996, %exp3A_998, %broadcast_in_dim3A_1000 : vector<16xi1>, vector<16xf32>
    %add3A_1002 = arith.addf %add3A_945, %select_n3A_1001 : vector<16xf32>
    %ge3A_1003 = arith.cmpf oge, %get3A_562, %get3A_597 : vector<16xf32>
    %jit3A_1004 = arith.constant 1 : i32
    %jit3A_1005 = arith.constant 0 : i32
    %broadcast_in_dim3A_1006 = vector.broadcast %jit3A_1004 : i32 to vector<16xi32>
    %broadcast_in_dim3A_1007 = vector.broadcast %jit3A_1005 : i32 to vector<16xi32>
    %select_n3A_1008 = arith.select %ge3A_1003, %broadcast_in_dim3A_1006, %broadcast_in_dim3A_1007 : vector<16xi1>, vector<16xi32>
    %ge3A_1009 = arith.cmpf oge, %get3A_567, %get3A_597 : vector<16xf32>
    %jit3A_1010 = arith.constant 1 : i32
    %jit3A_1011 = arith.constant 0 : i32
    %broadcast_in_dim3A_1012 = vector.broadcast %jit3A_1010 : i32 to vector<16xi32>
    %broadcast_in_dim3A_1013 = vector.broadcast %jit3A_1011 : i32 to vector<16xi32>
    %select_n3A_1014 = arith.select %ge3A_1009, %broadcast_in_dim3A_1012, %broadcast_in_dim3A_1013 : vector<16xi1>, vector<16xi32>
    %add3A_1015 = arith.addi %select_n3A_1008, %select_n3A_1014 : vector<16xi32>
    %ge3A_1016 = arith.cmpf oge, %get3A_572, %get3A_597 : vector<16xf32>
    %jit3A_1017 = arith.constant 1 : i32
    %jit3A_1018 = arith.constant 0 : i32
    %broadcast_in_dim3A_1019 = vector.broadcast %jit3A_1017 : i32 to vector<16xi32>
    %broadcast_in_dim3A_1020 = vector.broadcast %jit3A_1018 : i32 to vector<16xi32>
    %select_n3A_1021 = arith.select %ge3A_1016, %broadcast_in_dim3A_1019, %broadcast_in_dim3A_1020 : vector<16xi1>, vector<16xi32>
    %add3A_1022 = arith.addi %add3A_1015, %select_n3A_1021 : vector<16xi32>
    %ge3A_1023 = arith.cmpf oge, %get3A_577, %get3A_597 : vector<16xf32>
    %jit3A_1024 = arith.constant 1 : i32
    %jit3A_1025 = arith.constant 0 : i32
    %broadcast_in_dim3A_1026 = vector.broadcast %jit3A_1024 : i32 to vector<16xi32>
    %broadcast_in_dim3A_1027 = vector.broadcast %jit3A_1025 : i32 to vector<16xi32>
    %select_n3A_1028 = arith.select %ge3A_1023, %broadcast_in_dim3A_1026, %broadcast_in_dim3A_1027 : vector<16xi1>, vector<16xi32>
    %add3A_1029 = arith.addi %add3A_1022, %select_n3A_1028 : vector<16xi32>
    %ge3A_1030 = arith.cmpf oge, %get3A_582, %get3A_597 : vector<16xf32>
    %jit3A_1031 = arith.constant 1 : i32
    %jit3A_1032 = arith.constant 0 : i32
    %broadcast_in_dim3A_1033 = vector.broadcast %jit3A_1031 : i32 to vector<16xi32>
    %broadcast_in_dim3A_1034 = vector.broadcast %jit3A_1032 : i32 to vector<16xi32>
    %select_n3A_1035 = arith.select %ge3A_1030, %broadcast_in_dim3A_1033, %broadcast_in_dim3A_1034 : vector<16xi1>, vector<16xi32>
    %add3A_1036 = arith.addi %add3A_1029, %select_n3A_1035 : vector<16xi32>
    %ge3A_1037 = arith.cmpf oge, %get3A_587, %get3A_597 : vector<16xf32>
    %jit3A_1038 = arith.constant 1 : i32
    %jit3A_1039 = arith.constant 0 : i32
    %broadcast_in_dim3A_1040 = vector.broadcast %jit3A_1038 : i32 to vector<16xi32>
    %broadcast_in_dim3A_1041 = vector.broadcast %jit3A_1039 : i32 to vector<16xi32>
    %select_n3A_1042 = arith.select %ge3A_1037, %broadcast_in_dim3A_1040, %broadcast_in_dim3A_1041 : vector<16xi1>, vector<16xi32>
    %add3A_1043 = arith.addi %add3A_1036, %select_n3A_1042 : vector<16xi32>
    %ge3A_1044 = arith.cmpf oge, %get3A_592, %get3A_597 : vector<16xf32>
    %jit3A_1045 = arith.constant 1 : i32
    %jit3A_1046 = arith.constant 0 : i32
    %broadcast_in_dim3A_1047 = vector.broadcast %jit3A_1045 : i32 to vector<16xi32>
    %broadcast_in_dim3A_1048 = vector.broadcast %jit3A_1046 : i32 to vector<16xi32>
    %select_n3A_1049 = arith.select %ge3A_1044, %broadcast_in_dim3A_1047, %broadcast_in_dim3A_1048 : vector<16xi1>, vector<16xi32>
    %add3A_1050 = arith.addi %add3A_1043, %select_n3A_1049 : vector<16xi32>
    %lt3A_1051 = arith.constant 2 : i32
    %lt3A_1052 = vector.broadcast %lt3A_1051 : i32 to vector<16xi32>
    %lt3A_1053 = arith.cmpi slt, %add3A_1050, %lt3A_1052 : vector<16xi32>
    %sub3A_1054 = arith.subf %get3A_597, %max3A_604 : vector<16xf32>
    %exp3A_1055 = math.exp %sub3A_1054 : vector<16xf32>
    %jit3A_1056 = arith.constant 0.000000e+00 : f32
    %broadcast_in_dim3A_1057 = vector.broadcast %jit3A_1056 : f32 to vector<16xf32>
    %select_n3A_1058 = arith.select %lt3A_1053, %exp3A_1055, %broadcast_in_dim3A_1057 : vector<16xi1>, vector<16xf32>
    %add3A_1059 = arith.addf %add3A_1002, %select_n3A_1058 : vector<16xf32>
    %div3A_1060 = arith.constant 1.000000e+00 : f32
    %div3A_1061 = vector.broadcast %div3A_1060 : f32 to vector<16xf32>
    %div3A_1062 = arith.divf %div3A_1061, %add3A_1059 : vector<16xf32>
    %mul3A_1063 = arith.mulf %select_n3A_660, %div3A_1062 : vector<16xf32>
    %swap3A_1064 = arith.constant 0 : i32
    %swap3A_1065 = arith.index_cast %swap3A_1064 : i32 to index
    %swap3A_1066 = arith.constant 16 : index
    %swap3A_1067 = tpu.vector_load %arg5[%swap3A_1065, %swap3A_1066] {strides = array<i32>} : memref<8x128xf32, #tpu.memory_space<vmem>>, vector<1x16xf32>,
    %swap3A_1068 = vector.shape_cast %swap3A_1067 : vector<1x16xf32> to vector<16xf32>
    %swap3A_1069 = vector.shape_cast %mul3A_1063 : vector<16xf32> to vector<1x16xf32>
    tpu.vector_store %arg5[%swap3A_1065, %swap3A_1066], %swap3A_1069 {strides = array<i32>} : memref<8x128xf32, #tpu.memory_space<vmem>>, vector<1x16xf32>,
    %mul3A_1070 = arith.mulf %select_n3A_716, %div3A_1062 : vector<16xf32>
    %swap3A_1071 = arith.constant 1 : i32
    %swap3A_1072 = arith.index_cast %swap3A_1071 : i32 to index
    %swap3A_1073 = arith.constant 16 : index
    %swap3A_1074 = tpu.vector_load %arg5[%swap3A_1072, %swap3A_1073] {strides = array<i32>} : memref<8x128xf32, #tpu.memory_space<vmem>>, vector<1x16xf32>,
    %swap3A_1075 = vector.shape_cast %swap3A_1074 : vector<1x16xf32> to vector<16xf32>
    %swap3A_1076 = vector.shape_cast %mul3A_1070 : vector<16xf32> to vector<1x16xf32>
    tpu.vector_store %arg5[%swap3A_1072, %swap3A_1073], %swap3A_1076 {strides = array<i32>} : memref<8x128xf32, #tpu.memory_space<vmem>>, vector<1x16xf32>,
    %mul3A_1077 = arith.mulf %select_n3A_773, %div3A_1062 : vector<16xf32>
    %swap3A_1078 = arith.constant 2 : i32
    %swap3A_1079 = arith.index_cast %swap3A_1078 : i32 to index
    %swap3A_1080 = arith.constant 16 : index
    %swap3A_1081 = tpu.vector_load %arg5[%swap3A_1079, %swap3A_1080] {strides = array<i32>} : memref<8x128xf32, #tpu.memory_space<vmem>>, vector<1x16xf32>,
    %swap3A_1082 = vector.shape_cast %swap3A_1081 : vector<1x16xf32> to vector<16xf32>
    %swap3A_1083 = vector.shape_cast %mul3A_1077 : vector<16xf32> to vector<1x16xf32>
    tpu.vector_store %arg5[%swap3A_1079, %swap3A_1080], %swap3A_1083 {strides = array<i32>} : memref<8x128xf32, #tpu.memory_space<vmem>>, vector<1x16xf32>,
    %mul3A_1084 = arith.mulf %select_n3A_830, %div3A_1062 : vector<16xf32>
    %swap3A_1085 = arith.constant 3 : i32
    %swap3A_1086 = arith.index_cast %swap3A_1085 : i32 to index
    %swap3A_1087 = arith.constant 16 : index
    %swap3A_1088 = tpu.vector_load %arg5[%swap3A_1086, %swap3A_1087] {strides = array<i32>} : memref<8x128xf32, #tpu.memory_space<vmem>>, vector<1x16xf32>,
    %swap3A_1089 = vector.shape_cast %swap3A_1088 : vector<1x16xf32> to vector<16xf32>
    %swap3A_1090 = vector.shape_cast %mul3A_1084 : vector<16xf32> to vector<1x16xf32>
    tpu.vector_store %arg5[%swap3A_1086, %swap3A_1087], %swap3A_1090 {strides = array<i32>} : memref<8x128xf32, #tpu.memory_space<vmem>>, vector<1x16xf32>,
    %mul3A_1091 = arith.mulf %select_n3A_887, %div3A_1062 : vector<16xf32>
    %swap3A_1092 = arith.constant 4 : i32
    %swap3A_1093 = arith.index_cast %swap3A_1092 : i32 to index
    %swap3A_1094 = arith.constant 16 : index
    %swap3A_1095 = tpu.vector_load %arg5[%swap3A_1093, %swap3A_1094] {strides = array<i32>} : memref<8x128xf32, #tpu.memory_space<vmem>>, vector<1x16xf32>,
    %swap3A_1096 = vector.shape_cast %swap3A_1095 : vector<1x16xf32> to vector<16xf32>
    %swap3A_1097 = vector.shape_cast %mul3A_1091 : vector<16xf32> to vector<1x16xf32>
    tpu.vector_store %arg5[%swap3A_1093, %swap3A_1094], %swap3A_1097 {strides = array<i32>} : memref<8x128xf32, #tpu.memory_space<vmem>>, vector<1x16xf32>,
    %mul3A_1098 = arith.mulf %select_n3A_944, %div3A_1062 : vector<16xf32>
    %swap3A_1099 = arith.constant 5 : i32
    %swap3A_1100 = arith.index_cast %swap3A_1099 : i32 to index
    %swap3A_1101 = arith.constant 16 : index
    %swap3A_1102 = tpu.vector_load %arg5[%swap3A_1100, %swap3A_1101] {strides = array<i32>} : memref<8x128xf32, #tpu.memory_space<vmem>>, vector<1x16xf32>,
    %swap3A_1103 = vector.shape_cast %swap3A_1102 : vector<1x16xf32> to vector<16xf32>
    %swap3A_1104 = vector.shape_cast %mul3A_1098 : vector<16xf32> to vector<1x16xf32>
    tpu.vector_store %arg5[%swap3A_1100, %swap3A_1101], %swap3A_1104 {strides = array<i32>} : memref<8x128xf32, #tpu.memory_space<vmem>>, vector<1x16xf32>,
    %mul3A_1105 = arith.mulf %select_n3A_1001, %div3A_1062 : vector<16xf32>
    %swap3A_1106 = arith.constant 6 : i32
    %swap3A_1107 = arith.index_cast %swap3A_1106 : i32 to index
    %swap3A_1108 = arith.constant 16 : index
    %swap3A_1109 = tpu.vector_load %arg5[%swap3A_1107, %swap3A_1108] {strides = array<i32>} : memref<8x128xf32, #tpu.memory_space<vmem>>, vector<1x16xf32>,
    %swap3A_1110 = vector.shape_cast %swap3A_1109 : vector<1x16xf32> to vector<16xf32>
    %swap3A_1111 = vector.shape_cast %mul3A_1105 : vector<16xf32> to vector<1x16xf32>
    tpu.vector_store %arg5[%swap3A_1107, %swap3A_1108], %swap3A_1111 {strides = array<i32>} : memref<8x128xf32, #tpu.memory_space<vmem>>, vector<1x16xf32>,
    %mul3A_1112 = arith.mulf %select_n3A_1058, %div3A_1062 : vector<16xf32>
    %swap3A_1113 = arith.constant 7 : i32
    %swap3A_1114 = arith.index_cast %swap3A_1113 : i32 to index
    %swap3A_1115 = arith.constant 16 : index
    %swap3A_1116 = tpu.vector_load %arg5[%swap3A_1114, %swap3A_1115] {strides = array<i32>} : memref<8x128xf32, #tpu.memory_space<vmem>>, vector<1x16xf32>,
    %swap3A_1117 = vector.shape_cast %swap3A_1116 : vector<1x16xf32> to vector<16xf32>
    %swap3A_1118 = vector.shape_cast %mul3A_1112 : vector<16xf32> to vector<1x16xf32>
    tpu.vector_store %arg5[%swap3A_1114, %swap3A_1115], %swap3A_1118 {strides = array<i32>} : memref<8x128xf32, #tpu.memory_space<vmem>>, vector<1x16xf32>,
    %get3A_1119 = arith.constant 0 : i32
    %get3A_1120 = arith.index_cast %get3A_1119 : i32 to index
    %get3A_1121 = arith.constant 32 : index
    %get3A_1122 = tpu.vector_load %arg4[%get3A_1120, %get3A_1121] {strides = array<i32>} : memref<8x128xf32, #tpu.memory_space<vmem>>, vector<1x16xf32>,
    %get3A_1123 = vector.shape_cast %get3A_1122 : vector<1x16xf32> to vector<16xf32>
    %get3A_1124 = arith.constant 1 : i32
    %get3A_1125 = arith.index_cast %get3A_1124 : i32 to index
    %get3A_1126 = arith.constant 32 : index
    %get3A_1127 = tpu.vector_load %arg4[%get3A_1125, %get3A_1126] {strides = array<i32>} : memref<8x128xf32, #tpu.memory_space<vmem>>, vector<1x16xf32>,
    %get3A_1128 = vector.shape_cast %get3A_1127 : vector<1x16xf32> to vector<16xf32>
    %get3A_1129 = arith.constant 2 : i32
    %get3A_1130 = arith.index_cast %get3A_1129 : i32 to index
    %get3A_1131 = arith.constant 32 : index
    %get3A_1132 = tpu.vector_load %arg4[%get3A_1130, %get3A_1131] {strides = array<i32>} : memref<8x128xf32, #tpu.memory_space<vmem>>, vector<1x16xf32>,
    %get3A_1133 = vector.shape_cast %get3A_1132 : vector<1x16xf32> to vector<16xf32>
    %get3A_1134 = arith.constant 3 : i32
    %get3A_1135 = arith.index_cast %get3A_1134 : i32 to index
    %get3A_1136 = arith.constant 32 : index
    %get3A_1137 = tpu.vector_load %arg4[%get3A_1135, %get3A_1136] {strides = array<i32>} : memref<8x128xf32, #tpu.memory_space<vmem>>, vector<1x16xf32>,
    %get3A_1138 = vector.shape_cast %get3A_1137 : vector<1x16xf32> to vector<16xf32>
    %get3A_1139 = arith.constant 4 : i32
    %get3A_1140 = arith.index_cast %get3A_1139 : i32 to index
    %get3A_1141 = arith.constant 32 : index
    %get3A_1142 = tpu.vector_load %arg4[%get3A_1140, %get3A_1141] {strides = array<i32>} : memref<8x128xf32, #tpu.memory_space<vmem>>, vector<1x16xf32>,
    %get3A_1143 = vector.shape_cast %get3A_1142 : vector<1x16xf32> to vector<16xf32>
    %get3A_1144 = arith.constant 5 : i32
    %get3A_1145 = arith.index_cast %get3A_1144 : i32 to index
    %get3A_1146 = arith.constant 32 : index
    %get3A_1147 = tpu.vector_load %arg4[%get3A_1145, %get3A_1146] {strides = array<i32>} : memref<8x128xf32, #tpu.memory_space<vmem>>, vector<1x16xf32>,
    %get3A_1148 = vector.shape_cast %get3A_1147 : vector<1x16xf32> to vector<16xf32>
    %get3A_1149 = arith.constant 6 : i32
    %get3A_1150 = arith.index_cast %get3A_1149 : i32 to index
    %get3A_1151 = arith.constant 32 : index
    %get3A_1152 = tpu.vector_load %arg4[%get3A_1150, %get3A_1151] {strides = array<i32>} : memref<8x128xf32, #tpu.memory_space<vmem>>, vector<1x16xf32>,
    %get3A_1153 = vector.shape_cast %get3A_1152 : vector<1x16xf32> to vector<16xf32>
    %get3A_1154 = arith.constant 7 : i32
    %get3A_1155 = arith.index_cast %get3A_1154 : i32 to index
    %get3A_1156 = arith.constant 32 : index
    %get3A_1157 = tpu.vector_load %arg4[%get3A_1155, %get3A_1156] {strides = array<i32>} : memref<8x128xf32, #tpu.memory_space<vmem>>, vector<1x16xf32>,
    %get3A_1158 = vector.shape_cast %get3A_1157 : vector<1x16xf32> to vector<16xf32>
    %max3A_1159 = arith.maximumf %get3A_1123, %get3A_1128 : vector<16xf32>
    %max3A_1160 = arith.maximumf %max3A_1159, %get3A_1133 : vector<16xf32>
    %max3A_1161 = arith.maximumf %max3A_1160, %get3A_1138 : vector<16xf32>
    %max3A_1162 = arith.maximumf %max3A_1161, %get3A_1143 : vector<16xf32>
    %max3A_1163 = arith.maximumf %max3A_1162, %get3A_1148 : vector<16xf32>
    %max3A_1164 = arith.maximumf %max3A_1163, %get3A_1153 : vector<16xf32>
    %max3A_1165 = arith.maximumf %max3A_1164, %get3A_1158 : vector<16xf32>
    %gt3A_1166 = arith.cmpf ogt, %get3A_1128, %get3A_1123 : vector<16xf32>
    %jit3A_1167 = arith.constant 1 : i32
    %jit3A_1168 = arith.constant 0 : i32
    %broadcast_in_dim3A_1169 = vector.broadcast %jit3A_1167 : i32 to vector<16xi32>
    %broadcast_in_dim3A_1170 = vector.broadcast %jit3A_1168 : i32 to vector<16xi32>
    %select_n3A_1171 = arith.select %gt3A_1166, %broadcast_in_dim3A_1169, %broadcast_in_dim3A_1170 : vector<16xi1>, vector<16xi32>
    %gt3A_1172 = arith.cmpf ogt, %get3A_1133, %get3A_1123 : vector<16xf32>
    %jit3A_1173 = arith.constant 1 : i32
    %jit3A_1174 = arith.constant 0 : i32
    %broadcast_in_dim3A_1175 = vector.broadcast %jit3A_1173 : i32 to vector<16xi32>
    %broadcast_in_dim3A_1176 = vector.broadcast %jit3A_1174 : i32 to vector<16xi32>
    %select_n3A_1177 = arith.select %gt3A_1172, %broadcast_in_dim3A_1175, %broadcast_in_dim3A_1176 : vector<16xi1>, vector<16xi32>
    %add3A_1178 = arith.addi %select_n3A_1171, %select_n3A_1177 : vector<16xi32>
    %gt3A_1179 = arith.cmpf ogt, %get3A_1138, %get3A_1123 : vector<16xf32>
    %jit3A_1180 = arith.constant 1 : i32
    %jit3A_1181 = arith.constant 0 : i32
    %broadcast_in_dim3A_1182 = vector.broadcast %jit3A_1180 : i32 to vector<16xi32>
    %broadcast_in_dim3A_1183 = vector.broadcast %jit3A_1181 : i32 to vector<16xi32>
    %select_n3A_1184 = arith.select %gt3A_1179, %broadcast_in_dim3A_1182, %broadcast_in_dim3A_1183 : vector<16xi1>, vector<16xi32>
    %add3A_1185 = arith.addi %add3A_1178, %select_n3A_1184 : vector<16xi32>
    %gt3A_1186 = arith.cmpf ogt, %get3A_1143, %get3A_1123 : vector<16xf32>
    %jit3A_1187 = arith.constant 1 : i32
    %jit3A_1188 = arith.constant 0 : i32
    %broadcast_in_dim3A_1189 = vector.broadcast %jit3A_1187 : i32 to vector<16xi32>
    %broadcast_in_dim3A_1190 = vector.broadcast %jit3A_1188 : i32 to vector<16xi32>
    %select_n3A_1191 = arith.select %gt3A_1186, %broadcast_in_dim3A_1189, %broadcast_in_dim3A_1190 : vector<16xi1>, vector<16xi32>
    %add3A_1192 = arith.addi %add3A_1185, %select_n3A_1191 : vector<16xi32>
    %gt3A_1193 = arith.cmpf ogt, %get3A_1148, %get3A_1123 : vector<16xf32>
    %jit3A_1194 = arith.constant 1 : i32
    %jit3A_1195 = arith.constant 0 : i32
    %broadcast_in_dim3A_1196 = vector.broadcast %jit3A_1194 : i32 to vector<16xi32>
    %broadcast_in_dim3A_1197 = vector.broadcast %jit3A_1195 : i32 to vector<16xi32>
    %select_n3A_1198 = arith.select %gt3A_1193, %broadcast_in_dim3A_1196, %broadcast_in_dim3A_1197 : vector<16xi1>, vector<16xi32>
    %add3A_1199 = arith.addi %add3A_1192, %select_n3A_1198 : vector<16xi32>
    %gt3A_1200 = arith.cmpf ogt, %get3A_1153, %get3A_1123 : vector<16xf32>
    %jit3A_1201 = arith.constant 1 : i32
    %jit3A_1202 = arith.constant 0 : i32
    %broadcast_in_dim3A_1203 = vector.broadcast %jit3A_1201 : i32 to vector<16xi32>
    %broadcast_in_dim3A_1204 = vector.broadcast %jit3A_1202 : i32 to vector<16xi32>
    %select_n3A_1205 = arith.select %gt3A_1200, %broadcast_in_dim3A_1203, %broadcast_in_dim3A_1204 : vector<16xi1>, vector<16xi32>
    %add3A_1206 = arith.addi %add3A_1199, %select_n3A_1205 : vector<16xi32>
    %gt3A_1207 = arith.cmpf ogt, %get3A_1158, %get3A_1123 : vector<16xf32>
    %jit3A_1208 = arith.constant 1 : i32
    %jit3A_1209 = arith.constant 0 : i32
    %broadcast_in_dim3A_1210 = vector.broadcast %jit3A_1208 : i32 to vector<16xi32>
    %broadcast_in_dim3A_1211 = vector.broadcast %jit3A_1209 : i32 to vector<16xi32>
    %select_n3A_1212 = arith.select %gt3A_1207, %broadcast_in_dim3A_1210, %broadcast_in_dim3A_1211 : vector<16xi1>, vector<16xi32>
    %add3A_1213 = arith.addi %add3A_1206, %select_n3A_1212 : vector<16xi32>
    %lt3A_1214 = arith.constant 2 : i32
    %lt3A_1215 = vector.broadcast %lt3A_1214 : i32 to vector<16xi32>
    %lt3A_1216 = arith.cmpi slt, %add3A_1213, %lt3A_1215 : vector<16xi32>
    %sub3A_1217 = arith.subf %get3A_1123, %max3A_1165 : vector<16xf32>
    %exp3A_1218 = math.exp %sub3A_1217 : vector<16xf32>
    %jit3A_1219 = arith.constant 0.000000e+00 : f32
    %broadcast_in_dim3A_1220 = vector.broadcast %jit3A_1219 : f32 to vector<16xf32>
    %select_n3A_1221 = arith.select %lt3A_1216, %exp3A_1218, %broadcast_in_dim3A_1220 : vector<16xi1>, vector<16xf32>
    %ge3A_1222 = arith.cmpf oge, %get3A_1123, %get3A_1128 : vector<16xf32>
    %jit3A_1223 = arith.constant 1 : i32
    %jit3A_1224 = arith.constant 0 : i32
    %broadcast_in_dim3A_1225 = vector.broadcast %jit3A_1223 : i32 to vector<16xi32>
    %broadcast_in_dim3A_1226 = vector.broadcast %jit3A_1224 : i32 to vector<16xi32>
    %select_n3A_1227 = arith.select %ge3A_1222, %broadcast_in_dim3A_1225, %broadcast_in_dim3A_1226 : vector<16xi1>, vector<16xi32>
    %gt3A_1228 = arith.cmpf ogt, %get3A_1133, %get3A_1128 : vector<16xf32>
    %jit3A_1229 = arith.constant 1 : i32
    %jit3A_1230 = arith.constant 0 : i32
    %broadcast_in_dim3A_1231 = vector.broadcast %jit3A_1229 : i32 to vector<16xi32>
    %broadcast_in_dim3A_1232 = vector.broadcast %jit3A_1230 : i32 to vector<16xi32>
    %select_n3A_1233 = arith.select %gt3A_1228, %broadcast_in_dim3A_1231, %broadcast_in_dim3A_1232 : vector<16xi1>, vector<16xi32>
    %add3A_1234 = arith.addi %select_n3A_1227, %select_n3A_1233 : vector<16xi32>
    %gt3A_1235 = arith.cmpf ogt, %get3A_1138, %get3A_1128 : vector<16xf32>
    %jit3A_1236 = arith.constant 1 : i32
    %jit3A_1237 = arith.constant 0 : i32
    %broadcast_in_dim3A_1238 = vector.broadcast %jit3A_1236 : i32 to vector<16xi32>
    %broadcast_in_dim3A_1239 = vector.broadcast %jit3A_1237 : i32 to vector<16xi32>
    %select_n3A_1240 = arith.select %gt3A_1235, %broadcast_in_dim3A_1238, %broadcast_in_dim3A_1239 : vector<16xi1>, vector<16xi32>
    %add3A_1241 = arith.addi %add3A_1234, %select_n3A_1240 : vector<16xi32>
    %gt3A_1242 = arith.cmpf ogt, %get3A_1143, %get3A_1128 : vector<16xf32>
    %jit3A_1243 = arith.constant 1 : i32
    %jit3A_1244 = arith.constant 0 : i32
    %broadcast_in_dim3A_1245 = vector.broadcast %jit3A_1243 : i32 to vector<16xi32>
    %broadcast_in_dim3A_1246 = vector.broadcast %jit3A_1244 : i32 to vector<16xi32>
    %select_n3A_1247 = arith.select %gt3A_1242, %broadcast_in_dim3A_1245, %broadcast_in_dim3A_1246 : vector<16xi1>, vector<16xi32>
    %add3A_1248 = arith.addi %add3A_1241, %select_n3A_1247 : vector<16xi32>
    %gt3A_1249 = arith.cmpf ogt, %get3A_1148, %get3A_1128 : vector<16xf32>
    %jit3A_1250 = arith.constant 1 : i32
    %jit3A_1251 = arith.constant 0 : i32
    %broadcast_in_dim3A_1252 = vector.broadcast %jit3A_1250 : i32 to vector<16xi32>
    %broadcast_in_dim3A_1253 = vector.broadcast %jit3A_1251 : i32 to vector<16xi32>
    %select_n3A_1254 = arith.select %gt3A_1249, %broadcast_in_dim3A_1252, %broadcast_in_dim3A_1253 : vector<16xi1>, vector<16xi32>
    %add3A_1255 = arith.addi %add3A_1248, %select_n3A_1254 : vector<16xi32>
    %gt3A_1256 = arith.cmpf ogt, %get3A_1153, %get3A_1128 : vector<16xf32>
    %jit3A_1257 = arith.constant 1 : i32
    %jit3A_1258 = arith.constant 0 : i32
    %broadcast_in_dim3A_1259 = vector.broadcast %jit3A_1257 : i32 to vector<16xi32>
    %broadcast_in_dim3A_1260 = vector.broadcast %jit3A_1258 : i32 to vector<16xi32>
    %select_n3A_1261 = arith.select %gt3A_1256, %broadcast_in_dim3A_1259, %broadcast_in_dim3A_1260 : vector<16xi1>, vector<16xi32>
    %add3A_1262 = arith.addi %add3A_1255, %select_n3A_1261 : vector<16xi32>
    %gt3A_1263 = arith.cmpf ogt, %get3A_1158, %get3A_1128 : vector<16xf32>
    %jit3A_1264 = arith.constant 1 : i32
    %jit3A_1265 = arith.constant 0 : i32
    %broadcast_in_dim3A_1266 = vector.broadcast %jit3A_1264 : i32 to vector<16xi32>
    %broadcast_in_dim3A_1267 = vector.broadcast %jit3A_1265 : i32 to vector<16xi32>
    %select_n3A_1268 = arith.select %gt3A_1263, %broadcast_in_dim3A_1266, %broadcast_in_dim3A_1267 : vector<16xi1>, vector<16xi32>
    %add3A_1269 = arith.addi %add3A_1262, %select_n3A_1268 : vector<16xi32>
    %lt3A_1270 = arith.constant 2 : i32
    %lt3A_1271 = vector.broadcast %lt3A_1270 : i32 to vector<16xi32>
    %lt3A_1272 = arith.cmpi slt, %add3A_1269, %lt3A_1271 : vector<16xi32>
    %sub3A_1273 = arith.subf %get3A_1128, %max3A_1165 : vector<16xf32>
    %exp3A_1274 = math.exp %sub3A_1273 : vector<16xf32>
    %jit3A_1275 = arith.constant 0.000000e+00 : f32
    %broadcast_in_dim3A_1276 = vector.broadcast %jit3A_1275 : f32 to vector<16xf32>
    %select_n3A_1277 = arith.select %lt3A_1272, %exp3A_1274, %broadcast_in_dim3A_1276 : vector<16xi1>, vector<16xf32>
    %add3A_1278 = arith.addf %select_n3A_1221, %select_n3A_1277 : vector<16xf32>
    %ge3A_1279 = arith.cmpf oge, %get3A_1123, %get3A_1133 : vector<16xf32>
    %jit3A_1280 = arith.constant 1 : i32
    %jit3A_1281 = arith.constant 0 : i32
    %broadcast_in_dim3A_1282 = vector.broadcast %jit3A_1280 : i32 to vector<16xi32>
    %broadcast_in_dim3A_1283 = vector.broadcast %jit3A_1281 : i32 to vector<16xi32>
    %select_n3A_1284 = arith.select %ge3A_1279, %broadcast_in_dim3A_1282, %broadcast_in_dim3A_1283 : vector<16xi1>, vector<16xi32>
    %ge3A_1285 = arith.cmpf oge, %get3A_1128, %get3A_1133 : vector<16xf32>
    %jit3A_1286 = arith.constant 1 : i32
    %jit3A_1287 = arith.constant 0 : i32
    %broadcast_in_dim3A_1288 = vector.broadcast %jit3A_1286 : i32 to vector<16xi32>
    %broadcast_in_dim3A_1289 = vector.broadcast %jit3A_1287 : i32 to vector<16xi32>
    %select_n3A_1290 = arith.select %ge3A_1285, %broadcast_in_dim3A_1288, %broadcast_in_dim3A_1289 : vector<16xi1>, vector<16xi32>
    %add3A_1291 = arith.addi %select_n3A_1284, %select_n3A_1290 : vector<16xi32>
    %gt3A_1292 = arith.cmpf ogt, %get3A_1138, %get3A_1133 : vector<16xf32>
    %jit3A_1293 = arith.constant 1 : i32
    %jit3A_1294 = arith.constant 0 : i32
    %broadcast_in_dim3A_1295 = vector.broadcast %jit3A_1293 : i32 to vector<16xi32>
    %broadcast_in_dim3A_1296 = vector.broadcast %jit3A_1294 : i32 to vector<16xi32>
    %select_n3A_1297 = arith.select %gt3A_1292, %broadcast_in_dim3A_1295, %broadcast_in_dim3A_1296 : vector<16xi1>, vector<16xi32>
    %add3A_1298 = arith.addi %add3A_1291, %select_n3A_1297 : vector<16xi32>
    %gt3A_1299 = arith.cmpf ogt, %get3A_1143, %get3A_1133 : vector<16xf32>
    %jit3A_1300 = arith.constant 1 : i32
    %jit3A_1301 = arith.constant 0 : i32
    %broadcast_in_dim3A_1302 = vector.broadcast %jit3A_1300 : i32 to vector<16xi32>
    %broadcast_in_dim3A_1303 = vector.broadcast %jit3A_1301 : i32 to vector<16xi32>
    %select_n3A_1304 = arith.select %gt3A_1299, %broadcast_in_dim3A_1302, %broadcast_in_dim3A_1303 : vector<16xi1>, vector<16xi32>
    %add3A_1305 = arith.addi %add3A_1298, %select_n3A_1304 : vector<16xi32>
    %gt3A_1306 = arith.cmpf ogt, %get3A_1148, %get3A_1133 : vector<16xf32>
    %jit3A_1307 = arith.constant 1 : i32
    %jit3A_1308 = arith.constant 0 : i32
    %broadcast_in_dim3A_1309 = vector.broadcast %jit3A_1307 : i32 to vector<16xi32>
    %broadcast_in_dim3A_1310 = vector.broadcast %jit3A_1308 : i32 to vector<16xi32>
    %select_n3A_1311 = arith.select %gt3A_1306, %broadcast_in_dim3A_1309, %broadcast_in_dim3A_1310 : vector<16xi1>, vector<16xi32>
    %add3A_1312 = arith.addi %add3A_1305, %select_n3A_1311 : vector<16xi32>
    %gt3A_1313 = arith.cmpf ogt, %get3A_1153, %get3A_1133 : vector<16xf32>
    %jit3A_1314 = arith.constant 1 : i32
    %jit3A_1315 = arith.constant 0 : i32
    %broadcast_in_dim3A_1316 = vector.broadcast %jit3A_1314 : i32 to vector<16xi32>
    %broadcast_in_dim3A_1317 = vector.broadcast %jit3A_1315 : i32 to vector<16xi32>
    %select_n3A_1318 = arith.select %gt3A_1313, %broadcast_in_dim3A_1316, %broadcast_in_dim3A_1317 : vector<16xi1>, vector<16xi32>
    %add3A_1319 = arith.addi %add3A_1312, %select_n3A_1318 : vector<16xi32>
    %gt3A_1320 = arith.cmpf ogt, %get3A_1158, %get3A_1133 : vector<16xf32>
    %jit3A_1321 = arith.constant 1 : i32
    %jit3A_1322 = arith.constant 0 : i32
    %broadcast_in_dim3A_1323 = vector.broadcast %jit3A_1321 : i32 to vector<16xi32>
    %broadcast_in_dim3A_1324 = vector.broadcast %jit3A_1322 : i32 to vector<16xi32>
    %select_n3A_1325 = arith.select %gt3A_1320, %broadcast_in_dim3A_1323, %broadcast_in_dim3A_1324 : vector<16xi1>, vector<16xi32>
    %add3A_1326 = arith.addi %add3A_1319, %select_n3A_1325 : vector<16xi32>
    %lt3A_1327 = arith.constant 2 : i32
    %lt3A_1328 = vector.broadcast %lt3A_1327 : i32 to vector<16xi32>
    %lt3A_1329 = arith.cmpi slt, %add3A_1326, %lt3A_1328 : vector<16xi32>
    %sub3A_1330 = arith.subf %get3A_1133, %max3A_1165 : vector<16xf32>
    %exp3A_1331 = math.exp %sub3A_1330 : vector<16xf32>
    %jit3A_1332 = arith.constant 0.000000e+00 : f32
    %broadcast_in_dim3A_1333 = vector.broadcast %jit3A_1332 : f32 to vector<16xf32>
    %select_n3A_1334 = arith.select %lt3A_1329, %exp3A_1331, %broadcast_in_dim3A_1333 : vector<16xi1>, vector<16xf32>
    %add3A_1335 = arith.addf %add3A_1278, %select_n3A_1334 : vector<16xf32>
    %ge3A_1336 = arith.cmpf oge, %get3A_1123, %get3A_1138 : vector<16xf32>
    %jit3A_1337 = arith.constant 1 : i32
    %jit3A_1338 = arith.constant 0 : i32
    %broadcast_in_dim3A_1339 = vector.broadcast %jit3A_1337 : i32 to vector<16xi32>
    %broadcast_in_dim3A_1340 = vector.broadcast %jit3A_1338 : i32 to vector<16xi32>
    %select_n3A_1341 = arith.select %ge3A_1336, %broadcast_in_dim3A_1339, %broadcast_in_dim3A_1340 : vector<16xi1>, vector<16xi32>
    %ge3A_1342 = arith.cmpf oge, %get3A_1128, %get3A_1138 : vector<16xf32>
    %jit3A_1343 = arith.constant 1 : i32
    %jit3A_1344 = arith.constant 0 : i32
    %broadcast_in_dim3A_1345 = vector.broadcast %jit3A_1343 : i32 to vector<16xi32>
    %broadcast_in_dim3A_1346 = vector.broadcast %jit3A_1344 : i32 to vector<16xi32>
    %select_n3A_1347 = arith.select %ge3A_1342, %broadcast_in_dim3A_1345, %broadcast_in_dim3A_1346 : vector<16xi1>, vector<16xi32>
    %add3A_1348 = arith.addi %select_n3A_1341, %select_n3A_1347 : vector<16xi32>
    %ge3A_1349 = arith.cmpf oge, %get3A_1133, %get3A_1138 : vector<16xf32>
    %jit3A_1350 = arith.constant 1 : i32
    %jit3A_1351 = arith.constant 0 : i32
    %broadcast_in_dim3A_1352 = vector.broadcast %jit3A_1350 : i32 to vector<16xi32>
    %broadcast_in_dim3A_1353 = vector.broadcast %jit3A_1351 : i32 to vector<16xi32>
    %select_n3A_1354 = arith.select %ge3A_1349, %broadcast_in_dim3A_1352, %broadcast_in_dim3A_1353 : vector<16xi1>, vector<16xi32>
    %add3A_1355 = arith.addi %add3A_1348, %select_n3A_1354 : vector<16xi32>
    %gt3A_1356 = arith.cmpf ogt, %get3A_1143, %get3A_1138 : vector<16xf32>
    %jit3A_1357 = arith.constant 1 : i32
    %jit3A_1358 = arith.constant 0 : i32
    %broadcast_in_dim3A_1359 = vector.broadcast %jit3A_1357 : i32 to vector<16xi32>
    %broadcast_in_dim3A_1360 = vector.broadcast %jit3A_1358 : i32 to vector<16xi32>
    %select_n3A_1361 = arith.select %gt3A_1356, %broadcast_in_dim3A_1359, %broadcast_in_dim3A_1360 : vector<16xi1>, vector<16xi32>
    %add3A_1362 = arith.addi %add3A_1355, %select_n3A_1361 : vector<16xi32>
    %gt3A_1363 = arith.cmpf ogt, %get3A_1148, %get3A_1138 : vector<16xf32>
    %jit3A_1364 = arith.constant 1 : i32
    %jit3A_1365 = arith.constant 0 : i32
    %broadcast_in_dim3A_1366 = vector.broadcast %jit3A_1364 : i32 to vector<16xi32>
    %broadcast_in_dim3A_1367 = vector.broadcast %jit3A_1365 : i32 to vector<16xi32>
    %select_n3A_1368 = arith.select %gt3A_1363, %broadcast_in_dim3A_1366, %broadcast_in_dim3A_1367 : vector<16xi1>, vector<16xi32>
    %add3A_1369 = arith.addi %add3A_1362, %select_n3A_1368 : vector<16xi32>
    %gt3A_1370 = arith.cmpf ogt, %get3A_1153, %get3A_1138 : vector<16xf32>
    %jit3A_1371 = arith.constant 1 : i32
    %jit3A_1372 = arith.constant 0 : i32
    %broadcast_in_dim3A_1373 = vector.broadcast %jit3A_1371 : i32 to vector<16xi32>
    %broadcast_in_dim3A_1374 = vector.broadcast %jit3A_1372 : i32 to vector<16xi32>
    %select_n3A_1375 = arith.select %gt3A_1370, %broadcast_in_dim3A_1373, %broadcast_in_dim3A_1374 : vector<16xi1>, vector<16xi32>
    %add3A_1376 = arith.addi %add3A_1369, %select_n3A_1375 : vector<16xi32>
    %gt3A_1377 = arith.cmpf ogt, %get3A_1158, %get3A_1138 : vector<16xf32>
    %jit3A_1378 = arith.constant 1 : i32
    %jit3A_1379 = arith.constant 0 : i32
    %broadcast_in_dim3A_1380 = vector.broadcast %jit3A_1378 : i32 to vector<16xi32>
    %broadcast_in_dim3A_1381 = vector.broadcast %jit3A_1379 : i32 to vector<16xi32>
    %select_n3A_1382 = arith.select %gt3A_1377, %broadcast_in_dim3A_1380, %broadcast_in_dim3A_1381 : vector<16xi1>, vector<16xi32>
    %add3A_1383 = arith.addi %add3A_1376, %select_n3A_1382 : vector<16xi32>
    %lt3A_1384 = arith.constant 2 : i32
    %lt3A_1385 = vector.broadcast %lt3A_1384 : i32 to vector<16xi32>
    %lt3A_1386 = arith.cmpi slt, %add3A_1383, %lt3A_1385 : vector<16xi32>
    %sub3A_1387 = arith.subf %get3A_1138, %max3A_1165 : vector<16xf32>
    %exp3A_1388 = math.exp %sub3A_1387 : vector<16xf32>
    %jit3A_1389 = arith.constant 0.000000e+00 : f32
    %broadcast_in_dim3A_1390 = vector.broadcast %jit3A_1389 : f32 to vector<16xf32>
    %select_n3A_1391 = arith.select %lt3A_1386, %exp3A_1388, %broadcast_in_dim3A_1390 : vector<16xi1>, vector<16xf32>
    %add3A_1392 = arith.addf %add3A_1335, %select_n3A_1391 : vector<16xf32>
    %ge3A_1393 = arith.cmpf oge, %get3A_1123, %get3A_1143 : vector<16xf32>
    %jit3A_1394 = arith.constant 1 : i32
    %jit3A_1395 = arith.constant 0 : i32
    %broadcast_in_dim3A_1396 = vector.broadcast %jit3A_1394 : i32 to vector<16xi32>
    %broadcast_in_dim3A_1397 = vector.broadcast %jit3A_1395 : i32 to vector<16xi32>
    %select_n3A_1398 = arith.select %ge3A_1393, %broadcast_in_dim3A_1396, %broadcast_in_dim3A_1397 : vector<16xi1>, vector<16xi32>
    %ge3A_1399 = arith.cmpf oge, %get3A_1128, %get3A_1143 : vector<16xf32>
    %jit3A_1400 = arith.constant 1 : i32
    %jit3A_1401 = arith.constant 0 : i32
    %broadcast_in_dim3A_1402 = vector.broadcast %jit3A_1400 : i32 to vector<16xi32>
    %broadcast_in_dim3A_1403 = vector.broadcast %jit3A_1401 : i32 to vector<16xi32>
    %select_n3A_1404 = arith.select %ge3A_1399, %broadcast_in_dim3A_1402, %broadcast_in_dim3A_1403 : vector<16xi1>, vector<16xi32>
    %add3A_1405 = arith.addi %select_n3A_1398, %select_n3A_1404 : vector<16xi32>
    %ge3A_1406 = arith.cmpf oge, %get3A_1133, %get3A_1143 : vector<16xf32>
    %jit3A_1407 = arith.constant 1 : i32
    %jit3A_1408 = arith.constant 0 : i32
    %broadcast_in_dim3A_1409 = vector.broadcast %jit3A_1407 : i32 to vector<16xi32>
    %broadcast_in_dim3A_1410 = vector.broadcast %jit3A_1408 : i32 to vector<16xi32>
    %select_n3A_1411 = arith.select %ge3A_1406, %broadcast_in_dim3A_1409, %broadcast_in_dim3A_1410 : vector<16xi1>, vector<16xi32>
    %add3A_1412 = arith.addi %add3A_1405, %select_n3A_1411 : vector<16xi32>
    %ge3A_1413 = arith.cmpf oge, %get3A_1138, %get3A_1143 : vector<16xf32>
    %jit3A_1414 = arith.constant 1 : i32
    %jit3A_1415 = arith.constant 0 : i32
    %broadcast_in_dim3A_1416 = vector.broadcast %jit3A_1414 : i32 to vector<16xi32>
    %broadcast_in_dim3A_1417 = vector.broadcast %jit3A_1415 : i32 to vector<16xi32>
    %select_n3A_1418 = arith.select %ge3A_1413, %broadcast_in_dim3A_1416, %broadcast_in_dim3A_1417 : vector<16xi1>, vector<16xi32>
    %add3A_1419 = arith.addi %add3A_1412, %select_n3A_1418 : vector<16xi32>
    %gt3A_1420 = arith.cmpf ogt, %get3A_1148, %get3A_1143 : vector<16xf32>
    %jit3A_1421 = arith.constant 1 : i32
    %jit3A_1422 = arith.constant 0 : i32
    %broadcast_in_dim3A_1423 = vector.broadcast %jit3A_1421 : i32 to vector<16xi32>
    %broadcast_in_dim3A_1424 = vector.broadcast %jit3A_1422 : i32 to vector<16xi32>
    %select_n3A_1425 = arith.select %gt3A_1420, %broadcast_in_dim3A_1423, %broadcast_in_dim3A_1424 : vector<16xi1>, vector<16xi32>
    %add3A_1426 = arith.addi %add3A_1419, %select_n3A_1425 : vector<16xi32>
    %gt3A_1427 = arith.cmpf ogt, %get3A_1153, %get3A_1143 : vector<16xf32>
    %jit3A_1428 = arith.constant 1 : i32
    %jit3A_1429 = arith.constant 0 : i32
    %broadcast_in_dim3A_1430 = vector.broadcast %jit3A_1428 : i32 to vector<16xi32>
    %broadcast_in_dim3A_1431 = vector.broadcast %jit3A_1429 : i32 to vector<16xi32>
    %select_n3A_1432 = arith.select %gt3A_1427, %broadcast_in_dim3A_1430, %broadcast_in_dim3A_1431 : vector<16xi1>, vector<16xi32>
    %add3A_1433 = arith.addi %add3A_1426, %select_n3A_1432 : vector<16xi32>
    %gt3A_1434 = arith.cmpf ogt, %get3A_1158, %get3A_1143 : vector<16xf32>
    %jit3A_1435 = arith.constant 1 : i32
    %jit3A_1436 = arith.constant 0 : i32
    %broadcast_in_dim3A_1437 = vector.broadcast %jit3A_1435 : i32 to vector<16xi32>
    %broadcast_in_dim3A_1438 = vector.broadcast %jit3A_1436 : i32 to vector<16xi32>
    %select_n3A_1439 = arith.select %gt3A_1434, %broadcast_in_dim3A_1437, %broadcast_in_dim3A_1438 : vector<16xi1>, vector<16xi32>
    %add3A_1440 = arith.addi %add3A_1433, %select_n3A_1439 : vector<16xi32>
    %lt3A_1441 = arith.constant 2 : i32
    %lt3A_1442 = vector.broadcast %lt3A_1441 : i32 to vector<16xi32>
    %lt3A_1443 = arith.cmpi slt, %add3A_1440, %lt3A_1442 : vector<16xi32>
    %sub3A_1444 = arith.subf %get3A_1143, %max3A_1165 : vector<16xf32>
    %exp3A_1445 = math.exp %sub3A_1444 : vector<16xf32>
    %jit3A_1446 = arith.constant 0.000000e+00 : f32
    %broadcast_in_dim3A_1447 = vector.broadcast %jit3A_1446 : f32 to vector<16xf32>
    %select_n3A_1448 = arith.select %lt3A_1443, %exp3A_1445, %broadcast_in_dim3A_1447 : vector<16xi1>, vector<16xf32>
    %add3A_1449 = arith.addf %add3A_1392, %select_n3A_1448 : vector<16xf32>
    %ge3A_1450 = arith.cmpf oge, %get3A_1123, %get3A_1148 : vector<16xf32>
    %jit3A_1451 = arith.constant 1 : i32
    %jit3A_1452 = arith.constant 0 : i32
    %broadcast_in_dim3A_1453 = vector.broadcast %jit3A_1451 : i32 to vector<16xi32>
    %broadcast_in_dim3A_1454 = vector.broadcast %jit3A_1452 : i32 to vector<16xi32>
    %select_n3A_1455 = arith.select %ge3A_1450, %broadcast_in_dim3A_1453, %broadcast_in_dim3A_1454 : vector<16xi1>, vector<16xi32>
    %ge3A_1456 = arith.cmpf oge, %get3A_1128, %get3A_1148 : vector<16xf32>
    %jit3A_1457 = arith.constant 1 : i32
    %jit3A_1458 = arith.constant 0 : i32
    %broadcast_in_dim3A_1459 = vector.broadcast %jit3A_1457 : i32 to vector<16xi32>
    %broadcast_in_dim3A_1460 = vector.broadcast %jit3A_1458 : i32 to vector<16xi32>
    %select_n3A_1461 = arith.select %ge3A_1456, %broadcast_in_dim3A_1459, %broadcast_in_dim3A_1460 : vector<16xi1>, vector<16xi32>
    %add3A_1462 = arith.addi %select_n3A_1455, %select_n3A_1461 : vector<16xi32>
    %ge3A_1463 = arith.cmpf oge, %get3A_1133, %get3A_1148 : vector<16xf32>
    %jit3A_1464 = arith.constant 1 : i32
    %jit3A_1465 = arith.constant 0 : i32
    %broadcast_in_dim3A_1466 = vector.broadcast %jit3A_1464 : i32 to vector<16xi32>
    %broadcast_in_dim3A_1467 = vector.broadcast %jit3A_1465 : i32 to vector<16xi32>
    %select_n3A_1468 = arith.select %ge3A_1463, %broadcast_in_dim3A_1466, %broadcast_in_dim3A_1467 : vector<16xi1>, vector<16xi32>
    %add3A_1469 = arith.addi %add3A_1462, %select_n3A_1468 : vector<16xi32>
    %ge3A_1470 = arith.cmpf oge, %get3A_1138, %get3A_1148 : vector<16xf32>
    %jit3A_1471 = arith.constant 1 : i32
    %jit3A_1472 = arith.constant 0 : i32
    %broadcast_in_dim3A_1473 = vector.broadcast %jit3A_1471 : i32 to vector<16xi32>
    %broadcast_in_dim3A_1474 = vector.broadcast %jit3A_1472 : i32 to vector<16xi32>
    %select_n3A_1475 = arith.select %ge3A_1470, %broadcast_in_dim3A_1473, %broadcast_in_dim3A_1474 : vector<16xi1>, vector<16xi32>
    %add3A_1476 = arith.addi %add3A_1469, %select_n3A_1475 : vector<16xi32>
    %ge3A_1477 = arith.cmpf oge, %get3A_1143, %get3A_1148 : vector<16xf32>
    %jit3A_1478 = arith.constant 1 : i32
    %jit3A_1479 = arith.constant 0 : i32
    %broadcast_in_dim3A_1480 = vector.broadcast %jit3A_1478 : i32 to vector<16xi32>
    %broadcast_in_dim3A_1481 = vector.broadcast %jit3A_1479 : i32 to vector<16xi32>
    %select_n3A_1482 = arith.select %ge3A_1477, %broadcast_in_dim3A_1480, %broadcast_in_dim3A_1481 : vector<16xi1>, vector<16xi32>
    %add3A_1483 = arith.addi %add3A_1476, %select_n3A_1482 : vector<16xi32>
    %gt3A_1484 = arith.cmpf ogt, %get3A_1153, %get3A_1148 : vector<16xf32>
    %jit3A_1485 = arith.constant 1 : i32
    %jit3A_1486 = arith.constant 0 : i32
    %broadcast_in_dim3A_1487 = vector.broadcast %jit3A_1485 : i32 to vector<16xi32>
    %broadcast_in_dim3A_1488 = vector.broadcast %jit3A_1486 : i32 to vector<16xi32>
    %select_n3A_1489 = arith.select %gt3A_1484, %broadcast_in_dim3A_1487, %broadcast_in_dim3A_1488 : vector<16xi1>, vector<16xi32>
    %add3A_1490 = arith.addi %add3A_1483, %select_n3A_1489 : vector<16xi32>
    %gt3A_1491 = arith.cmpf ogt, %get3A_1158, %get3A_1148 : vector<16xf32>
    %jit3A_1492 = arith.constant 1 : i32
    %jit3A_1493 = arith.constant 0 : i32
    %broadcast_in_dim3A_1494 = vector.broadcast %jit3A_1492 : i32 to vector<16xi32>
    %broadcast_in_dim3A_1495 = vector.broadcast %jit3A_1493 : i32 to vector<16xi32>
    %select_n3A_1496 = arith.select %gt3A_1491, %broadcast_in_dim3A_1494, %broadcast_in_dim3A_1495 : vector<16xi1>, vector<16xi32>
    %add3A_1497 = arith.addi %add3A_1490, %select_n3A_1496 : vector<16xi32>
    %lt3A_1498 = arith.constant 2 : i32
    %lt3A_1499 = vector.broadcast %lt3A_1498 : i32 to vector<16xi32>
    %lt3A_1500 = arith.cmpi slt, %add3A_1497, %lt3A_1499 : vector<16xi32>
    %sub3A_1501 = arith.subf %get3A_1148, %max3A_1165 : vector<16xf32>
    %exp3A_1502 = math.exp %sub3A_1501 : vector<16xf32>
    %jit3A_1503 = arith.constant 0.000000e+00 : f32
    %broadcast_in_dim3A_1504 = vector.broadcast %jit3A_1503 : f32 to vector<16xf32>
    %select_n3A_1505 = arith.select %lt3A_1500, %exp3A_1502, %broadcast_in_dim3A_1504 : vector<16xi1>, vector<16xf32>
    %add3A_1506 = arith.addf %add3A_1449, %select_n3A_1505 : vector<16xf32>
    %ge3A_1507 = arith.cmpf oge, %get3A_1123, %get3A_1153 : vector<16xf32>
    %jit3A_1508 = arith.constant 1 : i32
    %jit3A_1509 = arith.constant 0 : i32
    %broadcast_in_dim3A_1510 = vector.broadcast %jit3A_1508 : i32 to vector<16xi32>
    %broadcast_in_dim3A_1511 = vector.broadcast %jit3A_1509 : i32 to vector<16xi32>
    %select_n3A_1512 = arith.select %ge3A_1507, %broadcast_in_dim3A_1510, %broadcast_in_dim3A_1511 : vector<16xi1>, vector<16xi32>
    %ge3A_1513 = arith.cmpf oge, %get3A_1128, %get3A_1153 : vector<16xf32>
    %jit3A_1514 = arith.constant 1 : i32
    %jit3A_1515 = arith.constant 0 : i32
    %broadcast_in_dim3A_1516 = vector.broadcast %jit3A_1514 : i32 to vector<16xi32>
    %broadcast_in_dim3A_1517 = vector.broadcast %jit3A_1515 : i32 to vector<16xi32>
    %select_n3A_1518 = arith.select %ge3A_1513, %broadcast_in_dim3A_1516, %broadcast_in_dim3A_1517 : vector<16xi1>, vector<16xi32>
    %add3A_1519 = arith.addi %select_n3A_1512, %select_n3A_1518 : vector<16xi32>
    %ge3A_1520 = arith.cmpf oge, %get3A_1133, %get3A_1153 : vector<16xf32>
    %jit3A_1521 = arith.constant 1 : i32
    %jit3A_1522 = arith.constant 0 : i32
    %broadcast_in_dim3A_1523 = vector.broadcast %jit3A_1521 : i32 to vector<16xi32>
    %broadcast_in_dim3A_1524 = vector.broadcast %jit3A_1522 : i32 to vector<16xi32>
    %select_n3A_1525 = arith.select %ge3A_1520, %broadcast_in_dim3A_1523, %broadcast_in_dim3A_1524 : vector<16xi1>, vector<16xi32>
    %add3A_1526 = arith.addi %add3A_1519, %select_n3A_1525 : vector<16xi32>
    %ge3A_1527 = arith.cmpf oge, %get3A_1138, %get3A_1153 : vector<16xf32>
    %jit3A_1528 = arith.constant 1 : i32
    %jit3A_1529 = arith.constant 0 : i32
    %broadcast_in_dim3A_1530 = vector.broadcast %jit3A_1528 : i32 to vector<16xi32>
    %broadcast_in_dim3A_1531 = vector.broadcast %jit3A_1529 : i32 to vector<16xi32>
    %select_n3A_1532 = arith.select %ge3A_1527, %broadcast_in_dim3A_1530, %broadcast_in_dim3A_1531 : vector<16xi1>, vector<16xi32>
    %add3A_1533 = arith.addi %add3A_1526, %select_n3A_1532 : vector<16xi32>
    %ge3A_1534 = arith.cmpf oge, %get3A_1143, %get3A_1153 : vector<16xf32>
    %jit3A_1535 = arith.constant 1 : i32
    %jit3A_1536 = arith.constant 0 : i32
    %broadcast_in_dim3A_1537 = vector.broadcast %jit3A_1535 : i32 to vector<16xi32>
    %broadcast_in_dim3A_1538 = vector.broadcast %jit3A_1536 : i32 to vector<16xi32>
    %select_n3A_1539 = arith.select %ge3A_1534, %broadcast_in_dim3A_1537, %broadcast_in_dim3A_1538 : vector<16xi1>, vector<16xi32>
    %add3A_1540 = arith.addi %add3A_1533, %select_n3A_1539 : vector<16xi32>
    %ge3A_1541 = arith.cmpf oge, %get3A_1148, %get3A_1153 : vector<16xf32>
    %jit3A_1542 = arith.constant 1 : i32
    %jit3A_1543 = arith.constant 0 : i32
    %broadcast_in_dim3A_1544 = vector.broadcast %jit3A_1542 : i32 to vector<16xi32>
    %broadcast_in_dim3A_1545 = vector.broadcast %jit3A_1543 : i32 to vector<16xi32>
    %select_n3A_1546 = arith.select %ge3A_1541, %broadcast_in_dim3A_1544, %broadcast_in_dim3A_1545 : vector<16xi1>, vector<16xi32>
    %add3A_1547 = arith.addi %add3A_1540, %select_n3A_1546 : vector<16xi32>
    %gt3A_1548 = arith.cmpf ogt, %get3A_1158, %get3A_1153 : vector<16xf32>
    %jit3A_1549 = arith.constant 1 : i32
    %jit3A_1550 = arith.constant 0 : i32
    %broadcast_in_dim3A_1551 = vector.broadcast %jit3A_1549 : i32 to vector<16xi32>
    %broadcast_in_dim3A_1552 = vector.broadcast %jit3A_1550 : i32 to vector<16xi32>
    %select_n3A_1553 = arith.select %gt3A_1548, %broadcast_in_dim3A_1551, %broadcast_in_dim3A_1552 : vector<16xi1>, vector<16xi32>
    %add3A_1554 = arith.addi %add3A_1547, %select_n3A_1553 : vector<16xi32>
    %lt3A_1555 = arith.constant 2 : i32
    %lt3A_1556 = vector.broadcast %lt3A_1555 : i32 to vector<16xi32>
    %lt3A_1557 = arith.cmpi slt, %add3A_1554, %lt3A_1556 : vector<16xi32>
    %sub3A_1558 = arith.subf %get3A_1153, %max3A_1165 : vector<16xf32>
    %exp3A_1559 = math.exp %sub3A_1558 : vector<16xf32>
    %jit3A_1560 = arith.constant 0.000000e+00 : f32
    %broadcast_in_dim3A_1561 = vector.broadcast %jit3A_1560 : f32 to vector<16xf32>
    %select_n3A_1562 = arith.select %lt3A_1557, %exp3A_1559, %broadcast_in_dim3A_1561 : vector<16xi1>, vector<16xf32>
    %add3A_1563 = arith.addf %add3A_1506, %select_n3A_1562 : vector<16xf32>
    %ge3A_1564 = arith.cmpf oge, %get3A_1123, %get3A_1158 : vector<16xf32>
    %jit3A_1565 = arith.constant 1 : i32
    %jit3A_1566 = arith.constant 0 : i32
    %broadcast_in_dim3A_1567 = vector.broadcast %jit3A_1565 : i32 to vector<16xi32>
    %broadcast_in_dim3A_1568 = vector.broadcast %jit3A_1566 : i32 to vector<16xi32>
    %select_n3A_1569 = arith.select %ge3A_1564, %broadcast_in_dim3A_1567, %broadcast_in_dim3A_1568 : vector<16xi1>, vector<16xi32>
    %ge3A_1570 = arith.cmpf oge, %get3A_1128, %get3A_1158 : vector<16xf32>
    %jit3A_1571 = arith.constant 1 : i32
    %jit3A_1572 = arith.constant 0 : i32
    %broadcast_in_dim3A_1573 = vector.broadcast %jit3A_1571 : i32 to vector<16xi32>
    %broadcast_in_dim3A_1574 = vector.broadcast %jit3A_1572 : i32 to vector<16xi32>
    %select_n3A_1575 = arith.select %ge3A_1570, %broadcast_in_dim3A_1573, %broadcast_in_dim3A_1574 : vector<16xi1>, vector<16xi32>
    %add3A_1576 = arith.addi %select_n3A_1569, %select_n3A_1575 : vector<16xi32>
    %ge3A_1577 = arith.cmpf oge, %get3A_1133, %get3A_1158 : vector<16xf32>
    %jit3A_1578 = arith.constant 1 : i32
    %jit3A_1579 = arith.constant 0 : i32
    %broadcast_in_dim3A_1580 = vector.broadcast %jit3A_1578 : i32 to vector<16xi32>
    %broadcast_in_dim3A_1581 = vector.broadcast %jit3A_1579 : i32 to vector<16xi32>
    %select_n3A_1582 = arith.select %ge3A_1577, %broadcast_in_dim3A_1580, %broadcast_in_dim3A_1581 : vector<16xi1>, vector<16xi32>
    %add3A_1583 = arith.addi %add3A_1576, %select_n3A_1582 : vector<16xi32>
    %ge3A_1584 = arith.cmpf oge, %get3A_1138, %get3A_1158 : vector<16xf32>
    %jit3A_1585 = arith.constant 1 : i32
    %jit3A_1586 = arith.constant 0 : i32
    %broadcast_in_dim3A_1587 = vector.broadcast %jit3A_1585 : i32 to vector<16xi32>
    %broadcast_in_dim3A_1588 = vector.broadcast %jit3A_1586 : i32 to vector<16xi32>
    %select_n3A_1589 = arith.select %ge3A_1584, %broadcast_in_dim3A_1587, %broadcast_in_dim3A_1588 : vector<16xi1>, vector<16xi32>
    %add3A_1590 = arith.addi %add3A_1583, %select_n3A_1589 : vector<16xi32>
    %ge3A_1591 = arith.cmpf oge, %get3A_1143, %get3A_1158 : vector<16xf32>
    %jit3A_1592 = arith.constant 1 : i32
    %jit3A_1593 = arith.constant 0 : i32
    %broadcast_in_dim3A_1594 = vector.broadcast %jit3A_1592 : i32 to vector<16xi32>
    %broadcast_in_dim3A_1595 = vector.broadcast %jit3A_1593 : i32 to vector<16xi32>
    %select_n3A_1596 = arith.select %ge3A_1591, %broadcast_in_dim3A_1594, %broadcast_in_dim3A_1595 : vector<16xi1>, vector<16xi32>
    %add3A_1597 = arith.addi %add3A_1590, %select_n3A_1596 : vector<16xi32>
    %ge3A_1598 = arith.cmpf oge, %get3A_1148, %get3A_1158 : vector<16xf32>
    %jit3A_1599 = arith.constant 1 : i32
    %jit3A_1600 = arith.constant 0 : i32
    %broadcast_in_dim3A_1601 = vector.broadcast %jit3A_1599 : i32 to vector<16xi32>
    %broadcast_in_dim3A_1602 = vector.broadcast %jit3A_1600 : i32 to vector<16xi32>
    %select_n3A_1603 = arith.select %ge3A_1598, %broadcast_in_dim3A_1601, %broadcast_in_dim3A_1602 : vector<16xi1>, vector<16xi32>
    %add3A_1604 = arith.addi %add3A_1597, %select_n3A_1603 : vector<16xi32>
    %ge3A_1605 = arith.cmpf oge, %get3A_1153, %get3A_1158 : vector<16xf32>
    %jit3A_1606 = arith.constant 1 : i32
    %jit3A_1607 = arith.constant 0 : i32
    %broadcast_in_dim3A_1608 = vector.broadcast %jit3A_1606 : i32 to vector<16xi32>
    %broadcast_in_dim3A_1609 = vector.broadcast %jit3A_1607 : i32 to vector<16xi32>
    %select_n3A_1610 = arith.select %ge3A_1605, %broadcast_in_dim3A_1608, %broadcast_in_dim3A_1609 : vector<16xi1>, vector<16xi32>
    %add3A_1611 = arith.addi %add3A_1604, %select_n3A_1610 : vector<16xi32>
    %lt3A_1612 = arith.constant 2 : i32
    %lt3A_1613 = vector.broadcast %lt3A_1612 : i32 to vector<16xi32>
    %lt3A_1614 = arith.cmpi slt, %add3A_1611, %lt3A_1613 : vector<16xi32>
    %sub3A_1615 = arith.subf %get3A_1158, %max3A_1165 : vector<16xf32>
    %exp3A_1616 = math.exp %sub3A_1615 : vector<16xf32>
    %jit3A_1617 = arith.constant 0.000000e+00 : f32
    %broadcast_in_dim3A_1618 = vector.broadcast %jit3A_1617 : f32 to vector<16xf32>
    %select_n3A_1619 = arith.select %lt3A_1614, %exp3A_1616, %broadcast_in_dim3A_1618 : vector<16xi1>, vector<16xf32>
    %add3A_1620 = arith.addf %add3A_1563, %select_n3A_1619 : vector<16xf32>
    %div3A_1621 = arith.constant 1.000000e+00 : f32
    %div3A_1622 = vector.broadcast %div3A_1621 : f32 to vector<16xf32>
    %div3A_1623 = arith.divf %div3A_1622, %add3A_1620 : vector<16xf32>
    %mul3A_1624 = arith.mulf %select_n3A_1221, %div3A_1623 : vector<16xf32>
    %swap3A_1625 = arith.constant 0 : i32
    %swap3A_1626 = arith.index_cast %swap3A_1625 : i32 to index
    %swap3A_1627 = arith.constant 32 : index
    %swap3A_1628 = tpu.vector_load %arg5[%swap3A_1626, %swap3A_1627] {strides = array<i32>} : memref<8x128xf32, #tpu.memory_space<vmem>>, vector<1x16xf32>,
    %swap3A_1629 = vector.shape_cast %swap3A_1628 : vector<1x16xf32> to vector<16xf32>
    %swap3A_1630 = vector.shape_cast %mul3A_1624 : vector<16xf32> to vector<1x16xf32>
    tpu.vector_store %arg5[%swap3A_1626, %swap3A_1627], %swap3A_1630 {strides = array<i32>} : memref<8x128xf32, #tpu.memory_space<vmem>>, vector<1x16xf32>,
    %mul3A_1631 = arith.mulf %select_n3A_1277, %div3A_1623 : vector<16xf32>
    %swap3A_1632 = arith.constant 1 : i32
    %swap3A_1633 = arith.index_cast %swap3A_1632 : i32 to index
    %swap3A_1634 = arith.constant 32 : index
    %swap3A_1635 = tpu.vector_load %arg5[%swap3A_1633, %swap3A_1634] {strides = array<i32>} : memref<8x128xf32, #tpu.memory_space<vmem>>, vector<1x16xf32>,
    %swap3A_1636 = vector.shape_cast %swap3A_1635 : vector<1x16xf32> to vector<16xf32>
    %swap3A_1637 = vector.shape_cast %mul3A_1631 : vector<16xf32> to vector<1x16xf32>
    tpu.vector_store %arg5[%swap3A_1633, %swap3A_1634], %swap3A_1637 {strides = array<i32>} : memref<8x128xf32, #tpu.memory_space<vmem>>, vector<1x16xf32>,
    %mul3A_1638 = arith.mulf %select_n3A_1334, %div3A_1623 : vector<16xf32>
    %swap3A_1639 = arith.constant 2 : i32
    %swap3A_1640 = arith.index_cast %swap3A_1639 : i32 to index
    %swap3A_1641 = arith.constant 32 : index
    %swap3A_1642 = tpu.vector_load %arg5[%swap3A_1640, %swap3A_1641] {strides = array<i32>} : memref<8x128xf32, #tpu.memory_space<vmem>>, vector<1x16xf32>,
    %swap3A_1643 = vector.shape_cast %swap3A_1642 : vector<1x16xf32> to vector<16xf32>
    %swap3A_1644 = vector.shape_cast %mul3A_1638 : vector<16xf32> to vector<1x16xf32>
    tpu.vector_store %arg5[%swap3A_1640, %swap3A_1641], %swap3A_1644 {strides = array<i32>} : memref<8x128xf32, #tpu.memory_space<vmem>>, vector<1x16xf32>,
    %mul3A_1645 = arith.mulf %select_n3A_1391, %div3A_1623 : vector<16xf32>
    %swap3A_1646 = arith.constant 3 : i32
    %swap3A_1647 = arith.index_cast %swap3A_1646 : i32 to index
    %swap3A_1648 = arith.constant 32 : index
    %swap3A_1649 = tpu.vector_load %arg5[%swap3A_1647, %swap3A_1648] {strides = array<i32>} : memref<8x128xf32, #tpu.memory_space<vmem>>, vector<1x16xf32>,
    %swap3A_1650 = vector.shape_cast %swap3A_1649 : vector<1x16xf32> to vector<16xf32>
    %swap3A_1651 = vector.shape_cast %mul3A_1645 : vector<16xf32> to vector<1x16xf32>
    tpu.vector_store %arg5[%swap3A_1647, %swap3A_1648], %swap3A_1651 {strides = array<i32>} : memref<8x128xf32, #tpu.memory_space<vmem>>, vector<1x16xf32>,
    %mul3A_1652 = arith.mulf %select_n3A_1448, %div3A_1623 : vector<16xf32>
    %swap3A_1653 = arith.constant 4 : i32
    %swap3A_1654 = arith.index_cast %swap3A_1653 : i32 to index
    %swap3A_1655 = arith.constant 32 : index
    %swap3A_1656 = tpu.vector_load %arg5[%swap3A_1654, %swap3A_1655] {strides = array<i32>} : memref<8x128xf32, #tpu.memory_space<vmem>>, vector<1x16xf32>,
    %swap3A_1657 = vector.shape_cast %swap3A_1656 : vector<1x16xf32> to vector<16xf32>
    %swap3A_1658 = vector.shape_cast %mul3A_1652 : vector<16xf32> to vector<1x16xf32>
    tpu.vector_store %arg5[%swap3A_1654, %swap3A_1655], %swap3A_1658 {strides = array<i32>} : memref<8x128xf32, #tpu.memory_space<vmem>>, vector<1x16xf32>,
    %mul3A_1659 = arith.mulf %select_n3A_1505, %div3A_1623 : vector<16xf32>
    %swap3A_1660 = arith.constant 5 : i32
    %swap3A_1661 = arith.index_cast %swap3A_1660 : i32 to index
    %swap3A_1662 = arith.constant 32 : index
    %swap3A_1663 = tpu.vector_load %arg5[%swap3A_1661, %swap3A_1662] {strides = array<i32>} : memref<8x128xf32, #tpu.memory_space<vmem>>, vector<1x16xf32>,
    %swap3A_1664 = vector.shape_cast %swap3A_1663 : vector<1x16xf32> to vector<16xf32>
    %swap3A_1665 = vector.shape_cast %mul3A_1659 : vector<16xf32> to vector<1x16xf32>
    tpu.vector_store %arg5[%swap3A_1661, %swap3A_1662], %swap3A_1665 {strides = array<i32>} : memref<8x128xf32, #tpu.memory_space<vmem>>, vector<1x16xf32>,
    %mul3A_1666 = arith.mulf %select_n3A_1562, %div3A_1623 : vector<16xf32>
    %swap3A_1667 = arith.constant 6 : i32
    %swap3A_1668 = arith.index_cast %swap3A_1667 : i32 to index
    %swap3A_1669 = arith.constant 32 : index
    %swap3A_1670 = tpu.vector_load %arg5[%swap3A_1668, %swap3A_1669] {strides = array<i32>} : memref<8x128xf32, #tpu.memory_space<vmem>>, vector<1x16xf32>,
    %swap3A_1671 = vector.shape_cast %swap3A_1670 : vector<1x16xf32> to vector<16xf32>
    %swap3A_1672 = vector.shape_cast %mul3A_1666 : vector<16xf32> to vector<1x16xf32>
    tpu.vector_store %arg5[%swap3A_1668, %swap3A_1669], %swap3A_1672 {strides = array<i32>} : memref<8x128xf32, #tpu.memory_space<vmem>>, vector<1x16xf32>,
    %mul3A_1673 = arith.mulf %select_n3A_1619, %div3A_1623 : vector<16xf32>
    %swap3A_1674 = arith.constant 7 : i32
    %swap3A_1675 = arith.index_cast %swap3A_1674 : i32 to index
    %swap3A_1676 = arith.constant 32 : index
    %swap3A_1677 = tpu.vector_load %arg5[%swap3A_1675, %swap3A_1676] {strides = array<i32>} : memref<8x128xf32, #tpu.memory_space<vmem>>, vector<1x16xf32>,
    %swap3A_1678 = vector.shape_cast %swap3A_1677 : vector<1x16xf32> to vector<16xf32>
    %swap3A_1679 = vector.shape_cast %mul3A_1673 : vector<16xf32> to vector<1x16xf32>
    tpu.vector_store %arg5[%swap3A_1675, %swap3A_1676], %swap3A_1679 {strides = array<i32>} : memref<8x128xf32, #tpu.memory_space<vmem>>, vector<1x16xf32>,
    %get3A_1680 = arith.constant 0 : i32
    %get3A_1681 = arith.index_cast %get3A_1680 : i32 to index
    %get3A_1682 = arith.constant 48 : index
    %get3A_1683 = tpu.vector_load %arg4[%get3A_1681, %get3A_1682] {strides = array<i32>} : memref<8x128xf32, #tpu.memory_space<vmem>>, vector<1x16xf32>,
    %get3A_1684 = vector.shape_cast %get3A_1683 : vector<1x16xf32> to vector<16xf32>
    %get3A_1685 = arith.constant 1 : i32
    %get3A_1686 = arith.index_cast %get3A_1685 : i32 to index
    %get3A_1687 = arith.constant 48 : index
    %get3A_1688 = tpu.vector_load %arg4[%get3A_1686, %get3A_1687] {strides = array<i32>} : memref<8x128xf32, #tpu.memory_space<vmem>>, vector<1x16xf32>,
    %get3A_1689 = vector.shape_cast %get3A_1688 : vector<1x16xf32> to vector<16xf32>
    %get3A_1690 = arith.constant 2 : i32
    %get3A_1691 = arith.index_cast %get3A_1690 : i32 to index
    %get3A_1692 = arith.constant 48 : index
    %get3A_1693 = tpu.vector_load %arg4[%get3A_1691, %get3A_1692] {strides = array<i32>} : memref<8x128xf32, #tpu.memory_space<vmem>>, vector<1x16xf32>,
    %get3A_1694 = vector.shape_cast %get3A_1693 : vector<1x16xf32> to vector<16xf32>
    %get3A_1695 = arith.constant 3 : i32
    %get3A_1696 = arith.index_cast %get3A_1695 : i32 to index
    %get3A_1697 = arith.constant 48 : index
    %get3A_1698 = tpu.vector_load %arg4[%get3A_1696, %get3A_1697] {strides = array<i32>} : memref<8x128xf32, #tpu.memory_space<vmem>>, vector<1x16xf32>,
    %get3A_1699 = vector.shape_cast %get3A_1698 : vector<1x16xf32> to vector<16xf32>
    %get3A_1700 = arith.constant 4 : i32
    %get3A_1701 = arith.index_cast %get3A_1700 : i32 to index
    %get3A_1702 = arith.constant 48 : index
    %get3A_1703 = tpu.vector_load %arg4[%get3A_1701, %get3A_1702] {strides = array<i32>} : memref<8x128xf32, #tpu.memory_space<vmem>>, vector<1x16xf32>,
    %get3A_1704 = vector.shape_cast %get3A_1703 : vector<1x16xf32> to vector<16xf32>
    %get3A_1705 = arith.constant 5 : i32
    %get3A_1706 = arith.index_cast %get3A_1705 : i32 to index
    %get3A_1707 = arith.constant 48 : index
    %get3A_1708 = tpu.vector_load %arg4[%get3A_1706, %get3A_1707] {strides = array<i32>} : memref<8x128xf32, #tpu.memory_space<vmem>>, vector<1x16xf32>,
    %get3A_1709 = vector.shape_cast %get3A_1708 : vector<1x16xf32> to vector<16xf32>
    %get3A_1710 = arith.constant 6 : i32
    %get3A_1711 = arith.index_cast %get3A_1710 : i32 to index
    %get3A_1712 = arith.constant 48 : index
    %get3A_1713 = tpu.vector_load %arg4[%get3A_1711, %get3A_1712] {strides = array<i32>} : memref<8x128xf32, #tpu.memory_space<vmem>>, vector<1x16xf32>,
    %get3A_1714 = vector.shape_cast %get3A_1713 : vector<1x16xf32> to vector<16xf32>
    %get3A_1715 = arith.constant 7 : i32
    %get3A_1716 = arith.index_cast %get3A_1715 : i32 to index
    %get3A_1717 = arith.constant 48 : index
    %get3A_1718 = tpu.vector_load %arg4[%get3A_1716, %get3A_1717] {strides = array<i32>} : memref<8x128xf32, #tpu.memory_space<vmem>>, vector<1x16xf32>,
    %get3A_1719 = vector.shape_cast %get3A_1718 : vector<1x16xf32> to vector<16xf32>
    %max3A_1720 = arith.maximumf %get3A_1684, %get3A_1689 : vector<16xf32>
    %max3A_1721 = arith.maximumf %max3A_1720, %get3A_1694 : vector<16xf32>
    %max3A_1722 = arith.maximumf %max3A_1721, %get3A_1699 : vector<16xf32>
    %max3A_1723 = arith.maximumf %max3A_1722, %get3A_1704 : vector<16xf32>
    %max3A_1724 = arith.maximumf %max3A_1723, %get3A_1709 : vector<16xf32>
    %max3A_1725 = arith.maximumf %max3A_1724, %get3A_1714 : vector<16xf32>
    %max3A_1726 = arith.maximumf %max3A_1725, %get3A_1719 : vector<16xf32>
    %gt3A_1727 = arith.cmpf ogt, %get3A_1689, %get3A_1684 : vector<16xf32>
    %jit3A_1728 = arith.constant 1 : i32
    %jit3A_1729 = arith.constant 0 : i32
    %broadcast_in_dim3A_1730 = vector.broadcast %jit3A_1728 : i32 to vector<16xi32>
    %broadcast_in_dim3A_1731 = vector.broadcast %jit3A_1729 : i32 to vector<16xi32>
    %select_n3A_1732 = arith.select %gt3A_1727, %broadcast_in_dim3A_1730, %broadcast_in_dim3A_1731 : vector<16xi1>, vector<16xi32>
    %gt3A_1733 = arith.cmpf ogt, %get3A_1694, %get3A_1684 : vector<16xf32>
    %jit3A_1734 = arith.constant 1 : i32
    %jit3A_1735 = arith.constant 0 : i32
    %broadcast_in_dim3A_1736 = vector.broadcast %jit3A_1734 : i32 to vector<16xi32>
    %broadcast_in_dim3A_1737 = vector.broadcast %jit3A_1735 : i32 to vector<16xi32>
    %select_n3A_1738 = arith.select %gt3A_1733, %broadcast_in_dim3A_1736, %broadcast_in_dim3A_1737 : vector<16xi1>, vector<16xi32>
    %add3A_1739 = arith.addi %select_n3A_1732, %select_n3A_1738 : vector<16xi32>
    %gt3A_1740 = arith.cmpf ogt, %get3A_1699, %get3A_1684 : vector<16xf32>
    %jit3A_1741 = arith.constant 1 : i32
    %jit3A_1742 = arith.constant 0 : i32
    %broadcast_in_dim3A_1743 = vector.broadcast %jit3A_1741 : i32 to vector<16xi32>
    %broadcast_in_dim3A_1744 = vector.broadcast %jit3A_1742 : i32 to vector<16xi32>
    %select_n3A_1745 = arith.select %gt3A_1740, %broadcast_in_dim3A_1743, %broadcast_in_dim3A_1744 : vector<16xi1>, vector<16xi32>
    %add3A_1746 = arith.addi %add3A_1739, %select_n3A_1745 : vector<16xi32>
    %gt3A_1747 = arith.cmpf ogt, %get3A_1704, %get3A_1684 : vector<16xf32>
    %jit3A_1748 = arith.constant 1 : i32
    %jit3A_1749 = arith.constant 0 : i32
    %broadcast_in_dim3A_1750 = vector.broadcast %jit3A_1748 : i32 to vector<16xi32>
    %broadcast_in_dim3A_1751 = vector.broadcast %jit3A_1749 : i32 to vector<16xi32>
    %select_n3A_1752 = arith.select %gt3A_1747, %broadcast_in_dim3A_1750, %broadcast_in_dim3A_1751 : vector<16xi1>, vector<16xi32>
    %add3A_1753 = arith.addi %add3A_1746, %select_n3A_1752 : vector<16xi32>
    %gt3A_1754 = arith.cmpf ogt, %get3A_1709, %get3A_1684 : vector<16xf32>
    %jit3A_1755 = arith.constant 1 : i32
    %jit3A_1756 = arith.constant 0 : i32
    %broadcast_in_dim3A_1757 = vector.broadcast %jit3A_1755 : i32 to vector<16xi32>
    %broadcast_in_dim3A_1758 = vector.broadcast %jit3A_1756 : i32 to vector<16xi32>
    %select_n3A_1759 = arith.select %gt3A_1754, %broadcast_in_dim3A_1757, %broadcast_in_dim3A_1758 : vector<16xi1>, vector<16xi32>
    %add3A_1760 = arith.addi %add3A_1753, %select_n3A_1759 : vector<16xi32>
    %gt3A_1761 = arith.cmpf ogt, %get3A_1714, %get3A_1684 : vector<16xf32>
    %jit3A_1762 = arith.constant 1 : i32
    %jit3A_1763 = arith.constant 0 : i32
    %broadcast_in_dim3A_1764 = vector.broadcast %jit3A_1762 : i32 to vector<16xi32>
    %broadcast_in_dim3A_1765 = vector.broadcast %jit3A_1763 : i32 to vector<16xi32>
    %select_n3A_1766 = arith.select %gt3A_1761, %broadcast_in_dim3A_1764, %broadcast_in_dim3A_1765 : vector<16xi1>, vector<16xi32>
    %add3A_1767 = arith.addi %add3A_1760, %select_n3A_1766 : vector<16xi32>
    %gt3A_1768 = arith.cmpf ogt, %get3A_1719, %get3A_1684 : vector<16xf32>
    %jit3A_1769 = arith.constant 1 : i32
    %jit3A_1770 = arith.constant 0 : i32
    %broadcast_in_dim3A_1771 = vector.broadcast %jit3A_1769 : i32 to vector<16xi32>
    %broadcast_in_dim3A_1772 = vector.broadcast %jit3A_1770 : i32 to vector<16xi32>
    %select_n3A_1773 = arith.select %gt3A_1768, %broadcast_in_dim3A_1771, %broadcast_in_dim3A_1772 : vector<16xi1>, vector<16xi32>
    %add3A_1774 = arith.addi %add3A_1767, %select_n3A_1773 : vector<16xi32>
    %lt3A_1775 = arith.constant 2 : i32
    %lt3A_1776 = vector.broadcast %lt3A_1775 : i32 to vector<16xi32>
    %lt3A_1777 = arith.cmpi slt, %add3A_1774, %lt3A_1776 : vector<16xi32>
    %sub3A_1778 = arith.subf %get3A_1684, %max3A_1726 : vector<16xf32>
    %exp3A_1779 = math.exp %sub3A_1778 : vector<16xf32>
    %jit3A_1780 = arith.constant 0.000000e+00 : f32
    %broadcast_in_dim3A_1781 = vector.broadcast %jit3A_1780 : f32 to vector<16xf32>
    %select_n3A_1782 = arith.select %lt3A_1777, %exp3A_1779, %broadcast_in_dim3A_1781 : vector<16xi1>, vector<16xf32>
    %ge3A_1783 = arith.cmpf oge, %get3A_1684, %get3A_1689 : vector<16xf32>
    %jit3A_1784 = arith.constant 1 : i32
    %jit3A_1785 = arith.constant 0 : i32
    %broadcast_in_dim3A_1786 = vector.broadcast %jit3A_1784 : i32 to vector<16xi32>
    %broadcast_in_dim3A_1787 = vector.broadcast %jit3A_1785 : i32 to vector<16xi32>
    %select_n3A_1788 = arith.select %ge3A_1783, %broadcast_in_dim3A_1786, %broadcast_in_dim3A_1787 : vector<16xi1>, vector<16xi32>
    %gt3A_1789 = arith.cmpf ogt, %get3A_1694, %get3A_1689 : vector<16xf32>
    %jit3A_1790 = arith.constant 1 : i32
    %jit3A_1791 = arith.constant 0 : i32
    %broadcast_in_dim3A_1792 = vector.broadcast %jit3A_1790 : i32 to vector<16xi32>
    %broadcast_in_dim3A_1793 = vector.broadcast %jit3A_1791 : i32 to vector<16xi32>
    %select_n3A_1794 = arith.select %gt3A_1789, %broadcast_in_dim3A_1792, %broadcast_in_dim3A_1793 : vector<16xi1>, vector<16xi32>
    %add3A_1795 = arith.addi %select_n3A_1788, %select_n3A_1794 : vector<16xi32>
    %gt3A_1796 = arith.cmpf ogt, %get3A_1699, %get3A_1689 : vector<16xf32>
    %jit3A_1797 = arith.constant 1 : i32
    %jit3A_1798 = arith.constant 0 : i32
    %broadcast_in_dim3A_1799 = vector.broadcast %jit3A_1797 : i32 to vector<16xi32>
    %broadcast_in_dim3A_1800 = vector.broadcast %jit3A_1798 : i32 to vector<16xi32>
    %select_n3A_1801 = arith.select %gt3A_1796, %broadcast_in_dim3A_1799, %broadcast_in_dim3A_1800 : vector<16xi1>, vector<16xi32>
    %add3A_1802 = arith.addi %add3A_1795, %select_n3A_1801 : vector<16xi32>
    %gt3A_1803 = arith.cmpf ogt, %get3A_1704, %get3A_1689 : vector<16xf32>
    %jit3A_1804 = arith.constant 1 : i32
    %jit3A_1805 = arith.constant 0 : i32
    %broadcast_in_dim3A_1806 = vector.broadcast %jit3A_1804 : i32 to vector<16xi32>
    %broadcast_in_dim3A_1807 = vector.broadcast %jit3A_1805 : i32 to vector<16xi32>
    %select_n3A_1808 = arith.select %gt3A_1803, %broadcast_in_dim3A_1806, %broadcast_in_dim3A_1807 : vector<16xi1>, vector<16xi32>
    %add3A_1809 = arith.addi %add3A_1802, %select_n3A_1808 : vector<16xi32>
    %gt3A_1810 = arith.cmpf ogt, %get3A_1709, %get3A_1689 : vector<16xf32>
    %jit3A_1811 = arith.constant 1 : i32
    %jit3A_1812 = arith.constant 0 : i32
    %broadcast_in_dim3A_1813 = vector.broadcast %jit3A_1811 : i32 to vector<16xi32>
    %broadcast_in_dim3A_1814 = vector.broadcast %jit3A_1812 : i32 to vector<16xi32>
    %select_n3A_1815 = arith.select %gt3A_1810, %broadcast_in_dim3A_1813, %broadcast_in_dim3A_1814 : vector<16xi1>, vector<16xi32>
    %add3A_1816 = arith.addi %add3A_1809, %select_n3A_1815 : vector<16xi32>
    %gt3A_1817 = arith.cmpf ogt, %get3A_1714, %get3A_1689 : vector<16xf32>
    %jit3A_1818 = arith.constant 1 : i32
    %jit3A_1819 = arith.constant 0 : i32
    %broadcast_in_dim3A_1820 = vector.broadcast %jit3A_1818 : i32 to vector<16xi32>
    %broadcast_in_dim3A_1821 = vector.broadcast %jit3A_1819 : i32 to vector<16xi32>
    %select_n3A_1822 = arith.select %gt3A_1817, %broadcast_in_dim3A_1820, %broadcast_in_dim3A_1821 : vector<16xi1>, vector<16xi32>
    %add3A_1823 = arith.addi %add3A_1816, %select_n3A_1822 : vector<16xi32>
    %gt3A_1824 = arith.cmpf ogt, %get3A_1719, %get3A_1689 : vector<16xf32>
    %jit3A_1825 = arith.constant 1 : i32
    %jit3A_1826 = arith.constant 0 : i32
    %broadcast_in_dim3A_1827 = vector.broadcast %jit3A_1825 : i32 to vector<16xi32>
    %broadcast_in_dim3A_1828 = vector.broadcast %jit3A_1826 : i32 to vector<16xi32>
    %select_n3A_1829 = arith.select %gt3A_1824, %broadcast_in_dim3A_1827, %broadcast_in_dim3A_1828 : vector<16xi1>, vector<16xi32>
    %add3A_1830 = arith.addi %add3A_1823, %select_n3A_1829 : vector<16xi32>
    %lt3A_1831 = arith.constant 2 : i32
    %lt3A_1832 = vector.broadcast %lt3A_1831 : i32 to vector<16xi32>
    %lt3A_1833 = arith.cmpi slt, %add3A_1830, %lt3A_1832 : vector<16xi32>
    %sub3A_1834 = arith.subf %get3A_1689, %max3A_1726 : vector<16xf32>
    %exp3A_1835 = math.exp %sub3A_1834 : vector<16xf32>
    %jit3A_1836 = arith.constant 0.000000e+00 : f32
    %broadcast_in_dim3A_1837 = vector.broadcast %jit3A_1836 : f32 to vector<16xf32>
    %select_n3A_1838 = arith.select %lt3A_1833, %exp3A_1835, %broadcast_in_dim3A_1837 : vector<16xi1>, vector<16xf32>
    %add3A_1839 = arith.addf %select_n3A_1782, %select_n3A_1838 : vector<16xf32>
    %ge3A_1840 = arith.cmpf oge, %get3A_1684, %get3A_1694 : vector<16xf32>
    %jit3A_1841 = arith.constant 1 : i32
    %jit3A_1842 = arith.constant 0 : i32
    %broadcast_in_dim3A_1843 = vector.broadcast %jit3A_1841 : i32 to vector<16xi32>
    %broadcast_in_dim3A_1844 = vector.broadcast %jit3A_1842 : i32 to vector<16xi32>
    %select_n3A_1845 = arith.select %ge3A_1840, %broadcast_in_dim3A_1843, %broadcast_in_dim3A_1844 : vector<16xi1>, vector<16xi32>
    %ge3A_1846 = arith.cmpf oge, %get3A_1689, %get3A_1694 : vector<16xf32>
    %jit3A_1847 = arith.constant 1 : i32
    %jit3A_1848 = arith.constant 0 : i32
    %broadcast_in_dim3A_1849 = vector.broadcast %jit3A_1847 : i32 to vector<16xi32>
    %broadcast_in_dim3A_1850 = vector.broadcast %jit3A_1848 : i32 to vector<16xi32>
    %select_n3A_1851 = arith.select %ge3A_1846, %broadcast_in_dim3A_1849, %broadcast_in_dim3A_1850 : vector<16xi1>, vector<16xi32>
    %add3A_1852 = arith.addi %select_n3A_1845, %select_n3A_1851 : vector<16xi32>
    %gt3A_1853 = arith.cmpf ogt, %get3A_1699, %get3A_1694 : vector<16xf32>
    %jit3A_1854 = arith.constant 1 : i32
    %jit3A_1855 = arith.constant 0 : i32
    %broadcast_in_dim3A_1856 = vector.broadcast %jit3A_1854 : i32 to vector<16xi32>
    %broadcast_in_dim3A_1857 = vector.broadcast %jit3A_1855 : i32 to vector<16xi32>
    %select_n3A_1858 = arith.select %gt3A_1853, %broadcast_in_dim3A_1856, %broadcast_in_dim3A_1857 : vector<16xi1>, vector<16xi32>
    %add3A_1859 = arith.addi %add3A_1852, %select_n3A_1858 : vector<16xi32>
    %gt3A_1860 = arith.cmpf ogt, %get3A_1704, %get3A_1694 : vector<16xf32>
    %jit3A_1861 = arith.constant 1 : i32
    %jit3A_1862 = arith.constant 0 : i32
    %broadcast_in_dim3A_1863 = vector.broadcast %jit3A_1861 : i32 to vector<16xi32>
    %broadcast_in_dim3A_1864 = vector.broadcast %jit3A_1862 : i32 to vector<16xi32>
    %select_n3A_1865 = arith.select %gt3A_1860, %broadcast_in_dim3A_1863, %broadcast_in_dim3A_1864 : vector<16xi1>, vector<16xi32>
    %add3A_1866 = arith.addi %add3A_1859, %select_n3A_1865 : vector<16xi32>
    %gt3A_1867 = arith.cmpf ogt, %get3A_1709, %get3A_1694 : vector<16xf32>
    %jit3A_1868 = arith.constant 1 : i32
    %jit3A_1869 = arith.constant 0 : i32
    %broadcast_in_dim3A_1870 = vector.broadcast %jit3A_1868 : i32 to vector<16xi32>
    %broadcast_in_dim3A_1871 = vector.broadcast %jit3A_1869 : i32 to vector<16xi32>
    %select_n3A_1872 = arith.select %gt3A_1867, %broadcast_in_dim3A_1870, %broadcast_in_dim3A_1871 : vector<16xi1>, vector<16xi32>
    %add3A_1873 = arith.addi %add3A_1866, %select_n3A_1872 : vector<16xi32>
    %gt3A_1874 = arith.cmpf ogt, %get3A_1714, %get3A_1694 : vector<16xf32>
    %jit3A_1875 = arith.constant 1 : i32
    %jit3A_1876 = arith.constant 0 : i32
    %broadcast_in_dim3A_1877 = vector.broadcast %jit3A_1875 : i32 to vector<16xi32>
    %broadcast_in_dim3A_1878 = vector.broadcast %jit3A_1876 : i32 to vector<16xi32>
    %select_n3A_1879 = arith.select %gt3A_1874, %broadcast_in_dim3A_1877, %broadcast_in_dim3A_1878 : vector<16xi1>, vector<16xi32>
    %add3A_1880 = arith.addi %add3A_1873, %select_n3A_1879 : vector<16xi32>
    %gt3A_1881 = arith.cmpf ogt, %get3A_1719, %get3A_1694 : vector<16xf32>
    %jit3A_1882 = arith.constant 1 : i32
    %jit3A_1883 = arith.constant 0 : i32
    %broadcast_in_dim3A_1884 = vector.broadcast %jit3A_1882 : i32 to vector<16xi32>
    %broadcast_in_dim3A_1885 = vector.broadcast %jit3A_1883 : i32 to vector<16xi32>
    %select_n3A_1886 = arith.select %gt3A_1881, %broadcast_in_dim3A_1884, %broadcast_in_dim3A_1885 : vector<16xi1>, vector<16xi32>
    %add3A_1887 = arith.addi %add3A_1880, %select_n3A_1886 : vector<16xi32>
    %lt3A_1888 = arith.constant 2 : i32
    %lt3A_1889 = vector.broadcast %lt3A_1888 : i32 to vector<16xi32>
    %lt3A_1890 = arith.cmpi slt, %add3A_1887, %lt3A_1889 : vector<16xi32>
    %sub3A_1891 = arith.subf %get3A_1694, %max3A_1726 : vector<16xf32>
    %exp3A_1892 = math.exp %sub3A_1891 : vector<16xf32>
    %jit3A_1893 = arith.constant 0.000000e+00 : f32
    %broadcast_in_dim3A_1894 = vector.broadcast %jit3A_1893 : f32 to vector<16xf32>
    %select_n3A_1895 = arith.select %lt3A_1890, %exp3A_1892, %broadcast_in_dim3A_1894 : vector<16xi1>, vector<16xf32>
    %add3A_1896 = arith.addf %add3A_1839, %select_n3A_1895 : vector<16xf32>
    %ge3A_1897 = arith.cmpf oge, %get3A_1684, %get3A_1699 : vector<16xf32>
    %jit3A_1898 = arith.constant 1 : i32
    %jit3A_1899 = arith.constant 0 : i32
    %broadcast_in_dim3A_1900 = vector.broadcast %jit3A_1898 : i32 to vector<16xi32>
    %broadcast_in_dim3A_1901 = vector.broadcast %jit3A_1899 : i32 to vector<16xi32>
    %select_n3A_1902 = arith.select %ge3A_1897, %broadcast_in_dim3A_1900, %broadcast_in_dim3A_1901 : vector<16xi1>, vector<16xi32>
    %ge3A_1903 = arith.cmpf oge, %get3A_1689, %get3A_1699 : vector<16xf32>
    %jit3A_1904 = arith.constant 1 : i32
    %jit3A_1905 = arith.constant 0 : i32
    %broadcast_in_dim3A_1906 = vector.broadcast %jit3A_1904 : i32 to vector<16xi32>
    %broadcast_in_dim3A_1907 = vector.broadcast %jit3A_1905 : i32 to vector<16xi32>
    %select_n3A_1908 = arith.select %ge3A_1903, %broadcast_in_dim3A_1906, %broadcast_in_dim3A_1907 : vector<16xi1>, vector<16xi32>
    %add3A_1909 = arith.addi %select_n3A_1902, %select_n3A_1908 : vector<16xi32>
    %ge3A_1910 = arith.cmpf oge, %get3A_1694, %get3A_1699 : vector<16xf32>
    %jit3A_1911 = arith.constant 1 : i32
    %jit3A_1912 = arith.constant 0 : i32
    %broadcast_in_dim3A_1913 = vector.broadcast %jit3A_1911 : i32 to vector<16xi32>
    %broadcast_in_dim3A_1914 = vector.broadcast %jit3A_1912 : i32 to vector<16xi32>
    %select_n3A_1915 = arith.select %ge3A_1910, %broadcast_in_dim3A_1913, %broadcast_in_dim3A_1914 : vector<16xi1>, vector<16xi32>
    %add3A_1916 = arith.addi %add3A_1909, %select_n3A_1915 : vector<16xi32>
    %gt3A_1917 = arith.cmpf ogt, %get3A_1704, %get3A_1699 : vector<16xf32>
    %jit3A_1918 = arith.constant 1 : i32
    %jit3A_1919 = arith.constant 0 : i32
    %broadcast_in_dim3A_1920 = vector.broadcast %jit3A_1918 : i32 to vector<16xi32>
    %broadcast_in_dim3A_1921 = vector.broadcast %jit3A_1919 : i32 to vector<16xi32>
    %select_n3A_1922 = arith.select %gt3A_1917, %broadcast_in_dim3A_1920, %broadcast_in_dim3A_1921 : vector<16xi1>, vector<16xi32>
    %add3A_1923 = arith.addi %add3A_1916, %select_n3A_1922 : vector<16xi32>
    %gt3A_1924 = arith.cmpf ogt, %get3A_1709, %get3A_1699 : vector<16xf32>
    %jit3A_1925 = arith.constant 1 : i32
    %jit3A_1926 = arith.constant 0 : i32
    %broadcast_in_dim3A_1927 = vector.broadcast %jit3A_1925 : i32 to vector<16xi32>
    %broadcast_in_dim3A_1928 = vector.broadcast %jit3A_1926 : i32 to vector<16xi32>
    %select_n3A_1929 = arith.select %gt3A_1924, %broadcast_in_dim3A_1927, %broadcast_in_dim3A_1928 : vector<16xi1>, vector<16xi32>
    %add3A_1930 = arith.addi %add3A_1923, %select_n3A_1929 : vector<16xi32>
    %gt3A_1931 = arith.cmpf ogt, %get3A_1714, %get3A_1699 : vector<16xf32>
    %jit3A_1932 = arith.constant 1 : i32
    %jit3A_1933 = arith.constant 0 : i32
    %broadcast_in_dim3A_1934 = vector.broadcast %jit3A_1932 : i32 to vector<16xi32>
    %broadcast_in_dim3A_1935 = vector.broadcast %jit3A_1933 : i32 to vector<16xi32>
    %select_n3A_1936 = arith.select %gt3A_1931, %broadcast_in_dim3A_1934, %broadcast_in_dim3A_1935 : vector<16xi1>, vector<16xi32>
    %add3A_1937 = arith.addi %add3A_1930, %select_n3A_1936 : vector<16xi32>
    %gt3A_1938 = arith.cmpf ogt, %get3A_1719, %get3A_1699 : vector<16xf32>
    %jit3A_1939 = arith.constant 1 : i32
    %jit3A_1940 = arith.constant 0 : i32
    %broadcast_in_dim3A_1941 = vector.broadcast %jit3A_1939 : i32 to vector<16xi32>
    %broadcast_in_dim3A_1942 = vector.broadcast %jit3A_1940 : i32 to vector<16xi32>
    %select_n3A_1943 = arith.select %gt3A_1938, %broadcast_in_dim3A_1941, %broadcast_in_dim3A_1942 : vector<16xi1>, vector<16xi32>
    %add3A_1944 = arith.addi %add3A_1937, %select_n3A_1943 : vector<16xi32>
    %lt3A_1945 = arith.constant 2 : i32
    %lt3A_1946 = vector.broadcast %lt3A_1945 : i32 to vector<16xi32>
    %lt3A_1947 = arith.cmpi slt, %add3A_1944, %lt3A_1946 : vector<16xi32>
    %sub3A_1948 = arith.subf %get3A_1699, %max3A_1726 : vector<16xf32>
    %exp3A_1949 = math.exp %sub3A_1948 : vector<16xf32>
    %jit3A_1950 = arith.constant 0.000000e+00 : f32
    %broadcast_in_dim3A_1951 = vector.broadcast %jit3A_1950 : f32 to vector<16xf32>
    %select_n3A_1952 = arith.select %lt3A_1947, %exp3A_1949, %broadcast_in_dim3A_1951 : vector<16xi1>, vector<16xf32>
    %add3A_1953 = arith.addf %add3A_1896, %select_n3A_1952 : vector<16xf32>
    %ge3A_1954 = arith.cmpf oge, %get3A_1684, %get3A_1704 : vector<16xf32>
    %jit3A_1955 = arith.constant 1 : i32
    %jit3A_1956 = arith.constant 0 : i32
    %broadcast_in_dim3A_1957 = vector.broadcast %jit3A_1955 : i32 to vector<16xi32>
    %broadcast_in_dim3A_1958 = vector.broadcast %jit3A_1956 : i32 to vector<16xi32>
    %select_n3A_1959 = arith.select %ge3A_1954, %broadcast_in_dim3A_1957, %broadcast_in_dim3A_1958 : vector<16xi1>, vector<16xi32>
    %ge3A_1960 = arith.cmpf oge, %get3A_1689, %get3A_1704 : vector<16xf32>
    %jit3A_1961 = arith.constant 1 : i32
    %jit3A_1962 = arith.constant 0 : i32
    %broadcast_in_dim3A_1963 = vector.broadcast %jit3A_1961 : i32 to vector<16xi32>
    %broadcast_in_dim3A_1964 = vector.broadcast %jit3A_1962 : i32 to vector<16xi32>
    %select_n3A_1965 = arith.select %ge3A_1960, %broadcast_in_dim3A_1963, %broadcast_in_dim3A_1964 : vector<16xi1>, vector<16xi32>
    %add3A_1966 = arith.addi %select_n3A_1959, %select_n3A_1965 : vector<16xi32>
    %ge3A_1967 = arith.cmpf oge, %get3A_1694, %get3A_1704 : vector<16xf32>
    %jit3A_1968 = arith.constant 1 : i32
    %jit3A_1969 = arith.constant 0 : i32
    %broadcast_in_dim3A_1970 = vector.broadcast %jit3A_1968 : i32 to vector<16xi32>
    %broadcast_in_dim3A_1971 = vector.broadcast %jit3A_1969 : i32 to vector<16xi32>
    %select_n3A_1972 = arith.select %ge3A_1967, %broadcast_in_dim3A_1970, %broadcast_in_dim3A_1971 : vector<16xi1>, vector<16xi32>
    %add3A_1973 = arith.addi %add3A_1966, %select_n3A_1972 : vector<16xi32>
    %ge3A_1974 = arith.cmpf oge, %get3A_1699, %get3A_1704 : vector<16xf32>
    %jit3A_1975 = arith.constant 1 : i32
    %jit3A_1976 = arith.constant 0 : i32
    %broadcast_in_dim3A_1977 = vector.broadcast %jit3A_1975 : i32 to vector<16xi32>
    %broadcast_in_dim3A_1978 = vector.broadcast %jit3A_1976 : i32 to vector<16xi32>
    %select_n3A_1979 = arith.select %ge3A_1974, %broadcast_in_dim3A_1977, %broadcast_in_dim3A_1978 : vector<16xi1>, vector<16xi32>
    %add3A_1980 = arith.addi %add3A_1973, %select_n3A_1979 : vector<16xi32>
    %gt3A_1981 = arith.cmpf ogt, %get3A_1709, %get3A_1704 : vector<16xf32>
    %jit3A_1982 = arith.constant 1 : i32
    %jit3A_1983 = arith.constant 0 : i32
    %broadcast_in_dim3A_1984 = vector.broadcast %jit3A_1982 : i32 to vector<16xi32>
    %broadcast_in_dim3A_1985 = vector.broadcast %jit3A_1983 : i32 to vector<16xi32>
    %select_n3A_1986 = arith.select %gt3A_1981, %broadcast_in_dim3A_1984, %broadcast_in_dim3A_1985 : vector<16xi1>, vector<16xi32>
    %add3A_1987 = arith.addi %add3A_1980, %select_n3A_1986 : vector<16xi32>
    %gt3A_1988 = arith.cmpf ogt, %get3A_1714, %get3A_1704 : vector<16xf32>
    %jit3A_1989 = arith.constant 1 : i32
    %jit3A_1990 = arith.constant 0 : i32
    %broadcast_in_dim3A_1991 = vector.broadcast %jit3A_1989 : i32 to vector<16xi32>
    %broadcast_in_dim3A_1992 = vector.broadcast %jit3A_1990 : i32 to vector<16xi32>
    %select_n3A_1993 = arith.select %gt3A_1988, %broadcast_in_dim3A_1991, %broadcast_in_dim3A_1992 : vector<16xi1>, vector<16xi32>
    %add3A_1994 = arith.addi %add3A_1987, %select_n3A_1993 : vector<16xi32>
    %gt3A_1995 = arith.cmpf ogt, %get3A_1719, %get3A_1704 : vector<16xf32>
    %jit3A_1996 = arith.constant 1 : i32
    %jit3A_1997 = arith.constant 0 : i32
    %broadcast_in_dim3A_1998 = vector.broadcast %jit3A_1996 : i32 to vector<16xi32>
    %broadcast_in_dim3A_1999 = vector.broadcast %jit3A_1997 : i32 to vector<16xi32>
    %select_n3A_2000 = arith.select %gt3A_1995, %broadcast_in_dim3A_1998, %broadcast_in_dim3A_1999 : vector<16xi1>, vector<16xi32>
    %add3A_2001 = arith.addi %add3A_1994, %select_n3A_2000 : vector<16xi32>
    %lt3A_2002 = arith.constant 2 : i32
    %lt3A_2003 = vector.broadcast %lt3A_2002 : i32 to vector<16xi32>
    %lt3A_2004 = arith.cmpi slt, %add3A_2001, %lt3A_2003 : vector<16xi32>
    %sub3A_2005 = arith.subf %get3A_1704, %max3A_1726 : vector<16xf32>
    %exp3A_2006 = math.exp %sub3A_2005 : vector<16xf32>
    %jit3A_2007 = arith.constant 0.000000e+00 : f32
    %broadcast_in_dim3A_2008 = vector.broadcast %jit3A_2007 : f32 to vector<16xf32>
    %select_n3A_2009 = arith.select %lt3A_2004, %exp3A_2006, %broadcast_in_dim3A_2008 : vector<16xi1>, vector<16xf32>
    %add3A_2010 = arith.addf %add3A_1953, %select_n3A_2009 : vector<16xf32>
    %ge3A_2011 = arith.cmpf oge, %get3A_1684, %get3A_1709 : vector<16xf32>
    %jit3A_2012 = arith.constant 1 : i32
    %jit3A_2013 = arith.constant 0 : i32
    %broadcast_in_dim3A_2014 = vector.broadcast %jit3A_2012 : i32 to vector<16xi32>
    %broadcast_in_dim3A_2015 = vector.broadcast %jit3A_2013 : i32 to vector<16xi32>
    %select_n3A_2016 = arith.select %ge3A_2011, %broadcast_in_dim3A_2014, %broadcast_in_dim3A_2015 : vector<16xi1>, vector<16xi32>
    %ge3A_2017 = arith.cmpf oge, %get3A_1689, %get3A_1709 : vector<16xf32>
    %jit3A_2018 = arith.constant 1 : i32
    %jit3A_2019 = arith.constant 0 : i32
    %broadcast_in_dim3A_2020 = vector.broadcast %jit3A_2018 : i32 to vector<16xi32>
    %broadcast_in_dim3A_2021 = vector.broadcast %jit3A_2019 : i32 to vector<16xi32>
    %select_n3A_2022 = arith.select %ge3A_2017, %broadcast_in_dim3A_2020, %broadcast_in_dim3A_2021 : vector<16xi1>, vector<16xi32>
    %add3A_2023 = arith.addi %select_n3A_2016, %select_n3A_2022 : vector<16xi32>
    %ge3A_2024 = arith.cmpf oge, %get3A_1694, %get3A_1709 : vector<16xf32>
    %jit3A_2025 = arith.constant 1 : i32
    %jit3A_2026 = arith.constant 0 : i32
    %broadcast_in_dim3A_2027 = vector.broadcast %jit3A_2025 : i32 to vector<16xi32>
    %broadcast_in_dim3A_2028 = vector.broadcast %jit3A_2026 : i32 to vector<16xi32>
    %select_n3A_2029 = arith.select %ge3A_2024, %broadcast_in_dim3A_2027, %broadcast_in_dim3A_2028 : vector<16xi1>, vector<16xi32>
    %add3A_2030 = arith.addi %add3A_2023, %select_n3A_2029 : vector<16xi32>
    %ge3A_2031 = arith.cmpf oge, %get3A_1699, %get3A_1709 : vector<16xf32>
    %jit3A_2032 = arith.constant 1 : i32
    %jit3A_2033 = arith.constant 0 : i32
    %broadcast_in_dim3A_2034 = vector.broadcast %jit3A_2032 : i32 to vector<16xi32>
    %broadcast_in_dim3A_2035 = vector.broadcast %jit3A_2033 : i32 to vector<16xi32>
    %select_n3A_2036 = arith.select %ge3A_2031, %broadcast_in_dim3A_2034, %broadcast_in_dim3A_2035 : vector<16xi1>, vector<16xi32>
    %add3A_2037 = arith.addi %add3A_2030, %select_n3A_2036 : vector<16xi32>
    %ge3A_2038 = arith.cmpf oge, %get3A_1704, %get3A_1709 : vector<16xf32>
    %jit3A_2039 = arith.constant 1 : i32
    %jit3A_2040 = arith.constant 0 : i32
    %broadcast_in_dim3A_2041 = vector.broadcast %jit3A_2039 : i32 to vector<16xi32>
    %broadcast_in_dim3A_2042 = vector.broadcast %jit3A_2040 : i32 to vector<16xi32>
    %select_n3A_2043 = arith.select %ge3A_2038, %broadcast_in_dim3A_2041, %broadcast_in_dim3A_2042 : vector<16xi1>, vector<16xi32>
    %add3A_2044 = arith.addi %add3A_2037, %select_n3A_2043 : vector<16xi32>
    %gt3A_2045 = arith.cmpf ogt, %get3A_1714, %get3A_1709 : vector<16xf32>
    %jit3A_2046 = arith.constant 1 : i32
    %jit3A_2047 = arith.constant 0 : i32
    %broadcast_in_dim3A_2048 = vector.broadcast %jit3A_2046 : i32 to vector<16xi32>
    %broadcast_in_dim3A_2049 = vector.broadcast %jit3A_2047 : i32 to vector<16xi32>
    %select_n3A_2050 = arith.select %gt3A_2045, %broadcast_in_dim3A_2048, %broadcast_in_dim3A_2049 : vector<16xi1>, vector<16xi32>
    %add3A_2051 = arith.addi %add3A_2044, %select_n3A_2050 : vector<16xi32>
    %gt3A_2052 = arith.cmpf ogt, %get3A_1719, %get3A_1709 : vector<16xf32>
    %jit3A_2053 = arith.constant 1 : i32
    %jit3A_2054 = arith.constant 0 : i32
    %broadcast_in_dim3A_2055 = vector.broadcast %jit3A_2053 : i32 to vector<16xi32>
    %broadcast_in_dim3A_2056 = vector.broadcast %jit3A_2054 : i32 to vector<16xi32>
    %select_n3A_2057 = arith.select %gt3A_2052, %broadcast_in_dim3A_2055, %broadcast_in_dim3A_2056 : vector<16xi1>, vector<16xi32>
    %add3A_2058 = arith.addi %add3A_2051, %select_n3A_2057 : vector<16xi32>
    %lt3A_2059 = arith.constant 2 : i32
    %lt3A_2060 = vector.broadcast %lt3A_2059 : i32 to vector<16xi32>
    %lt3A_2061 = arith.cmpi slt, %add3A_2058, %lt3A_2060 : vector<16xi32>
    %sub3A_2062 = arith.subf %get3A_1709, %max3A_1726 : vector<16xf32>
    %exp3A_2063 = math.exp %sub3A_2062 : vector<16xf32>
    %jit3A_2064 = arith.constant 0.000000e+00 : f32
    %broadcast_in_dim3A_2065 = vector.broadcast %jit3A_2064 : f32 to vector<16xf32>
    %select_n3A_2066 = arith.select %lt3A_2061, %exp3A_2063, %broadcast_in_dim3A_2065 : vector<16xi1>, vector<16xf32>
    %add3A_2067 = arith.addf %add3A_2010, %select_n3A_2066 : vector<16xf32>
    %ge3A_2068 = arith.cmpf oge, %get3A_1684, %get3A_1714 : vector<16xf32>
    %jit3A_2069 = arith.constant 1 : i32
    %jit3A_2070 = arith.constant 0 : i32
    %broadcast_in_dim3A_2071 = vector.broadcast %jit3A_2069 : i32 to vector<16xi32>
    %broadcast_in_dim3A_2072 = vector.broadcast %jit3A_2070 : i32 to vector<16xi32>
    %select_n3A_2073 = arith.select %ge3A_2068, %broadcast_in_dim3A_2071, %broadcast_in_dim3A_2072 : vector<16xi1>, vector<16xi32>
    %ge3A_2074 = arith.cmpf oge, %get3A_1689, %get3A_1714 : vector<16xf32>
    %jit3A_2075 = arith.constant 1 : i32
    %jit3A_2076 = arith.constant 0 : i32
    %broadcast_in_dim3A_2077 = vector.broadcast %jit3A_2075 : i32 to vector<16xi32>
    %broadcast_in_dim3A_2078 = vector.broadcast %jit3A_2076 : i32 to vector<16xi32>
    %select_n3A_2079 = arith.select %ge3A_2074, %broadcast_in_dim3A_2077, %broadcast_in_dim3A_2078 : vector<16xi1>, vector<16xi32>
    %add3A_2080 = arith.addi %select_n3A_2073, %select_n3A_2079 : vector<16xi32>
    %ge3A_2081 = arith.cmpf oge, %get3A_1694, %get3A_1714 : vector<16xf32>
    %jit3A_2082 = arith.constant 1 : i32
    %jit3A_2083 = arith.constant 0 : i32
    %broadcast_in_dim3A_2084 = vector.broadcast %jit3A_2082 : i32 to vector<16xi32>
    %broadcast_in_dim3A_2085 = vector.broadcast %jit3A_2083 : i32 to vector<16xi32>
    %select_n3A_2086 = arith.select %ge3A_2081, %broadcast_in_dim3A_2084, %broadcast_in_dim3A_2085 : vector<16xi1>, vector<16xi32>
    %add3A_2087 = arith.addi %add3A_2080, %select_n3A_2086 : vector<16xi32>
    %ge3A_2088 = arith.cmpf oge, %get3A_1699, %get3A_1714 : vector<16xf32>
    %jit3A_2089 = arith.constant 1 : i32
    %jit3A_2090 = arith.constant 0 : i32
    %broadcast_in_dim3A_2091 = vector.broadcast %jit3A_2089 : i32 to vector<16xi32>
    %broadcast_in_dim3A_2092 = vector.broadcast %jit3A_2090 : i32 to vector<16xi32>
    %select_n3A_2093 = arith.select %ge3A_2088, %broadcast_in_dim3A_2091, %broadcast_in_dim3A_2092 : vector<16xi1>, vector<16xi32>
    %add3A_2094 = arith.addi %add3A_2087, %select_n3A_2093 : vector<16xi32>
    %ge3A_2095 = arith.cmpf oge, %get3A_1704, %get3A_1714 : vector<16xf32>
    %jit3A_2096 = arith.constant 1 : i32
    %jit3A_2097 = arith.constant 0 : i32
    %broadcast_in_dim3A_2098 = vector.broadcast %jit3A_2096 : i32 to vector<16xi32>
    %broadcast_in_dim3A_2099 = vector.broadcast %jit3A_2097 : i32 to vector<16xi32>
    %select_n3A_2100 = arith.select %ge3A_2095, %broadcast_in_dim3A_2098, %broadcast_in_dim3A_2099 : vector<16xi1>, vector<16xi32>
    %add3A_2101 = arith.addi %add3A_2094, %select_n3A_2100 : vector<16xi32>
    %ge3A_2102 = arith.cmpf oge, %get3A_1709, %get3A_1714 : vector<16xf32>
    %jit3A_2103 = arith.constant 1 : i32
    %jit3A_2104 = arith.constant 0 : i32
    %broadcast_in_dim3A_2105 = vector.broadcast %jit3A_2103 : i32 to vector<16xi32>
    %broadcast_in_dim3A_2106 = vector.broadcast %jit3A_2104 : i32 to vector<16xi32>
    %select_n3A_2107 = arith.select %ge3A_2102, %broadcast_in_dim3A_2105, %broadcast_in_dim3A_2106 : vector<16xi1>, vector<16xi32>
    %add3A_2108 = arith.addi %add3A_2101, %select_n3A_2107 : vector<16xi32>
    %gt3A_2109 = arith.cmpf ogt, %get3A_1719, %get3A_1714 : vector<16xf32>
    %jit3A_2110 = arith.constant 1 : i32
    %jit3A_2111 = arith.constant 0 : i32
    %broadcast_in_dim3A_2112 = vector.broadcast %jit3A_2110 : i32 to vector<16xi32>
    %broadcast_in_dim3A_2113 = vector.broadcast %jit3A_2111 : i32 to vector<16xi32>
    %select_n3A_2114 = arith.select %gt3A_2109, %broadcast_in_dim3A_2112, %broadcast_in_dim3A_2113 : vector<16xi1>, vector<16xi32>
    %add3A_2115 = arith.addi %add3A_2108, %select_n3A_2114 : vector<16xi32>
    %lt3A_2116 = arith.constant 2 : i32
    %lt3A_2117 = vector.broadcast %lt3A_2116 : i32 to vector<16xi32>
    %lt3A_2118 = arith.cmpi slt, %add3A_2115, %lt3A_2117 : vector<16xi32>
    %sub3A_2119 = arith.subf %get3A_1714, %max3A_1726 : vector<16xf32>
    %exp3A_2120 = math.exp %sub3A_2119 : vector<16xf32>
    %jit3A_2121 = arith.constant 0.000000e+00 : f32
    %broadcast_in_dim3A_2122 = vector.broadcast %jit3A_2121 : f32 to vector<16xf32>
    %select_n3A_2123 = arith.select %lt3A_2118, %exp3A_2120, %broadcast_in_dim3A_2122 : vector<16xi1>, vector<16xf32>
    %add3A_2124 = arith.addf %add3A_2067, %select_n3A_2123 : vector<16xf32>
    %ge3A_2125 = arith.cmpf oge, %get3A_1684, %get3A_1719 : vector<16xf32>
    %jit3A_2126 = arith.constant 1 : i32
    %jit3A_2127 = arith.constant 0 : i32
    %broadcast_in_dim3A_2128 = vector.broadcast %jit3A_2126 : i32 to vector<16xi32>
    %broadcast_in_dim3A_2129 = vector.broadcast %jit3A_2127 : i32 to vector<16xi32>
    %select_n3A_2130 = arith.select %ge3A_2125, %broadcast_in_dim3A_2128, %broadcast_in_dim3A_2129 : vector<16xi1>, vector<16xi32>
    %ge3A_2131 = arith.cmpf oge, %get3A_1689, %get3A_1719 : vector<16xf32>
    %jit3A_2132 = arith.constant 1 : i32
    %jit3A_2133 = arith.constant 0 : i32
    %broadcast_in_dim3A_2134 = vector.broadcast %jit3A_2132 : i32 to vector<16xi32>
    %broadcast_in_dim3A_2135 = vector.broadcast %jit3A_2133 : i32 to vector<16xi32>
    %select_n3A_2136 = arith.select %ge3A_2131, %broadcast_in_dim3A_2134, %broadcast_in_dim3A_2135 : vector<16xi1>, vector<16xi32>
    %add3A_2137 = arith.addi %select_n3A_2130, %select_n3A_2136 : vector<16xi32>
    %ge3A_2138 = arith.cmpf oge, %get3A_1694, %get3A_1719 : vector<16xf32>
    %jit3A_2139 = arith.constant 1 : i32
    %jit3A_2140 = arith.constant 0 : i32
    %broadcast_in_dim3A_2141 = vector.broadcast %jit3A_2139 : i32 to vector<16xi32>
    %broadcast_in_dim3A_2142 = vector.broadcast %jit3A_2140 : i32 to vector<16xi32>
    %select_n3A_2143 = arith.select %ge3A_2138, %broadcast_in_dim3A_2141, %broadcast_in_dim3A_2142 : vector<16xi1>, vector<16xi32>
    %add3A_2144 = arith.addi %add3A_2137, %select_n3A_2143 : vector<16xi32>
    %ge3A_2145 = arith.cmpf oge, %get3A_1699, %get3A_1719 : vector<16xf32>
    %jit3A_2146 = arith.constant 1 : i32
    %jit3A_2147 = arith.constant 0 : i32
    %broadcast_in_dim3A_2148 = vector.broadcast %jit3A_2146 : i32 to vector<16xi32>
    %broadcast_in_dim3A_2149 = vector.broadcast %jit3A_2147 : i32 to vector<16xi32>
    %select_n3A_2150 = arith.select %ge3A_2145, %broadcast_in_dim3A_2148, %broadcast_in_dim3A_2149 : vector<16xi1>, vector<16xi32>
    %add3A_2151 = arith.addi %add3A_2144, %select_n3A_2150 : vector<16xi32>
    %ge3A_2152 = arith.cmpf oge, %get3A_1704, %get3A_1719 : vector<16xf32>
    %jit3A_2153 = arith.constant 1 : i32
    %jit3A_2154 = arith.constant 0 : i32
    %broadcast_in_dim3A_2155 = vector.broadcast %jit3A_2153 : i32 to vector<16xi32>
    %broadcast_in_dim3A_2156 = vector.broadcast %jit3A_2154 : i32 to vector<16xi32>
    %select_n3A_2157 = arith.select %ge3A_2152, %broadcast_in_dim3A_2155, %broadcast_in_dim3A_2156 : vector<16xi1>, vector<16xi32>
    %add3A_2158 = arith.addi %add3A_2151, %select_n3A_2157 : vector<16xi32>
    %ge3A_2159 = arith.cmpf oge, %get3A_1709, %get3A_1719 : vector<16xf32>
    %jit3A_2160 = arith.constant 1 : i32
    %jit3A_2161 = arith.constant 0 : i32
    %broadcast_in_dim3A_2162 = vector.broadcast %jit3A_2160 : i32 to vector<16xi32>
    %broadcast_in_dim3A_2163 = vector.broadcast %jit3A_2161 : i32 to vector<16xi32>
    %select_n3A_2164 = arith.select %ge3A_2159, %broadcast_in_dim3A_2162, %broadcast_in_dim3A_2163 : vector<16xi1>, vector<16xi32>
    %add3A_2165 = arith.addi %add3A_2158, %select_n3A_2164 : vector<16xi32>
    %ge3A_2166 = arith.cmpf oge, %get3A_1714, %get3A_1719 : vector<16xf32>
    %jit3A_2167 = arith.constant 1 : i32
    %jit3A_2168 = arith.constant 0 : i32
    %broadcast_in_dim3A_2169 = vector.broadcast %jit3A_2167 : i32 to vector<16xi32>
    %broadcast_in_dim3A_2170 = vector.broadcast %jit3A_2168 : i32 to vector<16xi32>
    %select_n3A_2171 = arith.select %ge3A_2166, %broadcast_in_dim3A_2169, %broadcast_in_dim3A_2170 : vector<16xi1>, vector<16xi32>
    %add3A_2172 = arith.addi %add3A_2165, %select_n3A_2171 : vector<16xi32>
    %lt3A_2173 = arith.constant 2 : i32
    %lt3A_2174 = vector.broadcast %lt3A_2173 : i32 to vector<16xi32>
    %lt3A_2175 = arith.cmpi slt, %add3A_2172, %lt3A_2174 : vector<16xi32>
    %sub3A_2176 = arith.subf %get3A_1719, %max3A_1726 : vector<16xf32>
    %exp3A_2177 = math.exp %sub3A_2176 : vector<16xf32>
    %jit3A_2178 = arith.constant 0.000000e+00 : f32
    %broadcast_in_dim3A_2179 = vector.broadcast %jit3A_2178 : f32 to vector<16xf32>
    %select_n3A_2180 = arith.select %lt3A_2175, %exp3A_2177, %broadcast_in_dim3A_2179 : vector<16xi1>, vector<16xf32>
    %add3A_2181 = arith.addf %add3A_2124, %select_n3A_2180 : vector<16xf32>
    %div3A_2182 = arith.constant 1.000000e+00 : f32
    %div3A_2183 = vector.broadcast %div3A_2182 : f32 to vector<16xf32>
    %div3A_2184 = arith.divf %div3A_2183, %add3A_2181 : vector<16xf32>
    %mul3A_2185 = arith.mulf %select_n3A_1782, %div3A_2184 : vector<16xf32>
    %swap3A_2186 = arith.constant 0 : i32
    %swap3A_2187 = arith.index_cast %swap3A_2186 : i32 to index
    %swap3A_2188 = arith.constant 48 : index
    %swap3A_2189 = tpu.vector_load %arg5[%swap3A_2187, %swap3A_2188] {strides = array<i32>} : memref<8x128xf32, #tpu.memory_space<vmem>>, vector<1x16xf32>,
    %swap3A_2190 = vector.shape_cast %swap3A_2189 : vector<1x16xf32> to vector<16xf32>
    %swap3A_2191 = vector.shape_cast %mul3A_2185 : vector<16xf32> to vector<1x16xf32>
    tpu.vector_store %arg5[%swap3A_2187, %swap3A_2188], %swap3A_2191 {strides = array<i32>} : memref<8x128xf32, #tpu.memory_space<vmem>>, vector<1x16xf32>,
    %mul3A_2192 = arith.mulf %select_n3A_1838, %div3A_2184 : vector<16xf32>
    %swap3A_2193 = arith.constant 1 : i32
    %swap3A_2194 = arith.index_cast %swap3A_2193 : i32 to index
    %swap3A_2195 = arith.constant 48 : index
    %swap3A_2196 = tpu.vector_load %arg5[%swap3A_2194, %swap3A_2195] {strides = array<i32>} : memref<8x128xf32, #tpu.memory_space<vmem>>, vector<1x16xf32>,
    %swap3A_2197 = vector.shape_cast %swap3A_2196 : vector<1x16xf32> to vector<16xf32>
    %swap3A_2198 = vector.shape_cast %mul3A_2192 : vector<16xf32> to vector<1x16xf32>
    tpu.vector_store %arg5[%swap3A_2194, %swap3A_2195], %swap3A_2198 {strides = array<i32>} : memref<8x128xf32, #tpu.memory_space<vmem>>, vector<1x16xf32>,
    %mul3A_2199 = arith.mulf %select_n3A_1895, %div3A_2184 : vector<16xf32>
    %swap3A_2200 = arith.constant 2 : i32
    %swap3A_2201 = arith.index_cast %swap3A_2200 : i32 to index
    %swap3A_2202 = arith.constant 48 : index
    %swap3A_2203 = tpu.vector_load %arg5[%swap3A_2201, %swap3A_2202] {strides = array<i32>} : memref<8x128xf32, #tpu.memory_space<vmem>>, vector<1x16xf32>,
    %swap3A_2204 = vector.shape_cast %swap3A_2203 : vector<1x16xf32> to vector<16xf32>
    %swap3A_2205 = vector.shape_cast %mul3A_2199 : vector<16xf32> to vector<1x16xf32>
    tpu.vector_store %arg5[%swap3A_2201, %swap3A_2202], %swap3A_2205 {strides = array<i32>} : memref<8x128xf32, #tpu.memory_space<vmem>>, vector<1x16xf32>,
    %mul3A_2206 = arith.mulf %select_n3A_1952, %div3A_2184 : vector<16xf32>
    %swap3A_2207 = arith.constant 3 : i32
    %swap3A_2208 = arith.index_cast %swap3A_2207 : i32 to index
    %swap3A_2209 = arith.constant 48 : index
    %swap3A_2210 = tpu.vector_load %arg5[%swap3A_2208, %swap3A_2209] {strides = array<i32>} : memref<8x128xf32, #tpu.memory_space<vmem>>, vector<1x16xf32>,
    %swap3A_2211 = vector.shape_cast %swap3A_2210 : vector<1x16xf32> to vector<16xf32>
    %swap3A_2212 = vector.shape_cast %mul3A_2206 : vector<16xf32> to vector<1x16xf32>
    tpu.vector_store %arg5[%swap3A_2208, %swap3A_2209], %swap3A_2212 {strides = array<i32>} : memref<8x128xf32, #tpu.memory_space<vmem>>, vector<1x16xf32>,
    %mul3A_2213 = arith.mulf %select_n3A_2009, %div3A_2184 : vector<16xf32>
    %swap3A_2214 = arith.constant 4 : i32
    %swap3A_2215 = arith.index_cast %swap3A_2214 : i32 to index
    %swap3A_2216 = arith.constant 48 : index
    %swap3A_2217 = tpu.vector_load %arg5[%swap3A_2215, %swap3A_2216] {strides = array<i32>} : memref<8x128xf32, #tpu.memory_space<vmem>>, vector<1x16xf32>,
    %swap3A_2218 = vector.shape_cast %swap3A_2217 : vector<1x16xf32> to vector<16xf32>
    %swap3A_2219 = vector.shape_cast %mul3A_2213 : vector<16xf32> to vector<1x16xf32>
    tpu.vector_store %arg5[%swap3A_2215, %swap3A_2216], %swap3A_2219 {strides = array<i32>} : memref<8x128xf32, #tpu.memory_space<vmem>>, vector<1x16xf32>,
    %mul3A_2220 = arith.mulf %select_n3A_2066, %div3A_2184 : vector<16xf32>
    %swap3A_2221 = arith.constant 5 : i32
    %swap3A_2222 = arith.index_cast %swap3A_2221 : i32 to index
    %swap3A_2223 = arith.constant 48 : index
    %swap3A_2224 = tpu.vector_load %arg5[%swap3A_2222, %swap3A_2223] {strides = array<i32>} : memref<8x128xf32, #tpu.memory_space<vmem>>, vector<1x16xf32>,
    %swap3A_2225 = vector.shape_cast %swap3A_2224 : vector<1x16xf32> to vector<16xf32>
    %swap3A_2226 = vector.shape_cast %mul3A_2220 : vector<16xf32> to vector<1x16xf32>
    tpu.vector_store %arg5[%swap3A_2222, %swap3A_2223], %swap3A_2226 {strides = array<i32>} : memref<8x128xf32, #tpu.memory_space<vmem>>, vector<1x16xf32>,
    %mul3A_2227 = arith.mulf %select_n3A_2123, %div3A_2184 : vector<16xf32>
    %swap3A_2228 = arith.constant 6 : i32
    %swap3A_2229 = arith.index_cast %swap3A_2228 : i32 to index
    %swap3A_2230 = arith.constant 48 : index
    %swap3A_2231 = tpu.vector_load %arg5[%swap3A_2229, %swap3A_2230] {strides = array<i32>} : memref<8x128xf32, #tpu.memory_space<vmem>>, vector<1x16xf32>,
    %swap3A_2232 = vector.shape_cast %swap3A_2231 : vector<1x16xf32> to vector<16xf32>
    %swap3A_2233 = vector.shape_cast %mul3A_2227 : vector<16xf32> to vector<1x16xf32>
    tpu.vector_store %arg5[%swap3A_2229, %swap3A_2230], %swap3A_2233 {strides = array<i32>} : memref<8x128xf32, #tpu.memory_space<vmem>>, vector<1x16xf32>,
    %mul3A_2234 = arith.mulf %select_n3A_2180, %div3A_2184 : vector<16xf32>
    %swap3A_2235 = arith.constant 7 : i32
    %swap3A_2236 = arith.index_cast %swap3A_2235 : i32 to index
    %swap3A_2237 = arith.constant 48 : index
    %swap3A_2238 = tpu.vector_load %arg5[%swap3A_2236, %swap3A_2237] {strides = array<i32>} : memref<8x128xf32, #tpu.memory_space<vmem>>, vector<1x16xf32>,
    %swap3A_2239 = vector.shape_cast %swap3A_2238 : vector<1x16xf32> to vector<16xf32>
    %swap3A_2240 = vector.shape_cast %mul3A_2234 : vector<16xf32> to vector<1x16xf32>
    tpu.vector_store %arg5[%swap3A_2236, %swap3A_2237], %swap3A_2240 {strides = array<i32>} : memref<8x128xf32, #tpu.memory_space<vmem>>, vector<1x16xf32>,
    %get3A_2241 = arith.constant 0 : i32
    %get3A_2242 = arith.index_cast %get3A_2241 : i32 to index
    %get3A_2243 = arith.constant 64 : index
    %get3A_2244 = tpu.vector_load %arg4[%get3A_2242, %get3A_2243] {strides = array<i32>} : memref<8x128xf32, #tpu.memory_space<vmem>>, vector<1x16xf32>,
    %get3A_2245 = vector.shape_cast %get3A_2244 : vector<1x16xf32> to vector<16xf32>
    %get3A_2246 = arith.constant 1 : i32
    %get3A_2247 = arith.index_cast %get3A_2246 : i32 to index
    %get3A_2248 = arith.constant 64 : index
    %get3A_2249 = tpu.vector_load %arg4[%get3A_2247, %get3A_2248] {strides = array<i32>} : memref<8x128xf32, #tpu.memory_space<vmem>>, vector<1x16xf32>,
    %get3A_2250 = vector.shape_cast %get3A_2249 : vector<1x16xf32> to vector<16xf32>
    %get3A_2251 = arith.constant 2 : i32
    %get3A_2252 = arith.index_cast %get3A_2251 : i32 to index
    %get3A_2253 = arith.constant 64 : index
    %get3A_2254 = tpu.vector_load %arg4[%get3A_2252, %get3A_2253] {strides = array<i32>} : memref<8x128xf32, #tpu.memory_space<vmem>>, vector<1x16xf32>,
    %get3A_2255 = vector.shape_cast %get3A_2254 : vector<1x16xf32> to vector<16xf32>
    %get3A_2256 = arith.constant 3 : i32
    %get3A_2257 = arith.index_cast %get3A_2256 : i32 to index
    %get3A_2258 = arith.constant 64 : index
    %get3A_2259 = tpu.vector_load %arg4[%get3A_2257, %get3A_2258] {strides = array<i32>} : memref<8x128xf32, #tpu.memory_space<vmem>>, vector<1x16xf32>,
    %get3A_2260 = vector.shape_cast %get3A_2259 : vector<1x16xf32> to vector<16xf32>
    %get3A_2261 = arith.constant 4 : i32
    %get3A_2262 = arith.index_cast %get3A_2261 : i32 to index
    %get3A_2263 = arith.constant 64 : index
    %get3A_2264 = tpu.vector_load %arg4[%get3A_2262, %get3A_2263] {strides = array<i32>} : memref<8x128xf32, #tpu.memory_space<vmem>>, vector<1x16xf32>,
    %get3A_2265 = vector.shape_cast %get3A_2264 : vector<1x16xf32> to vector<16xf32>
    %get3A_2266 = arith.constant 5 : i32
    %get3A_2267 = arith.index_cast %get3A_2266 : i32 to index
    %get3A_2268 = arith.constant 64 : index
    %get3A_2269 = tpu.vector_load %arg4[%get3A_2267, %get3A_2268] {strides = array<i32>} : memref<8x128xf32, #tpu.memory_space<vmem>>, vector<1x16xf32>,
    %get3A_2270 = vector.shape_cast %get3A_2269 : vector<1x16xf32> to vector<16xf32>
    %get3A_2271 = arith.constant 6 : i32
    %get3A_2272 = arith.index_cast %get3A_2271 : i32 to index
    %get3A_2273 = arith.constant 64 : index
    %get3A_2274 = tpu.vector_load %arg4[%get3A_2272, %get3A_2273] {strides = array<i32>} : memref<8x128xf32, #tpu.memory_space<vmem>>, vector<1x16xf32>,
    %get3A_2275 = vector.shape_cast %get3A_2274 : vector<1x16xf32> to vector<16xf32>
    %get3A_2276 = arith.constant 7 : i32
    %get3A_2277 = arith.index_cast %get3A_2276 : i32 to index
    %get3A_2278 = arith.constant 64 : index
    %get3A_2279 = tpu.vector_load %arg4[%get3A_2277, %get3A_2278] {strides = array<i32>} : memref<8x128xf32, #tpu.memory_space<vmem>>, vector<1x16xf32>,
    %get3A_2280 = vector.shape_cast %get3A_2279 : vector<1x16xf32> to vector<16xf32>
    %max3A_2281 = arith.maximumf %get3A_2245, %get3A_2250 : vector<16xf32>
    %max3A_2282 = arith.maximumf %max3A_2281, %get3A_2255 : vector<16xf32>
    %max3A_2283 = arith.maximumf %max3A_2282, %get3A_2260 : vector<16xf32>
    %max3A_2284 = arith.maximumf %max3A_2283, %get3A_2265 : vector<16xf32>
    %max3A_2285 = arith.maximumf %max3A_2284, %get3A_2270 : vector<16xf32>
    %max3A_2286 = arith.maximumf %max3A_2285, %get3A_2275 : vector<16xf32>
    %max3A_2287 = arith.maximumf %max3A_2286, %get3A_2280 : vector<16xf32>
    %gt3A_2288 = arith.cmpf ogt, %get3A_2250, %get3A_2245 : vector<16xf32>
    %jit3A_2289 = arith.constant 1 : i32
    %jit3A_2290 = arith.constant 0 : i32
    %broadcast_in_dim3A_2291 = vector.broadcast %jit3A_2289 : i32 to vector<16xi32>
    %broadcast_in_dim3A_2292 = vector.broadcast %jit3A_2290 : i32 to vector<16xi32>
    %select_n3A_2293 = arith.select %gt3A_2288, %broadcast_in_dim3A_2291, %broadcast_in_dim3A_2292 : vector<16xi1>, vector<16xi32>
    %gt3A_2294 = arith.cmpf ogt, %get3A_2255, %get3A_2245 : vector<16xf32>
    %jit3A_2295 = arith.constant 1 : i32
    %jit3A_2296 = arith.constant 0 : i32
    %broadcast_in_dim3A_2297 = vector.broadcast %jit3A_2295 : i32 to vector<16xi32>
    %broadcast_in_dim3A_2298 = vector.broadcast %jit3A_2296 : i32 to vector<16xi32>
    %select_n3A_2299 = arith.select %gt3A_2294, %broadcast_in_dim3A_2297, %broadcast_in_dim3A_2298 : vector<16xi1>, vector<16xi32>
    %add3A_2300 = arith.addi %select_n3A_2293, %select_n3A_2299 : vector<16xi32>
    %gt3A_2301 = arith.cmpf ogt, %get3A_2260, %get3A_2245 : vector<16xf32>
    %jit3A_2302 = arith.constant 1 : i32
    %jit3A_2303 = arith.constant 0 : i32
    %broadcast_in_dim3A_2304 = vector.broadcast %jit3A_2302 : i32 to vector<16xi32>
    %broadcast_in_dim3A_2305 = vector.broadcast %jit3A_2303 : i32 to vector<16xi32>
    %select_n3A_2306 = arith.select %gt3A_2301, %broadcast_in_dim3A_2304, %broadcast_in_dim3A_2305 : vector<16xi1>, vector<16xi32>
    %add3A_2307 = arith.addi %add3A_2300, %select_n3A_2306 : vector<16xi32>
    %gt3A_2308 = arith.cmpf ogt, %get3A_2265, %get3A_2245 : vector<16xf32>
    %jit3A_2309 = arith.constant 1 : i32
    %jit3A_2310 = arith.constant 0 : i32
    %broadcast_in_dim3A_2311 = vector.broadcast %jit3A_2309 : i32 to vector<16xi32>
    %broadcast_in_dim3A_2312 = vector.broadcast %jit3A_2310 : i32 to vector<16xi32>
    %select_n3A_2313 = arith.select %gt3A_2308, %broadcast_in_dim3A_2311, %broadcast_in_dim3A_2312 : vector<16xi1>, vector<16xi32>
    %add3A_2314 = arith.addi %add3A_2307, %select_n3A_2313 : vector<16xi32>
    %gt3A_2315 = arith.cmpf ogt, %get3A_2270, %get3A_2245 : vector<16xf32>
    %jit3A_2316 = arith.constant 1 : i32
    %jit3A_2317 = arith.constant 0 : i32
    %broadcast_in_dim3A_2318 = vector.broadcast %jit3A_2316 : i32 to vector<16xi32>
    %broadcast_in_dim3A_2319 = vector.broadcast %jit3A_2317 : i32 to vector<16xi32>
    %select_n3A_2320 = arith.select %gt3A_2315, %broadcast_in_dim3A_2318, %broadcast_in_dim3A_2319 : vector<16xi1>, vector<16xi32>
    %add3A_2321 = arith.addi %add3A_2314, %select_n3A_2320 : vector<16xi32>
    %gt3A_2322 = arith.cmpf ogt, %get3A_2275, %get3A_2245 : vector<16xf32>
    %jit3A_2323 = arith.constant 1 : i32
    %jit3A_2324 = arith.constant 0 : i32
    %broadcast_in_dim3A_2325 = vector.broadcast %jit3A_2323 : i32 to vector<16xi32>
    %broadcast_in_dim3A_2326 = vector.broadcast %jit3A_2324 : i32 to vector<16xi32>
    %select_n3A_2327 = arith.select %gt3A_2322, %broadcast_in_dim3A_2325, %broadcast_in_dim3A_2326 : vector<16xi1>, vector<16xi32>
    %add3A_2328 = arith.addi %add3A_2321, %select_n3A_2327 : vector<16xi32>
    %gt3A_2329 = arith.cmpf ogt, %get3A_2280, %get3A_2245 : vector<16xf32>
    %jit3A_2330 = arith.constant 1 : i32
    %jit3A_2331 = arith.constant 0 : i32
    %broadcast_in_dim3A_2332 = vector.broadcast %jit3A_2330 : i32 to vector<16xi32>
    %broadcast_in_dim3A_2333 = vector.broadcast %jit3A_2331 : i32 to vector<16xi32>
    %select_n3A_2334 = arith.select %gt3A_2329, %broadcast_in_dim3A_2332, %broadcast_in_dim3A_2333 : vector<16xi1>, vector<16xi32>
    %add3A_2335 = arith.addi %add3A_2328, %select_n3A_2334 : vector<16xi32>
    %lt3A_2336 = arith.constant 2 : i32
    %lt3A_2337 = vector.broadcast %lt3A_2336 : i32 to vector<16xi32>
    %lt3A_2338 = arith.cmpi slt, %add3A_2335, %lt3A_2337 : vector<16xi32>
    %sub3A_2339 = arith.subf %get3A_2245, %max3A_2287 : vector<16xf32>
    %exp3A_2340 = math.exp %sub3A_2339 : vector<16xf32>
    %jit3A_2341 = arith.constant 0.000000e+00 : f32
    %broadcast_in_dim3A_2342 = vector.broadcast %jit3A_2341 : f32 to vector<16xf32>
    %select_n3A_2343 = arith.select %lt3A_2338, %exp3A_2340, %broadcast_in_dim3A_2342 : vector<16xi1>, vector<16xf32>
    %ge3A_2344 = arith.cmpf oge, %get3A_2245, %get3A_2250 : vector<16xf32>
    %jit3A_2345 = arith.constant 1 : i32
    %jit3A_2346 = arith.constant 0 : i32
    %broadcast_in_dim3A_2347 = vector.broadcast %jit3A_2345 : i32 to vector<16xi32>
    %broadcast_in_dim3A_2348 = vector.broadcast %jit3A_2346 : i32 to vector<16xi32>
    %select_n3A_2349 = arith.select %ge3A_2344, %broadcast_in_dim3A_2347, %broadcast_in_dim3A_2348 : vector<16xi1>, vector<16xi32>
    %gt3A_2350 = arith.cmpf ogt, %get3A_2255, %get3A_2250 : vector<16xf32>
    %jit3A_2351 = arith.constant 1 : i32
    %jit3A_2352 = arith.constant 0 : i32
    %broadcast_in_dim3A_2353 = vector.broadcast %jit3A_2351 : i32 to vector<16xi32>
    %broadcast_in_dim3A_2354 = vector.broadcast %jit3A_2352 : i32 to vector<16xi32>
    %select_n3A_2355 = arith.select %gt3A_2350, %broadcast_in_dim3A_2353, %broadcast_in_dim3A_2354 : vector<16xi1>, vector<16xi32>
    %add3A_2356 = arith.addi %select_n3A_2349, %select_n3A_2355 : vector<16xi32>
    %gt3A_2357 = arith.cmpf ogt, %get3A_2260, %get3A_2250 : vector<16xf32>
    %jit3A_2358 = arith.constant 1 : i32
    %jit3A_2359 = arith.constant 0 : i32
    %broadcast_in_dim3A_2360 = vector.broadcast %jit3A_2358 : i32 to vector<16xi32>
    %broadcast_in_dim3A_2361 = vector.broadcast %jit3A_2359 : i32 to vector<16xi32>
    %select_n3A_2362 = arith.select %gt3A_2357, %broadcast_in_dim3A_2360, %broadcast_in_dim3A_2361 : vector<16xi1>, vector<16xi32>
    %add3A_2363 = arith.addi %add3A_2356, %select_n3A_2362 : vector<16xi32>
    %gt3A_2364 = arith.cmpf ogt, %get3A_2265, %get3A_2250 : vector<16xf32>
    %jit3A_2365 = arith.constant 1 : i32
    %jit3A_2366 = arith.constant 0 : i32
    %broadcast_in_dim3A_2367 = vector.broadcast %jit3A_2365 : i32 to vector<16xi32>
    %broadcast_in_dim3A_2368 = vector.broadcast %jit3A_2366 : i32 to vector<16xi32>
    %select_n3A_2369 = arith.select %gt3A_2364, %broadcast_in_dim3A_2367, %broadcast_in_dim3A_2368 : vector<16xi1>, vector<16xi32>
    %add3A_2370 = arith.addi %add3A_2363, %select_n3A_2369 : vector<16xi32>
    %gt3A_2371 = arith.cmpf ogt, %get3A_2270, %get3A_2250 : vector<16xf32>
    %jit3A_2372 = arith.constant 1 : i32
    %jit3A_2373 = arith.constant 0 : i32
    %broadcast_in_dim3A_2374 = vector.broadcast %jit3A_2372 : i32 to vector<16xi32>
    %broadcast_in_dim3A_2375 = vector.broadcast %jit3A_2373 : i32 to vector<16xi32>
    %select_n3A_2376 = arith.select %gt3A_2371, %broadcast_in_dim3A_2374, %broadcast_in_dim3A_2375 : vector<16xi1>, vector<16xi32>
    %add3A_2377 = arith.addi %add3A_2370, %select_n3A_2376 : vector<16xi32>
    %gt3A_2378 = arith.cmpf ogt, %get3A_2275, %get3A_2250 : vector<16xf32>
    %jit3A_2379 = arith.constant 1 : i32
    %jit3A_2380 = arith.constant 0 : i32
    %broadcast_in_dim3A_2381 = vector.broadcast %jit3A_2379 : i32 to vector<16xi32>
    %broadcast_in_dim3A_2382 = vector.broadcast %jit3A_2380 : i32 to vector<16xi32>
    %select_n3A_2383 = arith.select %gt3A_2378, %broadcast_in_dim3A_2381, %broadcast_in_dim3A_2382 : vector<16xi1>, vector<16xi32>
    %add3A_2384 = arith.addi %add3A_2377, %select_n3A_2383 : vector<16xi32>
    %gt3A_2385 = arith.cmpf ogt, %get3A_2280, %get3A_2250 : vector<16xf32>
    %jit3A_2386 = arith.constant 1 : i32
    %jit3A_2387 = arith.constant 0 : i32
    %broadcast_in_dim3A_2388 = vector.broadcast %jit3A_2386 : i32 to vector<16xi32>
    %broadcast_in_dim3A_2389 = vector.broadcast %jit3A_2387 : i32 to vector<16xi32>
    %select_n3A_2390 = arith.select %gt3A_2385, %broadcast_in_dim3A_2388, %broadcast_in_dim3A_2389 : vector<16xi1>, vector<16xi32>
    %add3A_2391 = arith.addi %add3A_2384, %select_n3A_2390 : vector<16xi32>
    %lt3A_2392 = arith.constant 2 : i32
    %lt3A_2393 = vector.broadcast %lt3A_2392 : i32 to vector<16xi32>
    %lt3A_2394 = arith.cmpi slt, %add3A_2391, %lt3A_2393 : vector<16xi32>
    %sub3A_2395 = arith.subf %get3A_2250, %max3A_2287 : vector<16xf32>
    %exp3A_2396 = math.exp %sub3A_2395 : vector<16xf32>
    %jit3A_2397 = arith.constant 0.000000e+00 : f32
    %broadcast_in_dim3A_2398 = vector.broadcast %jit3A_2397 : f32 to vector<16xf32>
    %select_n3A_2399 = arith.select %lt3A_2394, %exp3A_2396, %broadcast_in_dim3A_2398 : vector<16xi1>, vector<16xf32>
    %add3A_2400 = arith.addf %select_n3A_2343, %select_n3A_2399 : vector<16xf32>
    %ge3A_2401 = arith.cmpf oge, %get3A_2245, %get3A_2255 : vector<16xf32>
    %jit3A_2402 = arith.constant 1 : i32
    %jit3A_2403 = arith.constant 0 : i32
    %broadcast_in_dim3A_2404 = vector.broadcast %jit3A_2402 : i32 to vector<16xi32>
    %broadcast_in_dim3A_2405 = vector.broadcast %jit3A_2403 : i32 to vector<16xi32>
    %select_n3A_2406 = arith.select %ge3A_2401, %broadcast_in_dim3A_2404, %broadcast_in_dim3A_2405 : vector<16xi1>, vector<16xi32>
    %ge3A_2407 = arith.cmpf oge, %get3A_2250, %get3A_2255 : vector<16xf32>
    %jit3A_2408 = arith.constant 1 : i32
    %jit3A_2409 = arith.constant 0 : i32
    %broadcast_in_dim3A_2410 = vector.broadcast %jit3A_2408 : i32 to vector<16xi32>
    %broadcast_in_dim3A_2411 = vector.broadcast %jit3A_2409 : i32 to vector<16xi32>
    %select_n3A_2412 = arith.select %ge3A_2407, %broadcast_in_dim3A_2410, %broadcast_in_dim3A_2411 : vector<16xi1>, vector<16xi32>
    %add3A_2413 = arith.addi %select_n3A_2406, %select_n3A_2412 : vector<16xi32>
    %gt3A_2414 = arith.cmpf ogt, %get3A_2260, %get3A_2255 : vector<16xf32>
    %jit3A_2415 = arith.constant 1 : i32
    %jit3A_2416 = arith.constant 0 : i32
    %broadcast_in_dim3A_2417 = vector.broadcast %jit3A_2415 : i32 to vector<16xi32>
    %broadcast_in_dim3A_2418 = vector.broadcast %jit3A_2416 : i32 to vector<16xi32>
    %select_n3A_2419 = arith.select %gt3A_2414, %broadcast_in_dim3A_2417, %broadcast_in_dim3A_2418 : vector<16xi1>, vector<16xi32>
    %add3A_2420 = arith.addi %add3A_2413, %select_n3A_2419 : vector<16xi32>
    %gt3A_2421 = arith.cmpf ogt, %get3A_2265, %get3A_2255 : vector<16xf32>
    %jit3A_2422 = arith.constant 1 : i32
    %jit3A_2423 = arith.constant 0 : i32
    %broadcast_in_dim3A_2424 = vector.broadcast %jit3A_2422 : i32 to vector<16xi32>
    %broadcast_in_dim3A_2425 = vector.broadcast %jit3A_2423 : i32 to vector<16xi32>
    %select_n3A_2426 = arith.select %gt3A_2421, %broadcast_in_dim3A_2424, %broadcast_in_dim3A_2425 : vector<16xi1>, vector<16xi32>
    %add3A_2427 = arith.addi %add3A_2420, %select_n3A_2426 : vector<16xi32>
    %gt3A_2428 = arith.cmpf ogt, %get3A_2270, %get3A_2255 : vector<16xf32>
    %jit3A_2429 = arith.constant 1 : i32
    %jit3A_2430 = arith.constant 0 : i32
    %broadcast_in_dim3A_2431 = vector.broadcast %jit3A_2429 : i32 to vector<16xi32>
    %broadcast_in_dim3A_2432 = vector.broadcast %jit3A_2430 : i32 to vector<16xi32>
    %select_n3A_2433 = arith.select %gt3A_2428, %broadcast_in_dim3A_2431, %broadcast_in_dim3A_2432 : vector<16xi1>, vector<16xi32>
    %add3A_2434 = arith.addi %add3A_2427, %select_n3A_2433 : vector<16xi32>
    %gt3A_2435 = arith.cmpf ogt, %get3A_2275, %get3A_2255 : vector<16xf32>
    %jit3A_2436 = arith.constant 1 : i32
    %jit3A_2437 = arith.constant 0 : i32
    %broadcast_in_dim3A_2438 = vector.broadcast %jit3A_2436 : i32 to vector<16xi32>
    %broadcast_in_dim3A_2439 = vector.broadcast %jit3A_2437 : i32 to vector<16xi32>
    %select_n3A_2440 = arith.select %gt3A_2435, %broadcast_in_dim3A_2438, %broadcast_in_dim3A_2439 : vector<16xi1>, vector<16xi32>
    %add3A_2441 = arith.addi %add3A_2434, %select_n3A_2440 : vector<16xi32>
    %gt3A_2442 = arith.cmpf ogt, %get3A_2280, %get3A_2255 : vector<16xf32>
    %jit3A_2443 = arith.constant 1 : i32
    %jit3A_2444 = arith.constant 0 : i32
    %broadcast_in_dim3A_2445 = vector.broadcast %jit3A_2443 : i32 to vector<16xi32>
    %broadcast_in_dim3A_2446 = vector.broadcast %jit3A_2444 : i32 to vector<16xi32>
    %select_n3A_2447 = arith.select %gt3A_2442, %broadcast_in_dim3A_2445, %broadcast_in_dim3A_2446 : vector<16xi1>, vector<16xi32>
    %add3A_2448 = arith.addi %add3A_2441, %select_n3A_2447 : vector<16xi32>
    %lt3A_2449 = arith.constant 2 : i32
    %lt3A_2450 = vector.broadcast %lt3A_2449 : i32 to vector<16xi32>
    %lt3A_2451 = arith.cmpi slt, %add3A_2448, %lt3A_2450 : vector<16xi32>
    %sub3A_2452 = arith.subf %get3A_2255, %max3A_2287 : vector<16xf32>
    %exp3A_2453 = math.exp %sub3A_2452 : vector<16xf32>
    %jit3A_2454 = arith.constant 0.000000e+00 : f32
    %broadcast_in_dim3A_2455 = vector.broadcast %jit3A_2454 : f32 to vector<16xf32>
    %select_n3A_2456 = arith.select %lt3A_2451, %exp3A_2453, %broadcast_in_dim3A_2455 : vector<16xi1>, vector<16xf32>
    %add3A_2457 = arith.addf %add3A_2400, %select_n3A_2456 : vector<16xf32>
    %ge3A_2458 = arith.cmpf oge, %get3A_2245, %get3A_2260 : vector<16xf32>
    %jit3A_2459 = arith.constant 1 : i32
    %jit3A_2460 = arith.constant 0 : i32
    %broadcast_in_dim3A_2461 = vector.broadcast %jit3A_2459 : i32 to vector<16xi32>
    %broadcast_in_dim3A_2462 = vector.broadcast %jit3A_2460 : i32 to vector<16xi32>
    %select_n3A_2463 = arith.select %ge3A_2458, %broadcast_in_dim3A_2461, %broadcast_in_dim3A_2462 : vector<16xi1>, vector<16xi32>
    %ge3A_2464 = arith.cmpf oge, %get3A_2250, %get3A_2260 : vector<16xf32>
    %jit3A_2465 = arith.constant 1 : i32
    %jit3A_2466 = arith.constant 0 : i32
    %broadcast_in_dim3A_2467 = vector.broadcast %jit3A_2465 : i32 to vector<16xi32>
    %broadcast_in_dim3A_2468 = vector.broadcast %jit3A_2466 : i32 to vector<16xi32>
    %select_n3A_2469 = arith.select %ge3A_2464, %broadcast_in_dim3A_2467, %broadcast_in_dim3A_2468 : vector<16xi1>, vector<16xi32>
    %add3A_2470 = arith.addi %select_n3A_2463, %select_n3A_2469 : vector<16xi32>
    %ge3A_2471 = arith.cmpf oge, %get3A_2255, %get3A_2260 : vector<16xf32>
    %jit3A_2472 = arith.constant 1 : i32
    %jit3A_2473 = arith.constant 0 : i32
    %broadcast_in_dim3A_2474 = vector.broadcast %jit3A_2472 : i32 to vector<16xi32>
    %broadcast_in_dim3A_2475 = vector.broadcast %jit3A_2473 : i32 to vector<16xi32>
    %select_n3A_2476 = arith.select %ge3A_2471, %broadcast_in_dim3A_2474, %broadcast_in_dim3A_2475 : vector<16xi1>, vector<16xi32>
    %add3A_2477 = arith.addi %add3A_2470, %select_n3A_2476 : vector<16xi32>
    %gt3A_2478 = arith.cmpf ogt, %get3A_2265, %get3A_2260 : vector<16xf32>
    %jit3A_2479 = arith.constant 1 : i32
    %jit3A_2480 = arith.constant 0 : i32
    %broadcast_in_dim3A_2481 = vector.broadcast %jit3A_2479 : i32 to vector<16xi32>
    %broadcast_in_dim3A_2482 = vector.broadcast %jit3A_2480 : i32 to vector<16xi32>
    %select_n3A_2483 = arith.select %gt3A_2478, %broadcast_in_dim3A_2481, %broadcast_in_dim3A_2482 : vector<16xi1>, vector<16xi32>
    %add3A_2484 = arith.addi %add3A_2477, %select_n3A_2483 : vector<16xi32>
    %gt3A_2485 = arith.cmpf ogt, %get3A_2270, %get3A_2260 : vector<16xf32>
    %jit3A_2486 = arith.constant 1 : i32
    %jit3A_2487 = arith.constant 0 : i32
    %broadcast_in_dim3A_2488 = vector.broadcast %jit3A_2486 : i32 to vector<16xi32>
    %broadcast_in_dim3A_2489 = vector.broadcast %jit3A_2487 : i32 to vector<16xi32>
    %select_n3A_2490 = arith.select %gt3A_2485, %broadcast_in_dim3A_2488, %broadcast_in_dim3A_2489 : vector<16xi1>, vector<16xi32>
    %add3A_2491 = arith.addi %add3A_2484, %select_n3A_2490 : vector<16xi32>
    %gt3A_2492 = arith.cmpf ogt, %get3A_2275, %get3A_2260 : vector<16xf32>
    %jit3A_2493 = arith.constant 1 : i32
    %jit3A_2494 = arith.constant 0 : i32
    %broadcast_in_dim3A_2495 = vector.broadcast %jit3A_2493 : i32 to vector<16xi32>
    %broadcast_in_dim3A_2496 = vector.broadcast %jit3A_2494 : i32 to vector<16xi32>
    %select_n3A_2497 = arith.select %gt3A_2492, %broadcast_in_dim3A_2495, %broadcast_in_dim3A_2496 : vector<16xi1>, vector<16xi32>
    %add3A_2498 = arith.addi %add3A_2491, %select_n3A_2497 : vector<16xi32>
    %gt3A_2499 = arith.cmpf ogt, %get3A_2280, %get3A_2260 : vector<16xf32>
    %jit3A_2500 = arith.constant 1 : i32
    %jit3A_2501 = arith.constant 0 : i32
    %broadcast_in_dim3A_2502 = vector.broadcast %jit3A_2500 : i32 to vector<16xi32>
    %broadcast_in_dim3A_2503 = vector.broadcast %jit3A_2501 : i32 to vector<16xi32>
    %select_n3A_2504 = arith.select %gt3A_2499, %broadcast_in_dim3A_2502, %broadcast_in_dim3A_2503 : vector<16xi1>, vector<16xi32>
    %add3A_2505 = arith.addi %add3A_2498, %select_n3A_2504 : vector<16xi32>
    %lt3A_2506 = arith.constant 2 : i32
    %lt3A_2507 = vector.broadcast %lt3A_2506 : i32 to vector<16xi32>
    %lt3A_2508 = arith.cmpi slt, %add3A_2505, %lt3A_2507 : vector<16xi32>
    %sub3A_2509 = arith.subf %get3A_2260, %max3A_2287 : vector<16xf32>
    %exp3A_2510 = math.exp %sub3A_2509 : vector<16xf32>
    %jit3A_2511 = arith.constant 0.000000e+00 : f32
    %broadcast_in_dim3A_2512 = vector.broadcast %jit3A_2511 : f32 to vector<16xf32>
    %select_n3A_2513 = arith.select %lt3A_2508, %exp3A_2510, %broadcast_in_dim3A_2512 : vector<16xi1>, vector<16xf32>
    %add3A_2514 = arith.addf %add3A_2457, %select_n3A_2513 : vector<16xf32>
    %ge3A_2515 = arith.cmpf oge, %get3A_2245, %get3A_2265 : vector<16xf32>
    %jit3A_2516 = arith.constant 1 : i32
    %jit3A_2517 = arith.constant 0 : i32
    %broadcast_in_dim3A_2518 = vector.broadcast %jit3A_2516 : i32 to vector<16xi32>
    %broadcast_in_dim3A_2519 = vector.broadcast %jit3A_2517 : i32 to vector<16xi32>
    %select_n3A_2520 = arith.select %ge3A_2515, %broadcast_in_dim3A_2518, %broadcast_in_dim3A_2519 : vector<16xi1>, vector<16xi32>
    %ge3A_2521 = arith.cmpf oge, %get3A_2250, %get3A_2265 : vector<16xf32>
    %jit3A_2522 = arith.constant 1 : i32
    %jit3A_2523 = arith.constant 0 : i32
    %broadcast_in_dim3A_2524 = vector.broadcast %jit3A_2522 : i32 to vector<16xi32>
    %broadcast_in_dim3A_2525 = vector.broadcast %jit3A_2523 : i32 to vector<16xi32>
    %select_n3A_2526 = arith.select %ge3A_2521, %broadcast_in_dim3A_2524, %broadcast_in_dim3A_2525 : vector<16xi1>, vector<16xi32>
    %add3A_2527 = arith.addi %select_n3A_2520, %select_n3A_2526 : vector<16xi32>
    %ge3A_2528 = arith.cmpf oge, %get3A_2255, %get3A_2265 : vector<16xf32>
    %jit3A_2529 = arith.constant 1 : i32
    %jit3A_2530 = arith.constant 0 : i32
    %broadcast_in_dim3A_2531 = vector.broadcast %jit3A_2529 : i32 to vector<16xi32>
    %broadcast_in_dim3A_2532 = vector.broadcast %jit3A_2530 : i32 to vector<16xi32>
    %select_n3A_2533 = arith.select %ge3A_2528, %broadcast_in_dim3A_2531, %broadcast_in_dim3A_2532 : vector<16xi1>, vector<16xi32>
    %add3A_2534 = arith.addi %add3A_2527, %select_n3A_2533 : vector<16xi32>
    %ge3A_2535 = arith.cmpf oge, %get3A_2260, %get3A_2265 : vector<16xf32>
    %jit3A_2536 = arith.constant 1 : i32
    %jit3A_2537 = arith.constant 0 : i32
    %broadcast_in_dim3A_2538 = vector.broadcast %jit3A_2536 : i32 to vector<16xi32>
    %broadcast_in_dim3A_2539 = vector.broadcast %jit3A_2537 : i32 to vector<16xi32>
    %select_n3A_2540 = arith.select %ge3A_2535, %broadcast_in_dim3A_2538, %broadcast_in_dim3A_2539 : vector<16xi1>, vector<16xi32>
    %add3A_2541 = arith.addi %add3A_2534, %select_n3A_2540 : vector<16xi32>
    %gt3A_2542 = arith.cmpf ogt, %get3A_2270, %get3A_2265 : vector<16xf32>
    %jit3A_2543 = arith.constant 1 : i32
    %jit3A_2544 = arith.constant 0 : i32
    %broadcast_in_dim3A_2545 = vector.broadcast %jit3A_2543 : i32 to vector<16xi32>
    %broadcast_in_dim3A_2546 = vector.broadcast %jit3A_2544 : i32 to vector<16xi32>
    %select_n3A_2547 = arith.select %gt3A_2542, %broadcast_in_dim3A_2545, %broadcast_in_dim3A_2546 : vector<16xi1>, vector<16xi32>
    %add3A_2548 = arith.addi %add3A_2541, %select_n3A_2547 : vector<16xi32>
    %gt3A_2549 = arith.cmpf ogt, %get3A_2275, %get3A_2265 : vector<16xf32>
    %jit3A_2550 = arith.constant 1 : i32
    %jit3A_2551 = arith.constant 0 : i32
    %broadcast_in_dim3A_2552 = vector.broadcast %jit3A_2550 : i32 to vector<16xi32>
    %broadcast_in_dim3A_2553 = vector.broadcast %jit3A_2551 : i32 to vector<16xi32>
    %select_n3A_2554 = arith.select %gt3A_2549, %broadcast_in_dim3A_2552, %broadcast_in_dim3A_2553 : vector<16xi1>, vector<16xi32>
    %add3A_2555 = arith.addi %add3A_2548, %select_n3A_2554 : vector<16xi32>
    %gt3A_2556 = arith.cmpf ogt, %get3A_2280, %get3A_2265 : vector<16xf32>
    %jit3A_2557 = arith.constant 1 : i32
    %jit3A_2558 = arith.constant 0 : i32
    %broadcast_in_dim3A_2559 = vector.broadcast %jit3A_2557 : i32 to vector<16xi32>
    %broadcast_in_dim3A_2560 = vector.broadcast %jit3A_2558 : i32 to vector<16xi32>
    %select_n3A_2561 = arith.select %gt3A_2556, %broadcast_in_dim3A_2559, %broadcast_in_dim3A_2560 : vector<16xi1>, vector<16xi32>
    %add3A_2562 = arith.addi %add3A_2555, %select_n3A_2561 : vector<16xi32>
    %lt3A_2563 = arith.constant 2 : i32
    %lt3A_2564 = vector.broadcast %lt3A_2563 : i32 to vector<16xi32>
    %lt3A_2565 = arith.cmpi slt, %add3A_2562, %lt3A_2564 : vector<16xi32>
    %sub3A_2566 = arith.subf %get3A_2265, %max3A_2287 : vector<16xf32>
    %exp3A_2567 = math.exp %sub3A_2566 : vector<16xf32>
    %jit3A_2568 = arith.constant 0.000000e+00 : f32
    %broadcast_in_dim3A_2569 = vector.broadcast %jit3A_2568 : f32 to vector<16xf32>
    %select_n3A_2570 = arith.select %lt3A_2565, %exp3A_2567, %broadcast_in_dim3A_2569 : vector<16xi1>, vector<16xf32>
    %add3A_2571 = arith.addf %add3A_2514, %select_n3A_2570 : vector<16xf32>
    %ge3A_2572 = arith.cmpf oge, %get3A_2245, %get3A_2270 : vector<16xf32>
    %jit3A_2573 = arith.constant 1 : i32
    %jit3A_2574 = arith.constant 0 : i32
    %broadcast_in_dim3A_2575 = vector.broadcast %jit3A_2573 : i32 to vector<16xi32>
    %broadcast_in_dim3A_2576 = vector.broadcast %jit3A_2574 : i32 to vector<16xi32>
    %select_n3A_2577 = arith.select %ge3A_2572, %broadcast_in_dim3A_2575, %broadcast_in_dim3A_2576 : vector<16xi1>, vector<16xi32>
    %ge3A_2578 = arith.cmpf oge, %get3A_2250, %get3A_2270 : vector<16xf32>
    %jit3A_2579 = arith.constant 1 : i32
    %jit3A_2580 = arith.constant 0 : i32
    %broadcast_in_dim3A_2581 = vector.broadcast %jit3A_2579 : i32 to vector<16xi32>
    %broadcast_in_dim3A_2582 = vector.broadcast %jit3A_2580 : i32 to vector<16xi32>
    %select_n3A_2583 = arith.select %ge3A_2578, %broadcast_in_dim3A_2581, %broadcast_in_dim3A_2582 : vector<16xi1>, vector<16xi32>
    %add3A_2584 = arith.addi %select_n3A_2577, %select_n3A_2583 : vector<16xi32>
    %ge3A_2585 = arith.cmpf oge, %get3A_2255, %get3A_2270 : vector<16xf32>
    %jit3A_2586 = arith.constant 1 : i32
    %jit3A_2587 = arith.constant 0 : i32
    %broadcast_in_dim3A_2588 = vector.broadcast %jit3A_2586 : i32 to vector<16xi32>
    %broadcast_in_dim3A_2589 = vector.broadcast %jit3A_2587 : i32 to vector<16xi32>
    %select_n3A_2590 = arith.select %ge3A_2585, %broadcast_in_dim3A_2588, %broadcast_in_dim3A_2589 : vector<16xi1>, vector<16xi32>
    %add3A_2591 = arith.addi %add3A_2584, %select_n3A_2590 : vector<16xi32>
    %ge3A_2592 = arith.cmpf oge, %get3A_2260, %get3A_2270 : vector<16xf32>
    %jit3A_2593 = arith.constant 1 : i32
    %jit3A_2594 = arith.constant 0 : i32
    %broadcast_in_dim3A_2595 = vector.broadcast %jit3A_2593 : i32 to vector<16xi32>
    %broadcast_in_dim3A_2596 = vector.broadcast %jit3A_2594 : i32 to vector<16xi32>
    %select_n3A_2597 = arith.select %ge3A_2592, %broadcast_in_dim3A_2595, %broadcast_in_dim3A_2596 : vector<16xi1>, vector<16xi32>
    %add3A_2598 = arith.addi %add3A_2591, %select_n3A_2597 : vector<16xi32>
    %ge3A_2599 = arith.cmpf oge, %get3A_2265, %get3A_2270 : vector<16xf32>
    %jit3A_2600 = arith.constant 1 : i32
    %jit3A_2601 = arith.constant 0 : i32
    %broadcast_in_dim3A_2602 = vector.broadcast %jit3A_2600 : i32 to vector<16xi32>
    %broadcast_in_dim3A_2603 = vector.broadcast %jit3A_2601 : i32 to vector<16xi32>
    %select_n3A_2604 = arith.select %ge3A_2599, %broadcast_in_dim3A_2602, %broadcast_in_dim3A_2603 : vector<16xi1>, vector<16xi32>
    %add3A_2605 = arith.addi %add3A_2598, %select_n3A_2604 : vector<16xi32>
    %gt3A_2606 = arith.cmpf ogt, %get3A_2275, %get3A_2270 : vector<16xf32>
    %jit3A_2607 = arith.constant 1 : i32
    %jit3A_2608 = arith.constant 0 : i32
    %broadcast_in_dim3A_2609 = vector.broadcast %jit3A_2607 : i32 to vector<16xi32>
    %broadcast_in_dim3A_2610 = vector.broadcast %jit3A_2608 : i32 to vector<16xi32>
    %select_n3A_2611 = arith.select %gt3A_2606, %broadcast_in_dim3A_2609, %broadcast_in_dim3A_2610 : vector<16xi1>, vector<16xi32>
    %add3A_2612 = arith.addi %add3A_2605, %select_n3A_2611 : vector<16xi32>
    %gt3A_2613 = arith.cmpf ogt, %get3A_2280, %get3A_2270 : vector<16xf32>
    %jit3A_2614 = arith.constant 1 : i32
    %jit3A_2615 = arith.constant 0 : i32
    %broadcast_in_dim3A_2616 = vector.broadcast %jit3A_2614 : i32 to vector<16xi32>
    %broadcast_in_dim3A_2617 = vector.broadcast %jit3A_2615 : i32 to vector<16xi32>
    %select_n3A_2618 = arith.select %gt3A_2613, %broadcast_in_dim3A_2616, %broadcast_in_dim3A_2617 : vector<16xi1>, vector<16xi32>
    %add3A_2619 = arith.addi %add3A_2612, %select_n3A_2618 : vector<16xi32>
    %lt3A_2620 = arith.constant 2 : i32
    %lt3A_2621 = vector.broadcast %lt3A_2620 : i32 to vector<16xi32>
    %lt3A_2622 = arith.cmpi slt, %add3A_2619, %lt3A_2621 : vector<16xi32>
    %sub3A_2623 = arith.subf %get3A_2270, %max3A_2287 : vector<16xf32>
    %exp3A_2624 = math.exp %sub3A_2623 : vector<16xf32>
    %jit3A_2625 = arith.constant 0.000000e+00 : f32
    %broadcast_in_dim3A_2626 = vector.broadcast %jit3A_2625 : f32 to vector<16xf32>
    %select_n3A_2627 = arith.select %lt3A_2622, %exp3A_2624, %broadcast_in_dim3A_2626 : vector<16xi1>, vector<16xf32>
    %add3A_2628 = arith.addf %add3A_2571, %select_n3A_2627 : vector<16xf32>
    %ge3A_2629 = arith.cmpf oge, %get3A_2245, %get3A_2275 : vector<16xf32>
    %jit3A_2630 = arith.constant 1 : i32
    %jit3A_2631 = arith.constant 0 : i32
    %broadcast_in_dim3A_2632 = vector.broadcast %jit3A_2630 : i32 to vector<16xi32>
    %broadcast_in_dim3A_2633 = vector.broadcast %jit3A_2631 : i32 to vector<16xi32>
    %select_n3A_2634 = arith.select %ge3A_2629, %broadcast_in_dim3A_2632, %broadcast_in_dim3A_2633 : vector<16xi1>, vector<16xi32>
    %ge3A_2635 = arith.cmpf oge, %get3A_2250, %get3A_2275 : vector<16xf32>
    %jit3A_2636 = arith.constant 1 : i32
    %jit3A_2637 = arith.constant 0 : i32
    %broadcast_in_dim3A_2638 = vector.broadcast %jit3A_2636 : i32 to vector<16xi32>
    %broadcast_in_dim3A_2639 = vector.broadcast %jit3A_2637 : i32 to vector<16xi32>
    %select_n3A_2640 = arith.select %ge3A_2635, %broadcast_in_dim3A_2638, %broadcast_in_dim3A_2639 : vector<16xi1>, vector<16xi32>
    %add3A_2641 = arith.addi %select_n3A_2634, %select_n3A_2640 : vector<16xi32>
    %ge3A_2642 = arith.cmpf oge, %get3A_2255, %get3A_2275 : vector<16xf32>
    %jit3A_2643 = arith.constant 1 : i32
    %jit3A_2644 = arith.constant 0 : i32
    %broadcast_in_dim3A_2645 = vector.broadcast %jit3A_2643 : i32 to vector<16xi32>
    %broadcast_in_dim3A_2646 = vector.broadcast %jit3A_2644 : i32 to vector<16xi32>
    %select_n3A_2647 = arith.select %ge3A_2642, %broadcast_in_dim3A_2645, %broadcast_in_dim3A_2646 : vector<16xi1>, vector<16xi32>
    %add3A_2648 = arith.addi %add3A_2641, %select_n3A_2647 : vector<16xi32>
    %ge3A_2649 = arith.cmpf oge, %get3A_2260, %get3A_2275 : vector<16xf32>
    %jit3A_2650 = arith.constant 1 : i32
    %jit3A_2651 = arith.constant 0 : i32
    %broadcast_in_dim3A_2652 = vector.broadcast %jit3A_2650 : i32 to vector<16xi32>
    %broadcast_in_dim3A_2653 = vector.broadcast %jit3A_2651 : i32 to vector<16xi32>
    %select_n3A_2654 = arith.select %ge3A_2649, %broadcast_in_dim3A_2652, %broadcast_in_dim3A_2653 : vector<16xi1>, vector<16xi32>
    %add3A_2655 = arith.addi %add3A_2648, %select_n3A_2654 : vector<16xi32>
    %ge3A_2656 = arith.cmpf oge, %get3A_2265, %get3A_2275 : vector<16xf32>
    %jit3A_2657 = arith.constant 1 : i32
    %jit3A_2658 = arith.constant 0 : i32
    %broadcast_in_dim3A_2659 = vector.broadcast %jit3A_2657 : i32 to vector<16xi32>
    %broadcast_in_dim3A_2660 = vector.broadcast %jit3A_2658 : i32 to vector<16xi32>
    %select_n3A_2661 = arith.select %ge3A_2656, %broadcast_in_dim3A_2659, %broadcast_in_dim3A_2660 : vector<16xi1>, vector<16xi32>
    %add3A_2662 = arith.addi %add3A_2655, %select_n3A_2661 : vector<16xi32>
    %ge3A_2663 = arith.cmpf oge, %get3A_2270, %get3A_2275 : vector<16xf32>
    %jit3A_2664 = arith.constant 1 : i32
    %jit3A_2665 = arith.constant 0 : i32
    %broadcast_in_dim3A_2666 = vector.broadcast %jit3A_2664 : i32 to vector<16xi32>
    %broadcast_in_dim3A_2667 = vector.broadcast %jit3A_2665 : i32 to vector<16xi32>
    %select_n3A_2668 = arith.select %ge3A_2663, %broadcast_in_dim3A_2666, %broadcast_in_dim3A_2667 : vector<16xi1>, vector<16xi32>
    %add3A_2669 = arith.addi %add3A_2662, %select_n3A_2668 : vector<16xi32>
    %gt3A_2670 = arith.cmpf ogt, %get3A_2280, %get3A_2275 : vector<16xf32>
    %jit3A_2671 = arith.constant 1 : i32
    %jit3A_2672 = arith.constant 0 : i32
    %broadcast_in_dim3A_2673 = vector.broadcast %jit3A_2671 : i32 to vector<16xi32>
    %broadcast_in_dim3A_2674 = vector.broadcast %jit3A_2672 : i32 to vector<16xi32>
    %select_n3A_2675 = arith.select %gt3A_2670, %broadcast_in_dim3A_2673, %broadcast_in_dim3A_2674 : vector<16xi1>, vector<16xi32>
    %add3A_2676 = arith.addi %add3A_2669, %select_n3A_2675 : vector<16xi32>
    %lt3A_2677 = arith.constant 2 : i32
    %lt3A_2678 = vector.broadcast %lt3A_2677 : i32 to vector<16xi32>
    %lt3A_2679 = arith.cmpi slt, %add3A_2676, %lt3A_2678 : vector<16xi32>
    %sub3A_2680 = arith.subf %get3A_2275, %max3A_2287 : vector<16xf32>
    %exp3A_2681 = math.exp %sub3A_2680 : vector<16xf32>
    %jit3A_2682 = arith.constant 0.000000e+00 : f32
    %broadcast_in_dim3A_2683 = vector.broadcast %jit3A_2682 : f32 to vector<16xf32>
    %select_n3A_2684 = arith.select %lt3A_2679, %exp3A_2681, %broadcast_in_dim3A_2683 : vector<16xi1>, vector<16xf32>
    %add3A_2685 = arith.addf %add3A_2628, %select_n3A_2684 : vector<16xf32>
    %ge3A_2686 = arith.cmpf oge, %get3A_2245, %get3A_2280 : vector<16xf32>
    %jit3A_2687 = arith.constant 1 : i32
    %jit3A_2688 = arith.constant 0 : i32
    %broadcast_in_dim3A_2689 = vector.broadcast %jit3A_2687 : i32 to vector<16xi32>
    %broadcast_in_dim3A_2690 = vector.broadcast %jit3A_2688 : i32 to vector<16xi32>
    %select_n3A_2691 = arith.select %ge3A_2686, %broadcast_in_dim3A_2689, %broadcast_in_dim3A_2690 : vector<16xi1>, vector<16xi32>
    %ge3A_2692 = arith.cmpf oge, %get3A_2250, %get3A_2280 : vector<16xf32>
    %jit3A_2693 = arith.constant 1 : i32
    %jit3A_2694 = arith.constant 0 : i32
    %broadcast_in_dim3A_2695 = vector.broadcast %jit3A_2693 : i32 to vector<16xi32>
    %broadcast_in_dim3A_2696 = vector.broadcast %jit3A_2694 : i32 to vector<16xi32>
    %select_n3A_2697 = arith.select %ge3A_2692, %broadcast_in_dim3A_2695, %broadcast_in_dim3A_2696 : vector<16xi1>, vector<16xi32>
    %add3A_2698 = arith.addi %select_n3A_2691, %select_n3A_2697 : vector<16xi32>
    %ge3A_2699 = arith.cmpf oge, %get3A_2255, %get3A_2280 : vector<16xf32>
    %jit3A_2700 = arith.constant 1 : i32
    %jit3A_2701 = arith.constant 0 : i32
    %broadcast_in_dim3A_2702 = vector.broadcast %jit3A_2700 : i32 to vector<16xi32>
    %broadcast_in_dim3A_2703 = vector.broadcast %jit3A_2701 : i32 to vector<16xi32>
    %select_n3A_2704 = arith.select %ge3A_2699, %broadcast_in_dim3A_2702, %broadcast_in_dim3A_2703 : vector<16xi1>, vector<16xi32>
    %add3A_2705 = arith.addi %add3A_2698, %select_n3A_2704 : vector<16xi32>
    %ge3A_2706 = arith.cmpf oge, %get3A_2260, %get3A_2280 : vector<16xf32>
    %jit3A_2707 = arith.constant 1 : i32
    %jit3A_2708 = arith.constant 0 : i32
    %broadcast_in_dim3A_2709 = vector.broadcast %jit3A_2707 : i32 to vector<16xi32>
    %broadcast_in_dim3A_2710 = vector.broadcast %jit3A_2708 : i32 to vector<16xi32>
    %select_n3A_2711 = arith.select %ge3A_2706, %broadcast_in_dim3A_2709, %broadcast_in_dim3A_2710 : vector<16xi1>, vector<16xi32>
    %add3A_2712 = arith.addi %add3A_2705, %select_n3A_2711 : vector<16xi32>
    %ge3A_2713 = arith.cmpf oge, %get3A_2265, %get3A_2280 : vector<16xf32>
    %jit3A_2714 = arith.constant 1 : i32
    %jit3A_2715 = arith.constant 0 : i32
    %broadcast_in_dim3A_2716 = vector.broadcast %jit3A_2714 : i32 to vector<16xi32>
    %broadcast_in_dim3A_2717 = vector.broadcast %jit3A_2715 : i32 to vector<16xi32>
    %select_n3A_2718 = arith.select %ge3A_2713, %broadcast_in_dim3A_2716, %broadcast_in_dim3A_2717 : vector<16xi1>, vector<16xi32>
    %add3A_2719 = arith.addi %add3A_2712, %select_n3A_2718 : vector<16xi32>
    %ge3A_2720 = arith.cmpf oge, %get3A_2270, %get3A_2280 : vector<16xf32>
    %jit3A_2721 = arith.constant 1 : i32
    %jit3A_2722 = arith.constant 0 : i32
    %broadcast_in_dim3A_2723 = vector.broadcast %jit3A_2721 : i32 to vector<16xi32>
    %broadcast_in_dim3A_2724 = vector.broadcast %jit3A_2722 : i32 to vector<16xi32>
    %select_n3A_2725 = arith.select %ge3A_2720, %broadcast_in_dim3A_2723, %broadcast_in_dim3A_2724 : vector<16xi1>, vector<16xi32>
    %add3A_2726 = arith.addi %add3A_2719, %select_n3A_2725 : vector<16xi32>
    %ge3A_2727 = arith.cmpf oge, %get3A_2275, %get3A_2280 : vector<16xf32>
    %jit3A_2728 = arith.constant 1 : i32
    %jit3A_2729 = arith.constant 0 : i32
    %broadcast_in_dim3A_2730 = vector.broadcast %jit3A_2728 : i32 to vector<16xi32>
    %broadcast_in_dim3A_2731 = vector.broadcast %jit3A_2729 : i32 to vector<16xi32>
    %select_n3A_2732 = arith.select %ge3A_2727, %broadcast_in_dim3A_2730, %broadcast_in_dim3A_2731 : vector<16xi1>, vector<16xi32>
    %add3A_2733 = arith.addi %add3A_2726, %select_n3A_2732 : vector<16xi32>
    %lt3A_2734 = arith.constant 2 : i32
    %lt3A_2735 = vector.broadcast %lt3A_2734 : i32 to vector<16xi32>
    %lt3A_2736 = arith.cmpi slt, %add3A_2733, %lt3A_2735 : vector<16xi32>
    %sub3A_2737 = arith.subf %get3A_2280, %max3A_2287 : vector<16xf32>
    %exp3A_2738 = math.exp %sub3A_2737 : vector<16xf32>
    %jit3A_2739 = arith.constant 0.000000e+00 : f32
    %broadcast_in_dim3A_2740 = vector.broadcast %jit3A_2739 : f32 to vector<16xf32>
    %select_n3A_2741 = arith.select %lt3A_2736, %exp3A_2738, %broadcast_in_dim3A_2740 : vector<16xi1>, vector<16xf32>
    %add3A_2742 = arith.addf %add3A_2685, %select_n3A_2741 : vector<16xf32>
    %div3A_2743 = arith.constant 1.000000e+00 : f32
    %div3A_2744 = vector.broadcast %div3A_2743 : f32 to vector<16xf32>
    %div3A_2745 = arith.divf %div3A_2744, %add3A_2742 : vector<16xf32>
    %mul3A_2746 = arith.mulf %select_n3A_2343, %div3A_2745 : vector<16xf32>
    %swap3A_2747 = arith.constant 0 : i32
    %swap3A_2748 = arith.index_cast %swap3A_2747 : i32 to index
    %swap3A_2749 = arith.constant 64 : index
    %swap3A_2750 = tpu.vector_load %arg5[%swap3A_2748, %swap3A_2749] {strides = array<i32>} : memref<8x128xf32, #tpu.memory_space<vmem>>, vector<1x16xf32>,
    %swap3A_2751 = vector.shape_cast %swap3A_2750 : vector<1x16xf32> to vector<16xf32>
    %swap3A_2752 = vector.shape_cast %mul3A_2746 : vector<16xf32> to vector<1x16xf32>
    tpu.vector_store %arg5[%swap3A_2748, %swap3A_2749], %swap3A_2752 {strides = array<i32>} : memref<8x128xf32, #tpu.memory_space<vmem>>, vector<1x16xf32>,
    %mul3A_2753 = arith.mulf %select_n3A_2399, %div3A_2745 : vector<16xf32>
    %swap3A_2754 = arith.constant 1 : i32
    %swap3A_2755 = arith.index_cast %swap3A_2754 : i32 to index
    %swap3A_2756 = arith.constant 64 : index
    %swap3A_2757 = tpu.vector_load %arg5[%swap3A_2755, %swap3A_2756] {strides = array<i32>} : memref<8x128xf32, #tpu.memory_space<vmem>>, vector<1x16xf32>,
    %swap3A_2758 = vector.shape_cast %swap3A_2757 : vector<1x16xf32> to vector<16xf32>
    %swap3A_2759 = vector.shape_cast %mul3A_2753 : vector<16xf32> to vector<1x16xf32>
    tpu.vector_store %arg5[%swap3A_2755, %swap3A_2756], %swap3A_2759 {strides = array<i32>} : memref<8x128xf32, #tpu.memory_space<vmem>>, vector<1x16xf32>,
    %mul3A_2760 = arith.mulf %select_n3A_2456, %div3A_2745 : vector<16xf32>
    %swap3A_2761 = arith.constant 2 : i32
    %swap3A_2762 = arith.index_cast %swap3A_2761 : i32 to index
    %swap3A_2763 = arith.constant 64 : index
    %swap3A_2764 = tpu.vector_load %arg5[%swap3A_2762, %swap3A_2763] {strides = array<i32>} : memref<8x128xf32, #tpu.memory_space<vmem>>, vector<1x16xf32>,
    %swap3A_2765 = vector.shape_cast %swap3A_2764 : vector<1x16xf32> to vector<16xf32>
    %swap3A_2766 = vector.shape_cast %mul3A_2760 : vector<16xf32> to vector<1x16xf32>
    tpu.vector_store %arg5[%swap3A_2762, %swap3A_2763], %swap3A_2766 {strides = array<i32>} : memref<8x128xf32, #tpu.memory_space<vmem>>, vector<1x16xf32>,
    %mul3A_2767 = arith.mulf %select_n3A_2513, %div3A_2745 : vector<16xf32>
    %swap3A_2768 = arith.constant 3 : i32
    %swap3A_2769 = arith.index_cast %swap3A_2768 : i32 to index
    %swap3A_2770 = arith.constant 64 : index
    %swap3A_2771 = tpu.vector_load %arg5[%swap3A_2769, %swap3A_2770] {strides = array<i32>} : memref<8x128xf32, #tpu.memory_space<vmem>>, vector<1x16xf32>,
    %swap3A_2772 = vector.shape_cast %swap3A_2771 : vector<1x16xf32> to vector<16xf32>
    %swap3A_2773 = vector.shape_cast %mul3A_2767 : vector<16xf32> to vector<1x16xf32>
    tpu.vector_store %arg5[%swap3A_2769, %swap3A_2770], %swap3A_2773 {strides = array<i32>} : memref<8x128xf32, #tpu.memory_space<vmem>>, vector<1x16xf32>,
    %mul3A_2774 = arith.mulf %select_n3A_2570, %div3A_2745 : vector<16xf32>
    %swap3A_2775 = arith.constant 4 : i32
    %swap3A_2776 = arith.index_cast %swap3A_2775 : i32 to index
    %swap3A_2777 = arith.constant 64 : index
    %swap3A_2778 = tpu.vector_load %arg5[%swap3A_2776, %swap3A_2777] {strides = array<i32>} : memref<8x128xf32, #tpu.memory_space<vmem>>, vector<1x16xf32>,
    %swap3A_2779 = vector.shape_cast %swap3A_2778 : vector<1x16xf32> to vector<16xf32>
    %swap3A_2780 = vector.shape_cast %mul3A_2774 : vector<16xf32> to vector<1x16xf32>
    tpu.vector_store %arg5[%swap3A_2776, %swap3A_2777], %swap3A_2780 {strides = array<i32>} : memref<8x128xf32, #tpu.memory_space<vmem>>, vector<1x16xf32>,
    %mul3A_2781 = arith.mulf %select_n3A_2627, %div3A_2745 : vector<16xf32>
    %swap3A_2782 = arith.constant 5 : i32
    %swap3A_2783 = arith.index_cast %swap3A_2782 : i32 to index
    %swap3A_2784 = arith.constant 64 : index
    %swap3A_2785 = tpu.vector_load %arg5[%swap3A_2783, %swap3A_2784] {strides = array<i32>} : memref<8x128xf32, #tpu.memory_space<vmem>>, vector<1x16xf32>,
    %swap3A_2786 = vector.shape_cast %swap3A_2785 : vector<1x16xf32> to vector<16xf32>
    %swap3A_2787 = vector.shape_cast %mul3A_2781 : vector<16xf32> to vector<1x16xf32>
    tpu.vector_store %arg5[%swap3A_2783, %swap3A_2784], %swap3A_2787 {strides = array<i32>} : memref<8x128xf32, #tpu.memory_space<vmem>>, vector<1x16xf32>,
    %mul3A_2788 = arith.mulf %select_n3A_2684, %div3A_2745 : vector<16xf32>
    %swap3A_2789 = arith.constant 6 : i32
    %swap3A_2790 = arith.index_cast %swap3A_2789 : i32 to index
    %swap3A_2791 = arith.constant 64 : index
    %swap3A_2792 = tpu.vector_load %arg5[%swap3A_2790, %swap3A_2791] {strides = array<i32>} : memref<8x128xf32, #tpu.memory_space<vmem>>, vector<1x16xf32>,
    %swap3A_2793 = vector.shape_cast %swap3A_2792 : vector<1x16xf32> to vector<16xf32>
    %swap3A_2794 = vector.shape_cast %mul3A_2788 : vector<16xf32> to vector<1x16xf32>
    tpu.vector_store %arg5[%swap3A_2790, %swap3A_2791], %swap3A_2794 {strides = array<i32>} : memref<8x128xf32, #tpu.memory_space<vmem>>, vector<1x16xf32>,
    %mul3A_2795 = arith.mulf %select_n3A_2741, %div3A_2745 : vector<16xf32>
    %swap3A_2796 = arith.constant 7 : i32
    %swap3A_2797 = arith.index_cast %swap3A_2796 : i32 to index
    %swap3A_2798 = arith.constant 64 : index
    %swap3A_2799 = tpu.vector_load %arg5[%swap3A_2797, %swap3A_2798] {strides = array<i32>} : memref<8x128xf32, #tpu.memory_space<vmem>>, vector<1x16xf32>,
    %swap3A_2800 = vector.shape_cast %swap3A_2799 : vector<1x16xf32> to vector<16xf32>
    %swap3A_2801 = vector.shape_cast %mul3A_2795 : vector<16xf32> to vector<1x16xf32>
    tpu.vector_store %arg5[%swap3A_2797, %swap3A_2798], %swap3A_2801 {strides = array<i32>} : memref<8x128xf32, #tpu.memory_space<vmem>>, vector<1x16xf32>,
    %get3A_2802 = arith.constant 0 : i32
    %get3A_2803 = arith.index_cast %get3A_2802 : i32 to index
    %get3A_2804 = arith.constant 80 : index
    %get3A_2805 = tpu.vector_load %arg4[%get3A_2803, %get3A_2804] {strides = array<i32>} : memref<8x128xf32, #tpu.memory_space<vmem>>, vector<1x16xf32>,
    %get3A_2806 = vector.shape_cast %get3A_2805 : vector<1x16xf32> to vector<16xf32>
    %get3A_2807 = arith.constant 1 : i32
    %get3A_2808 = arith.index_cast %get3A_2807 : i32 to index
    %get3A_2809 = arith.constant 80 : index
    %get3A_2810 = tpu.vector_load %arg4[%get3A_2808, %get3A_2809] {strides = array<i32>} : memref<8x128xf32, #tpu.memory_space<vmem>>, vector<1x16xf32>,
    %get3A_2811 = vector.shape_cast %get3A_2810 : vector<1x16xf32> to vector<16xf32>
    %get3A_2812 = arith.constant 2 : i32
    %get3A_2813 = arith.index_cast %get3A_2812 : i32 to index
    %get3A_2814 = arith.constant 80 : index
    %get3A_2815 = tpu.vector_load %arg4[%get3A_2813, %get3A_2814] {strides = array<i32>} : memref<8x128xf32, #tpu.memory_space<vmem>>, vector<1x16xf32>,
    %get3A_2816 = vector.shape_cast %get3A_2815 : vector<1x16xf32> to vector<16xf32>
    %get3A_2817 = arith.constant 3 : i32
    %get3A_2818 = arith.index_cast %get3A_2817 : i32 to index
    %get3A_2819 = arith.constant 80 : index
    %get3A_2820 = tpu.vector_load %arg4[%get3A_2818, %get3A_2819] {strides = array<i32>} : memref<8x128xf32, #tpu.memory_space<vmem>>, vector<1x16xf32>,
    %get3A_2821 = vector.shape_cast %get3A_2820 : vector<1x16xf32> to vector<16xf32>
    %get3A_2822 = arith.constant 4 : i32
    %get3A_2823 = arith.index_cast %get3A_2822 : i32 to index
    %get3A_2824 = arith.constant 80 : index
    %get3A_2825 = tpu.vector_load %arg4[%get3A_2823, %get3A_2824] {strides = array<i32>} : memref<8x128xf32, #tpu.memory_space<vmem>>, vector<1x16xf32>,
    %get3A_2826 = vector.shape_cast %get3A_2825 : vector<1x16xf32> to vector<16xf32>
    %get3A_2827 = arith.constant 5 : i32
    %get3A_2828 = arith.index_cast %get3A_2827 : i32 to index
    %get3A_2829 = arith.constant 80 : index
    %get3A_2830 = tpu.vector_load %arg4[%get3A_2828, %get3A_2829] {strides = array<i32>} : memref<8x128xf32, #tpu.memory_space<vmem>>, vector<1x16xf32>,
    %get3A_2831 = vector.shape_cast %get3A_2830 : vector<1x16xf32> to vector<16xf32>
    %get3A_2832 = arith.constant 6 : i32
    %get3A_2833 = arith.index_cast %get3A_2832 : i32 to index
    %get3A_2834 = arith.constant 80 : index
    %get3A_2835 = tpu.vector_load %arg4[%get3A_2833, %get3A_2834] {strides = array<i32>} : memref<8x128xf32, #tpu.memory_space<vmem>>, vector<1x16xf32>,
    %get3A_2836 = vector.shape_cast %get3A_2835 : vector<1x16xf32> to vector<16xf32>
    %get3A_2837 = arith.constant 7 : i32
    %get3A_2838 = arith.index_cast %get3A_2837 : i32 to index
    %get3A_2839 = arith.constant 80 : index
    %get3A_2840 = tpu.vector_load %arg4[%get3A_2838, %get3A_2839] {strides = array<i32>} : memref<8x128xf32, #tpu.memory_space<vmem>>, vector<1x16xf32>,
    %get3A_2841 = vector.shape_cast %get3A_2840 : vector<1x16xf32> to vector<16xf32>
    %max3A_2842 = arith.maximumf %get3A_2806, %get3A_2811 : vector<16xf32>
    %max3A_2843 = arith.maximumf %max3A_2842, %get3A_2816 : vector<16xf32>
    %max3A_2844 = arith.maximumf %max3A_2843, %get3A_2821 : vector<16xf32>
    %max3A_2845 = arith.maximumf %max3A_2844, %get3A_2826 : vector<16xf32>
    %max3A_2846 = arith.maximumf %max3A_2845, %get3A_2831 : vector<16xf32>
    %max3A_2847 = arith.maximumf %max3A_2846, %get3A_2836 : vector<16xf32>
    %max3A_2848 = arith.maximumf %max3A_2847, %get3A_2841 : vector<16xf32>
    %gt3A_2849 = arith.cmpf ogt, %get3A_2811, %get3A_2806 : vector<16xf32>
    %jit3A_2850 = arith.constant 1 : i32
    %jit3A_2851 = arith.constant 0 : i32
    %broadcast_in_dim3A_2852 = vector.broadcast %jit3A_2850 : i32 to vector<16xi32>
    %broadcast_in_dim3A_2853 = vector.broadcast %jit3A_2851 : i32 to vector<16xi32>
    %select_n3A_2854 = arith.select %gt3A_2849, %broadcast_in_dim3A_2852, %broadcast_in_dim3A_2853 : vector<16xi1>, vector<16xi32>
    %gt3A_2855 = arith.cmpf ogt, %get3A_2816, %get3A_2806 : vector<16xf32>
    %jit3A_2856 = arith.constant 1 : i32
    %jit3A_2857 = arith.constant 0 : i32
    %broadcast_in_dim3A_2858 = vector.broadcast %jit3A_2856 : i32 to vector<16xi32>
    %broadcast_in_dim3A_2859 = vector.broadcast %jit3A_2857 : i32 to vector<16xi32>
    %select_n3A_2860 = arith.select %gt3A_2855, %broadcast_in_dim3A_2858, %broadcast_in_dim3A_2859 : vector<16xi1>, vector<16xi32>
    %add3A_2861 = arith.addi %select_n3A_2854, %select_n3A_2860 : vector<16xi32>
    %gt3A_2862 = arith.cmpf ogt, %get3A_2821, %get3A_2806 : vector<16xf32>
    %jit3A_2863 = arith.constant 1 : i32
    %jit3A_2864 = arith.constant 0 : i32
    %broadcast_in_dim3A_2865 = vector.broadcast %jit3A_2863 : i32 to vector<16xi32>
    %broadcast_in_dim3A_2866 = vector.broadcast %jit3A_2864 : i32 to vector<16xi32>
    %select_n3A_2867 = arith.select %gt3A_2862, %broadcast_in_dim3A_2865, %broadcast_in_dim3A_2866 : vector<16xi1>, vector<16xi32>
    %add3A_2868 = arith.addi %add3A_2861, %select_n3A_2867 : vector<16xi32>
    %gt3A_2869 = arith.cmpf ogt, %get3A_2826, %get3A_2806 : vector<16xf32>
    %jit3A_2870 = arith.constant 1 : i32
    %jit3A_2871 = arith.constant 0 : i32
    %broadcast_in_dim3A_2872 = vector.broadcast %jit3A_2870 : i32 to vector<16xi32>
    %broadcast_in_dim3A_2873 = vector.broadcast %jit3A_2871 : i32 to vector<16xi32>
    %select_n3A_2874 = arith.select %gt3A_2869, %broadcast_in_dim3A_2872, %broadcast_in_dim3A_2873 : vector<16xi1>, vector<16xi32>
    %add3A_2875 = arith.addi %add3A_2868, %select_n3A_2874 : vector<16xi32>
    %gt3A_2876 = arith.cmpf ogt, %get3A_2831, %get3A_2806 : vector<16xf32>
    %jit3A_2877 = arith.constant 1 : i32
    %jit3A_2878 = arith.constant 0 : i32
    %broadcast_in_dim3A_2879 = vector.broadcast %jit3A_2877 : i32 to vector<16xi32>
    %broadcast_in_dim3A_2880 = vector.broadcast %jit3A_2878 : i32 to vector<16xi32>
    %select_n3A_2881 = arith.select %gt3A_2876, %broadcast_in_dim3A_2879, %broadcast_in_dim3A_2880 : vector<16xi1>, vector<16xi32>
    %add3A_2882 = arith.addi %add3A_2875, %select_n3A_2881 : vector<16xi32>
    %gt3A_2883 = arith.cmpf ogt, %get3A_2836, %get3A_2806 : vector<16xf32>
    %jit3A_2884 = arith.constant 1 : i32
    %jit3A_2885 = arith.constant 0 : i32
    %broadcast_in_dim3A_2886 = vector.broadcast %jit3A_2884 : i32 to vector<16xi32>
    %broadcast_in_dim3A_2887 = vector.broadcast %jit3A_2885 : i32 to vector<16xi32>
    %select_n3A_2888 = arith.select %gt3A_2883, %broadcast_in_dim3A_2886, %broadcast_in_dim3A_2887 : vector<16xi1>, vector<16xi32>
    %add3A_2889 = arith.addi %add3A_2882, %select_n3A_2888 : vector<16xi32>
    %gt3A_2890 = arith.cmpf ogt, %get3A_2841, %get3A_2806 : vector<16xf32>
    %jit3A_2891 = arith.constant 1 : i32
    %jit3A_2892 = arith.constant 0 : i32
    %broadcast_in_dim3A_2893 = vector.broadcast %jit3A_2891 : i32 to vector<16xi32>
    %broadcast_in_dim3A_2894 = vector.broadcast %jit3A_2892 : i32 to vector<16xi32>
    %select_n3A_2895 = arith.select %gt3A_2890, %broadcast_in_dim3A_2893, %broadcast_in_dim3A_2894 : vector<16xi1>, vector<16xi32>
    %add3A_2896 = arith.addi %add3A_2889, %select_n3A_2895 : vector<16xi32>
    %lt3A_2897 = arith.constant 2 : i32
    %lt3A_2898 = vector.broadcast %lt3A_2897 : i32 to vector<16xi32>
    %lt3A_2899 = arith.cmpi slt, %add3A_2896, %lt3A_2898 : vector<16xi32>
    %sub3A_2900 = arith.subf %get3A_2806, %max3A_2848 : vector<16xf32>
    %exp3A_2901 = math.exp %sub3A_2900 : vector<16xf32>
    %jit3A_2902 = arith.constant 0.000000e+00 : f32
    %broadcast_in_dim3A_2903 = vector.broadcast %jit3A_2902 : f32 to vector<16xf32>
    %select_n3A_2904 = arith.select %lt3A_2899, %exp3A_2901, %broadcast_in_dim3A_2903 : vector<16xi1>, vector<16xf32>
    %ge3A_2905 = arith.cmpf oge, %get3A_2806, %get3A_2811 : vector<16xf32>
    %jit3A_2906 = arith.constant 1 : i32
    %jit3A_2907 = arith.constant 0 : i32
    %broadcast_in_dim3A_2908 = vector.broadcast %jit3A_2906 : i32 to vector<16xi32>
    %broadcast_in_dim3A_2909 = vector.broadcast %jit3A_2907 : i32 to vector<16xi32>
    %select_n3A_2910 = arith.select %ge3A_2905, %broadcast_in_dim3A_2908, %broadcast_in_dim3A_2909 : vector<16xi1>, vector<16xi32>
    %gt3A_2911 = arith.cmpf ogt, %get3A_2816, %get3A_2811 : vector<16xf32>
    %jit3A_2912 = arith.constant 1 : i32
    %jit3A_2913 = arith.constant 0 : i32
    %broadcast_in_dim3A_2914 = vector.broadcast %jit3A_2912 : i32 to vector<16xi32>
    %broadcast_in_dim3A_2915 = vector.broadcast %jit3A_2913 : i32 to vector<16xi32>
    %select_n3A_2916 = arith.select %gt3A_2911, %broadcast_in_dim3A_2914, %broadcast_in_dim3A_2915 : vector<16xi1>, vector<16xi32>
    %add3A_2917 = arith.addi %select_n3A_2910, %select_n3A_2916 : vector<16xi32>
    %gt3A_2918 = arith.cmpf ogt, %get3A_2821, %get3A_2811 : vector<16xf32>
    %jit3A_2919 = arith.constant 1 : i32
    %jit3A_2920 = arith.constant 0 : i32
    %broadcast_in_dim3A_2921 = vector.broadcast %jit3A_2919 : i32 to vector<16xi32>
    %broadcast_in_dim3A_2922 = vector.broadcast %jit3A_2920 : i32 to vector<16xi32>
    %select_n3A_2923 = arith.select %gt3A_2918, %broadcast_in_dim3A_2921, %broadcast_in_dim3A_2922 : vector<16xi1>, vector<16xi32>
    %add3A_2924 = arith.addi %add3A_2917, %select_n3A_2923 : vector<16xi32>
    %gt3A_2925 = arith.cmpf ogt, %get3A_2826, %get3A_2811 : vector<16xf32>
    %jit3A_2926 = arith.constant 1 : i32
    %jit3A_2927 = arith.constant 0 : i32
    %broadcast_in_dim3A_2928 = vector.broadcast %jit3A_2926 : i32 to vector<16xi32>
    %broadcast_in_dim3A_2929 = vector.broadcast %jit3A_2927 : i32 to vector<16xi32>
    %select_n3A_2930 = arith.select %gt3A_2925, %broadcast_in_dim3A_2928, %broadcast_in_dim3A_2929 : vector<16xi1>, vector<16xi32>
    %add3A_2931 = arith.addi %add3A_2924, %select_n3A_2930 : vector<16xi32>
    %gt3A_2932 = arith.cmpf ogt, %get3A_2831, %get3A_2811 : vector<16xf32>
    %jit3A_2933 = arith.constant 1 : i32
    %jit3A_2934 = arith.constant 0 : i32
    %broadcast_in_dim3A_2935 = vector.broadcast %jit3A_2933 : i32 to vector<16xi32>
    %broadcast_in_dim3A_2936 = vector.broadcast %jit3A_2934 : i32 to vector<16xi32>
    %select_n3A_2937 = arith.select %gt3A_2932, %broadcast_in_dim3A_2935, %broadcast_in_dim3A_2936 : vector<16xi1>, vector<16xi32>
    %add3A_2938 = arith.addi %add3A_2931, %select_n3A_2937 : vector<16xi32>
    %gt3A_2939 = arith.cmpf ogt, %get3A_2836, %get3A_2811 : vector<16xf32>
    %jit3A_2940 = arith.constant 1 : i32
    %jit3A_2941 = arith.constant 0 : i32
    %broadcast_in_dim3A_2942 = vector.broadcast %jit3A_2940 : i32 to vector<16xi32>
    %broadcast_in_dim3A_2943 = vector.broadcast %jit3A_2941 : i32 to vector<16xi32>
    %select_n3A_2944 = arith.select %gt3A_2939, %broadcast_in_dim3A_2942, %broadcast_in_dim3A_2943 : vector<16xi1>, vector<16xi32>
    %add3A_2945 = arith.addi %add3A_2938, %select_n3A_2944 : vector<16xi32>
    %gt3A_2946 = arith.cmpf ogt, %get3A_2841, %get3A_2811 : vector<16xf32>
    %jit3A_2947 = arith.constant 1 : i32
    %jit3A_2948 = arith.constant 0 : i32
    %broadcast_in_dim3A_2949 = vector.broadcast %jit3A_2947 : i32 to vector<16xi32>
    %broadcast_in_dim3A_2950 = vector.broadcast %jit3A_2948 : i32 to vector<16xi32>
    %select_n3A_2951 = arith.select %gt3A_2946, %broadcast_in_dim3A_2949, %broadcast_in_dim3A_2950 : vector<16xi1>, vector<16xi32>
    %add3A_2952 = arith.addi %add3A_2945, %select_n3A_2951 : vector<16xi32>
    %lt3A_2953 = arith.constant 2 : i32
    %lt3A_2954 = vector.broadcast %lt3A_2953 : i32 to vector<16xi32>
    %lt3A_2955 = arith.cmpi slt, %add3A_2952, %lt3A_2954 : vector<16xi32>
    %sub3A_2956 = arith.subf %get3A_2811, %max3A_2848 : vector<16xf32>
    %exp3A_2957 = math.exp %sub3A_2956 : vector<16xf32>
    %jit3A_2958 = arith.constant 0.000000e+00 : f32
    %broadcast_in_dim3A_2959 = vector.broadcast %jit3A_2958 : f32 to vector<16xf32>
    %select_n3A_2960 = arith.select %lt3A_2955, %exp3A_2957, %broadcast_in_dim3A_2959 : vector<16xi1>, vector<16xf32>
    %add3A_2961 = arith.addf %select_n3A_2904, %select_n3A_2960 : vector<16xf32>
    %ge3A_2962 = arith.cmpf oge, %get3A_2806, %get3A_2816 : vector<16xf32>
    %jit3A_2963 = arith.constant 1 : i32
    %jit3A_2964 = arith.constant 0 : i32
    %broadcast_in_dim3A_2965 = vector.broadcast %jit3A_2963 : i32 to vector<16xi32>
    %broadcast_in_dim3A_2966 = vector.broadcast %jit3A_2964 : i32 to vector<16xi32>
    %select_n3A_2967 = arith.select %ge3A_2962, %broadcast_in_dim3A_2965, %broadcast_in_dim3A_2966 : vector<16xi1>, vector<16xi32>
    %ge3A_2968 = arith.cmpf oge, %get3A_2811, %get3A_2816 : vector<16xf32>
    %jit3A_2969 = arith.constant 1 : i32
    %jit3A_2970 = arith.constant 0 : i32
    %broadcast_in_dim3A_2971 = vector.broadcast %jit3A_2969 : i32 to vector<16xi32>
    %broadcast_in_dim3A_2972 = vector.broadcast %jit3A_2970 : i32 to vector<16xi32>
    %select_n3A_2973 = arith.select %ge3A_2968, %broadcast_in_dim3A_2971, %broadcast_in_dim3A_2972 : vector<16xi1>, vector<16xi32>
    %add3A_2974 = arith.addi %select_n3A_2967, %select_n3A_2973 : vector<16xi32>
    %gt3A_2975 = arith.cmpf ogt, %get3A_2821, %get3A_2816 : vector<16xf32>
    %jit3A_2976 = arith.constant 1 : i32
    %jit3A_2977 = arith.constant 0 : i32
    %broadcast_in_dim3A_2978 = vector.broadcast %jit3A_2976 : i32 to vector<16xi32>
    %broadcast_in_dim3A_2979 = vector.broadcast %jit3A_2977 : i32 to vector<16xi32>
    %select_n3A_2980 = arith.select %gt3A_2975, %broadcast_in_dim3A_2978, %broadcast_in_dim3A_2979 : vector<16xi1>, vector<16xi32>
    %add3A_2981 = arith.addi %add3A_2974, %select_n3A_2980 : vector<16xi32>
    %gt3A_2982 = arith.cmpf ogt, %get3A_2826, %get3A_2816 : vector<16xf32>
    %jit3A_2983 = arith.constant 1 : i32
    %jit3A_2984 = arith.constant 0 : i32
    %broadcast_in_dim3A_2985 = vector.broadcast %jit3A_2983 : i32 to vector<16xi32>
    %broadcast_in_dim3A_2986 = vector.broadcast %jit3A_2984 : i32 to vector<16xi32>
    %select_n3A_2987 = arith.select %gt3A_2982, %broadcast_in_dim3A_2985, %broadcast_in_dim3A_2986 : vector<16xi1>, vector<16xi32>
    %add3A_2988 = arith.addi %add3A_2981, %select_n3A_2987 : vector<16xi32>
    %gt3A_2989 = arith.cmpf ogt, %get3A_2831, %get3A_2816 : vector<16xf32>
    %jit3A_2990 = arith.constant 1 : i32
    %jit3A_2991 = arith.constant 0 : i32
    %broadcast_in_dim3A_2992 = vector.broadcast %jit3A_2990 : i32 to vector<16xi32>
    %broadcast_in_dim3A_2993 = vector.broadcast %jit3A_2991 : i32 to vector<16xi32>
    %select_n3A_2994 = arith.select %gt3A_2989, %broadcast_in_dim3A_2992, %broadcast_in_dim3A_2993 : vector<16xi1>, vector<16xi32>
    %add3A_2995 = arith.addi %add3A_2988, %select_n3A_2994 : vector<16xi32>
    %gt3A_2996 = arith.cmpf ogt, %get3A_2836, %get3A_2816 : vector<16xf32>
    %jit3A_2997 = arith.constant 1 : i32
    %jit3A_2998 = arith.constant 0 : i32
    %broadcast_in_dim3A_2999 = vector.broadcast %jit3A_2997 : i32 to vector<16xi32>
    %broadcast_in_dim3A_3000 = vector.broadcast %jit3A_2998 : i32 to vector<16xi32>
    %select_n3A_3001 = arith.select %gt3A_2996, %broadcast_in_dim3A_2999, %broadcast_in_dim3A_3000 : vector<16xi1>, vector<16xi32>
    %add3A_3002 = arith.addi %add3A_2995, %select_n3A_3001 : vector<16xi32>
    %gt3A_3003 = arith.cmpf ogt, %get3A_2841, %get3A_2816 : vector<16xf32>
    %jit3A_3004 = arith.constant 1 : i32
    %jit3A_3005 = arith.constant 0 : i32
    %broadcast_in_dim3A_3006 = vector.broadcast %jit3A_3004 : i32 to vector<16xi32>
    %broadcast_in_dim3A_3007 = vector.broadcast %jit3A_3005 : i32 to vector<16xi32>
    %select_n3A_3008 = arith.select %gt3A_3003, %broadcast_in_dim3A_3006, %broadcast_in_dim3A_3007 : vector<16xi1>, vector<16xi32>
    %add3A_3009 = arith.addi %add3A_3002, %select_n3A_3008 : vector<16xi32>
    %lt3A_3010 = arith.constant 2 : i32
    %lt3A_3011 = vector.broadcast %lt3A_3010 : i32 to vector<16xi32>
    %lt3A_3012 = arith.cmpi slt, %add3A_3009, %lt3A_3011 : vector<16xi32>
    %sub3A_3013 = arith.subf %get3A_2816, %max3A_2848 : vector<16xf32>
    %exp3A_3014 = math.exp %sub3A_3013 : vector<16xf32>
    %jit3A_3015 = arith.constant 0.000000e+00 : f32
    %broadcast_in_dim3A_3016 = vector.broadcast %jit3A_3015 : f32 to vector<16xf32>
    %select_n3A_3017 = arith.select %lt3A_3012, %exp3A_3014, %broadcast_in_dim3A_3016 : vector<16xi1>, vector<16xf32>
    %add3A_3018 = arith.addf %add3A_2961, %select_n3A_3017 : vector<16xf32>
    %ge3A_3019 = arith.cmpf oge, %get3A_2806, %get3A_2821 : vector<16xf32>
    %jit3A_3020 = arith.constant 1 : i32
    %jit3A_3021 = arith.constant 0 : i32
    %broadcast_in_dim3A_3022 = vector.broadcast %jit3A_3020 : i32 to vector<16xi32>
    %broadcast_in_dim3A_3023 = vector.broadcast %jit3A_3021 : i32 to vector<16xi32>
    %select_n3A_3024 = arith.select %ge3A_3019, %broadcast_in_dim3A_3022, %broadcast_in_dim3A_3023 : vector<16xi1>, vector<16xi32>
    %ge3A_3025 = arith.cmpf oge, %get3A_2811, %get3A_2821 : vector<16xf32>
    %jit3A_3026 = arith.constant 1 : i32
    %jit3A_3027 = arith.constant 0 : i32
    %broadcast_in_dim3A_3028 = vector.broadcast %jit3A_3026 : i32 to vector<16xi32>
    %broadcast_in_dim3A_3029 = vector.broadcast %jit3A_3027 : i32 to vector<16xi32>
    %select_n3A_3030 = arith.select %ge3A_3025, %broadcast_in_dim3A_3028, %broadcast_in_dim3A_3029 : vector<16xi1>, vector<16xi32>
    %add3A_3031 = arith.addi %select_n3A_3024, %select_n3A_3030 : vector<16xi32>
    %ge3A_3032 = arith.cmpf oge, %get3A_2816, %get3A_2821 : vector<16xf32>
    %jit3A_3033 = arith.constant 1 : i32
    %jit3A_3034 = arith.constant 0 : i32
    %broadcast_in_dim3A_3035 = vector.broadcast %jit3A_3033 : i32 to vector<16xi32>
    %broadcast_in_dim3A_3036 = vector.broadcast %jit3A_3034 : i32 to vector<16xi32>
    %select_n3A_3037 = arith.select %ge3A_3032, %broadcast_in_dim3A_3035, %broadcast_in_dim3A_3036 : vector<16xi1>, vector<16xi32>
    %add3A_3038 = arith.addi %add3A_3031, %select_n3A_3037 : vector<16xi32>
    %gt3A_3039 = arith.cmpf ogt, %get3A_2826, %get3A_2821 : vector<16xf32>
    %jit3A_3040 = arith.constant 1 : i32
    %jit3A_3041 = arith.constant 0 : i32
    %broadcast_in_dim3A_3042 = vector.broadcast %jit3A_3040 : i32 to vector<16xi32>
    %broadcast_in_dim3A_3043 = vector.broadcast %jit3A_3041 : i32 to vector<16xi32>
    %select_n3A_3044 = arith.select %gt3A_3039, %broadcast_in_dim3A_3042, %broadcast_in_dim3A_3043 : vector<16xi1>, vector<16xi32>
    %add3A_3045 = arith.addi %add3A_3038, %select_n3A_3044 : vector<16xi32>
    %gt3A_3046 = arith.cmpf ogt, %get3A_2831, %get3A_2821 : vector<16xf32>
    %jit3A_3047 = arith.constant 1 : i32
    %jit3A_3048 = arith.constant 0 : i32
    %broadcast_in_dim3A_3049 = vector.broadcast %jit3A_3047 : i32 to vector<16xi32>
    %broadcast_in_dim3A_3050 = vector.broadcast %jit3A_3048 : i32 to vector<16xi32>
    %select_n3A_3051 = arith.select %gt3A_3046, %broadcast_in_dim3A_3049, %broadcast_in_dim3A_3050 : vector<16xi1>, vector<16xi32>
    %add3A_3052 = arith.addi %add3A_3045, %select_n3A_3051 : vector<16xi32>
    %gt3A_3053 = arith.cmpf ogt, %get3A_2836, %get3A_2821 : vector<16xf32>
    %jit3A_3054 = arith.constant 1 : i32
    %jit3A_3055 = arith.constant 0 : i32
    %broadcast_in_dim3A_3056 = vector.broadcast %jit3A_3054 : i32 to vector<16xi32>
    %broadcast_in_dim3A_3057 = vector.broadcast %jit3A_3055 : i32 to vector<16xi32>
    %select_n3A_3058 = arith.select %gt3A_3053, %broadcast_in_dim3A_3056, %broadcast_in_dim3A_3057 : vector<16xi1>, vector<16xi32>
    %add3A_3059 = arith.addi %add3A_3052, %select_n3A_3058 : vector<16xi32>
    %gt3A_3060 = arith.cmpf ogt, %get3A_2841, %get3A_2821 : vector<16xf32>
    %jit3A_3061 = arith.constant 1 : i32
    %jit3A_3062 = arith.constant 0 : i32
    %broadcast_in_dim3A_3063 = vector.broadcast %jit3A_3061 : i32 to vector<16xi32>
    %broadcast_in_dim3A_3064 = vector.broadcast %jit3A_3062 : i32 to vector<16xi32>
    %select_n3A_3065 = arith.select %gt3A_3060, %broadcast_in_dim3A_3063, %broadcast_in_dim3A_3064 : vector<16xi1>, vector<16xi32>
    %add3A_3066 = arith.addi %add3A_3059, %select_n3A_3065 : vector<16xi32>
    %lt3A_3067 = arith.constant 2 : i32
    %lt3A_3068 = vector.broadcast %lt3A_3067 : i32 to vector<16xi32>
    %lt3A_3069 = arith.cmpi slt, %add3A_3066, %lt3A_3068 : vector<16xi32>
    %sub3A_3070 = arith.subf %get3A_2821, %max3A_2848 : vector<16xf32>
    %exp3A_3071 = math.exp %sub3A_3070 : vector<16xf32>
    %jit3A_3072 = arith.constant 0.000000e+00 : f32
    %broadcast_in_dim3A_3073 = vector.broadcast %jit3A_3072 : f32 to vector<16xf32>
    %select_n3A_3074 = arith.select %lt3A_3069, %exp3A_3071, %broadcast_in_dim3A_3073 : vector<16xi1>, vector<16xf32>
    %add3A_3075 = arith.addf %add3A_3018, %select_n3A_3074 : vector<16xf32>
    %ge3A_3076 = arith.cmpf oge, %get3A_2806, %get3A_2826 : vector<16xf32>
    %jit3A_3077 = arith.constant 1 : i32
    %jit3A_3078 = arith.constant 0 : i32
    %broadcast_in_dim3A_3079 = vector.broadcast %jit3A_3077 : i32 to vector<16xi32>
    %broadcast_in_dim3A_3080 = vector.broadcast %jit3A_3078 : i32 to vector<16xi32>
    %select_n3A_3081 = arith.select %ge3A_3076, %broadcast_in_dim3A_3079, %broadcast_in_dim3A_3080 : vector<16xi1>, vector<16xi32>
    %ge3A_3082 = arith.cmpf oge, %get3A_2811, %get3A_2826 : vector<16xf32>
    %jit3A_3083 = arith.constant 1 : i32
    %jit3A_3084 = arith.constant 0 : i32
    %broadcast_in_dim3A_3085 = vector.broadcast %jit3A_3083 : i32 to vector<16xi32>
    %broadcast_in_dim3A_3086 = vector.broadcast %jit3A_3084 : i32 to vector<16xi32>
    %select_n3A_3087 = arith.select %ge3A_3082, %broadcast_in_dim3A_3085, %broadcast_in_dim3A_3086 : vector<16xi1>, vector<16xi32>
    %add3A_3088 = arith.addi %select_n3A_3081, %select_n3A_3087 : vector<16xi32>
    %ge3A_3089 = arith.cmpf oge, %get3A_2816, %get3A_2826 : vector<16xf32>
    %jit3A_3090 = arith.constant 1 : i32
    %jit3A_3091 = arith.constant 0 : i32
    %broadcast_in_dim3A_3092 = vector.broadcast %jit3A_3090 : i32 to vector<16xi32>
    %broadcast_in_dim3A_3093 = vector.broadcast %jit3A_3091 : i32 to vector<16xi32>
    %select_n3A_3094 = arith.select %ge3A_3089, %broadcast_in_dim3A_3092, %broadcast_in_dim3A_3093 : vector<16xi1>, vector<16xi32>
    %add3A_3095 = arith.addi %add3A_3088, %select_n3A_3094 : vector<16xi32>
    %ge3A_3096 = arith.cmpf oge, %get3A_2821, %get3A_2826 : vector<16xf32>
    %jit3A_3097 = arith.constant 1 : i32
    %jit3A_3098 = arith.constant 0 : i32
    %broadcast_in_dim3A_3099 = vector.broadcast %jit3A_3097 : i32 to vector<16xi32>
    %broadcast_in_dim3A_3100 = vector.broadcast %jit3A_3098 : i32 to vector<16xi32>
    %select_n3A_3101 = arith.select %ge3A_3096, %broadcast_in_dim3A_3099, %broadcast_in_dim3A_3100 : vector<16xi1>, vector<16xi32>
    %add3A_3102 = arith.addi %add3A_3095, %select_n3A_3101 : vector<16xi32>
    %gt3A_3103 = arith.cmpf ogt, %get3A_2831, %get3A_2826 : vector<16xf32>
    %jit3A_3104 = arith.constant 1 : i32
    %jit3A_3105 = arith.constant 0 : i32
    %broadcast_in_dim3A_3106 = vector.broadcast %jit3A_3104 : i32 to vector<16xi32>
    %broadcast_in_dim3A_3107 = vector.broadcast %jit3A_3105 : i32 to vector<16xi32>
    %select_n3A_3108 = arith.select %gt3A_3103, %broadcast_in_dim3A_3106, %broadcast_in_dim3A_3107 : vector<16xi1>, vector<16xi32>
    %add3A_3109 = arith.addi %add3A_3102, %select_n3A_3108 : vector<16xi32>
    %gt3A_3110 = arith.cmpf ogt, %get3A_2836, %get3A_2826 : vector<16xf32>
    %jit3A_3111 = arith.constant 1 : i32
    %jit3A_3112 = arith.constant 0 : i32
    %broadcast_in_dim3A_3113 = vector.broadcast %jit3A_3111 : i32 to vector<16xi32>
    %broadcast_in_dim3A_3114 = vector.broadcast %jit3A_3112 : i32 to vector<16xi32>
    %select_n3A_3115 = arith.select %gt3A_3110, %broadcast_in_dim3A_3113, %broadcast_in_dim3A_3114 : vector<16xi1>, vector<16xi32>
    %add3A_3116 = arith.addi %add3A_3109, %select_n3A_3115 : vector<16xi32>
    %gt3A_3117 = arith.cmpf ogt, %get3A_2841, %get3A_2826 : vector<16xf32>
    %jit3A_3118 = arith.constant 1 : i32
    %jit3A_3119 = arith.constant 0 : i32
    %broadcast_in_dim3A_3120 = vector.broadcast %jit3A_3118 : i32 to vector<16xi32>
    %broadcast_in_dim3A_3121 = vector.broadcast %jit3A_3119 : i32 to vector<16xi32>
    %select_n3A_3122 = arith.select %gt3A_3117, %broadcast_in_dim3A_3120, %broadcast_in_dim3A_3121 : vector<16xi1>, vector<16xi32>
    %add3A_3123 = arith.addi %add3A_3116, %select_n3A_3122 : vector<16xi32>
    %lt3A_3124 = arith.constant 2 : i32
    %lt3A_3125 = vector.broadcast %lt3A_3124 : i32 to vector<16xi32>
    %lt3A_3126 = arith.cmpi slt, %add3A_3123, %lt3A_3125 : vector<16xi32>
    %sub3A_3127 = arith.subf %get3A_2826, %max3A_2848 : vector<16xf32>
    %exp3A_3128 = math.exp %sub3A_3127 : vector<16xf32>
    %jit3A_3129 = arith.constant 0.000000e+00 : f32
    %broadcast_in_dim3A_3130 = vector.broadcast %jit3A_3129 : f32 to vector<16xf32>
    %select_n3A_3131 = arith.select %lt3A_3126, %exp3A_3128, %broadcast_in_dim3A_3130 : vector<16xi1>, vector<16xf32>
    %add3A_3132 = arith.addf %add3A_3075, %select_n3A_3131 : vector<16xf32>
    %ge3A_3133 = arith.cmpf oge, %get3A_2806, %get3A_2831 : vector<16xf32>
    %jit3A_3134 = arith.constant 1 : i32
    %jit3A_3135 = arith.constant 0 : i32
    %broadcast_in_dim3A_3136 = vector.broadcast %jit3A_3134 : i32 to vector<16xi32>
    %broadcast_in_dim3A_3137 = vector.broadcast %jit3A_3135 : i32 to vector<16xi32>
    %select_n3A_3138 = arith.select %ge3A_3133, %broadcast_in_dim3A_3136, %broadcast_in_dim3A_3137 : vector<16xi1>, vector<16xi32>
    %ge3A_3139 = arith.cmpf oge, %get3A_2811, %get3A_2831 : vector<16xf32>
    %jit3A_3140 = arith.constant 1 : i32
    %jit3A_3141 = arith.constant 0 : i32
    %broadcast_in_dim3A_3142 = vector.broadcast %jit3A_3140 : i32 to vector<16xi32>
    %broadcast_in_dim3A_3143 = vector.broadcast %jit3A_3141 : i32 to vector<16xi32>
    %select_n3A_3144 = arith.select %ge3A_3139, %broadcast_in_dim3A_3142, %broadcast_in_dim3A_3143 : vector<16xi1>, vector<16xi32>
    %add3A_3145 = arith.addi %select_n3A_3138, %select_n3A_3144 : vector<16xi32>
    %ge3A_3146 = arith.cmpf oge, %get3A_2816, %get3A_2831 : vector<16xf32>
    %jit3A_3147 = arith.constant 1 : i32
    %jit3A_3148 = arith.constant 0 : i32
    %broadcast_in_dim3A_3149 = vector.broadcast %jit3A_3147 : i32 to vector<16xi32>
    %broadcast_in_dim3A_3150 = vector.broadcast %jit3A_3148 : i32 to vector<16xi32>
    %select_n3A_3151 = arith.select %ge3A_3146, %broadcast_in_dim3A_3149, %broadcast_in_dim3A_3150 : vector<16xi1>, vector<16xi32>
    %add3A_3152 = arith.addi %add3A_3145, %select_n3A_3151 : vector<16xi32>
    %ge3A_3153 = arith.cmpf oge, %get3A_2821, %get3A_2831 : vector<16xf32>
    %jit3A_3154 = arith.constant 1 : i32
    %jit3A_3155 = arith.constant 0 : i32
    %broadcast_in_dim3A_3156 = vector.broadcast %jit3A_3154 : i32 to vector<16xi32>
    %broadcast_in_dim3A_3157 = vector.broadcast %jit3A_3155 : i32 to vector<16xi32>
    %select_n3A_3158 = arith.select %ge3A_3153, %broadcast_in_dim3A_3156, %broadcast_in_dim3A_3157 : vector<16xi1>, vector<16xi32>
    %add3A_3159 = arith.addi %add3A_3152, %select_n3A_3158 : vector<16xi32>
    %ge3A_3160 = arith.cmpf oge, %get3A_2826, %get3A_2831 : vector<16xf32>
    %jit3A_3161 = arith.constant 1 : i32
    %jit3A_3162 = arith.constant 0 : i32
    %broadcast_in_dim3A_3163 = vector.broadcast %jit3A_3161 : i32 to vector<16xi32>
    %broadcast_in_dim3A_3164 = vector.broadcast %jit3A_3162 : i32 to vector<16xi32>
    %select_n3A_3165 = arith.select %ge3A_3160, %broadcast_in_dim3A_3163, %broadcast_in_dim3A_3164 : vector<16xi1>, vector<16xi32>
    %add3A_3166 = arith.addi %add3A_3159, %select_n3A_3165 : vector<16xi32>
    %gt3A_3167 = arith.cmpf ogt, %get3A_2836, %get3A_2831 : vector<16xf32>
    %jit3A_3168 = arith.constant 1 : i32
    %jit3A_3169 = arith.constant 0 : i32
    %broadcast_in_dim3A_3170 = vector.broadcast %jit3A_3168 : i32 to vector<16xi32>
    %broadcast_in_dim3A_3171 = vector.broadcast %jit3A_3169 : i32 to vector<16xi32>
    %select_n3A_3172 = arith.select %gt3A_3167, %broadcast_in_dim3A_3170, %broadcast_in_dim3A_3171 : vector<16xi1>, vector<16xi32>
    %add3A_3173 = arith.addi %add3A_3166, %select_n3A_3172 : vector<16xi32>
    %gt3A_3174 = arith.cmpf ogt, %get3A_2841, %get3A_2831 : vector<16xf32>
    %jit3A_3175 = arith.constant 1 : i32
    %jit3A_3176 = arith.constant 0 : i32
    %broadcast_in_dim3A_3177 = vector.broadcast %jit3A_3175 : i32 to vector<16xi32>
    %broadcast_in_dim3A_3178 = vector.broadcast %jit3A_3176 : i32 to vector<16xi32>
    %select_n3A_3179 = arith.select %gt3A_3174, %broadcast_in_dim3A_3177, %broadcast_in_dim3A_3178 : vector<16xi1>, vector<16xi32>
    %add3A_3180 = arith.addi %add3A_3173, %select_n3A_3179 : vector<16xi32>
    %lt3A_3181 = arith.constant 2 : i32
    %lt3A_3182 = vector.broadcast %lt3A_3181 : i32 to vector<16xi32>
    %lt3A_3183 = arith.cmpi slt, %add3A_3180, %lt3A_3182 : vector<16xi32>
    %sub3A_3184 = arith.subf %get3A_2831, %max3A_2848 : vector<16xf32>
    %exp3A_3185 = math.exp %sub3A_3184 : vector<16xf32>
    %jit3A_3186 = arith.constant 0.000000e+00 : f32
    %broadcast_in_dim3A_3187 = vector.broadcast %jit3A_3186 : f32 to vector<16xf32>
    %select_n3A_3188 = arith.select %lt3A_3183, %exp3A_3185, %broadcast_in_dim3A_3187 : vector<16xi1>, vector<16xf32>
    %add3A_3189 = arith.addf %add3A_3132, %select_n3A_3188 : vector<16xf32>
    %ge3A_3190 = arith.cmpf oge, %get3A_2806, %get3A_2836 : vector<16xf32>
    %jit3A_3191 = arith.constant 1 : i32
    %jit3A_3192 = arith.constant 0 : i32
    %broadcast_in_dim3A_3193 = vector.broadcast %jit3A_3191 : i32 to vector<16xi32>
    %broadcast_in_dim3A_3194 = vector.broadcast %jit3A_3192 : i32 to vector<16xi32>
    %select_n3A_3195 = arith.select %ge3A_3190, %broadcast_in_dim3A_3193, %broadcast_in_dim3A_3194 : vector<16xi1>, vector<16xi32>
    %ge3A_3196 = arith.cmpf oge, %get3A_2811, %get3A_2836 : vector<16xf32>
    %jit3A_3197 = arith.constant 1 : i32
    %jit3A_3198 = arith.constant 0 : i32
    %broadcast_in_dim3A_3199 = vector.broadcast %jit3A_3197 : i32 to vector<16xi32>
    %broadcast_in_dim3A_3200 = vector.broadcast %jit3A_3198 : i32 to vector<16xi32>
    %select_n3A_3201 = arith.select %ge3A_3196, %broadcast_in_dim3A_3199, %broadcast_in_dim3A_3200 : vector<16xi1>, vector<16xi32>
    %add3A_3202 = arith.addi %select_n3A_3195, %select_n3A_3201 : vector<16xi32>
    %ge3A_3203 = arith.cmpf oge, %get3A_2816, %get3A_2836 : vector<16xf32>
    %jit3A_3204 = arith.constant 1 : i32
    %jit3A_3205 = arith.constant 0 : i32
    %broadcast_in_dim3A_3206 = vector.broadcast %jit3A_3204 : i32 to vector<16xi32>
    %broadcast_in_dim3A_3207 = vector.broadcast %jit3A_3205 : i32 to vector<16xi32>
    %select_n3A_3208 = arith.select %ge3A_3203, %broadcast_in_dim3A_3206, %broadcast_in_dim3A_3207 : vector<16xi1>, vector<16xi32>
    %add3A_3209 = arith.addi %add3A_3202, %select_n3A_3208 : vector<16xi32>
    %ge3A_3210 = arith.cmpf oge, %get3A_2821, %get3A_2836 : vector<16xf32>
    %jit3A_3211 = arith.constant 1 : i32
    %jit3A_3212 = arith.constant 0 : i32
    %broadcast_in_dim3A_3213 = vector.broadcast %jit3A_3211 : i32 to vector<16xi32>
    %broadcast_in_dim3A_3214 = vector.broadcast %jit3A_3212 : i32 to vector<16xi32>
    %select_n3A_3215 = arith.select %ge3A_3210, %broadcast_in_dim3A_3213, %broadcast_in_dim3A_3214 : vector<16xi1>, vector<16xi32>
    %add3A_3216 = arith.addi %add3A_3209, %select_n3A_3215 : vector<16xi32>
    %ge3A_3217 = arith.cmpf oge, %get3A_2826, %get3A_2836 : vector<16xf32>
    %jit3A_3218 = arith.constant 1 : i32
    %jit3A_3219 = arith.constant 0 : i32
    %broadcast_in_dim3A_3220 = vector.broadcast %jit3A_3218 : i32 to vector<16xi32>
    %broadcast_in_dim3A_3221 = vector.broadcast %jit3A_3219 : i32 to vector<16xi32>
    %select_n3A_3222 = arith.select %ge3A_3217, %broadcast_in_dim3A_3220, %broadcast_in_dim3A_3221 : vector<16xi1>, vector<16xi32>
    %add3A_3223 = arith.addi %add3A_3216, %select_n3A_3222 : vector<16xi32>
    %ge3A_3224 = arith.cmpf oge, %get3A_2831, %get3A_2836 : vector<16xf32>
    %jit3A_3225 = arith.constant 1 : i32
    %jit3A_3226 = arith.constant 0 : i32
    %broadcast_in_dim3A_3227 = vector.broadcast %jit3A_3225 : i32 to vector<16xi32>
    %broadcast_in_dim3A_3228 = vector.broadcast %jit3A_3226 : i32 to vector<16xi32>
    %select_n3A_3229 = arith.select %ge3A_3224, %broadcast_in_dim3A_3227, %broadcast_in_dim3A_3228 : vector<16xi1>, vector<16xi32>
    %add3A_3230 = arith.addi %add3A_3223, %select_n3A_3229 : vector<16xi32>
    %gt3A_3231 = arith.cmpf ogt, %get3A_2841, %get3A_2836 : vector<16xf32>
    %jit3A_3232 = arith.constant 1 : i32
    %jit3A_3233 = arith.constant 0 : i32
    %broadcast_in_dim3A_3234 = vector.broadcast %jit3A_3232 : i32 to vector<16xi32>
    %broadcast_in_dim3A_3235 = vector.broadcast %jit3A_3233 : i32 to vector<16xi32>
    %select_n3A_3236 = arith.select %gt3A_3231, %broadcast_in_dim3A_3234, %broadcast_in_dim3A_3235 : vector<16xi1>, vector<16xi32>
    %add3A_3237 = arith.addi %add3A_3230, %select_n3A_3236 : vector<16xi32>
    %lt3A_3238 = arith.constant 2 : i32
    %lt3A_3239 = vector.broadcast %lt3A_3238 : i32 to vector<16xi32>
    %lt3A_3240 = arith.cmpi slt, %add3A_3237, %lt3A_3239 : vector<16xi32>
    %sub3A_3241 = arith.subf %get3A_2836, %max3A_2848 : vector<16xf32>
    %exp3A_3242 = math.exp %sub3A_3241 : vector<16xf32>
    %jit3A_3243 = arith.constant 0.000000e+00 : f32
    %broadcast_in_dim3A_3244 = vector.broadcast %jit3A_3243 : f32 to vector<16xf32>
    %select_n3A_3245 = arith.select %lt3A_3240, %exp3A_3242, %broadcast_in_dim3A_3244 : vector<16xi1>, vector<16xf32>
    %add3A_3246 = arith.addf %add3A_3189, %select_n3A_3245 : vector<16xf32>
    %ge3A_3247 = arith.cmpf oge, %get3A_2806, %get3A_2841 : vector<16xf32>
    %jit3A_3248 = arith.constant 1 : i32
    %jit3A_3249 = arith.constant 0 : i32
    %broadcast_in_dim3A_3250 = vector.broadcast %jit3A_3248 : i32 to vector<16xi32>
    %broadcast_in_dim3A_3251 = vector.broadcast %jit3A_3249 : i32 to vector<16xi32>
    %select_n3A_3252 = arith.select %ge3A_3247, %broadcast_in_dim3A_3250, %broadcast_in_dim3A_3251 : vector<16xi1>, vector<16xi32>
    %ge3A_3253 = arith.cmpf oge, %get3A_2811, %get3A_2841 : vector<16xf32>
    %jit3A_3254 = arith.constant 1 : i32
    %jit3A_3255 = arith.constant 0 : i32
    %broadcast_in_dim3A_3256 = vector.broadcast %jit3A_3254 : i32 to vector<16xi32>
    %broadcast_in_dim3A_3257 = vector.broadcast %jit3A_3255 : i32 to vector<16xi32>
    %select_n3A_3258 = arith.select %ge3A_3253, %broadcast_in_dim3A_3256, %broadcast_in_dim3A_3257 : vector<16xi1>, vector<16xi32>
    %add3A_3259 = arith.addi %select_n3A_3252, %select_n3A_3258 : vector<16xi32>
    %ge3A_3260 = arith.cmpf oge, %get3A_2816, %get3A_2841 : vector<16xf32>
    %jit3A_3261 = arith.constant 1 : i32
    %jit3A_3262 = arith.constant 0 : i32
    %broadcast_in_dim3A_3263 = vector.broadcast %jit3A_3261 : i32 to vector<16xi32>
    %broadcast_in_dim3A_3264 = vector.broadcast %jit3A_3262 : i32 to vector<16xi32>
    %select_n3A_3265 = arith.select %ge3A_3260, %broadcast_in_dim3A_3263, %broadcast_in_dim3A_3264 : vector<16xi1>, vector<16xi32>
    %add3A_3266 = arith.addi %add3A_3259, %select_n3A_3265 : vector<16xi32>
    %ge3A_3267 = arith.cmpf oge, %get3A_2821, %get3A_2841 : vector<16xf32>
    %jit3A_3268 = arith.constant 1 : i32
    %jit3A_3269 = arith.constant 0 : i32
    %broadcast_in_dim3A_3270 = vector.broadcast %jit3A_3268 : i32 to vector<16xi32>
    %broadcast_in_dim3A_3271 = vector.broadcast %jit3A_3269 : i32 to vector<16xi32>
    %select_n3A_3272 = arith.select %ge3A_3267, %broadcast_in_dim3A_3270, %broadcast_in_dim3A_3271 : vector<16xi1>, vector<16xi32>
    %add3A_3273 = arith.addi %add3A_3266, %select_n3A_3272 : vector<16xi32>
    %ge3A_3274 = arith.cmpf oge, %get3A_2826, %get3A_2841 : vector<16xf32>
    %jit3A_3275 = arith.constant 1 : i32
    %jit3A_3276 = arith.constant 0 : i32
    %broadcast_in_dim3A_3277 = vector.broadcast %jit3A_3275 : i32 to vector<16xi32>
    %broadcast_in_dim3A_3278 = vector.broadcast %jit3A_3276 : i32 to vector<16xi32>
    %select_n3A_3279 = arith.select %ge3A_3274, %broadcast_in_dim3A_3277, %broadcast_in_dim3A_3278 : vector<16xi1>, vector<16xi32>
    %add3A_3280 = arith.addi %add3A_3273, %select_n3A_3279 : vector<16xi32>
    %ge3A_3281 = arith.cmpf oge, %get3A_2831, %get3A_2841 : vector<16xf32>
    %jit3A_3282 = arith.constant 1 : i32
    %jit3A_3283 = arith.constant 0 : i32
    %broadcast_in_dim3A_3284 = vector.broadcast %jit3A_3282 : i32 to vector<16xi32>
    %broadcast_in_dim3A_3285 = vector.broadcast %jit3A_3283 : i32 to vector<16xi32>
    %select_n3A_3286 = arith.select %ge3A_3281, %broadcast_in_dim3A_3284, %broadcast_in_dim3A_3285 : vector<16xi1>, vector<16xi32>
    %add3A_3287 = arith.addi %add3A_3280, %select_n3A_3286 : vector<16xi32>
    %ge3A_3288 = arith.cmpf oge, %get3A_2836, %get3A_2841 : vector<16xf32>
    %jit3A_3289 = arith.constant 1 : i32
    %jit3A_3290 = arith.constant 0 : i32
    %broadcast_in_dim3A_3291 = vector.broadcast %jit3A_3289 : i32 to vector<16xi32>
    %broadcast_in_dim3A_3292 = vector.broadcast %jit3A_3290 : i32 to vector<16xi32>
    %select_n3A_3293 = arith.select %ge3A_3288, %broadcast_in_dim3A_3291, %broadcast_in_dim3A_3292 : vector<16xi1>, vector<16xi32>
    %add3A_3294 = arith.addi %add3A_3287, %select_n3A_3293 : vector<16xi32>
    %lt3A_3295 = arith.constant 2 : i32
    %lt3A_3296 = vector.broadcast %lt3A_3295 : i32 to vector<16xi32>
    %lt3A_3297 = arith.cmpi slt, %add3A_3294, %lt3A_3296 : vector<16xi32>
    %sub3A_3298 = arith.subf %get3A_2841, %max3A_2848 : vector<16xf32>
    %exp3A_3299 = math.exp %sub3A_3298 : vector<16xf32>
    %jit3A_3300 = arith.constant 0.000000e+00 : f32
    %broadcast_in_dim3A_3301 = vector.broadcast %jit3A_3300 : f32 to vector<16xf32>
    %select_n3A_3302 = arith.select %lt3A_3297, %exp3A_3299, %broadcast_in_dim3A_3301 : vector<16xi1>, vector<16xf32>
    %add3A_3303 = arith.addf %add3A_3246, %select_n3A_3302 : vector<16xf32>
    %div3A_3304 = arith.constant 1.000000e+00 : f32
    %div3A_3305 = vector.broadcast %div3A_3304 : f32 to vector<16xf32>
    %div3A_3306 = arith.divf %div3A_3305, %add3A_3303 : vector<16xf32>
    %mul3A_3307 = arith.mulf %select_n3A_2904, %div3A_3306 : vector<16xf32>
    %swap3A_3308 = arith.constant 0 : i32
    %swap3A_3309 = arith.index_cast %swap3A_3308 : i32 to index
    %swap3A_3310 = arith.constant 80 : index
    %swap3A_3311 = tpu.vector_load %arg5[%swap3A_3309, %swap3A_3310] {strides = array<i32>} : memref<8x128xf32, #tpu.memory_space<vmem>>, vector<1x16xf32>,
    %swap3A_3312 = vector.shape_cast %swap3A_3311 : vector<1x16xf32> to vector<16xf32>
    %swap3A_3313 = vector.shape_cast %mul3A_3307 : vector<16xf32> to vector<1x16xf32>
    tpu.vector_store %arg5[%swap3A_3309, %swap3A_3310], %swap3A_3313 {strides = array<i32>} : memref<8x128xf32, #tpu.memory_space<vmem>>, vector<1x16xf32>,
    %mul3A_3314 = arith.mulf %select_n3A_2960, %div3A_3306 : vector<16xf32>
    %swap3A_3315 = arith.constant 1 : i32
    %swap3A_3316 = arith.index_cast %swap3A_3315 : i32 to index
    %swap3A_3317 = arith.constant 80 : index
    %swap3A_3318 = tpu.vector_load %arg5[%swap3A_3316, %swap3A_3317] {strides = array<i32>} : memref<8x128xf32, #tpu.memory_space<vmem>>, vector<1x16xf32>,
    %swap3A_3319 = vector.shape_cast %swap3A_3318 : vector<1x16xf32> to vector<16xf32>
    %swap3A_3320 = vector.shape_cast %mul3A_3314 : vector<16xf32> to vector<1x16xf32>
    tpu.vector_store %arg5[%swap3A_3316, %swap3A_3317], %swap3A_3320 {strides = array<i32>} : memref<8x128xf32, #tpu.memory_space<vmem>>, vector<1x16xf32>,
    %mul3A_3321 = arith.mulf %select_n3A_3017, %div3A_3306 : vector<16xf32>
    %swap3A_3322 = arith.constant 2 : i32
    %swap3A_3323 = arith.index_cast %swap3A_3322 : i32 to index
    %swap3A_3324 = arith.constant 80 : index
    %swap3A_3325 = tpu.vector_load %arg5[%swap3A_3323, %swap3A_3324] {strides = array<i32>} : memref<8x128xf32, #tpu.memory_space<vmem>>, vector<1x16xf32>,
    %swap3A_3326 = vector.shape_cast %swap3A_3325 : vector<1x16xf32> to vector<16xf32>
    %swap3A_3327 = vector.shape_cast %mul3A_3321 : vector<16xf32> to vector<1x16xf32>
    tpu.vector_store %arg5[%swap3A_3323, %swap3A_3324], %swap3A_3327 {strides = array<i32>} : memref<8x128xf32, #tpu.memory_space<vmem>>, vector<1x16xf32>,
    %mul3A_3328 = arith.mulf %select_n3A_3074, %div3A_3306 : vector<16xf32>
    %swap3A_3329 = arith.constant 3 : i32
    %swap3A_3330 = arith.index_cast %swap3A_3329 : i32 to index
    %swap3A_3331 = arith.constant 80 : index
    %swap3A_3332 = tpu.vector_load %arg5[%swap3A_3330, %swap3A_3331] {strides = array<i32>} : memref<8x128xf32, #tpu.memory_space<vmem>>, vector<1x16xf32>,
    %swap3A_3333 = vector.shape_cast %swap3A_3332 : vector<1x16xf32> to vector<16xf32>
    %swap3A_3334 = vector.shape_cast %mul3A_3328 : vector<16xf32> to vector<1x16xf32>
    tpu.vector_store %arg5[%swap3A_3330, %swap3A_3331], %swap3A_3334 {strides = array<i32>} : memref<8x128xf32, #tpu.memory_space<vmem>>, vector<1x16xf32>,
    %mul3A_3335 = arith.mulf %select_n3A_3131, %div3A_3306 : vector<16xf32>
    %swap3A_3336 = arith.constant 4 : i32
    %swap3A_3337 = arith.index_cast %swap3A_3336 : i32 to index
    %swap3A_3338 = arith.constant 80 : index
    %swap3A_3339 = tpu.vector_load %arg5[%swap3A_3337, %swap3A_3338] {strides = array<i32>} : memref<8x128xf32, #tpu.memory_space<vmem>>, vector<1x16xf32>,
    %swap3A_3340 = vector.shape_cast %swap3A_3339 : vector<1x16xf32> to vector<16xf32>
    %swap3A_3341 = vector.shape_cast %mul3A_3335 : vector<16xf32> to vector<1x16xf32>
    tpu.vector_store %arg5[%swap3A_3337, %swap3A_3338], %swap3A_3341 {strides = array<i32>} : memref<8x128xf32, #tpu.memory_space<vmem>>, vector<1x16xf32>,
    %mul3A_3342 = arith.mulf %select_n3A_3188, %div3A_3306 : vector<16xf32>
    %swap3A_3343 = arith.constant 5 : i32
    %swap3A_3344 = arith.index_cast %swap3A_3343 : i32 to index
    %swap3A_3345 = arith.constant 80 : index
    %swap3A_3346 = tpu.vector_load %arg5[%swap3A_3344, %swap3A_3345] {strides = array<i32>} : memref<8x128xf32, #tpu.memory_space<vmem>>, vector<1x16xf32>,
    %swap3A_3347 = vector.shape_cast %swap3A_3346 : vector<1x16xf32> to vector<16xf32>
    %swap3A_3348 = vector.shape_cast %mul3A_3342 : vector<16xf32> to vector<1x16xf32>
    tpu.vector_store %arg5[%swap3A_3344, %swap3A_3345], %swap3A_3348 {strides = array<i32>} : memref<8x128xf32, #tpu.memory_space<vmem>>, vector<1x16xf32>,
    %mul3A_3349 = arith.mulf %select_n3A_3245, %div3A_3306 : vector<16xf32>
    %swap3A_3350 = arith.constant 6 : i32
    %swap3A_3351 = arith.index_cast %swap3A_3350 : i32 to index
    %swap3A_3352 = arith.constant 80 : index
    %swap3A_3353 = tpu.vector_load %arg5[%swap3A_3351, %swap3A_3352] {strides = array<i32>} : memref<8x128xf32, #tpu.memory_space<vmem>>, vector<1x16xf32>,
    %swap3A_3354 = vector.shape_cast %swap3A_3353 : vector<1x16xf32> to vector<16xf32>
    %swap3A_3355 = vector.shape_cast %mul3A_3349 : vector<16xf32> to vector<1x16xf32>
    tpu.vector_store %arg5[%swap3A_3351, %swap3A_3352], %swap3A_3355 {strides = array<i32>} : memref<8x128xf32, #tpu.memory_space<vmem>>, vector<1x16xf32>,
    %mul3A_3356 = arith.mulf %select_n3A_3302, %div3A_3306 : vector<16xf32>
    %swap3A_3357 = arith.constant 7 : i32
    %swap3A_3358 = arith.index_cast %swap3A_3357 : i32 to index
    %swap3A_3359 = arith.constant 80 : index
    %swap3A_3360 = tpu.vector_load %arg5[%swap3A_3358, %swap3A_3359] {strides = array<i32>} : memref<8x128xf32, #tpu.memory_space<vmem>>, vector<1x16xf32>,
    %swap3A_3361 = vector.shape_cast %swap3A_3360 : vector<1x16xf32> to vector<16xf32>
    %swap3A_3362 = vector.shape_cast %mul3A_3356 : vector<16xf32> to vector<1x16xf32>
    tpu.vector_store %arg5[%swap3A_3358, %swap3A_3359], %swap3A_3362 {strides = array<i32>} : memref<8x128xf32, #tpu.memory_space<vmem>>, vector<1x16xf32>,
    %get3A_3363 = arith.constant 0 : i32
    %get3A_3364 = arith.index_cast %get3A_3363 : i32 to index
    %get3A_3365 = arith.constant 96 : index
    %get3A_3366 = tpu.vector_load %arg4[%get3A_3364, %get3A_3365] {strides = array<i32>} : memref<8x128xf32, #tpu.memory_space<vmem>>, vector<1x16xf32>,
    %get3A_3367 = vector.shape_cast %get3A_3366 : vector<1x16xf32> to vector<16xf32>
    %get3A_3368 = arith.constant 1 : i32
    %get3A_3369 = arith.index_cast %get3A_3368 : i32 to index
    %get3A_3370 = arith.constant 96 : index
    %get3A_3371 = tpu.vector_load %arg4[%get3A_3369, %get3A_3370] {strides = array<i32>} : memref<8x128xf32, #tpu.memory_space<vmem>>, vector<1x16xf32>,
    %get3A_3372 = vector.shape_cast %get3A_3371 : vector<1x16xf32> to vector<16xf32>
    %get3A_3373 = arith.constant 2 : i32
    %get3A_3374 = arith.index_cast %get3A_3373 : i32 to index
    %get3A_3375 = arith.constant 96 : index
    %get3A_3376 = tpu.vector_load %arg4[%get3A_3374, %get3A_3375] {strides = array<i32>} : memref<8x128xf32, #tpu.memory_space<vmem>>, vector<1x16xf32>,
    %get3A_3377 = vector.shape_cast %get3A_3376 : vector<1x16xf32> to vector<16xf32>
    %get3A_3378 = arith.constant 3 : i32
    %get3A_3379 = arith.index_cast %get3A_3378 : i32 to index
    %get3A_3380 = arith.constant 96 : index
    %get3A_3381 = tpu.vector_load %arg4[%get3A_3379, %get3A_3380] {strides = array<i32>} : memref<8x128xf32, #tpu.memory_space<vmem>>, vector<1x16xf32>,
    %get3A_3382 = vector.shape_cast %get3A_3381 : vector<1x16xf32> to vector<16xf32>
    %get3A_3383 = arith.constant 4 : i32
    %get3A_3384 = arith.index_cast %get3A_3383 : i32 to index
    %get3A_3385 = arith.constant 96 : index
    %get3A_3386 = tpu.vector_load %arg4[%get3A_3384, %get3A_3385] {strides = array<i32>} : memref<8x128xf32, #tpu.memory_space<vmem>>, vector<1x16xf32>,
    %get3A_3387 = vector.shape_cast %get3A_3386 : vector<1x16xf32> to vector<16xf32>
    %get3A_3388 = arith.constant 5 : i32
    %get3A_3389 = arith.index_cast %get3A_3388 : i32 to index
    %get3A_3390 = arith.constant 96 : index
    %get3A_3391 = tpu.vector_load %arg4[%get3A_3389, %get3A_3390] {strides = array<i32>} : memref<8x128xf32, #tpu.memory_space<vmem>>, vector<1x16xf32>,
    %get3A_3392 = vector.shape_cast %get3A_3391 : vector<1x16xf32> to vector<16xf32>
    %get3A_3393 = arith.constant 6 : i32
    %get3A_3394 = arith.index_cast %get3A_3393 : i32 to index
    %get3A_3395 = arith.constant 96 : index
    %get3A_3396 = tpu.vector_load %arg4[%get3A_3394, %get3A_3395] {strides = array<i32>} : memref<8x128xf32, #tpu.memory_space<vmem>>, vector<1x16xf32>,
    %get3A_3397 = vector.shape_cast %get3A_3396 : vector<1x16xf32> to vector<16xf32>
    %get3A_3398 = arith.constant 7 : i32
    %get3A_3399 = arith.index_cast %get3A_3398 : i32 to index
    %get3A_3400 = arith.constant 96 : index
    %get3A_3401 = tpu.vector_load %arg4[%get3A_3399, %get3A_3400] {strides = array<i32>} : memref<8x128xf32, #tpu.memory_space<vmem>>, vector<1x16xf32>,
    %get3A_3402 = vector.shape_cast %get3A_3401 : vector<1x16xf32> to vector<16xf32>
    %max3A_3403 = arith.maximumf %get3A_3367, %get3A_3372 : vector<16xf32>
    %max3A_3404 = arith.maximumf %max3A_3403, %get3A_3377 : vector<16xf32>
    %max3A_3405 = arith.maximumf %max3A_3404, %get3A_3382 : vector<16xf32>
    %max3A_3406 = arith.maximumf %max3A_3405, %get3A_3387 : vector<16xf32>
    %max3A_3407 = arith.maximumf %max3A_3406, %get3A_3392 : vector<16xf32>
    %max3A_3408 = arith.maximumf %max3A_3407, %get3A_3397 : vector<16xf32>
    %max3A_3409 = arith.maximumf %max3A_3408, %get3A_3402 : vector<16xf32>
    %gt3A_3410 = arith.cmpf ogt, %get3A_3372, %get3A_3367 : vector<16xf32>
    %jit3A_3411 = arith.constant 1 : i32
    %jit3A_3412 = arith.constant 0 : i32
    %broadcast_in_dim3A_3413 = vector.broadcast %jit3A_3411 : i32 to vector<16xi32>
    %broadcast_in_dim3A_3414 = vector.broadcast %jit3A_3412 : i32 to vector<16xi32>
    %select_n3A_3415 = arith.select %gt3A_3410, %broadcast_in_dim3A_3413, %broadcast_in_dim3A_3414 : vector<16xi1>, vector<16xi32>
    %gt3A_3416 = arith.cmpf ogt, %get3A_3377, %get3A_3367 : vector<16xf32>
    %jit3A_3417 = arith.constant 1 : i32
    %jit3A_3418 = arith.constant 0 : i32
    %broadcast_in_dim3A_3419 = vector.broadcast %jit3A_3417 : i32 to vector<16xi32>
    %broadcast_in_dim3A_3420 = vector.broadcast %jit3A_3418 : i32 to vector<16xi32>
    %select_n3A_3421 = arith.select %gt3A_3416, %broadcast_in_dim3A_3419, %broadcast_in_dim3A_3420 : vector<16xi1>, vector<16xi32>
    %add3A_3422 = arith.addi %select_n3A_3415, %select_n3A_3421 : vector<16xi32>
    %gt3A_3423 = arith.cmpf ogt, %get3A_3382, %get3A_3367 : vector<16xf32>
    %jit3A_3424 = arith.constant 1 : i32
    %jit3A_3425 = arith.constant 0 : i32
    %broadcast_in_dim3A_3426 = vector.broadcast %jit3A_3424 : i32 to vector<16xi32>
    %broadcast_in_dim3A_3427 = vector.broadcast %jit3A_3425 : i32 to vector<16xi32>
    %select_n3A_3428 = arith.select %gt3A_3423, %broadcast_in_dim3A_3426, %broadcast_in_dim3A_3427 : vector<16xi1>, vector<16xi32>
    %add3A_3429 = arith.addi %add3A_3422, %select_n3A_3428 : vector<16xi32>
    %gt3A_3430 = arith.cmpf ogt, %get3A_3387, %get3A_3367 : vector<16xf32>
    %jit3A_3431 = arith.constant 1 : i32
    %jit3A_3432 = arith.constant 0 : i32
    %broadcast_in_dim3A_3433 = vector.broadcast %jit3A_3431 : i32 to vector<16xi32>
    %broadcast_in_dim3A_3434 = vector.broadcast %jit3A_3432 : i32 to vector<16xi32>
    %select_n3A_3435 = arith.select %gt3A_3430, %broadcast_in_dim3A_3433, %broadcast_in_dim3A_3434 : vector<16xi1>, vector<16xi32>
    %add3A_3436 = arith.addi %add3A_3429, %select_n3A_3435 : vector<16xi32>
    %gt3A_3437 = arith.cmpf ogt, %get3A_3392, %get3A_3367 : vector<16xf32>
    %jit3A_3438 = arith.constant 1 : i32
    %jit3A_3439 = arith.constant 0 : i32
    %broadcast_in_dim3A_3440 = vector.broadcast %jit3A_3438 : i32 to vector<16xi32>
    %broadcast_in_dim3A_3441 = vector.broadcast %jit3A_3439 : i32 to vector<16xi32>
    %select_n3A_3442 = arith.select %gt3A_3437, %broadcast_in_dim3A_3440, %broadcast_in_dim3A_3441 : vector<16xi1>, vector<16xi32>
    %add3A_3443 = arith.addi %add3A_3436, %select_n3A_3442 : vector<16xi32>
    %gt3A_3444 = arith.cmpf ogt, %get3A_3397, %get3A_3367 : vector<16xf32>
    %jit3A_3445 = arith.constant 1 : i32
    %jit3A_3446 = arith.constant 0 : i32
    %broadcast_in_dim3A_3447 = vector.broadcast %jit3A_3445 : i32 to vector<16xi32>
    %broadcast_in_dim3A_3448 = vector.broadcast %jit3A_3446 : i32 to vector<16xi32>
    %select_n3A_3449 = arith.select %gt3A_3444, %broadcast_in_dim3A_3447, %broadcast_in_dim3A_3448 : vector<16xi1>, vector<16xi32>
    %add3A_3450 = arith.addi %add3A_3443, %select_n3A_3449 : vector<16xi32>
    %gt3A_3451 = arith.cmpf ogt, %get3A_3402, %get3A_3367 : vector<16xf32>
    %jit3A_3452 = arith.constant 1 : i32
    %jit3A_3453 = arith.constant 0 : i32
    %broadcast_in_dim3A_3454 = vector.broadcast %jit3A_3452 : i32 to vector<16xi32>
    %broadcast_in_dim3A_3455 = vector.broadcast %jit3A_3453 : i32 to vector<16xi32>
    %select_n3A_3456 = arith.select %gt3A_3451, %broadcast_in_dim3A_3454, %broadcast_in_dim3A_3455 : vector<16xi1>, vector<16xi32>
    %add3A_3457 = arith.addi %add3A_3450, %select_n3A_3456 : vector<16xi32>
    %lt3A_3458 = arith.constant 2 : i32
    %lt3A_3459 = vector.broadcast %lt3A_3458 : i32 to vector<16xi32>
    %lt3A_3460 = arith.cmpi slt, %add3A_3457, %lt3A_3459 : vector<16xi32>
    %sub3A_3461 = arith.subf %get3A_3367, %max3A_3409 : vector<16xf32>
    %exp3A_3462 = math.exp %sub3A_3461 : vector<16xf32>
    %jit3A_3463 = arith.constant 0.000000e+00 : f32
    %broadcast_in_dim3A_3464 = vector.broadcast %jit3A_3463 : f32 to vector<16xf32>
    %select_n3A_3465 = arith.select %lt3A_3460, %exp3A_3462, %broadcast_in_dim3A_3464 : vector<16xi1>, vector<16xf32>
    %ge3A_3466 = arith.cmpf oge, %get3A_3367, %get3A_3372 : vector<16xf32>
    %jit3A_3467 = arith.constant 1 : i32
    %jit3A_3468 = arith.constant 0 : i32
    %broadcast_in_dim3A_3469 = vector.broadcast %jit3A_3467 : i32 to vector<16xi32>
    %broadcast_in_dim3A_3470 = vector.broadcast %jit3A_3468 : i32 to vector<16xi32>
    %select_n3A_3471 = arith.select %ge3A_3466, %broadcast_in_dim3A_3469, %broadcast_in_dim3A_3470 : vector<16xi1>, vector<16xi32>
    %gt3A_3472 = arith.cmpf ogt, %get3A_3377, %get3A_3372 : vector<16xf32>
    %jit3A_3473 = arith.constant 1 : i32
    %jit3A_3474 = arith.constant 0 : i32
    %broadcast_in_dim3A_3475 = vector.broadcast %jit3A_3473 : i32 to vector<16xi32>
    %broadcast_in_dim3A_3476 = vector.broadcast %jit3A_3474 : i32 to vector<16xi32>
    %select_n3A_3477 = arith.select %gt3A_3472, %broadcast_in_dim3A_3475, %broadcast_in_dim3A_3476 : vector<16xi1>, vector<16xi32>
    %add3A_3478 = arith.addi %select_n3A_3471, %select_n3A_3477 : vector<16xi32>
    %gt3A_3479 = arith.cmpf ogt, %get3A_3382, %get3A_3372 : vector<16xf32>
    %jit3A_3480 = arith.constant 1 : i32
    %jit3A_3481 = arith.constant 0 : i32
    %broadcast_in_dim3A_3482 = vector.broadcast %jit3A_3480 : i32 to vector<16xi32>
    %broadcast_in_dim3A_3483 = vector.broadcast %jit3A_3481 : i32 to vector<16xi32>
    %select_n3A_3484 = arith.select %gt3A_3479, %broadcast_in_dim3A_3482, %broadcast_in_dim3A_3483 : vector<16xi1>, vector<16xi32>
    %add3A_3485 = arith.addi %add3A_3478, %select_n3A_3484 : vector<16xi32>
    %gt3A_3486 = arith.cmpf ogt, %get3A_3387, %get3A_3372 : vector<16xf32>
    %jit3A_3487 = arith.constant 1 : i32
    %jit3A_3488 = arith.constant 0 : i32
    %broadcast_in_dim3A_3489 = vector.broadcast %jit3A_3487 : i32 to vector<16xi32>
    %broadcast_in_dim3A_3490 = vector.broadcast %jit3A_3488 : i32 to vector<16xi32>
    %select_n3A_3491 = arith.select %gt3A_3486, %broadcast_in_dim3A_3489, %broadcast_in_dim3A_3490 : vector<16xi1>, vector<16xi32>
    %add3A_3492 = arith.addi %add3A_3485, %select_n3A_3491 : vector<16xi32>
    %gt3A_3493 = arith.cmpf ogt, %get3A_3392, %get3A_3372 : vector<16xf32>
    %jit3A_3494 = arith.constant 1 : i32
    %jit3A_3495 = arith.constant 0 : i32
    %broadcast_in_dim3A_3496 = vector.broadcast %jit3A_3494 : i32 to vector<16xi32>
    %broadcast_in_dim3A_3497 = vector.broadcast %jit3A_3495 : i32 to vector<16xi32>
    %select_n3A_3498 = arith.select %gt3A_3493, %broadcast_in_dim3A_3496, %broadcast_in_dim3A_3497 : vector<16xi1>, vector<16xi32>
    %add3A_3499 = arith.addi %add3A_3492, %select_n3A_3498 : vector<16xi32>
    %gt3A_3500 = arith.cmpf ogt, %get3A_3397, %get3A_3372 : vector<16xf32>
    %jit3A_3501 = arith.constant 1 : i32
    %jit3A_3502 = arith.constant 0 : i32
    %broadcast_in_dim3A_3503 = vector.broadcast %jit3A_3501 : i32 to vector<16xi32>
    %broadcast_in_dim3A_3504 = vector.broadcast %jit3A_3502 : i32 to vector<16xi32>
    %select_n3A_3505 = arith.select %gt3A_3500, %broadcast_in_dim3A_3503, %broadcast_in_dim3A_3504 : vector<16xi1>, vector<16xi32>
    %add3A_3506 = arith.addi %add3A_3499, %select_n3A_3505 : vector<16xi32>
    %gt3A_3507 = arith.cmpf ogt, %get3A_3402, %get3A_3372 : vector<16xf32>
    %jit3A_3508 = arith.constant 1 : i32
    %jit3A_3509 = arith.constant 0 : i32
    %broadcast_in_dim3A_3510 = vector.broadcast %jit3A_3508 : i32 to vector<16xi32>
    %broadcast_in_dim3A_3511 = vector.broadcast %jit3A_3509 : i32 to vector<16xi32>
    %select_n3A_3512 = arith.select %gt3A_3507, %broadcast_in_dim3A_3510, %broadcast_in_dim3A_3511 : vector<16xi1>, vector<16xi32>
    %add3A_3513 = arith.addi %add3A_3506, %select_n3A_3512 : vector<16xi32>
    %lt3A_3514 = arith.constant 2 : i32
    %lt3A_3515 = vector.broadcast %lt3A_3514 : i32 to vector<16xi32>
    %lt3A_3516 = arith.cmpi slt, %add3A_3513, %lt3A_3515 : vector<16xi32>
    %sub3A_3517 = arith.subf %get3A_3372, %max3A_3409 : vector<16xf32>
    %exp3A_3518 = math.exp %sub3A_3517 : vector<16xf32>
    %jit3A_3519 = arith.constant 0.000000e+00 : f32
    %broadcast_in_dim3A_3520 = vector.broadcast %jit3A_3519 : f32 to vector<16xf32>
    %select_n3A_3521 = arith.select %lt3A_3516, %exp3A_3518, %broadcast_in_dim3A_3520 : vector<16xi1>, vector<16xf32>
    %add3A_3522 = arith.addf %select_n3A_3465, %select_n3A_3521 : vector<16xf32>
    %ge3A_3523 = arith.cmpf oge, %get3A_3367, %get3A_3377 : vector<16xf32>
    %jit3A_3524 = arith.constant 1 : i32
    %jit3A_3525 = arith.constant 0 : i32
    %broadcast_in_dim3A_3526 = vector.broadcast %jit3A_3524 : i32 to vector<16xi32>
    %broadcast_in_dim3A_3527 = vector.broadcast %jit3A_3525 : i32 to vector<16xi32>
    %select_n3A_3528 = arith.select %ge3A_3523, %broadcast_in_dim3A_3526, %broadcast_in_dim3A_3527 : vector<16xi1>, vector<16xi32>
    %ge3A_3529 = arith.cmpf oge, %get3A_3372, %get3A_3377 : vector<16xf32>
    %jit3A_3530 = arith.constant 1 : i32
    %jit3A_3531 = arith.constant 0 : i32
    %broadcast_in_dim3A_3532 = vector.broadcast %jit3A_3530 : i32 to vector<16xi32>
    %broadcast_in_dim3A_3533 = vector.broadcast %jit3A_3531 : i32 to vector<16xi32>
    %select_n3A_3534 = arith.select %ge3A_3529, %broadcast_in_dim3A_3532, %broadcast_in_dim3A_3533 : vector<16xi1>, vector<16xi32>
    %add3A_3535 = arith.addi %select_n3A_3528, %select_n3A_3534 : vector<16xi32>
    %gt3A_3536 = arith.cmpf ogt, %get3A_3382, %get3A_3377 : vector<16xf32>
    %jit3A_3537 = arith.constant 1 : i32
    %jit3A_3538 = arith.constant 0 : i32
    %broadcast_in_dim3A_3539 = vector.broadcast %jit3A_3537 : i32 to vector<16xi32>
    %broadcast_in_dim3A_3540 = vector.broadcast %jit3A_3538 : i32 to vector<16xi32>
    %select_n3A_3541 = arith.select %gt3A_3536, %broadcast_in_dim3A_3539, %broadcast_in_dim3A_3540 : vector<16xi1>, vector<16xi32>
    %add3A_3542 = arith.addi %add3A_3535, %select_n3A_3541 : vector<16xi32>
    %gt3A_3543 = arith.cmpf ogt, %get3A_3387, %get3A_3377 : vector<16xf32>
    %jit3A_3544 = arith.constant 1 : i32
    %jit3A_3545 = arith.constant 0 : i32
    %broadcast_in_dim3A_3546 = vector.broadcast %jit3A_3544 : i32 to vector<16xi32>
    %broadcast_in_dim3A_3547 = vector.broadcast %jit3A_3545 : i32 to vector<16xi32>
    %select_n3A_3548 = arith.select %gt3A_3543, %broadcast_in_dim3A_3546, %broadcast_in_dim3A_3547 : vector<16xi1>, vector<16xi32>
    %add3A_3549 = arith.addi %add3A_3542, %select_n3A_3548 : vector<16xi32>
    %gt3A_3550 = arith.cmpf ogt, %get3A_3392, %get3A_3377 : vector<16xf32>
    %jit3A_3551 = arith.constant 1 : i32
    %jit3A_3552 = arith.constant 0 : i32
    %broadcast_in_dim3A_3553 = vector.broadcast %jit3A_3551 : i32 to vector<16xi32>
    %broadcast_in_dim3A_3554 = vector.broadcast %jit3A_3552 : i32 to vector<16xi32>
    %select_n3A_3555 = arith.select %gt3A_3550, %broadcast_in_dim3A_3553, %broadcast_in_dim3A_3554 : vector<16xi1>, vector<16xi32>
    %add3A_3556 = arith.addi %add3A_3549, %select_n3A_3555 : vector<16xi32>
    %gt3A_3557 = arith.cmpf ogt, %get3A_3397, %get3A_3377 : vector<16xf32>
    %jit3A_3558 = arith.constant 1 : i32
    %jit3A_3559 = arith.constant 0 : i32
    %broadcast_in_dim3A_3560 = vector.broadcast %jit3A_3558 : i32 to vector<16xi32>
    %broadcast_in_dim3A_3561 = vector.broadcast %jit3A_3559 : i32 to vector<16xi32>
    %select_n3A_3562 = arith.select %gt3A_3557, %broadcast_in_dim3A_3560, %broadcast_in_dim3A_3561 : vector<16xi1>, vector<16xi32>
    %add3A_3563 = arith.addi %add3A_3556, %select_n3A_3562 : vector<16xi32>
    %gt3A_3564 = arith.cmpf ogt, %get3A_3402, %get3A_3377 : vector<16xf32>
    %jit3A_3565 = arith.constant 1 : i32
    %jit3A_3566 = arith.constant 0 : i32
    %broadcast_in_dim3A_3567 = vector.broadcast %jit3A_3565 : i32 to vector<16xi32>
    %broadcast_in_dim3A_3568 = vector.broadcast %jit3A_3566 : i32 to vector<16xi32>
    %select_n3A_3569 = arith.select %gt3A_3564, %broadcast_in_dim3A_3567, %broadcast_in_dim3A_3568 : vector<16xi1>, vector<16xi32>
    %add3A_3570 = arith.addi %add3A_3563, %select_n3A_3569 : vector<16xi32>
    %lt3A_3571 = arith.constant 2 : i32
    %lt3A_3572 = vector.broadcast %lt3A_3571 : i32 to vector<16xi32>
    %lt3A_3573 = arith.cmpi slt, %add3A_3570, %lt3A_3572 : vector<16xi32>
    %sub3A_3574 = arith.subf %get3A_3377, %max3A_3409 : vector<16xf32>
    %exp3A_3575 = math.exp %sub3A_3574 : vector<16xf32>
    %jit3A_3576 = arith.constant 0.000000e+00 : f32
    %broadcast_in_dim3A_3577 = vector.broadcast %jit3A_3576 : f32 to vector<16xf32>
    %select_n3A_3578 = arith.select %lt3A_3573, %exp3A_3575, %broadcast_in_dim3A_3577 : vector<16xi1>, vector<16xf32>
    %add3A_3579 = arith.addf %add3A_3522, %select_n3A_3578 : vector<16xf32>
    %ge3A_3580 = arith.cmpf oge, %get3A_3367, %get3A_3382 : vector<16xf32>
    %jit3A_3581 = arith.constant 1 : i32
    %jit3A_3582 = arith.constant 0 : i32
    %broadcast_in_dim3A_3583 = vector.broadcast %jit3A_3581 : i32 to vector<16xi32>
    %broadcast_in_dim3A_3584 = vector.broadcast %jit3A_3582 : i32 to vector<16xi32>
    %select_n3A_3585 = arith.select %ge3A_3580, %broadcast_in_dim3A_3583, %broadcast_in_dim3A_3584 : vector<16xi1>, vector<16xi32>
    %ge3A_3586 = arith.cmpf oge, %get3A_3372, %get3A_3382 : vector<16xf32>
    %jit3A_3587 = arith.constant 1 : i32
    %jit3A_3588 = arith.constant 0 : i32
    %broadcast_in_dim3A_3589 = vector.broadcast %jit3A_3587 : i32 to vector<16xi32>
    %broadcast_in_dim3A_3590 = vector.broadcast %jit3A_3588 : i32 to vector<16xi32>
    %select_n3A_3591 = arith.select %ge3A_3586, %broadcast_in_dim3A_3589, %broadcast_in_dim3A_3590 : vector<16xi1>, vector<16xi32>
    %add3A_3592 = arith.addi %select_n3A_3585, %select_n3A_3591 : vector<16xi32>
    %ge3A_3593 = arith.cmpf oge, %get3A_3377, %get3A_3382 : vector<16xf32>
    %jit3A_3594 = arith.constant 1 : i32
    %jit3A_3595 = arith.constant 0 : i32
    %broadcast_in_dim3A_3596 = vector.broadcast %jit3A_3594 : i32 to vector<16xi32>
    %broadcast_in_dim3A_3597 = vector.broadcast %jit3A_3595 : i32 to vector<16xi32>
    %select_n3A_3598 = arith.select %ge3A_3593, %broadcast_in_dim3A_3596, %broadcast_in_dim3A_3597 : vector<16xi1>, vector<16xi32>
    %add3A_3599 = arith.addi %add3A_3592, %select_n3A_3598 : vector<16xi32>
    %gt3A_3600 = arith.cmpf ogt, %get3A_3387, %get3A_3382 : vector<16xf32>
    %jit3A_3601 = arith.constant 1 : i32
    %jit3A_3602 = arith.constant 0 : i32
    %broadcast_in_dim3A_3603 = vector.broadcast %jit3A_3601 : i32 to vector<16xi32>
    %broadcast_in_dim3A_3604 = vector.broadcast %jit3A_3602 : i32 to vector<16xi32>
    %select_n3A_3605 = arith.select %gt3A_3600, %broadcast_in_dim3A_3603, %broadcast_in_dim3A_3604 : vector<16xi1>, vector<16xi32>
    %add3A_3606 = arith.addi %add3A_3599, %select_n3A_3605 : vector<16xi32>
    %gt3A_3607 = arith.cmpf ogt, %get3A_3392, %get3A_3382 : vector<16xf32>
    %jit3A_3608 = arith.constant 1 : i32
    %jit3A_3609 = arith.constant 0 : i32
    %broadcast_in_dim3A_3610 = vector.broadcast %jit3A_3608 : i32 to vector<16xi32>
    %broadcast_in_dim3A_3611 = vector.broadcast %jit3A_3609 : i32 to vector<16xi32>
    %select_n3A_3612 = arith.select %gt3A_3607, %broadcast_in_dim3A_3610, %broadcast_in_dim3A_3611 : vector<16xi1>, vector<16xi32>
    %add3A_3613 = arith.addi %add3A_3606, %select_n3A_3612 : vector<16xi32>
    %gt3A_3614 = arith.cmpf ogt, %get3A_3397, %get3A_3382 : vector<16xf32>
    %jit3A_3615 = arith.constant 1 : i32
    %jit3A_3616 = arith.constant 0 : i32
    %broadcast_in_dim3A_3617 = vector.broadcast %jit3A_3615 : i32 to vector<16xi32>
    %broadcast_in_dim3A_3618 = vector.broadcast %jit3A_3616 : i32 to vector<16xi32>
    %select_n3A_3619 = arith.select %gt3A_3614, %broadcast_in_dim3A_3617, %broadcast_in_dim3A_3618 : vector<16xi1>, vector<16xi32>
    %add3A_3620 = arith.addi %add3A_3613, %select_n3A_3619 : vector<16xi32>
    %gt3A_3621 = arith.cmpf ogt, %get3A_3402, %get3A_3382 : vector<16xf32>
    %jit3A_3622 = arith.constant 1 : i32
    %jit3A_3623 = arith.constant 0 : i32
    %broadcast_in_dim3A_3624 = vector.broadcast %jit3A_3622 : i32 to vector<16xi32>
    %broadcast_in_dim3A_3625 = vector.broadcast %jit3A_3623 : i32 to vector<16xi32>
    %select_n3A_3626 = arith.select %gt3A_3621, %broadcast_in_dim3A_3624, %broadcast_in_dim3A_3625 : vector<16xi1>, vector<16xi32>
    %add3A_3627 = arith.addi %add3A_3620, %select_n3A_3626 : vector<16xi32>
    %lt3A_3628 = arith.constant 2 : i32
    %lt3A_3629 = vector.broadcast %lt3A_3628 : i32 to vector<16xi32>
    %lt3A_3630 = arith.cmpi slt, %add3A_3627, %lt3A_3629 : vector<16xi32>
    %sub3A_3631 = arith.subf %get3A_3382, %max3A_3409 : vector<16xf32>
    %exp3A_3632 = math.exp %sub3A_3631 : vector<16xf32>
    %jit3A_3633 = arith.constant 0.000000e+00 : f32
    %broadcast_in_dim3A_3634 = vector.broadcast %jit3A_3633 : f32 to vector<16xf32>
    %select_n3A_3635 = arith.select %lt3A_3630, %exp3A_3632, %broadcast_in_dim3A_3634 : vector<16xi1>, vector<16xf32>
    %add3A_3636 = arith.addf %add3A_3579, %select_n3A_3635 : vector<16xf32>
    %ge3A_3637 = arith.cmpf oge, %get3A_3367, %get3A_3387 : vector<16xf32>
    %jit3A_3638 = arith.constant 1 : i32
    %jit3A_3639 = arith.constant 0 : i32
    %broadcast_in_dim3A_3640 = vector.broadcast %jit3A_3638 : i32 to vector<16xi32>
    %broadcast_in_dim3A_3641 = vector.broadcast %jit3A_3639 : i32 to vector<16xi32>
    %select_n3A_3642 = arith.select %ge3A_3637, %broadcast_in_dim3A_3640, %broadcast_in_dim3A_3641 : vector<16xi1>, vector<16xi32>
    %ge3A_3643 = arith.cmpf oge, %get3A_3372, %get3A_3387 : vector<16xf32>
    %jit3A_3644 = arith.constant 1 : i32
    %jit3A_3645 = arith.constant 0 : i32
    %broadcast_in_dim3A_3646 = vector.broadcast %jit3A_3644 : i32 to vector<16xi32>
    %broadcast_in_dim3A_3647 = vector.broadcast %jit3A_3645 : i32 to vector<16xi32>
    %select_n3A_3648 = arith.select %ge3A_3643, %broadcast_in_dim3A_3646, %broadcast_in_dim3A_3647 : vector<16xi1>, vector<16xi32>
    %add3A_3649 = arith.addi %select_n3A_3642, %select_n3A_3648 : vector<16xi32>
    %ge3A_3650 = arith.cmpf oge, %get3A_3377, %get3A_3387 : vector<16xf32>
    %jit3A_3651 = arith.constant 1 : i32
    %jit3A_3652 = arith.constant 0 : i32
    %broadcast_in_dim3A_3653 = vector.broadcast %jit3A_3651 : i32 to vector<16xi32>
    %broadcast_in_dim3A_3654 = vector.broadcast %jit3A_3652 : i32 to vector<16xi32>
    %select_n3A_3655 = arith.select %ge3A_3650, %broadcast_in_dim3A_3653, %broadcast_in_dim3A_3654 : vector<16xi1>, vector<16xi32>
    %add3A_3656 = arith.addi %add3A_3649, %select_n3A_3655 : vector<16xi32>
    %ge3A_3657 = arith.cmpf oge, %get3A_3382, %get3A_3387 : vector<16xf32>
    %jit3A_3658 = arith.constant 1 : i32
    %jit3A_3659 = arith.constant 0 : i32
    %broadcast_in_dim3A_3660 = vector.broadcast %jit3A_3658 : i32 to vector<16xi32>
    %broadcast_in_dim3A_3661 = vector.broadcast %jit3A_3659 : i32 to vector<16xi32>
    %select_n3A_3662 = arith.select %ge3A_3657, %broadcast_in_dim3A_3660, %broadcast_in_dim3A_3661 : vector<16xi1>, vector<16xi32>
    %add3A_3663 = arith.addi %add3A_3656, %select_n3A_3662 : vector<16xi32>
    %gt3A_3664 = arith.cmpf ogt, %get3A_3392, %get3A_3387 : vector<16xf32>
    %jit3A_3665 = arith.constant 1 : i32
    %jit3A_3666 = arith.constant 0 : i32
    %broadcast_in_dim3A_3667 = vector.broadcast %jit3A_3665 : i32 to vector<16xi32>
    %broadcast_in_dim3A_3668 = vector.broadcast %jit3A_3666 : i32 to vector<16xi32>
    %select_n3A_3669 = arith.select %gt3A_3664, %broadcast_in_dim3A_3667, %broadcast_in_dim3A_3668 : vector<16xi1>, vector<16xi32>
    %add3A_3670 = arith.addi %add3A_3663, %select_n3A_3669 : vector<16xi32>
    %gt3A_3671 = arith.cmpf ogt, %get3A_3397, %get3A_3387 : vector<16xf32>
    %jit3A_3672 = arith.constant 1 : i32
    %jit3A_3673 = arith.constant 0 : i32
    %broadcast_in_dim3A_3674 = vector.broadcast %jit3A_3672 : i32 to vector<16xi32>
    %broadcast_in_dim3A_3675 = vector.broadcast %jit3A_3673 : i32 to vector<16xi32>
    %select_n3A_3676 = arith.select %gt3A_3671, %broadcast_in_dim3A_3674, %broadcast_in_dim3A_3675 : vector<16xi1>, vector<16xi32>
    %add3A_3677 = arith.addi %add3A_3670, %select_n3A_3676 : vector<16xi32>
    %gt3A_3678 = arith.cmpf ogt, %get3A_3402, %get3A_3387 : vector<16xf32>
    %jit3A_3679 = arith.constant 1 : i32
    %jit3A_3680 = arith.constant 0 : i32
    %broadcast_in_dim3A_3681 = vector.broadcast %jit3A_3679 : i32 to vector<16xi32>
    %broadcast_in_dim3A_3682 = vector.broadcast %jit3A_3680 : i32 to vector<16xi32>
    %select_n3A_3683 = arith.select %gt3A_3678, %broadcast_in_dim3A_3681, %broadcast_in_dim3A_3682 : vector<16xi1>, vector<16xi32>
    %add3A_3684 = arith.addi %add3A_3677, %select_n3A_3683 : vector<16xi32>
    %lt3A_3685 = arith.constant 2 : i32
    %lt3A_3686 = vector.broadcast %lt3A_3685 : i32 to vector<16xi32>
    %lt3A_3687 = arith.cmpi slt, %add3A_3684, %lt3A_3686 : vector<16xi32>
    %sub3A_3688 = arith.subf %get3A_3387, %max3A_3409 : vector<16xf32>
    %exp3A_3689 = math.exp %sub3A_3688 : vector<16xf32>
    %jit3A_3690 = arith.constant 0.000000e+00 : f32
    %broadcast_in_dim3A_3691 = vector.broadcast %jit3A_3690 : f32 to vector<16xf32>
    %select_n3A_3692 = arith.select %lt3A_3687, %exp3A_3689, %broadcast_in_dim3A_3691 : vector<16xi1>, vector<16xf32>
    %add3A_3693 = arith.addf %add3A_3636, %select_n3A_3692 : vector<16xf32>
    %ge3A_3694 = arith.cmpf oge, %get3A_3367, %get3A_3392 : vector<16xf32>
    %jit3A_3695 = arith.constant 1 : i32
    %jit3A_3696 = arith.constant 0 : i32
    %broadcast_in_dim3A_3697 = vector.broadcast %jit3A_3695 : i32 to vector<16xi32>
    %broadcast_in_dim3A_3698 = vector.broadcast %jit3A_3696 : i32 to vector<16xi32>
    %select_n3A_3699 = arith.select %ge3A_3694, %broadcast_in_dim3A_3697, %broadcast_in_dim3A_3698 : vector<16xi1>, vector<16xi32>
    %ge3A_3700 = arith.cmpf oge, %get3A_3372, %get3A_3392 : vector<16xf32>
    %jit3A_3701 = arith.constant 1 : i32
    %jit3A_3702 = arith.constant 0 : i32
    %broadcast_in_dim3A_3703 = vector.broadcast %jit3A_3701 : i32 to vector<16xi32>
    %broadcast_in_dim3A_3704 = vector.broadcast %jit3A_3702 : i32 to vector<16xi32>
    %select_n3A_3705 = arith.select %ge3A_3700, %broadcast_in_dim3A_3703, %broadcast_in_dim3A_3704 : vector<16xi1>, vector<16xi32>
    %add3A_3706 = arith.addi %select_n3A_3699, %select_n3A_3705 : vector<16xi32>
    %ge3A_3707 = arith.cmpf oge, %get3A_3377, %get3A_3392 : vector<16xf32>
    %jit3A_3708 = arith.constant 1 : i32
    %jit3A_3709 = arith.constant 0 : i32
    %broadcast_in_dim3A_3710 = vector.broadcast %jit3A_3708 : i32 to vector<16xi32>
    %broadcast_in_dim3A_3711 = vector.broadcast %jit3A_3709 : i32 to vector<16xi32>
    %select_n3A_3712 = arith.select %ge3A_3707, %broadcast_in_dim3A_3710, %broadcast_in_dim3A_3711 : vector<16xi1>, vector<16xi32>
    %add3A_3713 = arith.addi %add3A_3706, %select_n3A_3712 : vector<16xi32>
    %ge3A_3714 = arith.cmpf oge, %get3A_3382, %get3A_3392 : vector<16xf32>
    %jit3A_3715 = arith.constant 1 : i32
    %jit3A_3716 = arith.constant 0 : i32
    %broadcast_in_dim3A_3717 = vector.broadcast %jit3A_3715 : i32 to vector<16xi32>
    %broadcast_in_dim3A_3718 = vector.broadcast %jit3A_3716 : i32 to vector<16xi32>
    %select_n3A_3719 = arith.select %ge3A_3714, %broadcast_in_dim3A_3717, %broadcast_in_dim3A_3718 : vector<16xi1>, vector<16xi32>
    %add3A_3720 = arith.addi %add3A_3713, %select_n3A_3719 : vector<16xi32>
    %ge3A_3721 = arith.cmpf oge, %get3A_3387, %get3A_3392 : vector<16xf32>
    %jit3A_3722 = arith.constant 1 : i32
    %jit3A_3723 = arith.constant 0 : i32
    %broadcast_in_dim3A_3724 = vector.broadcast %jit3A_3722 : i32 to vector<16xi32>
    %broadcast_in_dim3A_3725 = vector.broadcast %jit3A_3723 : i32 to vector<16xi32>
    %select_n3A_3726 = arith.select %ge3A_3721, %broadcast_in_dim3A_3724, %broadcast_in_dim3A_3725 : vector<16xi1>, vector<16xi32>
    %add3A_3727 = arith.addi %add3A_3720, %select_n3A_3726 : vector<16xi32>
    %gt3A_3728 = arith.cmpf ogt, %get3A_3397, %get3A_3392 : vector<16xf32>
    %jit3A_3729 = arith.constant 1 : i32
    %jit3A_3730 = arith.constant 0 : i32
    %broadcast_in_dim3A_3731 = vector.broadcast %jit3A_3729 : i32 to vector<16xi32>
    %broadcast_in_dim3A_3732 = vector.broadcast %jit3A_3730 : i32 to vector<16xi32>
    %select_n3A_3733 = arith.select %gt3A_3728, %broadcast_in_dim3A_3731, %broadcast_in_dim3A_3732 : vector<16xi1>, vector<16xi32>
    %add3A_3734 = arith.addi %add3A_3727, %select_n3A_3733 : vector<16xi32>
    %gt3A_3735 = arith.cmpf ogt, %get3A_3402, %get3A_3392 : vector<16xf32>
    %jit3A_3736 = arith.constant 1 : i32
    %jit3A_3737 = arith.constant 0 : i32
    %broadcast_in_dim3A_3738 = vector.broadcast %jit3A_3736 : i32 to vector<16xi32>
    %broadcast_in_dim3A_3739 = vector.broadcast %jit3A_3737 : i32 to vector<16xi32>
    %select_n3A_3740 = arith.select %gt3A_3735, %broadcast_in_dim3A_3738, %broadcast_in_dim3A_3739 : vector<16xi1>, vector<16xi32>
    %add3A_3741 = arith.addi %add3A_3734, %select_n3A_3740 : vector<16xi32>
    %lt3A_3742 = arith.constant 2 : i32
    %lt3A_3743 = vector.broadcast %lt3A_3742 : i32 to vector<16xi32>
    %lt3A_3744 = arith.cmpi slt, %add3A_3741, %lt3A_3743 : vector<16xi32>
    %sub3A_3745 = arith.subf %get3A_3392, %max3A_3409 : vector<16xf32>
    %exp3A_3746 = math.exp %sub3A_3745 : vector<16xf32>
    %jit3A_3747 = arith.constant 0.000000e+00 : f32
    %broadcast_in_dim3A_3748 = vector.broadcast %jit3A_3747 : f32 to vector<16xf32>
    %select_n3A_3749 = arith.select %lt3A_3744, %exp3A_3746, %broadcast_in_dim3A_3748 : vector<16xi1>, vector<16xf32>
    %add3A_3750 = arith.addf %add3A_3693, %select_n3A_3749 : vector<16xf32>
    %ge3A_3751 = arith.cmpf oge, %get3A_3367, %get3A_3397 : vector<16xf32>
    %jit3A_3752 = arith.constant 1 : i32
    %jit3A_3753 = arith.constant 0 : i32
    %broadcast_in_dim3A_3754 = vector.broadcast %jit3A_3752 : i32 to vector<16xi32>
    %broadcast_in_dim3A_3755 = vector.broadcast %jit3A_3753 : i32 to vector<16xi32>
    %select_n3A_3756 = arith.select %ge3A_3751, %broadcast_in_dim3A_3754, %broadcast_in_dim3A_3755 : vector<16xi1>, vector<16xi32>
    %ge3A_3757 = arith.cmpf oge, %get3A_3372, %get3A_3397 : vector<16xf32>
    %jit3A_3758 = arith.constant 1 : i32
    %jit3A_3759 = arith.constant 0 : i32
    %broadcast_in_dim3A_3760 = vector.broadcast %jit3A_3758 : i32 to vector<16xi32>
    %broadcast_in_dim3A_3761 = vector.broadcast %jit3A_3759 : i32 to vector<16xi32>
    %select_n3A_3762 = arith.select %ge3A_3757, %broadcast_in_dim3A_3760, %broadcast_in_dim3A_3761 : vector<16xi1>, vector<16xi32>
    %add3A_3763 = arith.addi %select_n3A_3756, %select_n3A_3762 : vector<16xi32>
    %ge3A_3764 = arith.cmpf oge, %get3A_3377, %get3A_3397 : vector<16xf32>
    %jit3A_3765 = arith.constant 1 : i32
    %jit3A_3766 = arith.constant 0 : i32
    %broadcast_in_dim3A_3767 = vector.broadcast %jit3A_3765 : i32 to vector<16xi32>
    %broadcast_in_dim3A_3768 = vector.broadcast %jit3A_3766 : i32 to vector<16xi32>
    %select_n3A_3769 = arith.select %ge3A_3764, %broadcast_in_dim3A_3767, %broadcast_in_dim3A_3768 : vector<16xi1>, vector<16xi32>
    %add3A_3770 = arith.addi %add3A_3763, %select_n3A_3769 : vector<16xi32>
    %ge3A_3771 = arith.cmpf oge, %get3A_3382, %get3A_3397 : vector<16xf32>
    %jit3A_3772 = arith.constant 1 : i32
    %jit3A_3773 = arith.constant 0 : i32
    %broadcast_in_dim3A_3774 = vector.broadcast %jit3A_3772 : i32 to vector<16xi32>
    %broadcast_in_dim3A_3775 = vector.broadcast %jit3A_3773 : i32 to vector<16xi32>
    %select_n3A_3776 = arith.select %ge3A_3771, %broadcast_in_dim3A_3774, %broadcast_in_dim3A_3775 : vector<16xi1>, vector<16xi32>
    %add3A_3777 = arith.addi %add3A_3770, %select_n3A_3776 : vector<16xi32>
    %ge3A_3778 = arith.cmpf oge, %get3A_3387, %get3A_3397 : vector<16xf32>
    %jit3A_3779 = arith.constant 1 : i32
    %jit3A_3780 = arith.constant 0 : i32
    %broadcast_in_dim3A_3781 = vector.broadcast %jit3A_3779 : i32 to vector<16xi32>
    %broadcast_in_dim3A_3782 = vector.broadcast %jit3A_3780 : i32 to vector<16xi32>
    %select_n3A_3783 = arith.select %ge3A_3778, %broadcast_in_dim3A_3781, %broadcast_in_dim3A_3782 : vector<16xi1>, vector<16xi32>
    %add3A_3784 = arith.addi %add3A_3777, %select_n3A_3783 : vector<16xi32>
    %ge3A_3785 = arith.cmpf oge, %get3A_3392, %get3A_3397 : vector<16xf32>
    %jit3A_3786 = arith.constant 1 : i32
    %jit3A_3787 = arith.constant 0 : i32
    %broadcast_in_dim3A_3788 = vector.broadcast %jit3A_3786 : i32 to vector<16xi32>
    %broadcast_in_dim3A_3789 = vector.broadcast %jit3A_3787 : i32 to vector<16xi32>
    %select_n3A_3790 = arith.select %ge3A_3785, %broadcast_in_dim3A_3788, %broadcast_in_dim3A_3789 : vector<16xi1>, vector<16xi32>
    %add3A_3791 = arith.addi %add3A_3784, %select_n3A_3790 : vector<16xi32>
    %gt3A_3792 = arith.cmpf ogt, %get3A_3402, %get3A_3397 : vector<16xf32>
    %jit3A_3793 = arith.constant 1 : i32
    %jit3A_3794 = arith.constant 0 : i32
    %broadcast_in_dim3A_3795 = vector.broadcast %jit3A_3793 : i32 to vector<16xi32>
    %broadcast_in_dim3A_3796 = vector.broadcast %jit3A_3794 : i32 to vector<16xi32>
    %select_n3A_3797 = arith.select %gt3A_3792, %broadcast_in_dim3A_3795, %broadcast_in_dim3A_3796 : vector<16xi1>, vector<16xi32>
    %add3A_3798 = arith.addi %add3A_3791, %select_n3A_3797 : vector<16xi32>
    %lt3A_3799 = arith.constant 2 : i32
    %lt3A_3800 = vector.broadcast %lt3A_3799 : i32 to vector<16xi32>
    %lt3A_3801 = arith.cmpi slt, %add3A_3798, %lt3A_3800 : vector<16xi32>
    %sub3A_3802 = arith.subf %get3A_3397, %max3A_3409 : vector<16xf32>
    %exp3A_3803 = math.exp %sub3A_3802 : vector<16xf32>
    %jit3A_3804 = arith.constant 0.000000e+00 : f32
    %broadcast_in_dim3A_3805 = vector.broadcast %jit3A_3804 : f32 to vector<16xf32>
    %select_n3A_3806 = arith.select %lt3A_3801, %exp3A_3803, %broadcast_in_dim3A_3805 : vector<16xi1>, vector<16xf32>
    %add3A_3807 = arith.addf %add3A_3750, %select_n3A_3806 : vector<16xf32>
    %ge3A_3808 = arith.cmpf oge, %get3A_3367, %get3A_3402 : vector<16xf32>
    %jit3A_3809 = arith.constant 1 : i32
    %jit3A_3810 = arith.constant 0 : i32
    %broadcast_in_dim3A_3811 = vector.broadcast %jit3A_3809 : i32 to vector<16xi32>
    %broadcast_in_dim3A_3812 = vector.broadcast %jit3A_3810 : i32 to vector<16xi32>
    %select_n3A_3813 = arith.select %ge3A_3808, %broadcast_in_dim3A_3811, %broadcast_in_dim3A_3812 : vector<16xi1>, vector<16xi32>
    %ge3A_3814 = arith.cmpf oge, %get3A_3372, %get3A_3402 : vector<16xf32>
    %jit3A_3815 = arith.constant 1 : i32
    %jit3A_3816 = arith.constant 0 : i32
    %broadcast_in_dim3A_3817 = vector.broadcast %jit3A_3815 : i32 to vector<16xi32>
    %broadcast_in_dim3A_3818 = vector.broadcast %jit3A_3816 : i32 to vector<16xi32>
    %select_n3A_3819 = arith.select %ge3A_3814, %broadcast_in_dim3A_3817, %broadcast_in_dim3A_3818 : vector<16xi1>, vector<16xi32>
    %add3A_3820 = arith.addi %select_n3A_3813, %select_n3A_3819 : vector<16xi32>
    %ge3A_3821 = arith.cmpf oge, %get3A_3377, %get3A_3402 : vector<16xf32>
    %jit3A_3822 = arith.constant 1 : i32
    %jit3A_3823 = arith.constant 0 : i32
    %broadcast_in_dim3A_3824 = vector.broadcast %jit3A_3822 : i32 to vector<16xi32>
    %broadcast_in_dim3A_3825 = vector.broadcast %jit3A_3823 : i32 to vector<16xi32>
    %select_n3A_3826 = arith.select %ge3A_3821, %broadcast_in_dim3A_3824, %broadcast_in_dim3A_3825 : vector<16xi1>, vector<16xi32>
    %add3A_3827 = arith.addi %add3A_3820, %select_n3A_3826 : vector<16xi32>
    %ge3A_3828 = arith.cmpf oge, %get3A_3382, %get3A_3402 : vector<16xf32>
    %jit3A_3829 = arith.constant 1 : i32
    %jit3A_3830 = arith.constant 0 : i32
    %broadcast_in_dim3A_3831 = vector.broadcast %jit3A_3829 : i32 to vector<16xi32>
    %broadcast_in_dim3A_3832 = vector.broadcast %jit3A_3830 : i32 to vector<16xi32>
    %select_n3A_3833 = arith.select %ge3A_3828, %broadcast_in_dim3A_3831, %broadcast_in_dim3A_3832 : vector<16xi1>, vector<16xi32>
    %add3A_3834 = arith.addi %add3A_3827, %select_n3A_3833 : vector<16xi32>
    %ge3A_3835 = arith.cmpf oge, %get3A_3387, %get3A_3402 : vector<16xf32>
    %jit3A_3836 = arith.constant 1 : i32
    %jit3A_3837 = arith.constant 0 : i32
    %broadcast_in_dim3A_3838 = vector.broadcast %jit3A_3836 : i32 to vector<16xi32>
    %broadcast_in_dim3A_3839 = vector.broadcast %jit3A_3837 : i32 to vector<16xi32>
    %select_n3A_3840 = arith.select %ge3A_3835, %broadcast_in_dim3A_3838, %broadcast_in_dim3A_3839 : vector<16xi1>, vector<16xi32>
    %add3A_3841 = arith.addi %add3A_3834, %select_n3A_3840 : vector<16xi32>
    %ge3A_3842 = arith.cmpf oge, %get3A_3392, %get3A_3402 : vector<16xf32>
    %jit3A_3843 = arith.constant 1 : i32
    %jit3A_3844 = arith.constant 0 : i32
    %broadcast_in_dim3A_3845 = vector.broadcast %jit3A_3843 : i32 to vector<16xi32>
    %broadcast_in_dim3A_3846 = vector.broadcast %jit3A_3844 : i32 to vector<16xi32>
    %select_n3A_3847 = arith.select %ge3A_3842, %broadcast_in_dim3A_3845, %broadcast_in_dim3A_3846 : vector<16xi1>, vector<16xi32>
    %add3A_3848 = arith.addi %add3A_3841, %select_n3A_3847 : vector<16xi32>
    %ge3A_3849 = arith.cmpf oge, %get3A_3397, %get3A_3402 : vector<16xf32>
    %jit3A_3850 = arith.constant 1 : i32
    %jit3A_3851 = arith.constant 0 : i32
    %broadcast_in_dim3A_3852 = vector.broadcast %jit3A_3850 : i32 to vector<16xi32>
    %broadcast_in_dim3A_3853 = vector.broadcast %jit3A_3851 : i32 to vector<16xi32>
    %select_n3A_3854 = arith.select %ge3A_3849, %broadcast_in_dim3A_3852, %broadcast_in_dim3A_3853 : vector<16xi1>, vector<16xi32>
    %add3A_3855 = arith.addi %add3A_3848, %select_n3A_3854 : vector<16xi32>
    %lt3A_3856 = arith.constant 2 : i32
    %lt3A_3857 = vector.broadcast %lt3A_3856 : i32 to vector<16xi32>
    %lt3A_3858 = arith.cmpi slt, %add3A_3855, %lt3A_3857 : vector<16xi32>
    %sub3A_3859 = arith.subf %get3A_3402, %max3A_3409 : vector<16xf32>
    %exp3A_3860 = math.exp %sub3A_3859 : vector<16xf32>
    %jit3A_3861 = arith.constant 0.000000e+00 : f32
    %broadcast_in_dim3A_3862 = vector.broadcast %jit3A_3861 : f32 to vector<16xf32>
    %select_n3A_3863 = arith.select %lt3A_3858, %exp3A_3860, %broadcast_in_dim3A_3862 : vector<16xi1>, vector<16xf32>
    %add3A_3864 = arith.addf %add3A_3807, %select_n3A_3863 : vector<16xf32>
    %div3A_3865 = arith.constant 1.000000e+00 : f32
    %div3A_3866 = vector.broadcast %div3A_3865 : f32 to vector<16xf32>
    %div3A_3867 = arith.divf %div3A_3866, %add3A_3864 : vector<16xf32>
    %mul3A_3868 = arith.mulf %select_n3A_3465, %div3A_3867 : vector<16xf32>
    %swap3A_3869 = arith.constant 0 : i32
    %swap3A_3870 = arith.index_cast %swap3A_3869 : i32 to index
    %swap3A_3871 = arith.constant 96 : index
    %swap3A_3872 = tpu.vector_load %arg5[%swap3A_3870, %swap3A_3871] {strides = array<i32>} : memref<8x128xf32, #tpu.memory_space<vmem>>, vector<1x16xf32>,
    %swap3A_3873 = vector.shape_cast %swap3A_3872 : vector<1x16xf32> to vector<16xf32>
    %swap3A_3874 = vector.shape_cast %mul3A_3868 : vector<16xf32> to vector<1x16xf32>
    tpu.vector_store %arg5[%swap3A_3870, %swap3A_3871], %swap3A_3874 {strides = array<i32>} : memref<8x128xf32, #tpu.memory_space<vmem>>, vector<1x16xf32>,
    %mul3A_3875 = arith.mulf %select_n3A_3521, %div3A_3867 : vector<16xf32>
    %swap3A_3876 = arith.constant 1 : i32
    %swap3A_3877 = arith.index_cast %swap3A_3876 : i32 to index
    %swap3A_3878 = arith.constant 96 : index
    %swap3A_3879 = tpu.vector_load %arg5[%swap3A_3877, %swap3A_3878] {strides = array<i32>} : memref<8x128xf32, #tpu.memory_space<vmem>>, vector<1x16xf32>,
    %swap3A_3880 = vector.shape_cast %swap3A_3879 : vector<1x16xf32> to vector<16xf32>
    %swap3A_3881 = vector.shape_cast %mul3A_3875 : vector<16xf32> to vector<1x16xf32>
    tpu.vector_store %arg5[%swap3A_3877, %swap3A_3878], %swap3A_3881 {strides = array<i32>} : memref<8x128xf32, #tpu.memory_space<vmem>>, vector<1x16xf32>,
    %mul3A_3882 = arith.mulf %select_n3A_3578, %div3A_3867 : vector<16xf32>
    %swap3A_3883 = arith.constant 2 : i32
    %swap3A_3884 = arith.index_cast %swap3A_3883 : i32 to index
    %swap3A_3885 = arith.constant 96 : index
    %swap3A_3886 = tpu.vector_load %arg5[%swap3A_3884, %swap3A_3885] {strides = array<i32>} : memref<8x128xf32, #tpu.memory_space<vmem>>, vector<1x16xf32>,
    %swap3A_3887 = vector.shape_cast %swap3A_3886 : vector<1x16xf32> to vector<16xf32>
    %swap3A_3888 = vector.shape_cast %mul3A_3882 : vector<16xf32> to vector<1x16xf32>
    tpu.vector_store %arg5[%swap3A_3884, %swap3A_3885], %swap3A_3888 {strides = array<i32>} : memref<8x128xf32, #tpu.memory_space<vmem>>, vector<1x16xf32>,
    %mul3A_3889 = arith.mulf %select_n3A_3635, %div3A_3867 : vector<16xf32>
    %swap3A_3890 = arith.constant 3 : i32
    %swap3A_3891 = arith.index_cast %swap3A_3890 : i32 to index
    %swap3A_3892 = arith.constant 96 : index
    %swap3A_3893 = tpu.vector_load %arg5[%swap3A_3891, %swap3A_3892] {strides = array<i32>} : memref<8x128xf32, #tpu.memory_space<vmem>>, vector<1x16xf32>,
    %swap3A_3894 = vector.shape_cast %swap3A_3893 : vector<1x16xf32> to vector<16xf32>
    %swap3A_3895 = vector.shape_cast %mul3A_3889 : vector<16xf32> to vector<1x16xf32>
    tpu.vector_store %arg5[%swap3A_3891, %swap3A_3892], %swap3A_3895 {strides = array<i32>} : memref<8x128xf32, #tpu.memory_space<vmem>>, vector<1x16xf32>,
    %mul3A_3896 = arith.mulf %select_n3A_3692, %div3A_3867 : vector<16xf32>
    %swap3A_3897 = arith.constant 4 : i32
    %swap3A_3898 = arith.index_cast %swap3A_3897 : i32 to index
    %swap3A_3899 = arith.constant 96 : index
    %swap3A_3900 = tpu.vector_load %arg5[%swap3A_3898, %swap3A_3899] {strides = array<i32>} : memref<8x128xf32, #tpu.memory_space<vmem>>, vector<1x16xf32>,
    %swap3A_3901 = vector.shape_cast %swap3A_3900 : vector<1x16xf32> to vector<16xf32>
    %swap3A_3902 = vector.shape_cast %mul3A_3896 : vector<16xf32> to vector<1x16xf32>
    tpu.vector_store %arg5[%swap3A_3898, %swap3A_3899], %swap3A_3902 {strides = array<i32>} : memref<8x128xf32, #tpu.memory_space<vmem>>, vector<1x16xf32>,
    %mul3A_3903 = arith.mulf %select_n3A_3749, %div3A_3867 : vector<16xf32>
    %swap3A_3904 = arith.constant 5 : i32
    %swap3A_3905 = arith.index_cast %swap3A_3904 : i32 to index
    %swap3A_3906 = arith.constant 96 : index
    %swap3A_3907 = tpu.vector_load %arg5[%swap3A_3905, %swap3A_3906] {strides = array<i32>} : memref<8x128xf32, #tpu.memory_space<vmem>>, vector<1x16xf32>,
    %swap3A_3908 = vector.shape_cast %swap3A_3907 : vector<1x16xf32> to vector<16xf32>
    %swap3A_3909 = vector.shape_cast %mul3A_3903 : vector<16xf32> to vector<1x16xf32>
    tpu.vector_store %arg5[%swap3A_3905, %swap3A_3906], %swap3A_3909 {strides = array<i32>} : memref<8x128xf32, #tpu.memory_space<vmem>>, vector<1x16xf32>,
    %mul3A_3910 = arith.mulf %select_n3A_3806, %div3A_3867 : vector<16xf32>
    %swap3A_3911 = arith.constant 6 : i32
    %swap3A_3912 = arith.index_cast %swap3A_3911 : i32 to index
    %swap3A_3913 = arith.constant 96 : index
    %swap3A_3914 = tpu.vector_load %arg5[%swap3A_3912, %swap3A_3913] {strides = array<i32>} : memref<8x128xf32, #tpu.memory_space<vmem>>, vector<1x16xf32>,
    %swap3A_3915 = vector.shape_cast %swap3A_3914 : vector<1x16xf32> to vector<16xf32>
    %swap3A_3916 = vector.shape_cast %mul3A_3910 : vector<16xf32> to vector<1x16xf32>
    tpu.vector_store %arg5[%swap3A_3912, %swap3A_3913], %swap3A_3916 {strides = array<i32>} : memref<8x128xf32, #tpu.memory_space<vmem>>, vector<1x16xf32>,
    %mul3A_3917 = arith.mulf %select_n3A_3863, %div3A_3867 : vector<16xf32>
    %swap3A_3918 = arith.constant 7 : i32
    %swap3A_3919 = arith.index_cast %swap3A_3918 : i32 to index
    %swap3A_3920 = arith.constant 96 : index
    %swap3A_3921 = tpu.vector_load %arg5[%swap3A_3919, %swap3A_3920] {strides = array<i32>} : memref<8x128xf32, #tpu.memory_space<vmem>>, vector<1x16xf32>,
    %swap3A_3922 = vector.shape_cast %swap3A_3921 : vector<1x16xf32> to vector<16xf32>
    %swap3A_3923 = vector.shape_cast %mul3A_3917 : vector<16xf32> to vector<1x16xf32>
    tpu.vector_store %arg5[%swap3A_3919, %swap3A_3920], %swap3A_3923 {strides = array<i32>} : memref<8x128xf32, #tpu.memory_space<vmem>>, vector<1x16xf32>,
    %get3A_3924 = arith.constant 0 : i32
    %get3A_3925 = arith.index_cast %get3A_3924 : i32 to index
    %get3A_3926 = arith.constant 112 : index
    %get3A_3927 = tpu.vector_load %arg4[%get3A_3925, %get3A_3926] {strides = array<i32>} : memref<8x128xf32, #tpu.memory_space<vmem>>, vector<1x16xf32>,
    %get3A_3928 = vector.shape_cast %get3A_3927 : vector<1x16xf32> to vector<16xf32>
    %get3A_3929 = arith.constant 1 : i32
    %get3A_3930 = arith.index_cast %get3A_3929 : i32 to index
    %get3A_3931 = arith.constant 112 : index
    %get3A_3932 = tpu.vector_load %arg4[%get3A_3930, %get3A_3931] {strides = array<i32>} : memref<8x128xf32, #tpu.memory_space<vmem>>, vector<1x16xf32>,
    %get3A_3933 = vector.shape_cast %get3A_3932 : vector<1x16xf32> to vector<16xf32>
    %get3A_3934 = arith.constant 2 : i32
    %get3A_3935 = arith.index_cast %get3A_3934 : i32 to index
    %get3A_3936 = arith.constant 112 : index
    %get3A_3937 = tpu.vector_load %arg4[%get3A_3935, %get3A_3936] {strides = array<i32>} : memref<8x128xf32, #tpu.memory_space<vmem>>, vector<1x16xf32>,
    %get3A_3938 = vector.shape_cast %get3A_3937 : vector<1x16xf32> to vector<16xf32>
    %get3A_3939 = arith.constant 3 : i32
    %get3A_3940 = arith.index_cast %get3A_3939 : i32 to index
    %get3A_3941 = arith.constant 112 : index
    %get3A_3942 = tpu.vector_load %arg4[%get3A_3940, %get3A_3941] {strides = array<i32>} : memref<8x128xf32, #tpu.memory_space<vmem>>, vector<1x16xf32>,
    %get3A_3943 = vector.shape_cast %get3A_3942 : vector<1x16xf32> to vector<16xf32>
    %get3A_3944 = arith.constant 4 : i32
    %get3A_3945 = arith.index_cast %get3A_3944 : i32 to index
    %get3A_3946 = arith.constant 112 : index
    %get3A_3947 = tpu.vector_load %arg4[%get3A_3945, %get3A_3946] {strides = array<i32>} : memref<8x128xf32, #tpu.memory_space<vmem>>, vector<1x16xf32>,
    %get3A_3948 = vector.shape_cast %get3A_3947 : vector<1x16xf32> to vector<16xf32>
    %get3A_3949 = arith.constant 5 : i32
    %get3A_3950 = arith.index_cast %get3A_3949 : i32 to index
    %get3A_3951 = arith.constant 112 : index
    %get3A_3952 = tpu.vector_load %arg4[%get3A_3950, %get3A_3951] {strides = array<i32>} : memref<8x128xf32, #tpu.memory_space<vmem>>, vector<1x16xf32>,
    %get3A_3953 = vector.shape_cast %get3A_3952 : vector<1x16xf32> to vector<16xf32>
    %get3A_3954 = arith.constant 6 : i32
    %get3A_3955 = arith.index_cast %get3A_3954 : i32 to index
    %get3A_3956 = arith.constant 112 : index
    %get3A_3957 = tpu.vector_load %arg4[%get3A_3955, %get3A_3956] {strides = array<i32>} : memref<8x128xf32, #tpu.memory_space<vmem>>, vector<1x16xf32>,
    %get3A_3958 = vector.shape_cast %get3A_3957 : vector<1x16xf32> to vector<16xf32>
    %get3A_3959 = arith.constant 7 : i32
    %get3A_3960 = arith.index_cast %get3A_3959 : i32 to index
    %get3A_3961 = arith.constant 112 : index
    %get3A_3962 = tpu.vector_load %arg4[%get3A_3960, %get3A_3961] {strides = array<i32>} : memref<8x128xf32, #tpu.memory_space<vmem>>, vector<1x16xf32>,
    %get3A_3963 = vector.shape_cast %get3A_3962 : vector<1x16xf32> to vector<16xf32>
    %max3A_3964 = arith.maximumf %get3A_3928, %get3A_3933 : vector<16xf32>
    %max3A_3965 = arith.maximumf %max3A_3964, %get3A_3938 : vector<16xf32>
    %max3A_3966 = arith.maximumf %max3A_3965, %get3A_3943 : vector<16xf32>
    %max3A_3967 = arith.maximumf %max3A_3966, %get3A_3948 : vector<16xf32>
    %max3A_3968 = arith.maximumf %max3A_3967, %get3A_3953 : vector<16xf32>
    %max3A_3969 = arith.maximumf %max3A_3968, %get3A_3958 : vector<16xf32>
    %max3A_3970 = arith.maximumf %max3A_3969, %get3A_3963 : vector<16xf32>
    %gt3A_3971 = arith.cmpf ogt, %get3A_3933, %get3A_3928 : vector<16xf32>
    %jit3A_3972 = arith.constant 1 : i32
    %jit3A_3973 = arith.constant 0 : i32
    %broadcast_in_dim3A_3974 = vector.broadcast %jit3A_3972 : i32 to vector<16xi32>
    %broadcast_in_dim3A_3975 = vector.broadcast %jit3A_3973 : i32 to vector<16xi32>
    %select_n3A_3976 = arith.select %gt3A_3971, %broadcast_in_dim3A_3974, %broadcast_in_dim3A_3975 : vector<16xi1>, vector<16xi32>
    %gt3A_3977 = arith.cmpf ogt, %get3A_3938, %get3A_3928 : vector<16xf32>
    %jit3A_3978 = arith.constant 1 : i32
    %jit3A_3979 = arith.constant 0 : i32
    %broadcast_in_dim3A_3980 = vector.broadcast %jit3A_3978 : i32 to vector<16xi32>
    %broadcast_in_dim3A_3981 = vector.broadcast %jit3A_3979 : i32 to vector<16xi32>
    %select_n3A_3982 = arith.select %gt3A_3977, %broadcast_in_dim3A_3980, %broadcast_in_dim3A_3981 : vector<16xi1>, vector<16xi32>
    %add3A_3983 = arith.addi %select_n3A_3976, %select_n3A_3982 : vector<16xi32>
    %gt3A_3984 = arith.cmpf ogt, %get3A_3943, %get3A_3928 : vector<16xf32>
    %jit3A_3985 = arith.constant 1 : i32
    %jit3A_3986 = arith.constant 0 : i32
    %broadcast_in_dim3A_3987 = vector.broadcast %jit3A_3985 : i32 to vector<16xi32>
    %broadcast_in_dim3A_3988 = vector.broadcast %jit3A_3986 : i32 to vector<16xi32>
    %select_n3A_3989 = arith.select %gt3A_3984, %broadcast_in_dim3A_3987, %broadcast_in_dim3A_3988 : vector<16xi1>, vector<16xi32>
    %add3A_3990 = arith.addi %add3A_3983, %select_n3A_3989 : vector<16xi32>
    %gt3A_3991 = arith.cmpf ogt, %get3A_3948, %get3A_3928 : vector<16xf32>
    %jit3A_3992 = arith.constant 1 : i32
    %jit3A_3993 = arith.constant 0 : i32
    %broadcast_in_dim3A_3994 = vector.broadcast %jit3A_3992 : i32 to vector<16xi32>
    %broadcast_in_dim3A_3995 = vector.broadcast %jit3A_3993 : i32 to vector<16xi32>
    %select_n3A_3996 = arith.select %gt3A_3991, %broadcast_in_dim3A_3994, %broadcast_in_dim3A_3995 : vector<16xi1>, vector<16xi32>
    %add3A_3997 = arith.addi %add3A_3990, %select_n3A_3996 : vector<16xi32>
    %gt3A_3998 = arith.cmpf ogt, %get3A_3953, %get3A_3928 : vector<16xf32>
    %jit3A_3999 = arith.constant 1 : i32
    %jit3A_4000 = arith.constant 0 : i32
    %broadcast_in_dim3A_4001 = vector.broadcast %jit3A_3999 : i32 to vector<16xi32>
    %broadcast_in_dim3A_4002 = vector.broadcast %jit3A_4000 : i32 to vector<16xi32>
    %select_n3A_4003 = arith.select %gt3A_3998, %broadcast_in_dim3A_4001, %broadcast_in_dim3A_4002 : vector<16xi1>, vector<16xi32>
    %add3A_4004 = arith.addi %add3A_3997, %select_n3A_4003 : vector<16xi32>
    %gt3A_4005 = arith.cmpf ogt, %get3A_3958, %get3A_3928 : vector<16xf32>
    %jit3A_4006 = arith.constant 1 : i32
    %jit3A_4007 = arith.constant 0 : i32
    %broadcast_in_dim3A_4008 = vector.broadcast %jit3A_4006 : i32 to vector<16xi32>
    %broadcast_in_dim3A_4009 = vector.broadcast %jit3A_4007 : i32 to vector<16xi32>
    %select_n3A_4010 = arith.select %gt3A_4005, %broadcast_in_dim3A_4008, %broadcast_in_dim3A_4009 : vector<16xi1>, vector<16xi32>
    %add3A_4011 = arith.addi %add3A_4004, %select_n3A_4010 : vector<16xi32>
    %gt3A_4012 = arith.cmpf ogt, %get3A_3963, %get3A_3928 : vector<16xf32>
    %jit3A_4013 = arith.constant 1 : i32
    %jit3A_4014 = arith.constant 0 : i32
    %broadcast_in_dim3A_4015 = vector.broadcast %jit3A_4013 : i32 to vector<16xi32>
    %broadcast_in_dim3A_4016 = vector.broadcast %jit3A_4014 : i32 to vector<16xi32>
    %select_n3A_4017 = arith.select %gt3A_4012, %broadcast_in_dim3A_4015, %broadcast_in_dim3A_4016 : vector<16xi1>, vector<16xi32>
    %add3A_4018 = arith.addi %add3A_4011, %select_n3A_4017 : vector<16xi32>
    %lt3A_4019 = arith.constant 2 : i32
    %lt3A_4020 = vector.broadcast %lt3A_4019 : i32 to vector<16xi32>
    %lt3A_4021 = arith.cmpi slt, %add3A_4018, %lt3A_4020 : vector<16xi32>
    %sub3A_4022 = arith.subf %get3A_3928, %max3A_3970 : vector<16xf32>
    %exp3A_4023 = math.exp %sub3A_4022 : vector<16xf32>
    %jit3A_4024 = arith.constant 0.000000e+00 : f32
    %broadcast_in_dim3A_4025 = vector.broadcast %jit3A_4024 : f32 to vector<16xf32>
    %select_n3A_4026 = arith.select %lt3A_4021, %exp3A_4023, %broadcast_in_dim3A_4025 : vector<16xi1>, vector<16xf32>
    %ge3A_4027 = arith.cmpf oge, %get3A_3928, %get3A_3933 : vector<16xf32>
    %jit3A_4028 = arith.constant 1 : i32
    %jit3A_4029 = arith.constant 0 : i32
    %broadcast_in_dim3A_4030 = vector.broadcast %jit3A_4028 : i32 to vector<16xi32>
    %broadcast_in_dim3A_4031 = vector.broadcast %jit3A_4029 : i32 to vector<16xi32>
    %select_n3A_4032 = arith.select %ge3A_4027, %broadcast_in_dim3A_4030, %broadcast_in_dim3A_4031 : vector<16xi1>, vector<16xi32>
    %gt3A_4033 = arith.cmpf ogt, %get3A_3938, %get3A_3933 : vector<16xf32>
    %jit3A_4034 = arith.constant 1 : i32
    %jit3A_4035 = arith.constant 0 : i32
    %broadcast_in_dim3A_4036 = vector.broadcast %jit3A_4034 : i32 to vector<16xi32>
    %broadcast_in_dim3A_4037 = vector.broadcast %jit3A_4035 : i32 to vector<16xi32>
    %select_n3A_4038 = arith.select %gt3A_4033, %broadcast_in_dim3A_4036, %broadcast_in_dim3A_4037 : vector<16xi1>, vector<16xi32>
    %add3A_4039 = arith.addi %select_n3A_4032, %select_n3A_4038 : vector<16xi32>
    %gt3A_4040 = arith.cmpf ogt, %get3A_3943, %get3A_3933 : vector<16xf32>
    %jit3A_4041 = arith.constant 1 : i32
    %jit3A_4042 = arith.constant 0 : i32
    %broadcast_in_dim3A_4043 = vector.broadcast %jit3A_4041 : i32 to vector<16xi32>
    %broadcast_in_dim3A_4044 = vector.broadcast %jit3A_4042 : i32 to vector<16xi32>
    %select_n3A_4045 = arith.select %gt3A_4040, %broadcast_in_dim3A_4043, %broadcast_in_dim3A_4044 : vector<16xi1>, vector<16xi32>
    %add3A_4046 = arith.addi %add3A_4039, %select_n3A_4045 : vector<16xi32>
    %gt3A_4047 = arith.cmpf ogt, %get3A_3948, %get3A_3933 : vector<16xf32>
    %jit3A_4048 = arith.constant 1 : i32
    %jit3A_4049 = arith.constant 0 : i32
    %broadcast_in_dim3A_4050 = vector.broadcast %jit3A_4048 : i32 to vector<16xi32>
    %broadcast_in_dim3A_4051 = vector.broadcast %jit3A_4049 : i32 to vector<16xi32>
    %select_n3A_4052 = arith.select %gt3A_4047, %broadcast_in_dim3A_4050, %broadcast_in_dim3A_4051 : vector<16xi1>, vector<16xi32>
    %add3A_4053 = arith.addi %add3A_4046, %select_n3A_4052 : vector<16xi32>
    %gt3A_4054 = arith.cmpf ogt, %get3A_3953, %get3A_3933 : vector<16xf32>
    %jit3A_4055 = arith.constant 1 : i32
    %jit3A_4056 = arith.constant 0 : i32
    %broadcast_in_dim3A_4057 = vector.broadcast %jit3A_4055 : i32 to vector<16xi32>
    %broadcast_in_dim3A_4058 = vector.broadcast %jit3A_4056 : i32 to vector<16xi32>
    %select_n3A_4059 = arith.select %gt3A_4054, %broadcast_in_dim3A_4057, %broadcast_in_dim3A_4058 : vector<16xi1>, vector<16xi32>
    %add3A_4060 = arith.addi %add3A_4053, %select_n3A_4059 : vector<16xi32>
    %gt3A_4061 = arith.cmpf ogt, %get3A_3958, %get3A_3933 : vector<16xf32>
    %jit3A_4062 = arith.constant 1 : i32
    %jit3A_4063 = arith.constant 0 : i32
    %broadcast_in_dim3A_4064 = vector.broadcast %jit3A_4062 : i32 to vector<16xi32>
    %broadcast_in_dim3A_4065 = vector.broadcast %jit3A_4063 : i32 to vector<16xi32>
    %select_n3A_4066 = arith.select %gt3A_4061, %broadcast_in_dim3A_4064, %broadcast_in_dim3A_4065 : vector<16xi1>, vector<16xi32>
    %add3A_4067 = arith.addi %add3A_4060, %select_n3A_4066 : vector<16xi32>
    %gt3A_4068 = arith.cmpf ogt, %get3A_3963, %get3A_3933 : vector<16xf32>
    %jit3A_4069 = arith.constant 1 : i32
    %jit3A_4070 = arith.constant 0 : i32
    %broadcast_in_dim3A_4071 = vector.broadcast %jit3A_4069 : i32 to vector<16xi32>
    %broadcast_in_dim3A_4072 = vector.broadcast %jit3A_4070 : i32 to vector<16xi32>
    %select_n3A_4073 = arith.select %gt3A_4068, %broadcast_in_dim3A_4071, %broadcast_in_dim3A_4072 : vector<16xi1>, vector<16xi32>
    %add3A_4074 = arith.addi %add3A_4067, %select_n3A_4073 : vector<16xi32>
    %lt3A_4075 = arith.constant 2 : i32
    %lt3A_4076 = vector.broadcast %lt3A_4075 : i32 to vector<16xi32>
    %lt3A_4077 = arith.cmpi slt, %add3A_4074, %lt3A_4076 : vector<16xi32>
    %sub3A_4078 = arith.subf %get3A_3933, %max3A_3970 : vector<16xf32>
    %exp3A_4079 = math.exp %sub3A_4078 : vector<16xf32>
    %jit3A_4080 = arith.constant 0.000000e+00 : f32
    %broadcast_in_dim3A_4081 = vector.broadcast %jit3A_4080 : f32 to vector<16xf32>
    %select_n3A_4082 = arith.select %lt3A_4077, %exp3A_4079, %broadcast_in_dim3A_4081 : vector<16xi1>, vector<16xf32>
    %add3A_4083 = arith.addf %select_n3A_4026, %select_n3A_4082 : vector<16xf32>
    %ge3A_4084 = arith.cmpf oge, %get3A_3928, %get3A_3938 : vector<16xf32>
    %jit3A_4085 = arith.constant 1 : i32
    %jit3A_4086 = arith.constant 0 : i32
    %broadcast_in_dim3A_4087 = vector.broadcast %jit3A_4085 : i32 to vector<16xi32>
    %broadcast_in_dim3A_4088 = vector.broadcast %jit3A_4086 : i32 to vector<16xi32>
    %select_n3A_4089 = arith.select %ge3A_4084, %broadcast_in_dim3A_4087, %broadcast_in_dim3A_4088 : vector<16xi1>, vector<16xi32>
    %ge3A_4090 = arith.cmpf oge, %get3A_3933, %get3A_3938 : vector<16xf32>
    %jit3A_4091 = arith.constant 1 : i32
    %jit3A_4092 = arith.constant 0 : i32
    %broadcast_in_dim3A_4093 = vector.broadcast %jit3A_4091 : i32 to vector<16xi32>
    %broadcast_in_dim3A_4094 = vector.broadcast %jit3A_4092 : i32 to vector<16xi32>
    %select_n3A_4095 = arith.select %ge3A_4090, %broadcast_in_dim3A_4093, %broadcast_in_dim3A_4094 : vector<16xi1>, vector<16xi32>
    %add3A_4096 = arith.addi %select_n3A_4089, %select_n3A_4095 : vector<16xi32>
    %gt3A_4097 = arith.cmpf ogt, %get3A_3943, %get3A_3938 : vector<16xf32>
    %jit3A_4098 = arith.constant 1 : i32
    %jit3A_4099 = arith.constant 0 : i32
    %broadcast_in_dim3A_4100 = vector.broadcast %jit3A_4098 : i32 to vector<16xi32>
    %broadcast_in_dim3A_4101 = vector.broadcast %jit3A_4099 : i32 to vector<16xi32>
    %select_n3A_4102 = arith.select %gt3A_4097, %broadcast_in_dim3A_4100, %broadcast_in_dim3A_4101 : vector<16xi1>, vector<16xi32>
    %add3A_4103 = arith.addi %add3A_4096, %select_n3A_4102 : vector<16xi32>
    %gt3A_4104 = arith.cmpf ogt, %get3A_3948, %get3A_3938 : vector<16xf32>
    %jit3A_4105 = arith.constant 1 : i32
    %jit3A_4106 = arith.constant 0 : i32
    %broadcast_in_dim3A_4107 = vector.broadcast %jit3A_4105 : i32 to vector<16xi32>
    %broadcast_in_dim3A_4108 = vector.broadcast %jit3A_4106 : i32 to vector<16xi32>
    %select_n3A_4109 = arith.select %gt3A_4104, %broadcast_in_dim3A_4107, %broadcast_in_dim3A_4108 : vector<16xi1>, vector<16xi32>
    %add3A_4110 = arith.addi %add3A_4103, %select_n3A_4109 : vector<16xi32>
    %gt3A_4111 = arith.cmpf ogt, %get3A_3953, %get3A_3938 : vector<16xf32>
    %jit3A_4112 = arith.constant 1 : i32
    %jit3A_4113 = arith.constant 0 : i32
    %broadcast_in_dim3A_4114 = vector.broadcast %jit3A_4112 : i32 to vector<16xi32>
    %broadcast_in_dim3A_4115 = vector.broadcast %jit3A_4113 : i32 to vector<16xi32>
    %select_n3A_4116 = arith.select %gt3A_4111, %broadcast_in_dim3A_4114, %broadcast_in_dim3A_4115 : vector<16xi1>, vector<16xi32>
    %add3A_4117 = arith.addi %add3A_4110, %select_n3A_4116 : vector<16xi32>
    %gt3A_4118 = arith.cmpf ogt, %get3A_3958, %get3A_3938 : vector<16xf32>
    %jit3A_4119 = arith.constant 1 : i32
    %jit3A_4120 = arith.constant 0 : i32
    %broadcast_in_dim3A_4121 = vector.broadcast %jit3A_4119 : i32 to vector<16xi32>
    %broadcast_in_dim3A_4122 = vector.broadcast %jit3A_4120 : i32 to vector<16xi32>
    %select_n3A_4123 = arith.select %gt3A_4118, %broadcast_in_dim3A_4121, %broadcast_in_dim3A_4122 : vector<16xi1>, vector<16xi32>
    %add3A_4124 = arith.addi %add3A_4117, %select_n3A_4123 : vector<16xi32>
    %gt3A_4125 = arith.cmpf ogt, %get3A_3963, %get3A_3938 : vector<16xf32>
    %jit3A_4126 = arith.constant 1 : i32
    %jit3A_4127 = arith.constant 0 : i32
    %broadcast_in_dim3A_4128 = vector.broadcast %jit3A_4126 : i32 to vector<16xi32>
    %broadcast_in_dim3A_4129 = vector.broadcast %jit3A_4127 : i32 to vector<16xi32>
    %select_n3A_4130 = arith.select %gt3A_4125, %broadcast_in_dim3A_4128, %broadcast_in_dim3A_4129 : vector<16xi1>, vector<16xi32>
    %add3A_4131 = arith.addi %add3A_4124, %select_n3A_4130 : vector<16xi32>
    %lt3A_4132 = arith.constant 2 : i32
    %lt3A_4133 = vector.broadcast %lt3A_4132 : i32 to vector<16xi32>
    %lt3A_4134 = arith.cmpi slt, %add3A_4131, %lt3A_4133 : vector<16xi32>
    %sub3A_4135 = arith.subf %get3A_3938, %max3A_3970 : vector<16xf32>
    %exp3A_4136 = math.exp %sub3A_4135 : vector<16xf32>
    %jit3A_4137 = arith.constant 0.000000e+00 : f32
    %broadcast_in_dim3A_4138 = vector.broadcast %jit3A_4137 : f32 to vector<16xf32>
    %select_n3A_4139 = arith.select %lt3A_4134, %exp3A_4136, %broadcast_in_dim3A_4138 : vector<16xi1>, vector<16xf32>
    %add3A_4140 = arith.addf %add3A_4083, %select_n3A_4139 : vector<16xf32>
    %ge3A_4141 = arith.cmpf oge, %get3A_3928, %get3A_3943 : vector<16xf32>
    %jit3A_4142 = arith.constant 1 : i32
    %jit3A_4143 = arith.constant 0 : i32
    %broadcast_in_dim3A_4144 = vector.broadcast %jit3A_4142 : i32 to vector<16xi32>
    %broadcast_in_dim3A_4145 = vector.broadcast %jit3A_4143 : i32 to vector<16xi32>
    %select_n3A_4146 = arith.select %ge3A_4141, %broadcast_in_dim3A_4144, %broadcast_in_dim3A_4145 : vector<16xi1>, vector<16xi32>
    %ge3A_4147 = arith.cmpf oge, %get3A_3933, %get3A_3943 : vector<16xf32>
    %jit3A_4148 = arith.constant 1 : i32
    %jit3A_4149 = arith.constant 0 : i32
    %broadcast_in_dim3A_4150 = vector.broadcast %jit3A_4148 : i32 to vector<16xi32>
    %broadcast_in_dim3A_4151 = vector.broadcast %jit3A_4149 : i32 to vector<16xi32>
    %select_n3A_4152 = arith.select %ge3A_4147, %broadcast_in_dim3A_4150, %broadcast_in_dim3A_4151 : vector<16xi1>, vector<16xi32>
    %add3A_4153 = arith.addi %select_n3A_4146, %select_n3A_4152 : vector<16xi32>
    %ge3A_4154 = arith.cmpf oge, %get3A_3938, %get3A_3943 : vector<16xf32>
    %jit3A_4155 = arith.constant 1 : i32
    %jit3A_4156 = arith.constant 0 : i32
    %broadcast_in_dim3A_4157 = vector.broadcast %jit3A_4155 : i32 to vector<16xi32>
    %broadcast_in_dim3A_4158 = vector.broadcast %jit3A_4156 : i32 to vector<16xi32>
    %select_n3A_4159 = arith.select %ge3A_4154, %broadcast_in_dim3A_4157, %broadcast_in_dim3A_4158 : vector<16xi1>, vector<16xi32>
    %add3A_4160 = arith.addi %add3A_4153, %select_n3A_4159 : vector<16xi32>
    %gt3A_4161 = arith.cmpf ogt, %get3A_3948, %get3A_3943 : vector<16xf32>
    %jit3A_4162 = arith.constant 1 : i32
    %jit3A_4163 = arith.constant 0 : i32
    %broadcast_in_dim3A_4164 = vector.broadcast %jit3A_4162 : i32 to vector<16xi32>
    %broadcast_in_dim3A_4165 = vector.broadcast %jit3A_4163 : i32 to vector<16xi32>
    %select_n3A_4166 = arith.select %gt3A_4161, %broadcast_in_dim3A_4164, %broadcast_in_dim3A_4165 : vector<16xi1>, vector<16xi32>
    %add3A_4167 = arith.addi %add3A_4160, %select_n3A_4166 : vector<16xi32>
    %gt3A_4168 = arith.cmpf ogt, %get3A_3953, %get3A_3943 : vector<16xf32>
    %jit3A_4169 = arith.constant 1 : i32
    %jit3A_4170 = arith.constant 0 : i32
    %broadcast_in_dim3A_4171 = vector.broadcast %jit3A_4169 : i32 to vector<16xi32>
    %broadcast_in_dim3A_4172 = vector.broadcast %jit3A_4170 : i32 to vector<16xi32>
    %select_n3A_4173 = arith.select %gt3A_4168, %broadcast_in_dim3A_4171, %broadcast_in_dim3A_4172 : vector<16xi1>, vector<16xi32>
    %add3A_4174 = arith.addi %add3A_4167, %select_n3A_4173 : vector<16xi32>
    %gt3A_4175 = arith.cmpf ogt, %get3A_3958, %get3A_3943 : vector<16xf32>
    %jit3A_4176 = arith.constant 1 : i32
    %jit3A_4177 = arith.constant 0 : i32
    %broadcast_in_dim3A_4178 = vector.broadcast %jit3A_4176 : i32 to vector<16xi32>
    %broadcast_in_dim3A_4179 = vector.broadcast %jit3A_4177 : i32 to vector<16xi32>
    %select_n3A_4180 = arith.select %gt3A_4175, %broadcast_in_dim3A_4178, %broadcast_in_dim3A_4179 : vector<16xi1>, vector<16xi32>
    %add3A_4181 = arith.addi %add3A_4174, %select_n3A_4180 : vector<16xi32>
    %gt3A_4182 = arith.cmpf ogt, %get3A_3963, %get3A_3943 : vector<16xf32>
    %jit3A_4183 = arith.constant 1 : i32
    %jit3A_4184 = arith.constant 0 : i32
    %broadcast_in_dim3A_4185 = vector.broadcast %jit3A_4183 : i32 to vector<16xi32>
    %broadcast_in_dim3A_4186 = vector.broadcast %jit3A_4184 : i32 to vector<16xi32>
    %select_n3A_4187 = arith.select %gt3A_4182, %broadcast_in_dim3A_4185, %broadcast_in_dim3A_4186 : vector<16xi1>, vector<16xi32>
    %add3A_4188 = arith.addi %add3A_4181, %select_n3A_4187 : vector<16xi32>
    %lt3A_4189 = arith.constant 2 : i32
    %lt3A_4190 = vector.broadcast %lt3A_4189 : i32 to vector<16xi32>
    %lt3A_4191 = arith.cmpi slt, %add3A_4188, %lt3A_4190 : vector<16xi32>
    %sub3A_4192 = arith.subf %get3A_3943, %max3A_3970 : vector<16xf32>
    %exp3A_4193 = math.exp %sub3A_4192 : vector<16xf32>
    %jit3A_4194 = arith.constant 0.000000e+00 : f32
    %broadcast_in_dim3A_4195 = vector.broadcast %jit3A_4194 : f32 to vector<16xf32>
    %select_n3A_4196 = arith.select %lt3A_4191, %exp3A_4193, %broadcast_in_dim3A_4195 : vector<16xi1>, vector<16xf32>
    %add3A_4197 = arith.addf %add3A_4140, %select_n3A_4196 : vector<16xf32>
    %ge3A_4198 = arith.cmpf oge, %get3A_3928, %get3A_3948 : vector<16xf32>
    %jit3A_4199 = arith.constant 1 : i32
    %jit3A_4200 = arith.constant 0 : i32
    %broadcast_in_dim3A_4201 = vector.broadcast %jit3A_4199 : i32 to vector<16xi32>
    %broadcast_in_dim3A_4202 = vector.broadcast %jit3A_4200 : i32 to vector<16xi32>
    %select_n3A_4203 = arith.select %ge3A_4198, %broadcast_in_dim3A_4201, %broadcast_in_dim3A_4202 : vector<16xi1>, vector<16xi32>
    %ge3A_4204 = arith.cmpf oge, %get3A_3933, %get3A_3948 : vector<16xf32>
    %jit3A_4205 = arith.constant 1 : i32
    %jit3A_4206 = arith.constant 0 : i32
    %broadcast_in_dim3A_4207 = vector.broadcast %jit3A_4205 : i32 to vector<16xi32>
    %broadcast_in_dim3A_4208 = vector.broadcast %jit3A_4206 : i32 to vector<16xi32>
    %select_n3A_4209 = arith.select %ge3A_4204, %broadcast_in_dim3A_4207, %broadcast_in_dim3A_4208 : vector<16xi1>, vector<16xi32>
    %add3A_4210 = arith.addi %select_n3A_4203, %select_n3A_4209 : vector<16xi32>
    %ge3A_4211 = arith.cmpf oge, %get3A_3938, %get3A_3948 : vector<16xf32>
    %jit3A_4212 = arith.constant 1 : i32
    %jit3A_4213 = arith.constant 0 : i32
    %broadcast_in_dim3A_4214 = vector.broadcast %jit3A_4212 : i32 to vector<16xi32>
    %broadcast_in_dim3A_4215 = vector.broadcast %jit3A_4213 : i32 to vector<16xi32>
    %select_n3A_4216 = arith.select %ge3A_4211, %broadcast_in_dim3A_4214, %broadcast_in_dim3A_4215 : vector<16xi1>, vector<16xi32>
    %add3A_4217 = arith.addi %add3A_4210, %select_n3A_4216 : vector<16xi32>
    %ge3A_4218 = arith.cmpf oge, %get3A_3943, %get3A_3948 : vector<16xf32>
    %jit3A_4219 = arith.constant 1 : i32
    %jit3A_4220 = arith.constant 0 : i32
    %broadcast_in_dim3A_4221 = vector.broadcast %jit3A_4219 : i32 to vector<16xi32>
    %broadcast_in_dim3A_4222 = vector.broadcast %jit3A_4220 : i32 to vector<16xi32>
    %select_n3A_4223 = arith.select %ge3A_4218, %broadcast_in_dim3A_4221, %broadcast_in_dim3A_4222 : vector<16xi1>, vector<16xi32>
    %add3A_4224 = arith.addi %add3A_4217, %select_n3A_4223 : vector<16xi32>
    %gt3A_4225 = arith.cmpf ogt, %get3A_3953, %get3A_3948 : vector<16xf32>
    %jit3A_4226 = arith.constant 1 : i32
    %jit3A_4227 = arith.constant 0 : i32
    %broadcast_in_dim3A_4228 = vector.broadcast %jit3A_4226 : i32 to vector<16xi32>
    %broadcast_in_dim3A_4229 = vector.broadcast %jit3A_4227 : i32 to vector<16xi32>
    %select_n3A_4230 = arith.select %gt3A_4225, %broadcast_in_dim3A_4228, %broadcast_in_dim3A_4229 : vector<16xi1>, vector<16xi32>
    %add3A_4231 = arith.addi %add3A_4224, %select_n3A_4230 : vector<16xi32>
    %gt3A_4232 = arith.cmpf ogt, %get3A_3958, %get3A_3948 : vector<16xf32>
    %jit3A_4233 = arith.constant 1 : i32
    %jit3A_4234 = arith.constant 0 : i32
    %broadcast_in_dim3A_4235 = vector.broadcast %jit3A_4233 : i32 to vector<16xi32>
    %broadcast_in_dim3A_4236 = vector.broadcast %jit3A_4234 : i32 to vector<16xi32>
    %select_n3A_4237 = arith.select %gt3A_4232, %broadcast_in_dim3A_4235, %broadcast_in_dim3A_4236 : vector<16xi1>, vector<16xi32>
    %add3A_4238 = arith.addi %add3A_4231, %select_n3A_4237 : vector<16xi32>
    %gt3A_4239 = arith.cmpf ogt, %get3A_3963, %get3A_3948 : vector<16xf32>
    %jit3A_4240 = arith.constant 1 : i32
    %jit3A_4241 = arith.constant 0 : i32
    %broadcast_in_dim3A_4242 = vector.broadcast %jit3A_4240 : i32 to vector<16xi32>
    %broadcast_in_dim3A_4243 = vector.broadcast %jit3A_4241 : i32 to vector<16xi32>
    %select_n3A_4244 = arith.select %gt3A_4239, %broadcast_in_dim3A_4242, %broadcast_in_dim3A_4243 : vector<16xi1>, vector<16xi32>
    %add3A_4245 = arith.addi %add3A_4238, %select_n3A_4244 : vector<16xi32>
    %lt3A_4246 = arith.constant 2 : i32
    %lt3A_4247 = vector.broadcast %lt3A_4246 : i32 to vector<16xi32>
    %lt3A_4248 = arith.cmpi slt, %add3A_4245, %lt3A_4247 : vector<16xi32>
    %sub3A_4249 = arith.subf %get3A_3948, %max3A_3970 : vector<16xf32>
    %exp3A_4250 = math.exp %sub3A_4249 : vector<16xf32>
    %jit3A_4251 = arith.constant 0.000000e+00 : f32
    %broadcast_in_dim3A_4252 = vector.broadcast %jit3A_4251 : f32 to vector<16xf32>
    %select_n3A_4253 = arith.select %lt3A_4248, %exp3A_4250, %broadcast_in_dim3A_4252 : vector<16xi1>, vector<16xf32>
    %add3A_4254 = arith.addf %add3A_4197, %select_n3A_4253 : vector<16xf32>
    %ge3A_4255 = arith.cmpf oge, %get3A_3928, %get3A_3953 : vector<16xf32>
    %jit3A_4256 = arith.constant 1 : i32
    %jit3A_4257 = arith.constant 0 : i32
    %broadcast_in_dim3A_4258 = vector.broadcast %jit3A_4256 : i32 to vector<16xi32>
    %broadcast_in_dim3A_4259 = vector.broadcast %jit3A_4257 : i32 to vector<16xi32>
    %select_n3A_4260 = arith.select %ge3A_4255, %broadcast_in_dim3A_4258, %broadcast_in_dim3A_4259 : vector<16xi1>, vector<16xi32>
    %ge3A_4261 = arith.cmpf oge, %get3A_3933, %get3A_3953 : vector<16xf32>
    %jit3A_4262 = arith.constant 1 : i32
    %jit3A_4263 = arith.constant 0 : i32
    %broadcast_in_dim3A_4264 = vector.broadcast %jit3A_4262 : i32 to vector<16xi32>
    %broadcast_in_dim3A_4265 = vector.broadcast %jit3A_4263 : i32 to vector<16xi32>
    %select_n3A_4266 = arith.select %ge3A_4261, %broadcast_in_dim3A_4264, %broadcast_in_dim3A_4265 : vector<16xi1>, vector<16xi32>
    %add3A_4267 = arith.addi %select_n3A_4260, %select_n3A_4266 : vector<16xi32>
    %ge3A_4268 = arith.cmpf oge, %get3A_3938, %get3A_3953 : vector<16xf32>
    %jit3A_4269 = arith.constant 1 : i32
    %jit3A_4270 = arith.constant 0 : i32
    %broadcast_in_dim3A_4271 = vector.broadcast %jit3A_4269 : i32 to vector<16xi32>
    %broadcast_in_dim3A_4272 = vector.broadcast %jit3A_4270 : i32 to vector<16xi32>
    %select_n3A_4273 = arith.select %ge3A_4268, %broadcast_in_dim3A_4271, %broadcast_in_dim3A_4272 : vector<16xi1>, vector<16xi32>
    %add3A_4274 = arith.addi %add3A_4267, %select_n3A_4273 : vector<16xi32>
    %ge3A_4275 = arith.cmpf oge, %get3A_3943, %get3A_3953 : vector<16xf32>
    %jit3A_4276 = arith.constant 1 : i32
    %jit3A_4277 = arith.constant 0 : i32
    %broadcast_in_dim3A_4278 = vector.broadcast %jit3A_4276 : i32 to vector<16xi32>
    %broadcast_in_dim3A_4279 = vector.broadcast %jit3A_4277 : i32 to vector<16xi32>
    %select_n3A_4280 = arith.select %ge3A_4275, %broadcast_in_dim3A_4278, %broadcast_in_dim3A_4279 : vector<16xi1>, vector<16xi32>
    %add3A_4281 = arith.addi %add3A_4274, %select_n3A_4280 : vector<16xi32>
    %ge3A_4282 = arith.cmpf oge, %get3A_3948, %get3A_3953 : vector<16xf32>
    %jit3A_4283 = arith.constant 1 : i32
    %jit3A_4284 = arith.constant 0 : i32
    %broadcast_in_dim3A_4285 = vector.broadcast %jit3A_4283 : i32 to vector<16xi32>
    %broadcast_in_dim3A_4286 = vector.broadcast %jit3A_4284 : i32 to vector<16xi32>
    %select_n3A_4287 = arith.select %ge3A_4282, %broadcast_in_dim3A_4285, %broadcast_in_dim3A_4286 : vector<16xi1>, vector<16xi32>
    %add3A_4288 = arith.addi %add3A_4281, %select_n3A_4287 : vector<16xi32>
    %gt3A_4289 = arith.cmpf ogt, %get3A_3958, %get3A_3953 : vector<16xf32>
    %jit3A_4290 = arith.constant 1 : i32
    %jit3A_4291 = arith.constant 0 : i32
    %broadcast_in_dim3A_4292 = vector.broadcast %jit3A_4290 : i32 to vector<16xi32>
    %broadcast_in_dim3A_4293 = vector.broadcast %jit3A_4291 : i32 to vector<16xi32>
    %select_n3A_4294 = arith.select %gt3A_4289, %broadcast_in_dim3A_4292, %broadcast_in_dim3A_4293 : vector<16xi1>, vector<16xi32>
    %add3A_4295 = arith.addi %add3A_4288, %select_n3A_4294 : vector<16xi32>
    %gt3A_4296 = arith.cmpf ogt, %get3A_3963, %get3A_3953 : vector<16xf32>
    %jit3A_4297 = arith.constant 1 : i32
    %jit3A_4298 = arith.constant 0 : i32
    %broadcast_in_dim3A_4299 = vector.broadcast %jit3A_4297 : i32 to vector<16xi32>
    %broadcast_in_dim3A_4300 = vector.broadcast %jit3A_4298 : i32 to vector<16xi32>
    %select_n3A_4301 = arith.select %gt3A_4296, %broadcast_in_dim3A_4299, %broadcast_in_dim3A_4300 : vector<16xi1>, vector<16xi32>
    %add3A_4302 = arith.addi %add3A_4295, %select_n3A_4301 : vector<16xi32>
    %lt3A_4303 = arith.constant 2 : i32
    %lt3A_4304 = vector.broadcast %lt3A_4303 : i32 to vector<16xi32>
    %lt3A_4305 = arith.cmpi slt, %add3A_4302, %lt3A_4304 : vector<16xi32>
    %sub3A_4306 = arith.subf %get3A_3953, %max3A_3970 : vector<16xf32>
    %exp3A_4307 = math.exp %sub3A_4306 : vector<16xf32>
    %jit3A_4308 = arith.constant 0.000000e+00 : f32
    %broadcast_in_dim3A_4309 = vector.broadcast %jit3A_4308 : f32 to vector<16xf32>
    %select_n3A_4310 = arith.select %lt3A_4305, %exp3A_4307, %broadcast_in_dim3A_4309 : vector<16xi1>, vector<16xf32>
    %add3A_4311 = arith.addf %add3A_4254, %select_n3A_4310 : vector<16xf32>
    %ge3A_4312 = arith.cmpf oge, %get3A_3928, %get3A_3958 : vector<16xf32>
    %jit3A_4313 = arith.constant 1 : i32
    %jit3A_4314 = arith.constant 0 : i32
    %broadcast_in_dim3A_4315 = vector.broadcast %jit3A_4313 : i32 to vector<16xi32>
    %broadcast_in_dim3A_4316 = vector.broadcast %jit3A_4314 : i32 to vector<16xi32>
    %select_n3A_4317 = arith.select %ge3A_4312, %broadcast_in_dim3A_4315, %broadcast_in_dim3A_4316 : vector<16xi1>, vector<16xi32>
    %ge3A_4318 = arith.cmpf oge, %get3A_3933, %get3A_3958 : vector<16xf32>
    %jit3A_4319 = arith.constant 1 : i32
    %jit3A_4320 = arith.constant 0 : i32
    %broadcast_in_dim3A_4321 = vector.broadcast %jit3A_4319 : i32 to vector<16xi32>
    %broadcast_in_dim3A_4322 = vector.broadcast %jit3A_4320 : i32 to vector<16xi32>
    %select_n3A_4323 = arith.select %ge3A_4318, %broadcast_in_dim3A_4321, %broadcast_in_dim3A_4322 : vector<16xi1>, vector<16xi32>
    %add3A_4324 = arith.addi %select_n3A_4317, %select_n3A_4323 : vector<16xi32>
    %ge3A_4325 = arith.cmpf oge, %get3A_3938, %get3A_3958 : vector<16xf32>
    %jit3A_4326 = arith.constant 1 : i32
    %jit3A_4327 = arith.constant 0 : i32
    %broadcast_in_dim3A_4328 = vector.broadcast %jit3A_4326 : i32 to vector<16xi32>
    %broadcast_in_dim3A_4329 = vector.broadcast %jit3A_4327 : i32 to vector<16xi32>
    %select_n3A_4330 = arith.select %ge3A_4325, %broadcast_in_dim3A_4328, %broadcast_in_dim3A_4329 : vector<16xi1>, vector<16xi32>
    %add3A_4331 = arith.addi %add3A_4324, %select_n3A_4330 : vector<16xi32>
    %ge3A_4332 = arith.cmpf oge, %get3A_3943, %get3A_3958 : vector<16xf32>
    %jit3A_4333 = arith.constant 1 : i32
    %jit3A_4334 = arith.constant 0 : i32
    %broadcast_in_dim3A_4335 = vector.broadcast %jit3A_4333 : i32 to vector<16xi32>
    %broadcast_in_dim3A_4336 = vector.broadcast %jit3A_4334 : i32 to vector<16xi32>
    %select_n3A_4337 = arith.select %ge3A_4332, %broadcast_in_dim3A_4335, %broadcast_in_dim3A_4336 : vector<16xi1>, vector<16xi32>
    %add3A_4338 = arith.addi %add3A_4331, %select_n3A_4337 : vector<16xi32>
    %ge3A_4339 = arith.cmpf oge, %get3A_3948, %get3A_3958 : vector<16xf32>
    %jit3A_4340 = arith.constant 1 : i32
    %jit3A_4341 = arith.constant 0 : i32
    %broadcast_in_dim3A_4342 = vector.broadcast %jit3A_4340 : i32 to vector<16xi32>
    %broadcast_in_dim3A_4343 = vector.broadcast %jit3A_4341 : i32 to vector<16xi32>
    %select_n3A_4344 = arith.select %ge3A_4339, %broadcast_in_dim3A_4342, %broadcast_in_dim3A_4343 : vector<16xi1>, vector<16xi32>
    %add3A_4345 = arith.addi %add3A_4338, %select_n3A_4344 : vector<16xi32>
    %ge3A_4346 = arith.cmpf oge, %get3A_3953, %get3A_3958 : vector<16xf32>
    %jit3A_4347 = arith.constant 1 : i32
    %jit3A_4348 = arith.constant 0 : i32
    %broadcast_in_dim3A_4349 = vector.broadcast %jit3A_4347 : i32 to vector<16xi32>
    %broadcast_in_dim3A_4350 = vector.broadcast %jit3A_4348 : i32 to vector<16xi32>
    %select_n3A_4351 = arith.select %ge3A_4346, %broadcast_in_dim3A_4349, %broadcast_in_dim3A_4350 : vector<16xi1>, vector<16xi32>
    %add3A_4352 = arith.addi %add3A_4345, %select_n3A_4351 : vector<16xi32>
    %gt3A_4353 = arith.cmpf ogt, %get3A_3963, %get3A_3958 : vector<16xf32>
    %jit3A_4354 = arith.constant 1 : i32
    %jit3A_4355 = arith.constant 0 : i32
    %broadcast_in_dim3A_4356 = vector.broadcast %jit3A_4354 : i32 to vector<16xi32>
    %broadcast_in_dim3A_4357 = vector.broadcast %jit3A_4355 : i32 to vector<16xi32>
    %select_n3A_4358 = arith.select %gt3A_4353, %broadcast_in_dim3A_4356, %broadcast_in_dim3A_4357 : vector<16xi1>, vector<16xi32>
    %add3A_4359 = arith.addi %add3A_4352, %select_n3A_4358 : vector<16xi32>
    %lt3A_4360 = arith.constant 2 : i32
    %lt3A_4361 = vector.broadcast %lt3A_4360 : i32 to vector<16xi32>
    %lt3A_4362 = arith.cmpi slt, %add3A_4359, %lt3A_4361 : vector<16xi32>
    %sub3A_4363 = arith.subf %get3A_3958, %max3A_3970 : vector<16xf32>
    %exp3A_4364 = math.exp %sub3A_4363 : vector<16xf32>
    %jit3A_4365 = arith.constant 0.000000e+00 : f32
    %broadcast_in_dim3A_4366 = vector.broadcast %jit3A_4365 : f32 to vector<16xf32>
    %select_n3A_4367 = arith.select %lt3A_4362, %exp3A_4364, %broadcast_in_dim3A_4366 : vector<16xi1>, vector<16xf32>
    %add3A_4368 = arith.addf %add3A_4311, %select_n3A_4367 : vector<16xf32>
    %ge3A_4369 = arith.cmpf oge, %get3A_3928, %get3A_3963 : vector<16xf32>
    %jit3A_4370 = arith.constant 1 : i32
    %jit3A_4371 = arith.constant 0 : i32
    %broadcast_in_dim3A_4372 = vector.broadcast %jit3A_4370 : i32 to vector<16xi32>
    %broadcast_in_dim3A_4373 = vector.broadcast %jit3A_4371 : i32 to vector<16xi32>
    %select_n3A_4374 = arith.select %ge3A_4369, %broadcast_in_dim3A_4372, %broadcast_in_dim3A_4373 : vector<16xi1>, vector<16xi32>
    %ge3A_4375 = arith.cmpf oge, %get3A_3933, %get3A_3963 : vector<16xf32>
    %jit3A_4376 = arith.constant 1 : i32
    %jit3A_4377 = arith.constant 0 : i32
    %broadcast_in_dim3A_4378 = vector.broadcast %jit3A_4376 : i32 to vector<16xi32>
    %broadcast_in_dim3A_4379 = vector.broadcast %jit3A_4377 : i32 to vector<16xi32>
    %select_n3A_4380 = arith.select %ge3A_4375, %broadcast_in_dim3A_4378, %broadcast_in_dim3A_4379 : vector<16xi1>, vector<16xi32>
    %add3A_4381 = arith.addi %select_n3A_4374, %select_n3A_4380 : vector<16xi32>
    %ge3A_4382 = arith.cmpf oge, %get3A_3938, %get3A_3963 : vector<16xf32>
    %jit3A_4383 = arith.constant 1 : i32
    %jit3A_4384 = arith.constant 0 : i32
    %broadcast_in_dim3A_4385 = vector.broadcast %jit3A_4383 : i32 to vector<16xi32>
    %broadcast_in_dim3A_4386 = vector.broadcast %jit3A_4384 : i32 to vector<16xi32>
    %select_n3A_4387 = arith.select %ge3A_4382, %broadcast_in_dim3A_4385, %broadcast_in_dim3A_4386 : vector<16xi1>, vector<16xi32>
    %add3A_4388 = arith.addi %add3A_4381, %select_n3A_4387 : vector<16xi32>
    %ge3A_4389 = arith.cmpf oge, %get3A_3943, %get3A_3963 : vector<16xf32>
    %jit3A_4390 = arith.constant 1 : i32
    %jit3A_4391 = arith.constant 0 : i32
    %broadcast_in_dim3A_4392 = vector.broadcast %jit3A_4390 : i32 to vector<16xi32>
    %broadcast_in_dim3A_4393 = vector.broadcast %jit3A_4391 : i32 to vector<16xi32>
    %select_n3A_4394 = arith.select %ge3A_4389, %broadcast_in_dim3A_4392, %broadcast_in_dim3A_4393 : vector<16xi1>, vector<16xi32>
    %add3A_4395 = arith.addi %add3A_4388, %select_n3A_4394 : vector<16xi32>
    %ge3A_4396 = arith.cmpf oge, %get3A_3948, %get3A_3963 : vector<16xf32>
    %jit3A_4397 = arith.constant 1 : i32
    %jit3A_4398 = arith.constant 0 : i32
    %broadcast_in_dim3A_4399 = vector.broadcast %jit3A_4397 : i32 to vector<16xi32>
    %broadcast_in_dim3A_4400 = vector.broadcast %jit3A_4398 : i32 to vector<16xi32>
    %select_n3A_4401 = arith.select %ge3A_4396, %broadcast_in_dim3A_4399, %broadcast_in_dim3A_4400 : vector<16xi1>, vector<16xi32>
    %add3A_4402 = arith.addi %add3A_4395, %select_n3A_4401 : vector<16xi32>
    %ge3A_4403 = arith.cmpf oge, %get3A_3953, %get3A_3963 : vector<16xf32>
    %jit3A_4404 = arith.constant 1 : i32
    %jit3A_4405 = arith.constant 0 : i32
    %broadcast_in_dim3A_4406 = vector.broadcast %jit3A_4404 : i32 to vector<16xi32>
    %broadcast_in_dim3A_4407 = vector.broadcast %jit3A_4405 : i32 to vector<16xi32>
    %select_n3A_4408 = arith.select %ge3A_4403, %broadcast_in_dim3A_4406, %broadcast_in_dim3A_4407 : vector<16xi1>, vector<16xi32>
    %add3A_4409 = arith.addi %add3A_4402, %select_n3A_4408 : vector<16xi32>
    %ge3A_4410 = arith.cmpf oge, %get3A_3958, %get3A_3963 : vector<16xf32>
    %jit3A_4411 = arith.constant 1 : i32
    %jit3A_4412 = arith.constant 0 : i32
    %broadcast_in_dim3A_4413 = vector.broadcast %jit3A_4411 : i32 to vector<16xi32>
    %broadcast_in_dim3A_4414 = vector.broadcast %jit3A_4412 : i32 to vector<16xi32>
    %select_n3A_4415 = arith.select %ge3A_4410, %broadcast_in_dim3A_4413, %broadcast_in_dim3A_4414 : vector<16xi1>, vector<16xi32>
    %add3A_4416 = arith.addi %add3A_4409, %select_n3A_4415 : vector<16xi32>
    %lt3A_4417 = arith.constant 2 : i32
    %lt3A_4418 = vector.broadcast %lt3A_4417 : i32 to vector<16xi32>
    %lt3A_4419 = arith.cmpi slt, %add3A_4416, %lt3A_4418 : vector<16xi32>
    %sub3A_4420 = arith.subf %get3A_3963, %max3A_3970 : vector<16xf32>
    %exp3A_4421 = math.exp %sub3A_4420 : vector<16xf32>
    %jit3A_4422 = arith.constant 0.000000e+00 : f32
    %broadcast_in_dim3A_4423 = vector.broadcast %jit3A_4422 : f32 to vector<16xf32>
    %select_n3A_4424 = arith.select %lt3A_4419, %exp3A_4421, %broadcast_in_dim3A_4423 : vector<16xi1>, vector<16xf32>
    %add3A_4425 = arith.addf %add3A_4368, %select_n3A_4424 : vector<16xf32>
    %div3A_4426 = arith.constant 1.000000e+00 : f32
    %div3A_4427 = vector.broadcast %div3A_4426 : f32 to vector<16xf32>
    %div3A_4428 = arith.divf %div3A_4427, %add3A_4425 : vector<16xf32>
    %mul3A_4429 = arith.mulf %select_n3A_4026, %div3A_4428 : vector<16xf32>
    %swap3A_4430 = arith.constant 0 : i32
    %swap3A_4431 = arith.index_cast %swap3A_4430 : i32 to index
    %swap3A_4432 = arith.constant 112 : index
    %swap3A_4433 = tpu.vector_load %arg5[%swap3A_4431, %swap3A_4432] {strides = array<i32>} : memref<8x128xf32, #tpu.memory_space<vmem>>, vector<1x16xf32>,
    %swap3A_4434 = vector.shape_cast %swap3A_4433 : vector<1x16xf32> to vector<16xf32>
    %swap3A_4435 = vector.shape_cast %mul3A_4429 : vector<16xf32> to vector<1x16xf32>
    tpu.vector_store %arg5[%swap3A_4431, %swap3A_4432], %swap3A_4435 {strides = array<i32>} : memref<8x128xf32, #tpu.memory_space<vmem>>, vector<1x16xf32>,
    %mul3A_4436 = arith.mulf %select_n3A_4082, %div3A_4428 : vector<16xf32>
    %swap3A_4437 = arith.constant 1 : i32
    %swap3A_4438 = arith.index_cast %swap3A_4437 : i32 to index
    %swap3A_4439 = arith.constant 112 : index
    %swap3A_4440 = tpu.vector_load %arg5[%swap3A_4438, %swap3A_4439] {strides = array<i32>} : memref<8x128xf32, #tpu.memory_space<vmem>>, vector<1x16xf32>,
    %swap3A_4441 = vector.shape_cast %swap3A_4440 : vector<1x16xf32> to vector<16xf32>
    %swap3A_4442 = vector.shape_cast %mul3A_4436 : vector<16xf32> to vector<1x16xf32>
    tpu.vector_store %arg5[%swap3A_4438, %swap3A_4439], %swap3A_4442 {strides = array<i32>} : memref<8x128xf32, #tpu.memory_space<vmem>>, vector<1x16xf32>,
    %mul3A_4443 = arith.mulf %select_n3A_4139, %div3A_4428 : vector<16xf32>
    %swap3A_4444 = arith.constant 2 : i32
    %swap3A_4445 = arith.index_cast %swap3A_4444 : i32 to index
    %swap3A_4446 = arith.constant 112 : index
    %swap3A_4447 = tpu.vector_load %arg5[%swap3A_4445, %swap3A_4446] {strides = array<i32>} : memref<8x128xf32, #tpu.memory_space<vmem>>, vector<1x16xf32>,
    %swap3A_4448 = vector.shape_cast %swap3A_4447 : vector<1x16xf32> to vector<16xf32>
    %swap3A_4449 = vector.shape_cast %mul3A_4443 : vector<16xf32> to vector<1x16xf32>
    tpu.vector_store %arg5[%swap3A_4445, %swap3A_4446], %swap3A_4449 {strides = array<i32>} : memref<8x128xf32, #tpu.memory_space<vmem>>, vector<1x16xf32>,
    %mul3A_4450 = arith.mulf %select_n3A_4196, %div3A_4428 : vector<16xf32>
    %swap3A_4451 = arith.constant 3 : i32
    %swap3A_4452 = arith.index_cast %swap3A_4451 : i32 to index
    %swap3A_4453 = arith.constant 112 : index
    %swap3A_4454 = tpu.vector_load %arg5[%swap3A_4452, %swap3A_4453] {strides = array<i32>} : memref<8x128xf32, #tpu.memory_space<vmem>>, vector<1x16xf32>,
    %swap3A_4455 = vector.shape_cast %swap3A_4454 : vector<1x16xf32> to vector<16xf32>
    %swap3A_4456 = vector.shape_cast %mul3A_4450 : vector<16xf32> to vector<1x16xf32>
    tpu.vector_store %arg5[%swap3A_4452, %swap3A_4453], %swap3A_4456 {strides = array<i32>} : memref<8x128xf32, #tpu.memory_space<vmem>>, vector<1x16xf32>,
    %mul3A_4457 = arith.mulf %select_n3A_4253, %div3A_4428 : vector<16xf32>
    %swap3A_4458 = arith.constant 4 : i32
    %swap3A_4459 = arith.index_cast %swap3A_4458 : i32 to index
    %swap3A_4460 = arith.constant 112 : index
    %swap3A_4461 = tpu.vector_load %arg5[%swap3A_4459, %swap3A_4460] {strides = array<i32>} : memref<8x128xf32, #tpu.memory_space<vmem>>, vector<1x16xf32>,
    %swap3A_4462 = vector.shape_cast %swap3A_4461 : vector<1x16xf32> to vector<16xf32>
    %swap3A_4463 = vector.shape_cast %mul3A_4457 : vector<16xf32> to vector<1x16xf32>
    tpu.vector_store %arg5[%swap3A_4459, %swap3A_4460], %swap3A_4463 {strides = array<i32>} : memref<8x128xf32, #tpu.memory_space<vmem>>, vector<1x16xf32>,
    %mul3A_4464 = arith.mulf %select_n3A_4310, %div3A_4428 : vector<16xf32>
    %swap3A_4465 = arith.constant 5 : i32
    %swap3A_4466 = arith.index_cast %swap3A_4465 : i32 to index
    %swap3A_4467 = arith.constant 112 : index
    %swap3A_4468 = tpu.vector_load %arg5[%swap3A_4466, %swap3A_4467] {strides = array<i32>} : memref<8x128xf32, #tpu.memory_space<vmem>>, vector<1x16xf32>,
    %swap3A_4469 = vector.shape_cast %swap3A_4468 : vector<1x16xf32> to vector<16xf32>
    %swap3A_4470 = vector.shape_cast %mul3A_4464 : vector<16xf32> to vector<1x16xf32>
    tpu.vector_store %arg5[%swap3A_4466, %swap3A_4467], %swap3A_4470 {strides = array<i32>} : memref<8x128xf32, #tpu.memory_space<vmem>>, vector<1x16xf32>,
    %mul3A_4471 = arith.mulf %select_n3A_4367, %div3A_4428 : vector<16xf32>
    %swap3A_4472 = arith.constant 6 : i32
    %swap3A_4473 = arith.index_cast %swap3A_4472 : i32 to index
    %swap3A_4474 = arith.constant 112 : index
    %swap3A_4475 = tpu.vector_load %arg5[%swap3A_4473, %swap3A_4474] {strides = array<i32>} : memref<8x128xf32, #tpu.memory_space<vmem>>, vector<1x16xf32>,
    %swap3A_4476 = vector.shape_cast %swap3A_4475 : vector<1x16xf32> to vector<16xf32>
    %swap3A_4477 = vector.shape_cast %mul3A_4471 : vector<16xf32> to vector<1x16xf32>
    tpu.vector_store %arg5[%swap3A_4473, %swap3A_4474], %swap3A_4477 {strides = array<i32>} : memref<8x128xf32, #tpu.memory_space<vmem>>, vector<1x16xf32>,
    %mul3A_4478 = arith.mulf %select_n3A_4424, %div3A_4428 : vector<16xf32>
    %swap3A_4479 = arith.constant 7 : i32
    %swap3A_4480 = arith.index_cast %swap3A_4479 : i32 to index
    %swap3A_4481 = arith.constant 112 : index
    %swap3A_4482 = tpu.vector_load %arg5[%swap3A_4480, %swap3A_4481] {strides = array<i32>} : memref<8x128xf32, #tpu.memory_space<vmem>>, vector<1x16xf32>,
    %swap3A_4483 = vector.shape_cast %swap3A_4482 : vector<1x16xf32> to vector<16xf32>
    %swap3A_4484 = vector.shape_cast %mul3A_4478 : vector<16xf32> to vector<1x16xf32>
    tpu.vector_store %arg5[%swap3A_4480, %swap3A_4481], %swap3A_4484 {strides = array<i32>} : memref<8x128xf32, #tpu.memory_space<vmem>>, vector<1x16xf32>,
    %dma_start3A_4485 = arith.constant 0 : i32
    %dma_start3A_4486 = tpu.memref_slice %arg3[%dma_start3A_4485, %mul3A_2] : memref<8x4096xf32, #tpu.memory_space<hbm>> -> memref<8x128xf32, #tpu.memory_space<hbm>>
    %dma_start3A_4487 = arith.constant 0 : i32
    %dma_start3A_4488 = tpu.memref_slice %arg3[%dma_start3A_4487, %mul3A_2] : memref<8x4096xf32, #tpu.memory_space<hbm>> -> memref<8x128xf32, #tpu.memory_space<hbm>>
    tpu.enqueue_dma source(%arg5 : memref<8x128xf32, #tpu.memory_space<vmem>>) target(%dma_start3A_4488 : memref<8x128xf32, #tpu.memory_space<hbm>>) target_semaphore(%arg7 : memref<!tpu.dma_semaphore, #tpu.memory_space<semaphore_mem>>)
    %dma_wait3A_4489 = arith.constant 0 : i32
    %dma_wait3A_4490 = tpu.memref_slice %arg3[%dma_wait3A_4489, %mul3A_2] : memref<8x4096xf32, #tpu.memory_space<hbm>> -> memref<8x128xf32, #tpu.memory_space<hbm>>
    %dma_wait3A_4491 = arith.constant 0 : i32
    %dma_wait3A_4492 = tpu.memref_slice %arg3[%dma_wait3A_4491, %mul3A_2] : memref<8x4096xf32, #tpu.memory_space<hbm>> -> memref<8x128xf32, #tpu.memory_space<hbm>>
    tpu.wait_dma2 semaphore(%arg7 : memref<!tpu.dma_semaphore, #tpu.memory_space<semaphore_mem>>) src(%arg5 : memref<8x128xf32, #tpu.memory_space<vmem>>) dst(%dma_wait3A_4492 : memref<8x128xf32, #tpu.memory_space<hbm>>)
    return
  }
}

module attributes {stable_mosaic.version = 14 : i64} {
  func.func @_bodyC(%arg0: i32, %arg1: memref<512x2048xbf16, #tpu.memory_space<vmem>>, %arg2: memref<512x512xbf16, #tpu.memory_space<vmem>>, %arg3: memref<8x512xf32, #tpu.memory_space<vmem>>, %arg4: memref<2048x2048xf32, #tpu.memory_space<vmem>>, %arg5: memref<2048x512xf32, #tpu.memory_space<vmem>>, %arg6: memref<512x2048xf32, #tpu.memory_space<vmem>>, %arg7: memref<2048x2048xbf16, #tpu.memory_space<vmem>>, %arg8: memref<2048x512xbf16, #tpu.memory_space<vmem>>) attributes {dimension_semantics = [#tpu.dimension_semantics<arbitrary>], iteration_bounds = array<i64: 8>, scalar_prefetch = 0 : i64, scratch_operands = 2 : i64, tpu.core_type = #tpu.core_type<tc>, window_params = [{transform_indices = @transform_0, window_bounds = array<i64: 512, 2048>}, {transform_indices = @transform_1, window_bounds = array<i64: 512, 512>}, {transform_indices = @transform_2, window_bounds = array<i64: 8, 512>}, {pipeline_mode = #tpu.pipeline_mode<synchronous>, transform_indices = @transform_3, window_bounds = array<i64: 2048, 2048>}, {pipeline_mode = #tpu.pipeline_mode<synchronous>, transform_indices = @transform_4, window_bounds = array<i64: 2048, 512>}, {transform_indices = @transform_5, window_bounds = array<i64: 512, 2048>}]} {
    %eq3A = arith.constant 0 : i32
    %eq3A_0 = arith.cmpi eq, %arg0, %eq3A : i32
    %convert_element_type3A = arith.extui %eq3A_0 : i1 to i32
    %cond3A = arith.constant 0 : i32
    %cond3A_1 = arith.cmpi ne, %convert_element_type3A, %cond3A : i32
    scf.if %cond3A_1 {
      %get3A_52 = arith.constant 0 : index
      %get3A_53 = arith.constant 0 : index
      %get3A_54 = vector.load %arg4[%get3A_52, %get3A_53] : memref<2048x2048xf32, #tpu.memory_space<vmem>>, vector<2048x2048xf32>
      %convert_element_type3A_55 = arith.truncf %get3A_54 : vector<2048x2048xf32> to vector<2048x2048xbf16>
      %swap3A_56 = arith.constant 0 : index
      %swap3A_57 = arith.constant 0 : index
      %swap3A_58 = vector.load %arg7[%swap3A_56, %swap3A_57] : memref<2048x2048xbf16, #tpu.memory_space<vmem>>, vector<2048x2048xbf16>
      tpu.vector_store %arg7[%swap3A_56, %swap3A_57], %convert_element_type3A_55 {strides = array<i32>} : memref<2048x2048xbf16, #tpu.memory_space<vmem>>, vector<2048x2048xbf16>,
      %get3A_59 = arith.constant 0 : index
      %get3A_60 = arith.constant 0 : index
      %get3A_61 = vector.load %arg5[%get3A_59, %get3A_60] : memref<2048x512xf32, #tpu.memory_space<vmem>>, vector<2048x512xf32>
      %mul3A_62 = arith.constant 2.500000e-01 : f32
      %mul3A_63 = vector.broadcast %mul3A_62 : f32 to vector<2048x512xf32>
      %mul3A_64 = arith.mulf %mul3A_63, %get3A_61 : vector<2048x512xf32>
      %convert_element_type3A_65 = arith.truncf %mul3A_64 : vector<2048x512xf32> to vector<2048x512xbf16>
      %swap3A_66 = arith.constant 0 : index
      %swap3A_67 = arith.constant 0 : index
      %swap3A_68 = vector.load %arg8[%swap3A_66, %swap3A_67] : memref<2048x512xbf16, #tpu.memory_space<vmem>>, vector<2048x512xbf16>
      tpu.vector_store %arg8[%swap3A_66, %swap3A_67], %convert_element_type3A_65 {strides = array<i32>} : memref<2048x512xbf16, #tpu.memory_space<vmem>>, vector<2048x512xbf16>,
    } else {
    }
    %iota3A = tpu.iota {dimensions = array<i32: 1>} : vector<8x512xi32>
    %jit3A = arith.constant 64 : i32
    %div3A = vector.broadcast %jit3A : i32 to vector<8x512xi32>
    %div3A_2 = arith.divsi %iota3A, %div3A : vector<8x512xi32>
    %sign3A = arith.constant 0 : i32
    %sign3A_3 = vector.broadcast %sign3A : i32 to vector<8x512xi32>
    %sign3A_4 = arith.cmpi sgt, %iota3A, %sign3A_3 : vector<8x512xi32>
    %sign3A_5 = arith.extui %sign3A_4 : vector<8x512xi1> to vector<8x512xi32>
    %sign3A_6 = arith.constant 0 : i32
    %sign3A_7 = vector.broadcast %sign3A_6 : i32 to vector<8x512xi32>
    %sign3A_8 = arith.cmpi slt, %iota3A, %sign3A_7 : vector<8x512xi32>
    %sign3A_9 = arith.extui %sign3A_8 : vector<8x512xi1> to vector<8x512xi32>
    %sign3A_10 = arith.subi %sign3A_5, %sign3A_9 : vector<8x512xi32>
    %sign3A_11 = arith.constant 0 : i32
    %sign3A_12 = arith.cmpi sgt, %jit3A, %sign3A_11 : i32
    %sign3A_13 = arith.extui %sign3A_12 : i1 to i32
    %sign3A_14 = arith.constant 0 : i32
    %sign3A_15 = arith.cmpi slt, %jit3A, %sign3A_14 : i32
    %sign3A_16 = arith.extui %sign3A_15 : i1 to i32
    %sign3A_17 = arith.subi %sign3A_13, %sign3A_16 : i32
    %ne3A = vector.broadcast %sign3A_17 : i32 to vector<8x512xi32>
    %ne3A_18 = arith.cmpi ne, %sign3A_10, %ne3A : vector<8x512xi32>
    %rem3A = vector.broadcast %jit3A : i32 to vector<8x512xi32>
    %rem3A_19 = arith.remsi %iota3A, %rem3A : vector<8x512xi32>
    %ne3A_20 = arith.constant 0 : i32
    %ne3A_21 = vector.broadcast %ne3A_20 : i32 to vector<8x512xi32>
    %ne3A_22 = arith.cmpi ne, %rem3A_19, %ne3A_21 : vector<8x512xi32>
    %and3A = arith.andi %ne3A_18, %ne3A_22 : vector<8x512xi1>
    %sub3A = arith.constant 1 : i32
    %sub3A_23 = vector.broadcast %sub3A : i32 to vector<8x512xi32>
    %sub3A_24 = arith.subi %div3A_2, %sub3A_23 : vector<8x512xi32>
    %select_n3A = arith.select %and3A, %sub3A_24, %div3A_2 : vector<8x512xi1>, vector<8x512xi32>
    %iota3A_25 = tpu.iota {dimensions = array<i32: 0>} : vector<8x512xi32>
    %eq3A_26 = arith.cmpi eq, %select_n3A, %iota3A_25 : vector<8x512xi32>
    %convert_element_type3A_27 = arith.extui %eq3A_26 : vector<8x512xi1> to vector<8x512xi32>
    %convert_element_type3A_28 = arith.sitofp %convert_element_type3A_27 : vector<8x512xi32> to vector<8x512xf32>
    %get3A = arith.constant 0 : index
    %get3A_29 = arith.constant 0 : index
    %get3A_30 = vector.load %arg3[%get3A, %get3A_29] : memref<8x512xf32, #tpu.memory_space<vmem>>, vector<8x512xf32>
    %dot_general3A = arith.constant dense<0.000000e+00> : vector<512x512xf32>
    %dot_general3A_31 = tpu.matmul %get3A_30, %convert_element_type3A_28, %dot_general3A {dimension_numbers = #tpu.dot_dimension_numbers<[0], [0], [1], [1], [0, 1, 1, 1], [], []>, transpose_lhs_hint = false} : vector<8x512xf32>, vector<8x512xf32>, vector<512x512xf32> -> vector<512x512xf32>
    %get3A_32 = arith.constant 0 : index
    %get3A_33 = arith.constant 0 : index
    %get3A_34 = vector.load %arg2[%get3A_32, %get3A_33] : memref<512x512xbf16, #tpu.memory_space<vmem>>, vector<512x512xbf16>
    %convert_element_type3A_35 = arith.extf %get3A_34 : vector<512x512xbf16> to vector<512x512xf32>
    %mul3A = arith.mulf %convert_element_type3A_35, %dot_general3A_31 : vector<512x512xf32>
    %convert_element_type3A_36 = arith.truncf %mul3A : vector<512x512xf32> to vector<512x512xbf16>
    %get3A_37 = arith.constant 0 : index
    %get3A_38 = arith.constant 0 : index
    %get3A_39 = vector.load %arg1[%get3A_37, %get3A_38] : memref<512x2048xbf16, #tpu.memory_space<vmem>>, vector<512x2048xbf16>
    %get3A_40 = arith.constant 0 : index
    %get3A_41 = arith.constant 0 : index
    %get3A_42 = vector.load %arg7[%get3A_40, %get3A_41] : memref<2048x2048xbf16, #tpu.memory_space<vmem>>, vector<2048x2048xbf16>
    %dot_general3A_43 = arith.constant dense<0.000000e+00> : vector<512x2048xf32>
    %dot_general3A_44 = tpu.matmul %get3A_39, %get3A_42, %dot_general3A_43 {dimension_numbers = #tpu.dot_dimension_numbers<[1], [1], [0], [0], [0, 0, 1, 0], [], []>, transpose_lhs_hint = false} : vector<512x2048xbf16>, vector<2048x2048xbf16>, vector<512x2048xf32> -> vector<512x2048xf32>
    %get3A_45 = arith.constant 0 : index
    %get3A_46 = arith.constant 0 : index
    %get3A_47 = vector.load %arg8[%get3A_45, %get3A_46] : memref<2048x512xbf16, #tpu.memory_space<vmem>>, vector<2048x512xbf16>
    %dot_general3A_48 = arith.constant dense<0.000000e+00> : vector<512x2048xf32>
    %dot_general3A_49 = tpu.matmul %convert_element_type3A_36, %get3A_47, %dot_general3A_48 {dimension_numbers = #tpu.dot_dimension_numbers<[1], [1], [0], [0], [0, 0, 1, 0], [], []>, transpose_lhs_hint = false} : vector<512x512xbf16>, vector<2048x512xbf16>, vector<512x2048xf32> -> vector<512x2048xf32>
    %add3A = arith.addf %dot_general3A_44, %dot_general3A_49 : vector<512x2048xf32>
    %swap3A = arith.constant 0 : index
    %swap3A_50 = arith.constant 0 : index
    %swap3A_51 = vector.load %arg6[%swap3A, %swap3A_50] : memref<512x2048xf32, #tpu.memory_space<vmem>>, vector<512x2048xf32>
    tpu.vector_store %arg6[%swap3A, %swap3A_50], %add3A {strides = array<i32>} : memref<512x2048xf32, #tpu.memory_space<vmem>>, vector<512x2048xf32>,
    return
  }
  func.func @transform_0(%arg0: i32) -> (i32, i32) {
    %c0_i32 = arith.constant 0 : i32
    %c0_i32_0 = arith.constant 0 : i32
    return %arg0, %c0_i32 : i32, i32
  }
  func.func @transform_1(%arg0: i32) -> (i32, i32) {
    %c0_i32 = arith.constant 0 : i32
    %c0_i32_0 = arith.constant 0 : i32
    return %arg0, %c0_i32 : i32, i32
  }
  func.func @transform_2(%arg0: i32) -> (i32, i32) {
    %c0_i32 = arith.constant 0 : i32
    %c0_i32_0 = arith.constant 0 : i32
    return %c0_i32, %arg0 : i32, i32
  }
  func.func @transform_3(%arg0: i32) -> (i32, i32) {
    %c0_i32 = arith.constant 0 : i32
    %c0_i32_0 = arith.constant 0 : i32
    %c0_i32_1 = arith.constant 0 : i32
    return %c0_i32, %c0_i32_0 : i32, i32
  }
  func.func @transform_4(%arg0: i32) -> (i32, i32) {
    %c0_i32 = arith.constant 0 : i32
    %c0_i32_0 = arith.constant 0 : i32
    %c0_i32_1 = arith.constant 0 : i32
    return %c0_i32, %c0_i32_0 : i32, i32
  }
  func.func @transform_5(%arg0: i32) -> (i32, i32) {
    %c0_i32 = arith.constant 0 : i32
    %c0_i32_0 = arith.constant 0 : i32
    return %arg0, %c0_i32 : i32, i32
  }
}

module attributes {stable_mosaic.version = 14 : i64} {
  func.func @_bodyA(%arg0: i32, %arg1: memref<512x2048xf32, #tpu.memory_space<vmem>>, %arg2: memref<8x2048xf32, #tpu.memory_space<vmem>>, %arg3: memref<512x2048xf32, #tpu.memory_space<vmem>>, %arg4: memref<8x512xf32, #tpu.memory_space<vmem>>, %arg5: memref<512x2048xbf16, #tpu.memory_space<vmem>>, %arg6: memref<512x512xbf16, #tpu.memory_space<vmem>>, %arg7: memref<512x2048xbf16, #tpu.memory_space<vmem>>) attributes {dimension_semantics = [#tpu.dimension_semantics<arbitrary>], iteration_bounds = array<i64: 8>, scalar_prefetch = 0 : i64, scratch_operands = 1 : i64, tpu.core_type = #tpu.core_type<tc>, window_params = [{transform_indices = @transform_0, window_bounds = array<i64: 512, 2048>}, {pipeline_mode = #tpu.pipeline_mode<synchronous>, transform_indices = @transform_1, window_bounds = array<i64: 8, 2048>}, {pipeline_mode = #tpu.pipeline_mode<synchronous>, transform_indices = @transform_2, window_bounds = array<i64: 512, 2048>}, {transform_indices = @transform_3, window_bounds = array<i64: 8, 512>}, {transform_indices = @transform_4, window_bounds = array<i64: 512, 2048>}, {transform_indices = @transform_5, window_bounds = array<i64: 512, 512>}]} {
    %eq3A = arith.constant 0 : i32
    %eq3A_0 = arith.cmpi eq, %arg0, %eq3A : i32
    %convert_element_type3A = arith.extui %eq3A_0 : i1 to i32
    %cond3A = arith.constant 0 : i32
    %cond3A_1 = arith.cmpi ne, %convert_element_type3A, %cond3A : i32
    scf.if %cond3A_1 {
      %get3A_24 = arith.constant 0 : index
      %get3A_25 = arith.constant 0 : index
      %get3A_26 = vector.load %arg3[%get3A_24, %get3A_25] : memref<512x2048xf32, #tpu.memory_space<vmem>>, vector<512x2048xf32>
      %convert_element_type3A_27 = arith.truncf %get3A_26 : vector<512x2048xf32> to vector<512x2048xbf16>
      %swap3A_28 = arith.constant 0 : index
      %swap3A_29 = arith.constant 0 : index
      %swap3A_30 = vector.load %arg7[%swap3A_28, %swap3A_29] : memref<512x2048xbf16, #tpu.memory_space<vmem>>, vector<512x2048xbf16>
      tpu.vector_store %arg7[%swap3A_28, %swap3A_29], %convert_element_type3A_27 {strides = array<i32>} : memref<512x2048xbf16, #tpu.memory_space<vmem>>, vector<512x2048xbf16>,
    } else {
    }
    %get3A = arith.constant 0 : index
    %get3A_2 = arith.constant 0 : index
    %get3A_3 = vector.load %arg1[%get3A, %get3A_2] : memref<512x2048xf32, #tpu.memory_space<vmem>>, vector<512x2048xf32>
    %convert_element_type3A_4 = arith.truncf %get3A_3 : vector<512x2048xf32> to vector<512x2048xbf16>
    %swap3A = arith.constant 0 : index
    %swap3A_5 = arith.constant 0 : index
    %swap3A_6 = vector.load %arg5[%swap3A, %swap3A_5] : memref<512x2048xbf16, #tpu.memory_space<vmem>>, vector<512x2048xbf16>
    tpu.vector_store %arg5[%swap3A, %swap3A_5], %convert_element_type3A_4 {strides = array<i32>} : memref<512x2048xbf16, #tpu.memory_space<vmem>>, vector<512x2048xbf16>,
    %get3A_7 = arith.constant 0 : index
    %get3A_8 = arith.constant 0 : index
    %get3A_9 = vector.load %arg2[%get3A_7, %get3A_8] : memref<8x2048xf32, #tpu.memory_space<vmem>>, vector<8x2048xf32>
    %convert_element_type3A_10 = arith.truncf %get3A_9 : vector<8x2048xf32> to vector<8x2048xbf16>
    %dot_general3A = arith.constant dense<0.000000e+00> : vector<8x512xf32>
    %dot_general3A_11 = tpu.matmul %convert_element_type3A_10, %convert_element_type3A_4, %dot_general3A {dimension_numbers = #tpu.dot_dimension_numbers<[1], [1], [0], [0], [0, 0, 1, 0], [], []>, transpose_lhs_hint = false} : vector<8x2048xbf16>, vector<512x2048xbf16>, vector<8x512xf32> -> vector<8x512xf32>
    %swap3A_12 = arith.constant 0 : index
    %swap3A_13 = arith.constant 0 : index
    %swap3A_14 = vector.load %arg4[%swap3A_12, %swap3A_13] : memref<8x512xf32, #tpu.memory_space<vmem>>, vector<8x512xf32>
    tpu.vector_store %arg4[%swap3A_12, %swap3A_13], %dot_general3A_11 {strides = array<i32>} : memref<8x512xf32, #tpu.memory_space<vmem>>, vector<8x512xf32>,
    %get3A_15 = arith.constant 0 : index
    %get3A_16 = arith.constant 0 : index
    %get3A_17 = vector.load %arg7[%get3A_15, %get3A_16] : memref<512x2048xbf16, #tpu.memory_space<vmem>>, vector<512x2048xbf16>
    %dot_general3A_18 = arith.constant dense<0.000000e+00> : vector<512x512xf32>
    %dot_general3A_19 = tpu.matmul %convert_element_type3A_4, %get3A_17, %dot_general3A_18 {dimension_numbers = #tpu.dot_dimension_numbers<[1], [1], [0], [0], [0, 0, 1, 0], [], []>, transpose_lhs_hint = false} : vector<512x2048xbf16>, vector<512x2048xbf16>, vector<512x512xf32> -> vector<512x512xf32>
    %convert_element_type3A_20 = arith.truncf %dot_general3A_19 : vector<512x512xf32> to vector<512x512xbf16>
    %swap3A_21 = arith.constant 0 : index
    %swap3A_22 = arith.constant 0 : index
    %swap3A_23 = vector.load %arg6[%swap3A_21, %swap3A_22] : memref<512x512xbf16, #tpu.memory_space<vmem>>, vector<512x512xbf16>
    tpu.vector_store %arg6[%swap3A_21, %swap3A_22], %convert_element_type3A_20 {strides = array<i32>} : memref<512x512xbf16, #tpu.memory_space<vmem>>, vector<512x512xbf16>,
    return
  }
  func.func @transform_0(%arg0: i32) -> (i32, i32) {
    %c0_i32 = arith.constant 0 : i32
    %c0_i32_0 = arith.constant 0 : i32
    return %arg0, %c0_i32 : i32, i32
  }
  func.func @transform_1(%arg0: i32) -> (i32, i32) {
    %c0_i32 = arith.constant 0 : i32
    %c0_i32_0 = arith.constant 0 : i32
    %c0_i32_1 = arith.constant 0 : i32
    return %c0_i32, %c0_i32_0 : i32, i32
  }
  func.func @transform_2(%arg0: i32) -> (i32, i32) {
    %c0_i32 = arith.constant 0 : i32
    %c0_i32_0 = arith.constant 0 : i32
    %c0_i32_1 = arith.constant 0 : i32
    return %c0_i32, %c0_i32_0 : i32, i32
  }
  func.func @transform_3(%arg0: i32) -> (i32, i32) {
    %c0_i32 = arith.constant 0 : i32
    %c0_i32_0 = arith.constant 0 : i32
    return %c0_i32, %arg0 : i32, i32
  }
  func.func @transform_4(%arg0: i32) -> (i32, i32) {
    %c0_i32 = arith.constant 0 : i32
    %c0_i32_0 = arith.constant 0 : i32
    return %arg0, %c0_i32 : i32, i32
  }
  func.func @transform_5(%arg0: i32) -> (i32, i32) {
    %c0_i32 = arith.constant 0 : i32
    %c0_i32_0 = arith.constant 0 : i32
    return %arg0, %c0_i32 : i32, i32
  }
}

</mosaic_0001>

<sc_bundles>
// kernel: kernel.5.cloned.1.call-start
scs
__scs_entry_jumppad:
0x0: {  	(pc) =	sbr.rel $0x88, $3  }
0x1: {  	(tag) =	ssettag $0x0;
	lr =	simm.s32 $0x1  }
0x2: {  	[smem:$0x3F9C] =	sst lr;
	_ =	strace $0xD0000000  }
0x3: {  	_ = 	snop  }
0x4: {  	_ = 	snop  }
0x5: {  	_ = 	snop  }
0x6: {  	_ = 	snop  }
0x7: {  	_ = 	snop  }
__scs_overlays_trampoline_lowered:
0x8: {  	[smem:$0x3FAB] =	sst s0  }
0x9: {  	[smem:$0x3FAC] =	sst s1  }
0xa: {  	[smem:$0x3FAD] =	sst s2  }
0xb: {  	[smem:$0x3FAE] =	sst s3  }
0xc: {  	[smem:$0x3FAF] =	sst s4  }
0xd: {  	[smem:$0x3FB0] =	sst s5  }
0xe: {  	[smem:$0x3FB1] =	sst s6  }
0xf: {  	[smem:$0x3FB2] =	sst s7  }
0x10: {  	[smem:$0x3FB3] =	sst s8  }
0x11: {  	[smem:$0x3FB4] =	sst s9;
	s0 =	simm.s32 @!p0 $0x0  }
0x12: {  	s1 =	sld [smem:$0x3F9A];
	s0 =	simm.s32 @p0 $0x1  }
0x13: {  	[smem:$0x3FB5] =	sst s0;
	s0 =	simm.s32 @!p1 $0x0  }
0x14: {  	s2 =	sld [smem:$0x3F99];
	s0 =	simm.s32 @p1 $0x1  }
0x15: {  	[smem:$0x3FB6] =	sst s0;
	s0 =	simm.s32 @!p2 $0x0  }
0x16: {  	s3 =	sld [smem:$0x3FDB];
	s0 =	simm.s32 @p2 $0x1  }
0x17: {  	s4 =	simm.s32 $0x1BF5;
	[smem:$0x3FB8] =	sst s0  }
0x18: {  	s0 =	sld [smem:$0x3F9B];
	_ =	swait.ge [sflag:s4], $0x0  }
0x19: {  	s7 =	sld [smem:$0x3F9C]  }
0x1a: {  	s8 =	sadd.s32 $0xFFFFE003, lr  }
0x1b: {  	s9 =	sadd.s32 $0xFFFFFEF7, lr;
	s5 =	simm.s32 $0xFFFFFFFF;
	p2 =	slt.u32 s8, $0xFFFFF086  }
0x1c: {  	p1 =	slt.u32 s9, $0xF7A;
	s5 =	simm.s32 @!p2 $0x0  }
0x1d: {  	s5 =	simm.s32 @p1 $0x1;
	p0 =	seq.s32 s7, s2  }
0x1e: {  	s7 =	smul.u32 @!p0 $0xF7A, s2;
	p2 =	seq.s32 @!p0 s5, $0x0  }
0x1f: {  	s9 =	smul.u32 $0xF7A, s1;
	s8 =	simm.s32 @!p0 $0x1BF5;
	p2 =	por !p2, p0  }
0x20: {  	[sflag:s8] =	ssyncset.s32 @!p0 $0xFFFFF086;
	s6 =	sadd.s32 @!p0 s3, s7;
	s7 =	simm.s32 @!p0 $0x108  }
0x21: {  	s3 =	sadd.s32 s3, s9;
	s6 =	sadd.s32 @!p0 $0x88, s6;
	s7 =	simm.s32 @p2 $0x1082  }
0x22: {  	[simem:s7], [sflag:s8] =	dma.local @!p0 [hbm:s6], $0xF7A  }
0x23: {  	s9 =	sor.u32 $0xD0000000, s2;
	s6 =	simm.s32 $0x108;
	_ =	swait.ge @!p0 [sflag:s8], $0x0  }
0x24: {  	s3 =	sadd.s32 $0x88, s3;
	s6 =	simm.s32 @!p1 $0x1082;
	[sflag:s4] =	ssyncset.s32 $0xFFFFF086  }
0x25: {  	[simem:s6], [sflag:s4] =	dma.local [hbm:s3], $0xF7A  }
0x26: {  	[smem:$0x3F9C] =	sst s1;
	(tag) =	ssettag s2;
	_ =	strace s9  }
0x27: {  	s1 =	sld [smem:$0x3FAC]  }
0x28: {  	s2 =	sld [smem:$0x3FAD]  }
0x29: {  	s4 =	sld [smem:$0x3FAF]  }
0x2a: {  	p0 =	seq.s32 s5, $0x0;
	s5 =	sld [smem:$0x3FB0]  }
0x2b: {  	s6 =	sld [smem:$0x3FB1]  }
0x2c: {  	s7 =	sld [smem:$0x3FB2]  }
0x2d: {  	s3 =	simm.s32 $0x108;
	s8 =	sld [smem:$0x3FB3]  }
0x2e: {  	s3 =	simm.s32 @!p0 $0x1082;
	s9 =	sld [smem:$0x3FB4]  }
0x2f: {  	lr =	sadd.s32 s0, s3;
	s0 =	sld [smem:$0x3FAB]  }
0x30: {  	s3 =	sld [smem:$0x3FAE]  }
0x31: {  	[smem:$0x3FB7] =	sst s10  }
0x32: {  	s10 =	sld [smem:$0x3FB5];
	_ =	sdelay $0x3  }
0x33: {  	p0 =	seq.s32 s10, $0x1;
	s10 =	sld [smem:$0x3FB7];
	_ =	sdelay $0x3  }
0x34: {  	[smem:$0x3FB7] =	sst s10  }
0x35: {  	s10 =	sld [smem:$0x3FB6];
	_ =	sdelay $0x3  }
0x36: {  	p1 =	seq.s32 s10, $0x1;
	s10 =	sld [smem:$0x3FB7];
	_ =	sdelay $0x3  }
0x37: {  	[smem:$0x3FB7] =	sst s10  }
0x38: {  	s10 =	sld [smem:$0x3FB8]  }
0x39: {  	_ = 	snop;
	(pc) =	sbr.ind lr, $3  }
0x3a: {  	_ = 	snop  }
0x3b: {  	_ = 	snop  }
0x3c: {  	p2 =	seq.s32 s10, $0x1;
	s10 =	sld [smem:$0x3FB7]  }
0x3d: {  	_ =	shalt  }
0x3e: {  	_ =	shalt  }
0x3f: {  	_ =	shalt  }
0x40: {  	_ =	shalt  }
0x41: {  	_ =	shalt  }
0x42: {  	_ =	shalt  }
0x43: {  	_ =	shalt  }
0x44: {  	_ =	shalt  }
0x45: {  	_ =	shalt  }
0x46: {  	_ =	shalt  }
0x47: {  	_ =	shalt  }
0x48: {  	_ =	shalt  }
0x49: {  	_ =	shalt  }
0x4a: {  	_ =	shalt  }
0x4b: {  	_ =	shalt  }
0x4c: {  	_ =	shalt  }
0x4d: {  	_ =	shalt  }
0x4e: {  	_ =	shalt  }
0x4f: {  	_ =	shalt  }
0x50: {  	_ =	shalt  }
0x51: {  	_ =	shalt  }
0x52: {  	_ =	shalt  }
0x53: {  	_ =	shalt  }
0x54: {  	_ =	shalt  }
0x55: {  	_ =	shalt  }
0x56: {  	_ =	shalt  }
0x57: {  	_ =	shalt  }
0x58: {  	_ =	shalt  }
0x59: {  	_ =	shalt  }
0x5a: {  	_ =	shalt  }
0x5b: {  	_ =	shalt  }
0x5c: {  	_ =	shalt  }
0x5d: {  	_ =	shalt  }
0x5e: {  	_ =	shalt  }
0x5f: {  	_ =	shalt  }
0x60: {  	_ =	shalt  }
0x61: {  	_ =	shalt  }
0x62: {  	_ =	shalt  }
0x63: {  	_ =	shalt  }
0x64: {  	_ =	shalt  }
0x65: {  	_ =	shalt  }
0x66: {  	_ =	shalt  }
0x67: {  	_ =	shalt  }
0x68: {  	_ =	shalt  }
0x69: {  	_ =	shalt  }
0x6a: {  	_ =	shalt  }
0x6b: {  	_ =	shalt  }
0x6c: {  	_ =	shalt  }
0x6d: {  	_ =	shalt  }
0x6e: {  	_ =	shalt  }
0x6f: {  	_ =	shalt  }
0x70: {  	_ =	shalt  }
0x71: {  	_ =	shalt  }
0x72: {  	_ =	shalt  }
0x73: {  	_ =	shalt  }
0x74: {  	_ =	shalt  }
0x75: {  	_ =	shalt  }
0x76: {  	_ =	shalt  }
0x77: {  	_ =	shalt  }
0x78: {  	_ =	shalt  }
0x79: {  	_ =	shalt  }
0x7a: {  	_ =	shalt  }
0x7b: {  	_ =	shalt  }
0x7c: {  	_ =	shalt  }
0x7d: {  	_ =	shalt  }
0x7e: {  	_ =	shalt  }
0x7f: {  	_ =	shalt  }
0x80: {  	_ =	shalt  }
0x81: {  	_ =	shalt  }
0x82: {  	_ =	shalt  }
0x83: {  	_ =	shalt  }
0x84: {  	_ =	shalt  }
0x85: {  	_ =	shalt  }
0x86: {  	_ =	shalt  }
0x87: {  	_ =	shalt  }
.Lfunc_end0:
.L_simem_size_0:
called_computation_lowered:
.L_overlay_start_0:
0x88: {  	s2 =	sld [smem:$0x3FD9]  }
0x89: {  	s3 =	sld [smem:$0x3FFE];
	_ =	sdelay $0x1  }
0x8a: {  	s1 =	srdreg.scid  }
0x8b: {  	s0 =	sand.u32 $0x1, s1  }
0x8c: {  	s17 =	sshll.u32 s0, $0xA;
	s2 =	sadd.s32 s3, s2  }
0x8d: {  	s2 =	sadd.s32 s2, s17  }
0x8e: {  	[smem:$0x3FC3] =	sst s2  }
0x8f: {  	_ = 	snop  }
0x90: {  	s2 =	sld [smem:$0x3FD0];
	(tm) =	ssettm $0x1  }
0x91: {  	s18 =	sld [smem:$0x3FFB];
	_ =	sdelay $0x3  }
0x92: {  	_ =	strace s18  }
0x93: {  	s3 =	sld [smem:$0x3FFC];
	_ =	sdelay $0x3  }
0x94: {  	_ =	strace s3  }
0x95: {  	s3 =	sld [smem:$0x3FFD];
	_ =	sdelay $0x3  }
0x96: {  	_ =	strace s3  }
0x97: {  	_ =	strace $0x8FFFFFFF  }
0x98: {  	s19 =	sld [smem:$0x3FDB];
	_ =	sdelay $0x1  }
0x99: {  	s4 =	simm.s32 $_scs_section_size  }
0x9a: {  	s5 =	simm.s32 $_size__tile_overlayer_lowered;
	s6 =	simm.s32 $_tile_overlayer_lowered  }
0x9b: {  	s22 =	simm.s32 $0x1BFF;
	s21 =	sshll.u32 s6, $0x1;
	s3 =	sadd.s32 s4, s19  }
0x9c: {  	s7 =	simm.s32 $0x0;
	s20 =	sshll.u32 s5, $0x1;
	s5 =	sadd.s32 s21, s3  }
0x9d: {  	[timem:s7], [sflag:s22] =	dma.local [hbm:s5], s20  }
0x9e: {  	_ =	swait.ge [sflag:s22], s20  }
0x9f: {  	s4 =	ssub.s32 $0x0, s20;
	[sflag:s22] =	ssyncset.done $0x0  }
0xa0: {  	[sflag:s22] =	ssyncadd.s32 s4;
	_ =	sdelay $0x1  }
0xa1: {  	s23 =	simm.s32 $0x1B8B  }
0xa2: {  	_ =	swait.ge [sflag:s23], $0x1  }
0xa3: {  	[sflag:s23] =	ssyncset.done $0x0  }
0xa4: {  	s25 =	simm.s32 $0x1B8E;
	s24 =	sld [smem:$0x3FFE];
	[sflag:s23] =	ssyncadd.s32 $0xFFFFFFFF  }
0xa5: {  	s26 =	simm.s32 $execute0_lowered;
	[smem:$0x3FD2] =	sst s25  }
0xa6: {  	s5 =	sshll.u32 s26, $0x1;
	_ =	strace $0x80000046;
	[dreg:$0x1] =	wrdreg $0xFFFFFFFF  }
0xa7: {  	s28 =	simm.s32 $_size_execute0_lowered;
	s3 =	sadd.s32 s3, s5;
	[dreg:$0x0] =	wrdreg $0x0  }
0xa8: {  	s5 =	sshll.u32 s28, $0x1;
	[dreg:$0x2] =	wrdreg s3  }
0xa9: {  	[dreg:$0x3] =	wrdreg s5  }
0xaa: {  	[dreg:$0x4] =	wrdreg $0xC0  }
0xab: {  	_ =	task [dreg:s7], $0x5FFFF  }
0xac: {  	[dreg:$0x1] =	wrdreg $0xFFFFFFFF  }
0xad: {  	[dreg:$0x0] =	wrdreg $0x60  }
0xae: {  	[dreg:$0x2] =	wrdreg s2  }
0xaf: {  	[dreg:$0x3] =	wrdreg s24  }
0xb0: {  	[dreg:$0x4] =	wrdreg $0x9  }
0xb1: {  	_ =	task.clear_ibuf [dreg:s7], $0x5FFFF;
	_ =	strace $0x90000046  }
0xb2: {  	s29 =	simm.s32 $0x9;
	_ =	strace $0x80000048  }
0xb3: {  	_ =	swait.ge [sflag:s29], $0x1  }
0xb4: {  	[sflag:s29] =	ssyncadd.s32 $0xFFFFFFFF  }
0xb5: {  	_ =	strace $0x90000048  }
0xb6: {  	_ =	sfence  }
0xb7: {  	s30 =	sld [smem:$0x0];
	_ =	sdelay $0x2  }
0xb8: {  	s31 =	sshll.u32 s1, $0xD;
	s1 =	sshrl.u32 s1, $0x2  }
0xb9: {  	s3 =	sand.u32 $0x4000, s31;
	s1 =	sadd.s32 s1, s30  }
0xba: {  	s0 =	sor.u32 s3, s0;
	s1 =	sshll.u32 s1, $0x11  }
0xbb: {  	s0 =	sor.u32 s1, s0  }
0xbc: {  	s0 =	sadd.s32 $0x8F2B, s0  }
0xbd: {  	[sflag:s0] =	ssyncadd.remote.s32 $0x1  }
0xbe: {  	_ =	sfence.sel $0xFFFF  }
0xbf: {  	[dreg:$0x0] =	wrdreg $0xFFFFFFFF;
	(pc) =	sbr.abs _section_cstart, $3  }
0xc0: {  	[dreg:$0x1] =	wrdreg $0xFFFFFFFF  }
0xc1: {  	_ =	task.clear_ibuf [dreg:s7], $0x2FFFF;
	_ =	strace $0x9FFFFFFF  }
0xc2: {  	(tm) =	ssettm $0x7FFFFFFF  }
0xc3: {  	_ =	shalt  }
tec
execute0_lowered:
.L_overlay_start_1:
0x0: {  	(tag) =	ssettag $0x1  }
0x1: {  	s3 =	rddreg [dreg:$0x0]  }
0x2: {  	s4 =	rddreg [dreg:$0x1]  }
0x3: {  	s0 =	rddreg [dreg:$0x2];
	s5 =	srdreg.scid  }
0x4: {  	s2 =	simm.s32 $0x0;
	s1 =	stileid.u32;
	s8 =	simm.s32 $0x2  }
0x5: {  	s5 =	sand.u32 $0x1, s5;
	s7 =	sshll.u32 s1, $0x7;
	[smem:$0x7FF] =	sst s2  }
0x6: {  	s6 =	sshll.u32 s5, $0xB;
	s5 =	ssub.s32 $0x2, s5;
	_ =	strace $0x80000047  }
0x7: {  	s6 =	sor.u32 s7, s6;
	s31 =	sshrl.u32 s5, $0x1;
	s7 =	simm.s32 $0x400  }
0x8: {  	s4 =	sadd.s32 s6, s4;
	s5 =	ssub.s32 s5, s31;
	s3 =	sadd.s32 s3, s6  }
0x9: {  	v0 =	vimm.s32 $0x0;
	s6 =	simm.s32 $0x1;
	s4 =	sadd.s32 $0xA0600, s4;
	s5 =	smax.u32 s5, $0x1  }
.LBB2_1:
0xa: {  	[tilespmem:s2], [sflag:$0x1] =	stream.linear.gather [hbm4b:s3+s2], $0x400, $0x38;
	[tilespmem:$0x800] =	vst v63  }
0xb: {  	_ =	swait.ge [sflag:s6], $0x400  }
0xc: {  	[sflag:s6] =	ssyncset.done $0x0  }
0xd: {  	[sflag:s6] =	ssyncadd.s32 $0xFFFFFC00  }
0xe: {  	v3 =	vld [tilespmem:$0x0]  }
0xf: {  	v7 =	vld [tilespmem:$0x80]  }
0x10: {  	v4 =	vld [tilespmem:$0x100]  }
0x11: {  	v5 =	vld [tilespmem:$0x180]  }
0x12: {  	v6 =	vld [tilespmem:$0x200]  }
0x13: {  	v1 =	vld [tilespmem:$0x280]  }
0x14: {  	v2 =	vld [tilespmem:$0x300]  }
0x15: {  	v8 =	vld [tilespmem:$0x380];
	_ =	sdelay $0x2  }
0x16: {  	v9 =	vmax.f32 v3, v7;
	vm0 =	vgt.f32 v7, v3  }
0x17: {  	vm1 =	vgt.f32 v4, v3;
	vm13 =	vgt.f32 v5, v3;
	vm14 =	vgt.f32 v6, v3  }
0x18: {  	vm15 =	vgt.f32 v1, v3;
	vm4 =	vgt.f32 v2, v3;
	vm5 =	vgt.f32 v8, v3  }
0x19: {  	vm7 =	vge.f32 v3, v7;
	vm2 =	vgt.f32 v4, v7;
	vm8 =	vgt.f32 v5, v7  }
0x1a: {  	vm9 =	vgt.f32 v6, v7;
	vm10 =	vgt.f32 v1, v7;
	vm11 =	vgt.f32 v2, v7  }
0x1b: {  	vm12 =	vgt.f32 v8, v7;
	v9 =	vmax.f32 v9, v4;
	v10 =	vsel vm0, $0x1, v0  }
0x1c: {  	v11 =	vsel vm1, $0x1, v0;
	v33 =	vsel vm13, $0x1, v0;
	v34 =	vsel vm14, $0x1, v0  }
0x1d: {  	v35 =	vsel vm15, $0x1, v0;
	v36 =	vsel vm4, $0x1, v0;
	v38 =	vsel vm5, $0x1, v0  }
0x1e: {  	v39 =	vsel vm7, $0x1, v0;
	v40 =	vsel vm2, $0x1, v0;
	v41 =	vsel vm8, $0x1, v0  }
0x1f: {  	v42 =	vsel vm9, $0x1, v0;
	v43 =	vsel vm10, $0x1, v0;
	v45 =	vsel vm11, $0x1, v0  }
0x20: {  	v46 =	vsel vm12, $0x1, v0;
	vm13 =	vge.f32 v3, v4;
	vm14 =	vge.f32 v7, v4  }
0x21: {  	vm4 =	vgt.f32 v5, v4;
	vm5 =	vgt.f32 v6, v4;
	vm7 =	vgt.f32 v2, v4  }
0x22: {  	vm8 =	vgt.f32 v8, v4;
	vm9 =	vge.f32 v3, v5;
	vm10 =	vge.f32 v7, v5  }
0x23: {  	vm11 =	vge.f32 v4, v5;
	vm12 =	vgt.f32 v6, v5;
	v9 =	vmax.f32 v9, v5  }
0x24: {  	v10 =	vadd.s32 v10, v11;
	v48 =	vsel vm13, $0x1, v0;
	v49 =	vsel vm14, $0x1, v0  }
0x25: {  	v51 =	vsel vm4, $0x1, v0;
	v53 =	vsel vm5, $0x1, v0;
	v57 =	vsel vm7, $0x1, v0  }
0x26: {  	v58 =	vsel vm8, $0x1, v0;
	v59 =	vsel vm9, $0x1, v0;
	v60 =	vsel vm10, $0x1, v0  }
0x27: {  	v61 =	vsel vm11, $0x1, v0;
	v62 =	vsel vm12, $0x1, v0;
	vm13 =	vgt.f32 v1, v5  }
0x28: {  	vm14 =	vgt.f32 v2, v5;
	vm7 =	vge.f32 v7, v6;
	vm8 =	vge.f32 v4, v6  }
0x29: {  	vm9 =	vge.f32 v5, v6;
	vm10 =	vgt.f32 v1, v6;
	vm11 =	vgt.f32 v2, v6  }
0x2a: {  	vm12 =	vgt.f32 v8, v6;
	v9 =	vmax.f32 v9, v6;
	v10 =	vadd.s32 v33, v10  }
0x2b: {  	v50 =	vadd.s32 v49, v48;
	v63 =	vsel vm13, $0x1, v0;
	v16 =	vsel vm14, $0x1, v0  }
0x2c: {  	v25 =	vsel vm7, $0x1, v0;
	v27 =	vsel vm8, $0x1, v0;
	v28 =	vsel vm9, $0x1, v0  }
0x2d: {  	v30 =	vsel vm10, $0x1, v0;
	v31 =	vsel vm11, $0x1, v0;
	v32 =	vsel vm12, $0x1, v0  }
0x2e: {  	vm13 =	vge.f32 v3, v1;
	vm14 =	vge.f32 v7, v1;
	vm7 =	vgt.f32 v2, v1  }
0x2f: {  	vm8 =	vgt.f32 v8, v1;
	vm9 =	vge.f32 v3, v2;
	vm10 =	vge.f32 v7, v2  }
0x30: {  	vm11 =	vge.f32 v4, v2;
	vm12 =	vge.f32 v5, v2;
	v9 =	vmax.f32 v9, v1  }
0x31: {  	v10 =	vadd.s32 v34, v10;
	v33 =	vsel vm13, $0x1, v0;
	v9 =	vmax.f32 v9, v2  }
0x32: {  	vm13 =	vge.f32 v6, v2;
	v10 =	vadd.s32 v35, v10;
	v9 =	vmax.f32 v9, v8  }
0x33: {  	v10 =	vadd.s32 v36, v10;
	v12 =	vsub.f32 v3, v9;
	v13 =	vsub.f32 v7, v9  }
0x34: {  	v36 =	vsel vm14, $0x1, v0;
	v52 =	vsub.f32 v4, v9;
	v54 =	vsub.f32 v5, v9  }
0x35: {  	v10 =	vadd.s32 v38, v10;
	v23 =	vsub.f32 v6, v9;
	v14 =	vsub.f32 v1, v9  }
0x36: {  	v48 =	vsub.f32 v2, v9;
	v9 =	vsub.f32 v8, v9;
	v12 =	vmul.f32 $1.442695020e+00, v12  }
0x37: {  	vm6 =	vlt.u32 v10, $0x2;
	v37 =	vmul.f32 $1.442695020e+00, v13;
	v55 =	vmul.f32 $1.442695020e+00, v52  }
0x38: {  	v10 =	vadd.s32 v39, v40;
	v13 =	vmul.f32 $1.442695020e+00, v54;
	(erf) = vpow2.f32 v12  }
0x39: {  	v10 =	vadd.s32 v41, v10;
	v14 =	vmul.f32 $1.442695020e+00, v14;
	(erf) = vpow2.f32 v37  }
0x3a: {  	v9 =	vmul.f32 $1.442695020e+00, v9;
	v10 =	vadd.s32 v42, v10;
	v42 =	vsel vm7, $0x1, v0  }
0x3b: {  	vm7 =	vge.f32 v4, v8;
	v10 =	vadd.s32 v43, v10;
	v12 =	vadd.s32 v60, v59  }
0x3c: {  	v43 =	vsel vm9, $0x1, v0;
	vm9 =	vge.f32 v6, v8;
	v10 =	vadd.s32 v45, v10  }
0x3d: {  	v12 =	vadd.s32 v61, v12;
	v45 =	vsel vm8, $0x1, v0;
	vm8 =	vge.f32 v5, v8  }
0x3e: {  	v59 =	vsel vm9, $0x1, v0;
	v10 =	vadd.s32 v46, v10;
	v12 =	vadd.s32 v62, v12  }
0x3f: {  	v46 =	vsel vm11, $0x1, v0;
	vm11 =	vge.f32 v1, v8;
	vm15 =	vlt.u32 v10, $0x2  }
0x40: {  	v10 =	vadd.s32 v51, v50;
	v12 =	vadd.s32 v63, v12;
	v51 =	vsel vm13, $0x1, v0  }
0x41: {  	v60 =	vsel vm11, $0x1, v0;
	v10 =	vadd.s32 v53, v10;
	v17 =	vadd.s32 v16, v12;
	v44 =	vpop (erf)  }
0x42: {  	v35 =	vnsel vm6, $0x0, v44;
	v47 =	vpop (erf);
	vm6 =	vgt.f32 v1, v4;
	(erf) = vpow2.f32 v55  }
0x43: {  	v44 =	vsel vm10, $0x1, v0;
	v34 =	vnsel vm15, $0x0, v47;
	v56 =	vsel vm6, $0x1, v0  }
0x44: {  	(erf) = vpow2.f32 v13;
	vm15 =	vgt.f32 v8, v5;
	vm6 =	vge.f32 v3, v6  }
0x45: {  	v47 =	vsel vm12, $0x1, v0;
	vm12 =	vge.f32 v2, v8;
	v10 =	vadd.s32 v56, v10  }
0x46: {  	v18 =	vsel vm15, $0x1, v0;
	v19 =	vadd.f32 v34, v35;
	v24 =	vsel vm6, $0x1, v0  }
0x47: {  	vm15 =	vge.f32 v4, v1;
	vm6 =	vge.f32 v6, v1;
	v63 =	vsel vm12, $0x1, v0  }
0x48: {  	v10 =	vadd.s32 v57, v10;
	v11 =	vadd.s32 v18, v17;
	v12 =	vadd.s32 v25, v24  }
0x49: {  	v37 =	vsel vm15, $0x1, v0;
	v41 =	vsel vm6, $0x1, v0;
	vm15 =	vge.f32 v1, v2  }
0x4a: {  	v4 =	vld [tilespmem:$0x90];
	vm6 =	vge.f32 v7, v8;
	v57 =	vsel vm7, $0x1, v0;
	v10 =	vadd.s32 v58, v10  }
0x4b: {  	v6 =	vld [tilespmem:$0x190];
	vm5 =	vlt.u32 v11, $0x2;
	v12 =	vadd.s32 v27, v12;
	v53 =	vsel vm15, $0x1, v0  }
0x4c: {  	v56 =	vsel vm6, $0x1, v0;
	vm4 =	vlt.u32 v10, $0x2;
	v10 =	vmul.f32 $1.442695020e+00, v23  }
0x4d: {  	v58 =	vsel vm8, $0x1, v0;
	v29 =	vadd.s32 v28, v12;
	v12 =	vadd.s32 v36, v33  }
0x4e: {  	v12 =	vadd.s32 v37, v12;
	(erf) = vpow2.f32 v10;
	v10 =	vadd.s32 v30, v29  }
0x4f: {  	v10 =	vadd.s32 v31, v10;
	(erf) = vpow2.f32 v14;
	v14 =	vmul.f32 $1.442695020e+00, v48;
	v20 =	vpop (erf)  }
0x50: {  	vm12 =	vgt.f32 v6, v4;
	v10 =	vadd.s32 v32, v10;
	v49 =	vnsel vm4, $0x0, v20  }
0x51: {  	v21 =	vpop (erf);
	vm4 =	vge.f32 v5, v1;
	(erf) = vpow2.f32 v14;
	v22 =	vadd.f32 v19, v49  }
0x52: {  	v5 =	vld [tilespmem:$0x110];
	v26 =	vnsel vm5, $0x0, v21;
	v38 =	vsel vm4, $0x1, v0;
	vm5 =	vlt.u32 v10, $0x2  }
0x53: {  	vm4 =	vgt.f32 v8, v2;
	(erf) = vpow2.f32 v9;
	v39 =	vadd.s32 v38, v12  }
0x54: {  	v2 =	vld [tilespmem:$0x310];
	v12 =	vadd.s32 v44, v43;
	v54 =	vsel vm4, $0x1, v0;
	v10 =	vadd.s32 v41, v39  }
0x55: {  	v11 =	vadd.f32 v22, v26;
	v12 =	vadd.s32 v46, v12;
	v10 =	vadd.s32 v42, v10  }
0x56: {  	v39 =	vsel vm12, $0x1, v0;
	v50 =	vadd.s32 v47, v12;
	v10 =	vadd.s32 v45, v10  }
0x57: {  	vm11 =	vgt.f32 v5, v4;
	v40 =	vpop (erf);
	vm14 =	vlt.u32 v10, $0x2;
	v10 =	vadd.s32 v51, v50  }
0x58: {  	v38 =	vsel vm11, $0x1, v0;
	v30 =	vnsel vm5, $0x0, v40;
	vm5 =	vge.f32 v3, v8;
	v3 =	vld [tilespmem:$0x10]  }
0x59: {  	vm11 =	vgt.f32 v2, v5;
	v10 =	vadd.s32 v53, v10;
	v55 =	vsel vm5, $0x1, v0  }
0x5a: {  	v1 =	vld [tilespmem:$0x290];
	v52 =	vpop (erf);
	v11 =	vadd.f32 v11, v30;
	v10 =	vadd.s32 v54, v10;
	v7 =	vadd.s32 v56, v55  }
0x5b: {  	v8 =	vld [tilespmem:$0x390];
	v27 =	vnsel vm14, $0x0, v52;
	vm10 =	vlt.u32 v10, $0x2;
	v62 =	vpop (erf);
	v7 =	vadd.s32 v57, v7  }
0x5c: {  	v11 =	vadd.f32 v11, v27;
	v22 =	vnsel vm10, $0x0, v62;
	v9 =	vadd.s32 v58, v7  }
0x5d: {  	v57 =	vsel vm11, $0x1, v0;
	v9 =	vadd.s32 v59, v9;
	v61 =	vmax.f32 v3, v4  }
0x5e: {  	v11 =	vadd.f32 v11, v22;
	vm14 =	vgt.f32 v4, v3;
	vm15 =	vgt.f32 v5, v3  }
0x5f: {  	vm4 =	vgt.f32 v6, v3;
	vm6 =	vgt.f32 v1, v3;
	vm7 =	vgt.f32 v2, v3  }
0x60: {  	vm8 =	vgt.f32 v8, v3;
	vm10 =	vge.f32 v3, v4;
	vm12 =	vgt.f32 v8, v5  }
0x61: {  	v9 =	vadd.s32 v60, v9;
	v12 =	vmax.f32 v61, v5;
	v19 =	vsel vm14, $0x1, v0  }
0x62: {  	v20 =	vsel vm15, $0x1, v0;
	v21 =	vsel vm4, $0x1, v0;
	v29 =	vsel vm6, $0x1, v0  }
0x63: {  	v32 =	vsel vm7, $0x1, v0;
	v36 =	vsel vm8, $0x1, v0;
	v37 =	vsel vm10, $0x1, v0  }
0x64: {  	vm14 =	vgt.f32 v1, v4;
	vm15 =	vgt.f32 v2, v4;
	vm4 =	vgt.f32 v8, v4  }
0x65: {  	vm6 =	vge.f32 v4, v5;
	vm8 =	vgt.f32 v6, v5;
	vm10 =	vgt.f32 v1, v5  }
0x66: {  	v7 =	vld [tilespmem:$0x210];
	v58 =	vsel vm12, $0x1, v0;
	v9 =	vadd.s32 v63, v9;
	v15 =	vmax.f32 v12, v6  }
0x67: {  	v41 =	vsel vm14, $0x1, v0;
	v43 =	vsel vm15, $0x1, v0;
	v45 =	vsel vm4, $0x1, v0  }
0x68: {  	v48 =	vsel vm6, $0x1, v0;
	v51 =	vsel vm8, $0x1, v0;
	v56 =	vsel vm10, $0x1, v0  }
0x69: {  	vm14 =	vge.f32 v4, v6;
	vm15 =	vge.f32 v5, v6;
	vm6 =	vgt.f32 v2, v6  }
0x6a: {  	v16 =	vpop (erf);
	vm13 =	vlt.u32 v9, $0x2;
	v60 =	vsel vm14, $0x1, v0;
	v61 =	vsel vm15, $0x1, v0  }
0x6b: {  	v10 =	vmax.f32 v15, v7;
	v16 =	vnsel vm13, $0x0, v16;
	vm5 =	vgt.f32 v7, v3  }
0x6c: {  	vm13 =	vgt.f32 v7, v4;
	vm4 =	vgt.f32 v7, v6;
	vm10 =	vge.f32 v3, v7  }
0x6d: {  	vm11 =	vge.f32 v4, v7;
	vm12 =	vge.f32 v5, v7;
	vm14 =	vgt.f32 v1, v7  }
0x6e: {  	vm15 =	vgt.f32 v2, v7;
	v17 =	vmax.f32 v10, v1;
	v18 =	vadd.f32 v11, v16  }
0x6f: {  	v11 =	vadd.s32 v19, v20;
	v25 =	vsel vm5, $0x1, v0;
	v40 =	vsel vm13, $0x1, v0  }
0x70: {  	vm5 =	vge.f32 v3, v5;
	vm13 =	vge.f32 v3, v6;
	v62 =	vsel vm4, $0x1, v0  }
0x71: {  	vm4 =	vgt.f32 v8, v7;
	v9 =	vmax.f32 v17, v2;
	v24 =	vadd.s32 v21, v11  }
0x72: {  	v47 =	vsel vm5, $0x1, v0;
	v59 =	vsel vm13, $0x1, v0;
	vm5 =	vgt.f32 v1, v6  }
0x73: {  	v17 =	vsel vm6, $0x1, v0;
	vm13 =	vge.f32 v6, v7;
	vm6 =	vge.f32 v4, v1  }
0x74: {  	v9 =	vmax.f32 v9, v8;
	(erf) = vrcp.f32 v18;
	v10 =	vadd.s32 v25, v24  }
0x75: {  	v50 =	vadd.s32 v48, v47;
	v12 =	vadd.s32 v60, v59;
	v63 =	vsel vm5, $0x1, v0  }
0x76: {  	vm5 =	vge.f32 v3, v1;
	v23 =	vsub.f32 v3, v9;
	v31 =	vsub.f32 v4, v9  }
0x77: {  	v10 =	vadd.s32 v29, v10;
	v52 =	vsub.f32 v5, v9;
	v12 =	vadd.s32 v61, v12  }
0x78: {  	v54 =	vsub.f32 v6, v9;
	v10 =	vadd.s32 v32, v10;
	v12 =	vadd.s32 v62, v12  }
0x79: {  	v32 =	vsel vm10, $0x1, v0;
	vm10 =	vge.f32 v7, v1;
	v28 =	vmul.f32 $1.442695020e+00, v23  }
0x7a: {  	v33 =	vmul.f32 $1.442695020e+00, v31;
	v10 =	vadd.s32 v36, v10;
	v55 =	vmul.f32 $1.442695020e+00, v52  }
0x7b: {  	v13 =	vmul.f32 $1.442695020e+00, v54;
	v12 =	vadd.s32 v63, v12;
	v31 =	vsub.f32 v7, v9  }
0x7c: {  	v36 =	vsel vm12, $0x1, v0;
	vm12 =	vgt.f32 v8, v1;
	vm9 =	vlt.u32 v10, $0x2  }
0x7d: {  	v10 =	vadd.s32 v37, v38;
	v18 =	vadd.s32 v17, v12;
	v37 =	vsel vm13, $0x1, v0  }
0x7e: {  	vm13 =	vge.f32 v3, v2;
	(erf) = vpow2.f32 v28;
	v10 =	vadd.s32 v39, v10  }
0x7f: {  	v39 =	vsel vm14, $0x1, v0;
	vm14 =	vge.f32 v4, v2;
	(erf) = vpow2.f32 v33  }
0x80: {  	v10 =	vadd.s32 v40, v10;
	v33 =	vsel vm11, $0x1, v0;
	v40 =	vsel vm15, $0x1, v0  }
0x81: {  	vm11 =	vgt.f32 v2, v1;
	v54 =	vsel vm14, $0x1, v0;
	vm15 =	vge.f32 v5, v2  }
0x82: {  	v10 =	vadd.s32 v41, v10;
	(erf) = vpow2.f32 v55;
	v12 =	vadd.s32 v33, v32  }
0x83: {  	v41 =	vsel vm4, $0x1, v0;
	v52 =	vsel vm11, $0x1, v0;
	v55 =	vsel vm12, $0x1, v0  }
0x84: {  	vm4 =	vge.f32 v6, v2;
	vm11 =	vge.f32 v5, v8;
	vm12 =	vge.f32 v6, v8  }
0x85: {  	v10 =	vadd.s32 v43, v10;
	(erf) = vpow2.f32 v13;
	v12 =	vadd.s32 v36, v12  }
0x86: {  	v43 =	vsel vm6, $0x1, v0;
	v19 =	vpop (erf);
	v10 =	vadd.s32 v45, v10;
	v38 =	vadd.s32 v37, v12  }
0x87: {  	vm7 =	vlt.u32 v10, $0x2;
	v10 =	vadd.s32 v51, v50;
	v50 =	vsel vm10, $0x1, v0;
	v42 =	vpop (erf)  }
0x88: {  	vm10 =	vge.f32 v4, v8;
	v44 =	vnsel vm9, $0x0, v42;
	v46 =	vpop (erf);
	vm9 =	vgt.f32 v7, v5  }
0x89: {  	v42 =	vsel vm5, $0x1, v0;
	vm5 =	vge.f32 v7, v2;
	v15 =	vnsel vm7, $0x0, v46  }
0x8a: {  	v53 =	vsel vm9, $0x1, v0;
	vm7 =	vgt.f32 v8, v6;
	v12 =	vadd.s32 v43, v42  }
0x8b: {  	v60 =	vsel vm5, $0x1, v0;
	v10 =	vadd.s32 v53, v10;
	v20 =	vsel vm7, $0x1, v0  }
0x8c: {  	[tilespmem:$0x1FF40] =	vst v44;
	v21 =	vadd.f32 v15, v44;
	vm7 =	vge.f32 v5, v1;
	v44 =	vsub.f32 v1, v9  }
0x8d: {  	[tilespmem:$0x1FF50] =	vst v15;
	v53 =	vsel vm13, $0x1, v0;
	v15 =	vsel vm10, $0x1, v0;
	vm13 =	vge.f32 v7, v8  }
0x8e: {  	v10 =	vadd.s32 v56, v10;
	v11 =	vadd.s32 v20, v18;
	v45 =	vsel vm7, $0x1, v0  }
0x8f: {  	v56 =	vsel vm15, $0x1, v0;
	vm7 =	vge.f32 v1, v2;
	vm15 =	vge.f32 v1, v8  }
0x90: {  	v4 =	vld [tilespmem:$0x20];
	v23 =	vpop (erf);
	v10 =	vadd.s32 v57, v10;
	vm9 =	vlt.u32 v11, $0x2;
	v12 =	vadd.s32 v45, v12  }
0x91: {  	v25 =	vpop (erf);
	v5 =	vld [tilespmem:$0x120];
	v14 =	vmul.f32 $1.442695020e+00, v44;
	v57 =	vsel vm4, $0x1, v0;
	v62 =	vsel vm7, $0x1, v0  }
0x92: {  	vm4 =	vge.f32 v2, v8;
	v10 =	vadd.s32 v58, v10;
	v29 =	vnsel vm9, $0x0, v25  }
0x93: {  	v18 =	vld [tilespmem:$0xA0];
	v58 =	vsub.f32 v2, v9;
	v9 =	vsub.f32 v8, v9;
	v25 =	vsel vm13, $0x1, v0  }
0x94: {  	v20 =	vld [tilespmem:$0x3A0];
	v32 =	vsel vm4, $0x1, v0;
	vm8 =	vlt.u32 v10, $0x2;
	v10 =	vmul.f32 $1.442695020e+00, v31  }
0x95: {  	v24 =	vnsel vm8, $0x0, v23;
	vm8 =	vge.f32 v6, v1;
	v9 =	vmul.f32 $1.442695020e+00, v9  }
0x96: {  	v23 =	vsel vm12, $0x1, v0;
	v1 =	vsel vm15, $0x1, v0;
	vm7 =	vgt.f32 v5, v4  }
0x97: {  	v28 =	vadd.f32 v21, v24;
	(erf) = vpow2.f32 v10;
	v10 =	vadd.s32 v39, v38  }
0x98: {  	v46 =	vsel vm8, $0x1, v0;
	vm8 =	vgt.f32 v8, v2;
	v21 =	vsel vm11, $0x1, v0  }
0x99: {  	v39 =	vsel vm7, $0x1, v0;
	vm12 =	vgt.f32 v20, v4;
	vm15 =	vgt.f32 v5, v18  }
0x9a: {  	v6 =	vld [tilespmem:$0x1A0];
	v10 =	vadd.s32 v40, v10;
	v47 =	vadd.s32 v46, v12;
	(erf) = vpow2.f32 v14  }
0x9b: {  	v12 =	vadd.s32 v54, v53;
	v14 =	vmul.f32 $1.442695020e+00, v58;
	v63 =	vsel vm8, $0x1, v0  }
0x9c: {  	v2 =	vld [tilespmem:$0x320];
	v11 =	vadd.f32 v28, v29;
	v10 =	vadd.s32 v41, v10;
	v12 =	vadd.s32 v56, v12  }
0x9d: {  	[tilespmem:$0x1FF70] =	vst v29;
	v29 =	vmax.f32 v4, v18;
	vm9 =	vlt.u32 v10, $0x2;
	v10 =	vadd.s32 v50, v47  }
0x9e: {  	v59 =	vadd.s32 v57, v12;
	(erf) = vpow2.f32 v14;
	v50 =	vsel vm12, $0x1, v0  }
0x9f: {  	v10 =	vadd.s32 v52, v10;
	(erf) = vpow2.f32 v9;
	vm8 =	vgt.f32 v6, v4  }
0xa0: {  	v52 =	vsel vm15, $0x1, v0;
	vm4 =	vgt.f32 v6, v18;
	vm12 =	vgt.f32 v6, v5  }
0xa1: {  	v17 =	vld [tilespmem:$0x220];
	v10 =	vadd.s32 v55, v10;
	v40 =	vsel vm8, $0x1, v0;
	vm11 =	vgt.f32 v2, v4  }
0xa2: {  	v53 =	vsel vm4, $0x1, v0;
	vm7 =	vgt.f32 v2, v18;
	vm8 =	vgt.f32 v20, v18  }
0xa3: {  	vm15 =	vgt.f32 v2, v5;
	vm6 =	vlt.u32 v10, $0x2;
	v10 =	vadd.s32 v60, v59  }
0xa4: {  	vm4 =	vgt.f32 v20, v5;
	v47 =	vsel vm11, $0x1, v0;
	v10 =	vadd.s32 v62, v10  }
0xa5: {  	[tilespmem:$0x1FF60] =	vst v24;
	v57 =	vsel vm7, $0x1, v0;
	v59 =	vsel vm8, $0x1, v0;
	v24 =	vadd.s32 v63, v10  }
0xa6: {  	vm7 =	vge.f32 v5, v6;
	vm8 =	vgt.f32 v17, v6;
	v48 =	vpop (erf);
	vm14 =	vlt.u32 v24, $0x2  }
0xa7: {  	v51 =	vnsel vm9, $0x0, v48;
	v61 =	vpop (erf);
	vm9 =	vge.f32 v3, v8;
	v8 =	vmax.f32 v29, v5  }
0xa8: {  	v11 =	vadd.f32 v11, v51;
	v13 =	vnsel vm6, $0x0, v61;
	v3 =	vsel vm9, $0x1, v0  }
0xa9: {  	v33 =	vmax.f32 v8, v6;
	vm6 =	vgt.f32 v18, v4;
	v3 =	vadd.s32 v15, v3  }
0xaa: {  	vm9 =	vgt.f32 v17, v4;
	v7 =	vmax.f32 v33, v17;
	v3 =	vadd.s32 v21, v3  }
0xab: {  	v38 =	vsel vm6, $0x1, v0;
	v43 =	vsel vm9, $0x1, v0;
	v3 =	vadd.s32 v23, v3  }
0xac: {  	v31 =	vpop (erf);
	vm9 =	vge.f32 v4, v5;
	v11 =	vadd.f32 v11, v13;
	v28 =	vadd.s32 v25, v3;
	v3 =	vld [tilespmem:$0x2A0]  }
0xad: {  	v9 =	vnsel vm14, $0x0, v31;
	vm14 =	vge.f32 v4, v18;
	v1 =	vadd.s32 v1, v28  }
0xae: {  	[tilespmem:$0x1FF80] =	vst v51;
	v61 =	vsel vm9, $0x1, v0;
	v31 =	vsel vm15, $0x1, v0;
	v1 =	vadd.s32 v32, v1  }
0xaf: {  	vm15 =	vge.f32 v18, v17;
	[tilespmem:$0x1FFA0] =	vst v9;
	v51 =	vsel vm14, $0x1, v0;
	v9 =	vadd.f32 v11, v9  }
0xb0: {  	v11 =	vsel vm12, $0x1, v0;
	v32 =	vsel vm4, $0x1, v0;
	vm4 =	vge.f32 v5, v17  }
0xb1: {  	vm5 =	vlt.u32 v1, $0x2;
	v1 =	vpop (erf);
	vm10 =	vgt.f32 v3, v4;
	vm6 =	vgt.f32 v3, v18  }
0xb2: {  	vm14 =	vgt.f32 v3, v5;
	vm9 =	vgt.f32 v3, v6;
	v36 =	vnsel vm5, $0x0, v1  }
0xb3: {  	v1 =	vmax.f32 v7, v3;
	v45 =	vsel vm10, $0x1, v0;
	vm5 =	vgt.f32 v17, v18  }
0xb4: {  	v55 =	vsel vm6, $0x1, v0;
	vm10 =	vge.f32 v18, v5;
	v29 =	vsel vm14, $0x1, v0  }
0xb5: {  	vm6 =	vge.f32 v18, v6;
	vm14 =	vge.f32 v4, v17;
	v37 =	vadd.f32 v9, v36  }
0xb6: {  	v1 =	vmax.f32 v1, v2;
	v9 =	vadd.s32 v38, v39;
	v54 =	vsel vm5, $0x1, v0  }
0xb7: {  	[tilespmem:$0x1FFB0] =	vst v36;
	v62 =	vsel vm10, $0x1, v0;
	vm5 =	vge.f32 v4, v6;
	v36 =	vsel vm6, $0x1, v0  }
0xb8: {  	v38 =	vsel vm8, $0x1, v0;
	v39 =	vsel vm9, $0x1, v0;
	vm10 =	vgt.f32 v2, v6  }
0xb9: {  	vm6 =	vgt.f32 v3, v17;
	vm8 =	vgt.f32 v20, v17;
	vm9 =	vge.f32 v4, v3  }
0xba: {  	v1 =	vmax.f32 v1, v20;
	v42 =	vadd.s32 v40, v9;
	v10 =	vadd.s32 v62, v61  }
0xbb: {  	v33 =	vsel vm5, $0x1, v0;
	v40 =	vsel vm10, $0x1, v0;
	vm5 =	vge.f32 v6, v17  }
0xbc: {  	vm10 =	vge.f32 v18, v3;
	v41 =	vsub.f32 v4, v1;
	(erf) = vrcp.f32 v37  }
0xbd: {  	v7 =	vadd.s32 v43, v42;
	v46 =	vsub.f32 v18, v1;
	v21 =	vsub.f32 v5, v1  }
0xbe: {  	[tilespmem:$0x1FF90] =	vst v13;
	v24 =	vsub.f32 v6, v1;
	v13 =	vadd.s32 v36, v33;
	v37 =	vsel vm7, $0x1, v0  }
0xbf: {  	vm7 =	vgt.f32 v2, v17;
	v33 =	vsub.f32 v2, v1;
	v7 =	vadd.s32 v45, v7  }
0xc0: {  	v13 =	vadd.s32 v37, v13;
	v44 =	vmul.f32 $1.442695020e+00, v41;
	v48 =	vmul.f32 $1.442695020e+00, v46  }
0xc1: {  	v7 =	vadd.s32 v47, v7;
	v28 =	vmul.f32 $1.442695020e+00, v21;
	v14 =	vmul.f32 $1.442695020e+00, v24  }
0xc2: {  	v13 =	vadd.s32 v38, v13;
	v21 =	vsel vm15, $0x1, v0;
	vm15 =	vgt.f32 v2, v3  }
0xc3: {  	v7 =	vadd.s32 v50, v7;
	v13 =	vadd.s32 v39, v13;
	v50 =	vsel vm14, $0x1, v0  }
0xc4: {  	vm14 =	vge.f32 v17, v3;
	(erf) = vpow2.f32 v44;
	vm13 =	vlt.u32 v7, $0x2  }
0xc5: {  	v7 =	vadd.s32 v51, v52;
	v41 =	vadd.s32 v40, v13;
	v15 =	vadd.s32 v21, v50  }
0xc6: {  	v51 =	vsel vm4, $0x1, v0;
	v9 =	vsel vm14, $0x1, v0;
	vm4 =	vgt.f32 v20, v3  }
0xc7: {  	vm14 =	vge.f32 v18, v20;
	(erf) = vpow2.f32 v48;
	v7 =	vadd.s32 v53, v7  }
0xc8: {  	v48 =	vsub.f32 v17, v1;
	v52 =	vadd.s32 v51, v15;
	v53 =	vsel vm5, $0x1, v0  }
0xc9: {  	vm5 =	vge.f32 v4, v2;
	v24 =	vsel vm4, $0x1, v0;
	vm4 =	vge.f32 v6, v20  }
0xca: {  	v7 =	vadd.s32 v54, v7;
	(erf) = vpow2.f32 v28;
	v54 =	vadd.s32 v53, v52  }
0xcb: {  	v28 =	vsel vm5, $0x1, v0;
	vm5 =	vge.f32 v17, v20;
	v7 =	vadd.s32 v55, v7  }
0xcc: {  	(erf) = vpow2.f32 v14;
	v55 =	vsel vm6, $0x1, v0;
	v7 =	vadd.s32 v57, v7  }
0xcd: {  	vm6 =	vge.f32 v18, v2;
	v57 =	vsel vm8, $0x1, v0;
	v7 =	vadd.s32 v59, v7  }
0xce: {  	vm8 =	vge.f32 v6, v2;
	v25 =	vpop (erf);
	v59 =	vsel vm10, $0x1, v0;
	vm11 =	vlt.u32 v7, $0x2  }
0xcf: {  	v7 =	vadd.s32 v11, v10;
	v10 =	vsel vm15, $0x1, v0;
	vm15 =	vge.f32 v5, v20;
	v56 =	vpop (erf)  }
0xd0: {  	v58 =	vnsel vm13, $0x0, v56;
	v60 =	vpop (erf);
	vm13 =	vgt.f32 v17, v5;
	v56 =	vsel vm7, $0x1, v0  }
0xd1: {  	vm7 =	vge.f32 v5, v2;
	v63 =	vnsel vm11, $0x0, v60;
	v23 =	vsel vm13, $0x1, v0  }
0xd2: {  	vm11 =	vgt.f32 v20, v6;
	v60 =	vsub.f32 v3, v1;
	v1 =	vsub.f32 v20, v1  }
0xd3: {  	v7 =	vadd.s32 v23, v7;
	v42 =	vsel vm11, $0x1, v0;
	v43 =	vadd.f32 v63, v58  }
0xd4: {  	[tilespmem:$0x1FFC0] =	vst v58;
	v58 =	vsel vm9, $0x1, v0;
	vm11 =	vge.f32 v5, v3;
	vm9 =	vge.f32 v17, v2  }
0xd5: {  	v17 =	vsel vm5, $0x1, v0;
	v7 =	vadd.s32 v29, v7;
	v13 =	vadd.s32 v42, v41  }
0xd6: {  	v61 =	vsel vm11, $0x1, v0;
	v21 =	vmul.f32 $1.442695020e+00, v60;
	v7 =	vadd.s32 v31, v7  }
0xd7: {  	v29 =	vsel vm6, $0x1, v0;
	v37 =	vsel vm9, $0x1, v0;
	v7 =	vadd.s32 v32, v7  }
0xd8: {  	v44 =	vpop (erf);
	vm11 =	vge.f32 v3, v2;
	v1 =	vmul.f32 $1.442695020e+00, v1;
	vm12 =	vlt.u32 v7, $0x2  }
0xd9: {  	v42 =	vsel vm14, $0x1, v0;
	v7 =	vmul.f32 $1.442695020e+00, v48;
	v45 =	vnsel vm12, $0x0, v44  }
0xda: {  	v46 =	vpop (erf);
	vm13 =	vlt.u32 v13, $0x2;
	v15 =	vadd.s32 v29, v28;
	v14 =	vadd.f32 v43, v45  }
0xdb: {  	v47 =	vnsel vm13, $0x0, v46;
	vm12 =	vge.f32 v6, v3;
	(erf) = vpow2.f32 v7  }
0xdc: {  	v7 =	vadd.s32 v55, v54;
	v23 =	vadd.f32 v14, v47;
	v14 =	vadd.s32 v59, v58  }
0xdd: {  	v62 =	vsel vm12, $0x1, v0;
	v7 =	vadd.s32 v56, v7;
	v14 =	vadd.s32 v61, v14  }
0xde: {  	[tilespmem:$0x1FFD0] =	vst v63;
	v31 =	vsel vm7, $0x1, v0;
	v7 =	vadd.s32 v57, v7;
	v63 =	vadd.s32 v62, v14  }
0xdf: {  	(erf) = vpow2.f32 v21;
	vm13 =	vlt.u32 v7, $0x2;
	v7 =	vadd.s32 v9, v63  }
0xe0: {  	v39 =	vsel vm11, $0x1, v0;
	v15 =	vadd.s32 v31, v15;
	v7 =	vadd.s32 v10, v7  }
0xe1: {  	v5 =	vld [tilespmem:$0x130];
	v32 =	vsel vm8, $0x1, v0;
	v7 =	vadd.s32 v24, v7;
	v24 =	vmul.f32 $1.442695020e+00, v33  }
0xe2: {  	vm7 =	vge.f32 v3, v20;
	vm8 =	vge.f32 v2, v20;
	v36 =	vadd.s32 v32, v15;
	v32 =	vld [tilespmem:$0x1B0]  }
0xe3: {  	v46 =	vsel vm7, $0x1, v0;
	v50 =	vsel vm8, $0x1, v0;
	v3 =	vld [tilespmem:$0x2B0];
	(erf) = vpow2.f32 v24  }
0xe4: {  	vm12 =	vgt.f32 v20, v2;
	v43 =	vsel vm15, $0x1, v0;
	v8 =	vpop (erf);
	(erf) = vpow2.f32 v1;
	v1 =	vld [tilespmem:$0x30]  }
0xe5: {  	[tilespmem:$0x1FFE0] =	vst v45;
	v45 =	vsel vm4, $0x1, v0;
	v14 =	vnsel vm13, $0x0, v8;
	vm13 =	vge.f32 v4, v20;
	v4 =	vld [tilespmem:$0xB0]  }
0xe6: {  	v2 =	vld [tilespmem:$0x330];
	vm10 =	vlt.u32 v7, $0x2;
	v7 =	vadd.s32 v37, v36;
	v41 =	vsel vm13, $0x1, v0  }
0xe7: {  	v40 =	vsel vm12, $0x1, v0;
	v33 =	vld [tilespmem:$0x230];
	v7 =	vadd.s32 v39, v7;
	v18 =	vadd.s32 v42, v41  }
0xe8: {  	v36 =	vld [tilespmem:$0x3B0];
	v38 =	vpop (erf);
	v7 =	vadd.s32 v40, v7;
	v11 =	vadd.f32 v23, v14;
	v44 =	vadd.s32 v43, v18  }
0xe9: {  	v15 =	vnsel vm10, $0x0, v38;
	vm6 =	vlt.u32 v7, $0x2;
	v6 =	vadd.s32 v45, v44  }
0xea: {  	[tilespmem:$0x1FFF0] =	vst v47;
	v21 =	vadd.f32 v11, v15;
	v6 =	vadd.s32 v17, v6;
	v47 =	vmax.f32 v1, v4  }
0xeb: {  	vm10 =	vgt.f32 v4, v1;
	vm11 =	vgt.f32 v5, v1;
	vm12 =	vgt.f32 v32, v1  }
0xec: {  	vm13 =	vgt.f32 v33, v1;
	vm14 =	vgt.f32 v3, v1;
	vm15 =	vgt.f32 v2, v1  }
0xed: {  	vm4 =	vgt.f32 v36, v1;
	vm5 =	vge.f32 v1, v4;
	vm7 =	vgt.f32 v32, v4  }
0xee: {  	vm8 =	vgt.f32 v33, v4;
	v6 =	vadd.s32 v46, v6;
	v51 =	vmax.f32 v47, v5  }
0xef: {  	v57 =	vsel vm10, $0x1, v0;
	v58 =	vsel vm11, $0x1, v0;
	v59 =	vsel vm12, $0x1, v0  }
0xf0: {  	v62 =	vsel vm13, $0x1, v0;
	v8 =	vsel vm14, $0x1, v0;
	v9 =	vsel vm15, $0x1, v0  }
0xf1: {  	v10 =	vsel vm4, $0x1, v0;
	v11 =	vsel vm5, $0x1, v0;
	v29 =	vsel vm7, $0x1, v0  }
0xf2: {  	v37 =	vsel vm8, $0x1, v0;
	vm11 =	vgt.f32 v2, v4;
	vm12 =	vgt.f32 v36, v4  }
0xf3: {  	vm13 =	vge.f32 v1, v5;
	vm15 =	vge.f32 v4, v5;
	vm4 =	vgt.f32 v32, v5  }
0xf4: {  	vm5 =	vgt.f32 v33, v5;
	vm7 =	vgt.f32 v2, v5;
	vm8 =	vgt.f32 v36, v5  }
0xf5: {  	v6 =	vadd.s32 v50, v6;
	v52 =	vmax.f32 v51, v32;
	v20 =	vadd.s32 v57, v58  }
0xf6: {  	v41 =	vsel vm11, $0x1, v0;
	v43 =	vsel vm12, $0x1, v0;
	v45 =	vsel vm13, $0x1, v0  }
0xf7: {  	v46 =	vsel vm15, $0x1, v0;
	v47 =	vsel vm4, $0x1, v0;
	v51 =	vsel vm7, $0x1, v0  }
0xf8: {  	vm12 =	vge.f32 v5, v32;
	vm13 =	vgt.f32 v33, v32;
	vm15 =	vgt.f32 v2, v32  }
0xf9: {  	vm4 =	vgt.f32 v36, v32;
	vm7 =	vge.f32 v5, v33;
	vm9 =	vlt.u32 v6, $0x2  }
0xfa: {  	v48 =	vpop (erf);
	v7 =	vmax.f32 v52, v33;
	v61 =	vadd.s32 v59, v20;
	v57 =	vsel vm12, $0x1, v0  }
0xfb: {  	v58 =	vsel vm13, $0x1, v0;
	v17 =	vnsel vm6, $0x0, v48;
	v55 =	vmax.f32 v7, v3  }
0xfc: {  	v7 =	vadd.s32 v62, v61;
	vm6 =	vgt.f32 v5, v4;
	v48 =	vsel vm5, $0x1, v0  }
0xfd: {  	v61 =	vsel vm15, $0x1, v0;
	v62 =	vsel vm4, $0x1, v0;
	vm5 =	vge.f32 v1, v33  }
0xfe: {  	v54 =	vpop (erf);
	vm15 =	vge.f32 v4, v3;
	vm4 =	vge.f32 v5, v3;
	v53 =	vadd.f32 v21, v17  }
0xff: {  	v18 =	vnsel vm9, $0x0, v54;
	v6 =	vmax.f32 v55, v2;
	v7 =	vadd.s32 v8, v7  }
0x100: {  	v12 =	vsel vm6, $0x1, v0;
	vm9 =	vgt.f32 v3, v4;
	vm6 =	vgt.f32 v3, v5  }
0x101: {  	v6 =	vmax.f32 v6, v36;
	v7 =	vadd.s32 v9, v7;
	v28 =	vadd.s32 v11, v12  }
0x102: {  	v38 =	vsel vm9, $0x1, v0;
	vm9 =	vge.f32 v1, v32;
	v9 =	vsel vm7, $0x1, v0  }
0x103: {  	vm7 =	vgt.f32 v2, v3;
	v56 =	vadd.f32 v53, v18;
	v60 =	vsub.f32 v1, v6  }
0x104: {  	v13 =	vsub.f32 v4, v6;
	v7 =	vadd.s32 v10, v7;
	v20 =	vadd.s32 v29, v28  }
0x105: {  	v42 =	vsub.f32 v5, v6;
	v28 =	vsel vm6, $0x1, v0;
	v53 =	vsel vm8, $0x1, v0  }
0x106: {  	v54 =	vsel vm9, $0x1, v0;
	vm6 =	vge.f32 v4, v33;
	vm8 =	vge.f32 v32, v33  }
0x107: {  	vm9 =	vgt.f32 v3, v33;
	v21 =	vadd.s32 v37, v20;
	vm10 =	vlt.u32 v7, $0x2  }
0x108: {  	v37 =	vsub.f32 v33, v6;
	v8 =	vsel vm6, $0x1, v0;
	v10 =	vsel vm8, $0x1, v0  }
0x109: {  	v11 =	vsel vm9, $0x1, v0;
	vm6 =	vge.f32 v33, v3;
	vm8 =	vge.f32 v1, v2  }
0x10a: {  	vm9 =	vge.f32 v4, v2;
	(erf) = vrcp.f32 v56;
	v63 =	vmul.f32 $1.442695020e+00, v60  }
0x10b: {  	v31 =	vmul.f32 $1.442695020e+00, v13;
	v39 =	vadd.s32 v38, v21;
	v44 =	vmul.f32 $1.442695020e+00, v42  }
0x10c: {  	v7 =	vadd.s32 v41, v39;
	v60 =	vmul.f32 $1.442695020e+00, v37;
	(erf) = vpow2.f32 v63  }
0x10d: {  	v7 =	vadd.s32 v43, v7;
	v63 =	vsel vm5, $0x1, v0;
	v43 =	vsel vm15, $0x1, v0  }
0x10e: {  	vm5 =	vge.f32 v32, v3;
	(erf) = vpow2.f32 v31;
	vm14 =	vlt.u32 v7, $0x2  }
0x10f: {  	v7 =	vadd.s32 v46, v45;
	v31 =	vsub.f32 v32, v6;
	v45 =	vsub.f32 v3, v6  }
0x110: {  	v46 =	vsel vm5, $0x1, v0;
	(erf) = vpow2.f32 v44;
	v7 =	vadd.s32 v47, v7  }
0x111: {  	v44 =	vsel vm4, $0x1, v0;
	vm4 =	vgt.f32 v36, v2;
	v7 =	vadd.s32 v48, v7  }
0x112: {  	v31 =	vmul.f32 $1.442695020e+00, v31;
	v47 =	vmul.f32 $1.442695020e+00, v45;
	v48 =	vsel vm6, $0x1, v0  }
0x113: {  	vm6 =	vge.f32 v1, v36;
	v7 =	vadd.s32 v28, v7;
	v28 =	vadd.s32 v8, v63  }
0x114: {  	v63 =	vsel vm6, $0x1, v0;
	v7 =	vadd.s32 v51, v7;
	(erf) = vpow2.f32 v31  }
0x115: {  	v28 =	vadd.s32 v9, v28;
	v51 =	vsel vm8, $0x1, v0;
	vm8 =	vge.f32 v5, v36  }
0x116: {  	v7 =	vadd.s32 v53, v7;
	(erf) = vpow2.f32 v60;
	v28 =	vadd.s32 v10, v28;
	v20 =	vpop (erf)  }
0x117: {  	v10 =	vsel vm8, $0x1, v0;
	vm11 =	vlt.u32 v7, $0x2;
	v28 =	vadd.s32 v11, v28;
	v40 =	vpop (erf)  }
0x118: {  	(erf) = vpow2.f32 v47;
	v21 =	vnsel vm10, $0x0, v40;
	v50 =	vpop (erf);
	vm10 =	vge.f32 v4, v32  }
0x119: {  	v17 =	vmul.f32 v20, v17;
	v23 =	vnsel vm14, $0x0, v50;
	v29 =	vsel vm10, $0x1, v0  }
0x11a: {  	vm14 =	vgt.f32 v3, v32;
	vm10 =	vgt.f32 v2, v33;
	v50 =	vsel vm7, $0x1, v0  }
0x11b: {  	v56 =	vpop (erf);
	vm7 =	vge.f32 v4, v36;
	v52 =	vadd.f32 v23, v21;
	v55 =	vadd.s32 v29, v54  }
0x11c: {  	v24 =	vnsel vm11, $0x0, v56;
	v59 =	vsel vm14, $0x1, v0;
	v12 =	vsel vm10, $0x1, v0  }
0x11d: {  	vm11 =	vgt.f32 v36, v33;
	vm14 =	vge.f32 v1, v3;
	vm10 =	vge.f32 v5, v2  }
0x11e: {  	v9 =	vsel vm7, $0x1, v0;
	v7 =	vadd.s32 v57, v55;
	v29 =	vadd.s32 v12, v28  }
0x11f: {  	v37 =	vsel vm11, $0x1, v0;
	v42 =	vsel vm14, $0x1, v0;
	vm11 =	vgt.f32 v36, v3  }
0x120: {  	v53 =	vsel vm10, $0x1, v0;
	vm14 =	vge.f32 v3, v2;
	vm10 =	vge.f32 v33, v36  }
0x121: {  	v4 =	vld [tilespmem:$0xC0];
	v38 =	vadd.f32 v52, v24;
	v7 =	vadd.s32 v58, v7;
	v39 =	vadd.s32 v37, v29  }
0x122: {  	v1 =	vld [tilespmem:$0x40];
	v52 =	vsel vm9, $0x1, v0;
	v54 =	vsel vm11, $0x1, v0;
	vm9 =	vge.f32 v32, v36  }
0x123: {  	v5 =	vld [tilespmem:$0x140];
	v13 =	vpop (erf);
	v11 =	vsel vm10, $0x1, v0;
	vm11 =	vge.f32 v3, v36;
	v7 =	vadd.s32 v59, v7  }
0x124: {  	vm13 =	vlt.u32 v39, $0x2;
	v41 =	vpop (erf);
	v31 =	vadd.s32 v52, v51;
	v59 =	vsel vm14, $0x1, v0  }
0x125: {  	v12 =	vsel vm11, $0x1, v0;
	v7 =	vadd.s32 v61, v7;
	v29 =	vnsel vm13, $0x0, v41  }
0x126: {  	v31 =	vadd.s32 v53, v31;
	vm13 =	vge.f32 v33, v2;
	v61 =	vsel vm4, $0x1, v0  }
0x127: {  	v7 =	vadd.s32 v62, v7;
	v56 =	vsel vm13, $0x1, v0;
	v45 =	vmax.f32 v1, v4  }
0x128: {  	vm14 =	vgt.f32 v4, v1;
	vm10 =	vgt.f32 v5, v4;
	vm12 =	vlt.u32 v7, $0x2  }
0x129: {  	v7 =	vadd.s32 v43, v42;
	v51 =	vsel vm14, $0x1, v0;
	v28 =	vnsel vm12, $0x0, v13  }
0x12a: {  	v3 =	vld [tilespmem:$0x240];
	v7 =	vadd.s32 v44, v7;
	vm12 =	vge.f32 v32, v2;
	v32 =	vsel vm9, $0x1, v0  }
0x12b: {  	v42 =	vld [tilespmem:$0x340];
	vm9 =	vge.f32 v1, v4;
	v40 =	vadd.f32 v38, v28;
	v7 =	vadd.s32 v46, v7  }
0x12c: {  	v55 =	vsel vm12, $0x1, v0;
	vm12 =	vge.f32 v2, v36;
	v46 =	vmax.f32 v45, v5  }
0x12d: {  	v44 =	vld [tilespmem:$0x3C0];
	v7 =	vadd.s32 v48, v7;
	v31 =	vadd.s32 v55, v31;
	v39 =	vadd.f32 v40, v29  }
0x12e: {  	v7 =	vadd.s32 v50, v7;
	v40 =	vsub.f32 v2, v6;
	v6 =	vsub.f32 v36, v6  }
0x12f: {  	v58 =	vadd.s32 v56, v31;
	v36 =	vsel vm12, $0x1, v0;
	vm12 =	vgt.f32 v3, v4  }
0x130: {  	v7 =	vadd.s32 v54, v7;
	vm7 =	vgt.f32 v42, v1;
	vm14 =	vgt.f32 v42, v4  }
0x131: {  	v57 =	vmul.f32 $1.442695020e+00, v40;
	vm15 =	vlt.u32 v7, $0x2;
	v6 =	vmul.f32 $1.442695020e+00, v6  }
0x132: {  	v60 =	vpop (erf);
	v7 =	vadd.s32 v59, v58;
	v56 =	vsel vm7, $0x1, v0;
	vm8 =	vgt.f32 v44, v1  }
0x133: {  	v40 =	vmul.f32 v19, v35;
	vm7 =	vgt.f32 v3, v5;
	v31 =	vnsel vm15, $0x0, v60  }
0x134: {  	v2 =	vld [tilespmem:$0x2C0];
	v7 =	vadd.s32 v61, v7;
	vm15 =	vgt.f32 v5, v1;
	v60 =	vsel vm9, $0x1, v0  }
0x135: {  	v61 =	vsel vm10, $0x1, v0;
	vm9 =	vgt.f32 v42, v5;
	(erf) = vpow2.f32 v57  }
0x136: {  	vm10 =	vgt.f32 v44, v5;
	(erf) = vpow2.f32 v6;
	v6 =	vadd.s32 v9, v63  }
0x137: {  	v62 =	vadd.f32 v39, v31;
	vm5 =	vlt.u32 v7, $0x2;
	v7 =	vadd.s32 v10, v6;
	v6 =	vld [tilespmem:$0x1C0]  }
0x138: {  	v52 =	vsel vm15, $0x1, v0;
	v57 =	vsel vm8, $0x1, v0;
	v7 =	vadd.s32 v32, v7  }
0x139: {  	vm15 =	vgt.f32 v44, v4;
	vm6 =	vgt.f32 v2, v1;
	v7 =	vadd.s32 v11, v7  }
0x13a: {  	v9 =	vsel vm12, $0x1, v0;
	v43 =	vsel vm15, $0x1, v0;
	v7 =	vadd.s32 v12, v7  }
0x13b: {  	vm8 =	vgt.f32 v2, v5;
	v55 =	vsel vm6, $0x1, v0;
	v7 =	vadd.s32 v36, v7  }
0x13c: {  	v12 =	vsel vm14, $0x1, v0;
	vm13 =	vlt.u32 v7, $0x2;
	v37 =	vmax.f32 v46, v6  }
0x13d: {  	vm4 =	vgt.f32 v6, v1;
	vm11 =	vgt.f32 v6, v4;
	vm6 =	vgt.f32 v6, v5  }
0x13e: {  	vm14 =	vge.f32 v4, v6;
	vm15 =	vge.f32 v5, v6;
	v50 =	vmax.f32 v37, v3  }
0x13f: {  	v37 =	vadd.s32 v51, v52;
	v53 =	vsel vm4, $0x1, v0;
	vm4 =	vge.f32 v1, v5  }
0x140: {  	v51 =	vsel vm7, $0x1, v0;
	v52 =	vsel vm8, $0x1, v0;
	vm7 =	vgt.f32 v44, v6  }
0x141: {  	vm8 =	vge.f32 v1, v3;
	v13 =	vpop (erf);
	v7 =	vmax.f32 v50, v2;
	v37 =	vadd.s32 v53, v37  }
0x142: {  	v45 =	vsel vm4, $0x1, v0;
	vm4 =	vgt.f32 v3, v6;
	v32 =	vnsel vm5, $0x0, v13  }
0x143: {  	v48 =	vpop (erf);
	v7 =	vmax.f32 v7, v42;
	vm5 =	vgt.f32 v3, v1;
	v47 =	vadd.f32 v62, v32  }
0x144: {  	v33 =	vnsel vm13, $0x0, v48;
	v54 =	vsel vm5, $0x1, v0;
	v7 =	vmax.f32 v7, v44  }
0x145: {  	v62 =	vsel vm11, $0x1, v0;
	vm13 =	vgt.f32 v2, v4;
	vm5 =	vge.f32 v4, v5  }
0x146: {  	v48 =	vsel vm6, $0x1, v0;
	vm6 =	vgt.f32 v42, v6;
	v37 =	vadd.s32 v54, v37  }
0x147: {  	v58 =	vsub.f32 v1, v7;
	v63 =	vsub.f32 v4, v7;
	v11 =	vsel vm13, $0x1, v0  }
0x148: {  	v13 =	vsub.f32 v5, v7;
	v46 =	vsel vm5, $0x1, v0;
	v54 =	vsel vm9, $0x1, v0  }
0x149: {  	vm13 =	vge.f32 v1, v6;
	vm5 =	vgt.f32 v2, v6;
	vm9 =	vge.f32 v4, v3  }
0x14a: {  	v36 =	vadd.f32 v47, v33;
	v37 =	vadd.s32 v55, v37;
	v47 =	vadd.s32 v46, v45  }
0x14b: {  	v55 =	vsub.f32 v6, v7;
	v37 =	vadd.s32 v56, v37;
	v59 =	vmul.f32 $1.442695020e+00, v58  }
0x14c: {  	v10 =	vmul.f32 $1.442695020e+00, v63;
	v50 =	vadd.s32 v48, v47;
	v56 =	vsel vm13, $0x1, v0  }
0x14d: {  	v58 =	vsel vm15, $0x1, v0;
	v63 =	vsel vm8, $0x1, v0;
	vm13 =	vgt.f32 v2, v3  }
0x14e: {  	vm15 =	vgt.f32 v44, v3;
	vm8 =	vge.f32 v6, v2;
	v37 =	vadd.s32 v57, v37  }
0x14f: {  	(erf) = vrcp.f32 v36;
	v36 =	vadd.s32 v60, v61;
	v57 =	vsel vm14, $0x1, v0  }
0x150: {  	v46 =	vmul.f32 $1.442695020e+00, v55;
	v60 =	vsel vm5, $0x1, v0;
	v61 =	vsel vm6, $0x1, v0  }
0x151: {  	v47 =	vsel vm13, $0x1, v0;
	vm14 =	vgt.f32 v42, v3;
	vm6 =	vge.f32 v4, v2  }
0x152: {  	vm13 =	vge.f32 v4, v42;
	vm0 =	vlt.u32 v37, $0x2;
	(erf) = vpow2.f32 v59  }
0x153: {  	v8 =	vadd.s32 v62, v36;
	v36 =	vmul.f32 $1.442695020e+00, v13;
	v59 =	vsel vm4, $0x1, v0  }
0x154: {  	v62 =	vsel vm7, $0x1, v0;
	vm4 =	vge.f32 v1, v2;
	vm7 =	vge.f32 v5, v2  }
0x155: {  	v35 =	vadd.s32 v9, v8;
	(erf) = vpow2.f32 v10;
	v8 =	vsel vm9, $0x1, v0  }
0x156: {  	v9 =	vsub.f32 v3, v7;
	vm9 =	vge.f32 v3, v2;
	v35 =	vadd.s32 v11, v35  }
0x157: {  	(erf) = vpow2.f32 v36;
	v36 =	vadd.s32 v51, v50;
	v10 =	vadd.s32 v8, v63  }
0x158: {  	v50 =	vsel vm14, $0x1, v0;
	v51 =	vsub.f32 v2, v7;
	v35 =	vadd.s32 v12, v35  }
0x159: {  	v36 =	vadd.s32 v52, v36;
	v12 =	vmul.f32 $1.442695020e+00, v9;
	v37 =	vadd.s32 v43, v35  }
0x15a: {  	v38 =	vadd.s32 v54, v36;
	v43 =	vsel vm10, $0x1, v0;
	v54 =	vsel vm15, $0x1, v0  }
0x15b: {  	v55 =	vmul.f32 $1.442695020e+00, v51;
	vm15 =	vge.f32 v5, v42;
	v38 =	vadd.s32 v43, v38  }
0x15c: {  	vm11 =	vlt.u32 v37, $0x2;
	v43 =	vmul.f32 v19, v34;
	vm12 =	vlt.u32 v38, $0x2  }
0x15d: {  	v38 =	vadd.s32 v57, v56;
	v56 =	vsel vm4, $0x1, v0;
	v57 =	vsel vm6, $0x1, v0  }
0x15e: {  	vm4 =	vge.f32 v6, v42;
	vm6 =	vge.f32 v2, v42;
	v38 =	vadd.s32 v58, v38  }
0x15f: {  	v58 =	vsel vm7, $0x1, v0;
	vm7 =	vgt.f32 v44, v42;
	v35 =	vpop (erf);
	(erf) = vpow2.f32 v46  }
0x160: {  	v38 =	vadd.s32 v59, v38;
	v59 =	vsel vm8, $0x1, v0;
	vm8 =	vge.f32 v1, v44  }
0x161: {  	v53 =	vpop (erf);
	v38 =	vadd.s32 v60, v38;
	(erf) = vpow2.f32 v12;
	v12 =	vsel vm15, $0x1, v0  }
0x162: {  	v24 =	vmul.f32 v35, v24;
	v28 =	vmul.f32 v35, v28;
	v37 =	vnsel vm0, $0x0, v53  }
0x163: {  	v41 =	vpop (erf);
	v38 =	vadd.s32 v61, v38;
	(erf) = vpow2.f32 v55;
	v61 =	vsel vm9, $0x1, v0  }
0x164: {  	vm9 =	vge.f32 v4, v44;
	v36 =	vnsel vm11, $0x0, v41;
	v45 =	vpop (erf);
	v38 =	vadd.s32 v62, v38  }
0x165: {  	vm11 =	vge.f32 v5, v3;
	v39 =	vadd.f32 v36, v37;
	v34 =	vnsel vm12, $0x0, v45  }
0x166: {  	vm10 =	vlt.u32 v38, $0x2;
	v11 =	vsel vm11, $0x1, v0;
	vm12 =	vge.f32 v6, v3  }
0x167: {  	vm11 =	vgt.f32 v44, v2;
	v38 =	vadd.s32 v11, v10;
	v13 =	vsel vm12, $0x1, v0  }
0x168: {  	v8 =	vsel vm11, $0x1, v0;
	vm12 =	vge.f32 v1, v42;
	v10 =	vsel vm13, $0x1, v0  }
0x169: {  	v4 =	vld [tilespmem:$0xD0];
	vm11 =	vge.f32 v6, v44;
	vm13 =	vge.f32 v2, v44;
	v39 =	vadd.f32 v39, v34  }
0x16a: {  	v1 =	vld [tilespmem:$0x50];
	v41 =	vadd.s32 v13, v38;
	v9 =	vsel vm12, $0x1, v0;
	v13 =	vsel vm4, $0x1, v0  }
0x16b: {  	v6 =	vsel vm11, $0x1, v0;
	vm12 =	vge.f32 v3, v44;
	v45 =	vadd.s32 v10, v9  }
0x16c: {  	v41 =	vadd.s32 v47, v41;
	v47 =	vmul.f32 v19, v49;
	v45 =	vadd.s32 v12, v45  }
0x16d: {  	v49 =	vmul.f32 v19, v30;
	v53 =	vadd.s32 v50, v41;
	v48 =	vpop (erf);
	v45 =	vadd.s32 v13, v45  }
0x16e: {  	v38 =	vnsel vm10, $0x0, v48;
	vm10 =	vgt.f32 v42, v2;
	v48 =	vsub.f32 v42, v7  }
0x16f: {  	v7 =	vsub.f32 v44, v7;
	v10 =	vmax.f32 v1, v4;
	vm11 =	vge.f32 v1, v4  }
0x170: {  	v52 =	vadd.f32 v39, v38;
	v39 =	vadd.s32 v54, v53;
	v62 =	vsel vm10, $0x1, v0  }
0x171: {  	v53 =	vsel vm6, $0x1, v0;
	v54 =	vsel vm7, $0x1, v0;
	vm10 =	vge.f32 v5, v44  }
0x172: {  	v51 =	vld [tilespmem:$0x350];
	vm5 =	vlt.u32 v39, $0x2;
	v39 =	vadd.s32 v57, v56;
	v48 =	vmul.f32 $1.442695020e+00, v48  }
0x173: {  	v56 =	vsel vm8, $0x1, v0;
	v57 =	vsel vm9, $0x1, v0;
	v39 =	vadd.s32 v58, v39  }
0x174: {  	v60 =	vpop (erf);
	v7 =	vmul.f32 $1.442695020e+00, v7;
	v58 =	vadd.s32 v57, v56;
	v41 =	vadd.s32 v59, v39  }
0x175: {  	v39 =	vnsel vm5, $0x0, v60;
	vm5 =	vge.f32 v3, v42;
	(erf) = vpow2.f32 v48  }
0x176: {  	v59 =	vsel vm10, $0x1, v0;
	v60 =	vsel vm12, $0x1, v0;
	v48 =	vmul.f32 v19, v26  }
0x177: {  	vm10 =	vgt.f32 v51, v1;
	v41 =	vadd.s32 v61, v41;
	v63 =	vadd.f32 v52, v39  }
0x178: {  	v52 =	vsel vm5, $0x1, v0;
	(erf) = vpow2.f32 v7;
	v5 =	vadd.s32 v59, v58  }
0x179: {  	v3 =	vld [tilespmem:$0x150];
	v61 =	vsel vm13, $0x1, v0;
	vm5 =	vgt.f32 v4, v1;
	v41 =	vadd.s32 v62, v41  }
0x17a: {  	v45 =	vadd.s32 v52, v45;
	v6 =	vadd.s32 v6, v5;
	v56 =	vsel vm5, $0x1, v0  }
0x17b: {  	v5 =	vld [tilespmem:$0x1D0];
	vm5 =	vgt.f32 v51, v4;
	v41 =	vadd.s32 v8, v41;
	v45 =	vadd.s32 v53, v45  }
0x17c: {  	v11 =	vpop (erf);
	v2 =	vadd.s32 v60, v6;
	vm14 =	vlt.u32 v41, $0x2;
	v55 =	vadd.s32 v54, v45  }
0x17d: {  	v41 =	vnsel vm14, $0x0, v11;
	vm14 =	vge.f32 v42, v44;
	vm15 =	vlt.u32 v55, $0x2  }
0x17e: {  	v6 =	vld [tilespmem:$0x250];
	v44 =	vmax.f32 v10, v3;
	vm6 =	vgt.f32 v3, v1;
	vm12 =	vgt.f32 v3, v4  }
0x17f: {  	v46 =	vadd.f32 v63, v41;
	v63 =	vadd.s32 v61, v2;
	v8 =	vsel vm14, $0x1, v0  }
0x180: {  	v53 =	vld [tilespmem:$0x3D0];
	v57 =	vsel vm6, $0x1, v0;
	v9 =	vadd.s32 v8, v63;
	v54 =	vmax.f32 v44, v5  }
0x181: {  	vm7 =	vgt.f32 v5, v1;
	v44 =	vadd.s32 v56, v57;
	v8 =	vsel vm11, $0x1, v0  }
0x182: {  	vm13 =	vgt.f32 v5, v4;
	vm11 =	vgt.f32 v5, v3;
	vm4 =	vlt.u32 v9, $0x2  }
0x183: {  	v7 =	vmax.f32 v54, v6;
	v58 =	vsel vm7, $0x1, v0;
	vm8 =	vgt.f32 v6, v1  }
0x184: {  	v9 =	vsel vm12, $0x1, v0;
	v10 =	vsel vm13, $0x1, v0;
	vm14 =	vgt.f32 v6, v4  }
0x185: {  	v2 =	vld [tilespmem:$0x2D0];
	vm6 =	vgt.f32 v53, v4;
	vm12 =	vgt.f32 v6, v3;
	v62 =	vpop (erf);
	v44 =	vadd.s32 v58, v44  }
0x186: {  	v59 =	vsel vm8, $0x1, v0;
	v30 =	vadd.s32 v8, v9;
	v42 =	vnsel vm15, $0x0, v62  }
0x187: {  	v44 =	vadd.s32 v59, v44;
	v62 =	vsel vm10, $0x1, v0;
	v30 =	vadd.s32 v10, v30  }
0x188: {  	v13 =	vpop (erf);
	vm15 =	vgt.f32 v53, v1;
	vm10 =	vge.f32 v4, v3;
	v59 =	vsel vm11, $0x1, v0  }
0x189: {  	vm11 =	vgt.f32 v53, v5;
	v11 =	vadd.f32 v46, v42;
	v13 =	vnsel vm4, $0x0, v13  }
0x18a: {  	v7 =	vmax.f32 v7, v2;
	vm9 =	vgt.f32 v2, v1;
	vm4 =	vgt.f32 v2, v4  }
0x18b: {  	v52 =	vsel vm15, $0x1, v0;
	v58 =	vsel vm10, $0x1, v0;
	vm13 =	vgt.f32 v2, v3  }
0x18c: {  	vm15 =	vgt.f32 v53, v3;
	vm10 =	vgt.f32 v51, v5;
	v7 =	vmax.f32 v7, v51  }
0x18d: {  	v61 =	vsel vm9, $0x1, v0;
	v50 =	vsel vm4, $0x1, v0;
	vm9 =	vge.f32 v1, v3  }
0x18e: {  	v8 =	vsel vm15, $0x1, v0;
	v55 =	vadd.f32 v11, v13;
	v7 =	vmax.f32 v7, v53  }
0x18f: {  	v44 =	vadd.s32 v61, v44;
	v11 =	vsel vm14, $0x1, v0;
	v57 =	vsel vm9, $0x1, v0  }
0x190: {  	v61 =	vsel vm13, $0x1, v0;
	vm14 =	vgt.f32 v51, v3;
	vm9 =	vgt.f32 v2, v5  }
0x191: {  	vm13 =	vge.f32 v4, v6;
	v60 =	vsub.f32 v1, v7;
	v63 =	vadd.s32 v62, v44  }
0x192: {  	v12 =	vsub.f32 v4, v7;
	v30 =	vadd.s32 v11, v30;
	v54 =	vsub.f32 v3, v7  }
0x193: {  	v10 =	vsub.f32 v5, v7;
	(erf) = vrcp.f32 v55;
	v44 =	vadd.s32 v50, v30  }
0x194: {  	v50 =	vsel vm5, $0x1, v0;
	v26 =	vadd.s32 v52, v63;
	v55 =	vsel vm6, $0x1, v0  }
0x195: {  	v63 =	vsel vm14, $0x1, v0;
	vm5 =	vge.f32 v1, v5;
	vm6 =	vge.f32 v4, v5  }
0x196: {  	vm14 =	vge.f32 v3, v6;
	v46 =	vmul.f32 $1.442695020e+00, v60;
	v45 =	vmul.f32 $1.442695020e+00, v12  }
0x197: {  	v44 =	vadd.s32 v50, v44;
	vm7 =	vlt.u32 v26, $0x2;
	v50 =	vmul.f32 v19, v27  }
0x198: {  	v27 =	vadd.s32 v58, v57;
	v60 =	vsel vm12, $0x1, v0;
	v52 =	vsel vm5, $0x1, v0  }
0x199: {  	v58 =	vsel vm9, $0x1, v0;
	vm12 =	vge.f32 v1, v6;
	(erf) = vpow2.f32 v46  }
0x19a: {  	vm5 =	vgt.f32 v2, v6;
	v44 =	vadd.s32 v55, v44;
	(erf) = vpow2.f32 v45  }
0x19b: {  	v27 =	vadd.s32 v59, v27;
	v59 =	vsel vm10, $0x1, v0;
	v55 =	vsub.f32 v6, v7  }
0x19c: {  	vm10 =	vge.f32 v4, v2;
	vm8 =	vlt.u32 v44, $0x2;
	v27 =	vadd.s32 v60, v27  }
0x19d: {  	v60 =	vsel vm11, $0x1, v0;
	vm11 =	vge.f32 v3, v2;
	v45 =	vmul.f32 $1.442695020e+00, v54  }
0x19e: {  	v44 =	vadd.s32 v61, v27;
	v54 =	vsel vm6, $0x1, v0;
	v61 =	vsel vm12, $0x1, v0  }
0x19f: {  	v55 =	vmul.f32 $1.442695020e+00, v55;
	vm6 =	vgt.f32 v51, v6;
	vm12 =	vge.f32 v5, v2  }
0x1a0: {  	v44 =	vadd.s32 v63, v44;
	(erf) = vpow2.f32 v45;
	v45 =	vmul.f32 $1.442695020e+00, v10  }
0x1a1: {  	v52 =	vadd.s32 v54, v52;
	v63 =	vsel vm14, $0x1, v0;
	vm14 =	vgt.f32 v51, v2;
	v30 =	vpop (erf)  }
0x1a2: {  	v44 =	vadd.s32 v8, v44;
	v10 =	vsel vm5, $0x1, v0;
	(erf) = vpow2.f32 v45;
	v56 =	vpop (erf)  }
0x1a3: {  	vm5 =	vge.f32 v1, v51;
	vm4 =	vlt.u32 v44, $0x2;
	(erf) = vpow2.f32 v55;
	v62 =	vpop (erf)  }
0x1a4: {  	v26 =	vnsel vm7, $0x0, v56;
	vm7 =	vge.f32 v3, v5;
	v27 =	vnsel vm8, $0x0, v62  }
0x1a5: {  	v12 =	vsel vm7, $0x1, v0;
	vm8 =	vgt.f32 v6, v5;
	v62 =	vsel vm13, $0x1, v0  }
0x1a6: {  	vm7 =	vgt.f32 v53, v6;
	vm13 =	vge.f32 v6, v2;
	v9 =	vadd.f32 v27, v26  }
0x1a7: {  	v56 =	vadd.s32 v12, v52;
	v57 =	vsel vm8, $0x1, v0;
	v52 =	vadd.s32 v62, v61  }
0x1a8: {  	v12 =	vsub.f32 v2, v7;
	vm8 =	vge.f32 v1, v2;
	v61 =	vsel vm10, $0x1, v0  }
0x1a9: {  	v11 =	vpop (erf);
	v62 =	vsel vm11, $0x1, v0;
	vm10 =	vge.f32 v2, v51;
	vm11 =	vgt.f32 v53, v51  }
0x1aa: {  	v44 =	vnsel vm4, $0x0, v11;
	v45 =	vadd.s32 v57, v56;
	v52 =	vadd.s32 v63, v52  }
0x1ab: {  	vm4 =	vge.f32 v5, v6;
	v11 =	vsel vm6, $0x1, v0;
	v63 =	vsel vm12, $0x1, v0  }
0x1ac: {  	vm6 =	vge.f32 v4, v51;
	vm12 =	vge.f32 v1, v53;
	v45 =	vadd.s32 v58, v45  }
0x1ad: {  	v46 =	vadd.f32 v9, v44;
	v9 =	vsel vm4, $0x1, v0;
	v58 =	vsel vm7, $0x1, v0  }
0x1ae: {  	vm7 =	vge.f32 v3, v51;
	v1 =	vsel vm12, $0x1, v0;
	v45 =	vadd.s32 v59, v45  }
0x1af: {  	v52 =	vadd.s32 v9, v52;
	v59 =	vmul.f32 $1.442695020e+00, v12;
	v45 =	vadd.s32 v60, v45  }
0x1b0: {  	v52 =	vadd.s32 v10, v52;
	v60 =	vsel vm8, $0x1, v0;
	v10 =	vsel vm14, $0x1, v0  }
0x1b1: {  	vm8 =	vge.f32 v5, v51;
	vm14 =	vge.f32 v3, v53;
	vm15 =	vlt.u32 v45, $0x2  }
0x1b2: {  	v8 =	vpop (erf);
	v57 =	vadd.s32 v11, v52;
	(erf) = vpow2.f32 v59;
	v59 =	vsel vm5, $0x1, v0  }
0x1b3: {  	v3 =	vsel vm14, $0x1, v0;
	vm5 =	vge.f32 v2, v53;
	v45 =	vnsel vm15, $0x0, v8  }
0x1b4: {  	v8 =	vsel vm13, $0x1, v0;
	vm15 =	vgt.f32 v53, v2;
	vm13 =	vge.f32 v4, v53  }
0x1b5: {  	v2 =	vsel vm5, $0x1, v0;
	v56 =	vadd.f32 v46, v45;
	v46 =	vadd.s32 v58, v57  }
0x1b6: {  	v12 =	vsel vm15, $0x1, v0;
	v57 =	vsel vm7, $0x1, v0;
	v4 =	vsel vm13, $0x1, v0  }
0x1b7: {  	vm15 =	vge.f32 v5, v53;
	vm9 =	vlt.u32 v46, $0x2;
	v46 =	vadd.s32 v61, v60  }
0x1b8: {  	v60 =	vsel vm6, $0x1, v0;
	v1 =	vadd.s32 v4, v1;
	vm6 =	vge.f32 v51, v53  }
0x1b9: {  	v46 =	vadd.s32 v62, v46;
	v54 =	vadd.s32 v60, v59;
	v62 =	vsel vm8, $0x1, v0  }
0x1ba: {  	v5 =	vld [tilespmem:$0x60];
	v1 =	vadd.s32 v3, v1;
	v3 =	vsel vm15, $0x1, v0;
	v46 =	vadd.s32 v63, v46  }
0x1bb: {  	v9 =	vpop (erf);
	v4 =	vld [tilespmem:$0x160];
	v54 =	vadd.s32 v57, v54;
	v1 =	vadd.s32 v3, v1;
	v52 =	vadd.s32 v8, v46  }
0x1bc: {  	v46 =	vnsel vm9, $0x0, v9;
	vm9 =	vge.f32 v6, v51;
	v54 =	vadd.s32 v62, v54  }
0x1bd: {  	v9 =	vsel vm10, $0x1, v0;
	v11 =	vadd.s32 v10, v52;
	v52 =	vmul.f32 v19, v22  }
0x1be: {  	v56 =	vadd.f32 v56, v46;
	v8 =	vsel vm9, $0x1, v0;
	v10 =	vsel vm11, $0x1, v0  }
0x1bf: {  	v19 =	vmul.f32 v19, v16;
	v58 =	vadd.s32 v12, v11;
	v54 =	vadd.s32 v8, v54  }
0x1c0: {  	vm10 =	vgt.f32 v4, v5;
	vm4 =	vlt.u32 v58, $0x2;
	v61 =	vpop (erf);
	v58 =	vsub.f32 v51, v7  }
0x1c1: {  	v54 =	vadd.s32 v9, v54;
	v22 =	vnsel vm4, $0x0, v61;
	vm4 =	vge.f32 v6, v53  }
0x1c2: {  	v7 =	vsub.f32 v53, v7;
	v59 =	vsel vm10, $0x1, v0;
	v6 =	vld [tilespmem:$0xE0];
	v3 =	vsel vm4, $0x1, v0  }
0x1c3: {  	v54 =	vadd.s32 v10, v54;
	v63 =	vmul.f32 $1.442695020e+00, v58;
	v1 =	vadd.s32 v3, v1  }
0x1c4: {  	v53 =	vsel vm6, $0x1, v0;
	v7 =	vmul.f32 $1.442695020e+00, v7;
	v2 =	vadd.s32 v2, v1  }
0x1c5: {  	v56 =	vadd.f32 v56, v22;
	v3 =	vld [tilespmem:$0x1E0];
	(erf) = vpow2.f32 v63;
	v2 =	vadd.s32 v53, v2  }
0x1c6: {  	vm7 =	vlt.u32 v54, $0x2;
	(erf) = vpow2.f32 v7;
	vm8 =	vlt.u32 v2, $0x2  }
0x1c7: {  	v1 =	vld [tilespmem:$0x260];
	v57 =	vmax.f32 v5, v6;
	vm9 =	vgt.f32 v6, v5;
	vm14 =	vge.f32 v5, v6  }
0x1c8: {  	vm15 =	vgt.f32 v4, v6;
	vm3 =	vge.f32 v6, v4;
	v58 =	vsel vm9, $0x1, v0  }
0x1c9: {  	v7 =	vld [tilespmem:$0x360];
	v61 =	vmax.f32 v57, v4;
	v8 =	vsel vm14, $0x1, v0;
	v9 =	vsel vm15, $0x1, v0  }
0x1ca: {  	vm11 =	vgt.f32 v3, v5;
	v16 =	vadd.s32 v58, v59;
	v55 =	vmax.f32 v61, v3  }
0x1cb: {  	v2 =	vld [tilespmem:$0x2E0];
	vm4 =	vgt.f32 v3, v6;
	vm14 =	vge.f32 v5, v3;
	vm15 =	vge.f32 v6, v3  }
0x1cc: {  	v60 =	vsel vm11, $0x1, v0;
	vm12 =	vgt.f32 v1, v5;
	v55 =	vmax.f32 v55, v1  }
0x1cd: {  	v58 =	vld [tilespmem:$0x3E0];
	vm6 =	vgt.f32 v1, v6;
	vm11 =	vge.f32 v5, v4;
	v16 =	vadd.s32 v60, v16  }
0x1ce: {  	v62 =	vsel vm12, $0x1, v0;
	vm5 =	vgt.f32 v7, v5;
	v60 =	vsel vm6, $0x1, v0  }
0x1cf: {  	vm9 =	vgt.f32 v7, v6;
	vm12 =	vgt.f32 v3, v4;
	vm6 =	vgt.f32 v7, v4  }
0x1d0: {  	v16 =	vadd.s32 v62, v16;
	vm13 =	vgt.f32 v2, v5;
	v55 =	vmax.f32 v55, v2  }
0x1d1: {  	v63 =	vsel vm13, $0x1, v0;
	v55 =	vmax.f32 v55, v7;
	vm13 =	vgt.f32 v1, v4  }
0x1d2: {  	v11 =	vpop (erf);
	v54 =	vadd.s32 v63, v16;
	v57 =	vmax.f32 v55, v58;
	vm10 =	vgt.f32 v58, v6  }
0x1d3: {  	v51 =	vnsel vm7, $0x0, v11;
	v11 =	vsel vm4, $0x1, v0;
	v59 =	vsub.f32 v5, v57  }
0x1d4: {  	vm7 =	vgt.f32 v58, v5;
	v61 =	vsel vm10, $0x1, v0;
	vm4 =	vgt.f32 v2, v4  }
0x1d5: {  	v10 =	vpop (erf);
	vm10 =	vgt.f32 v58, v3;
	v12 =	vadd.f32 v56, v51;
	v56 =	vadd.s32 v8, v9  }
0x1d6: {  	v16 =	vnsel vm8, $0x0, v10;
	vm8 =	vgt.f32 v2, v6;
	v9 =	vsel vm7, $0x1, v0  }
0x1d7: {  	vm7 =	vgt.f32 v1, v3;
	v56 =	vadd.s32 v11, v56;
	v8 =	vmul.f32 $1.442695020e+00, v59  }
0x1d8: {  	v10 =	vsel vm8, $0x1, v0;
	v11 =	vsel vm9, $0x1, v0;
	v59 =	vsel vm11, $0x1, v0  }
0x1d9: {  	vm8 =	vgt.f32 v58, v4;
	vm9 =	vgt.f32 v2, v3;
	vm11 =	vge.f32 v5, v1  }
0x1da: {  	v53 =	vadd.f32 v12, v16;
	v12 =	vsel vm5, $0x1, v0;
	v63 =	vadd.s32 v60, v56  }
0x1db: {  	v60 =	vsel vm3, $0x1, v0;
	vm5 =	vge.f32 v4, v3;
	v62 =	vadd.s32 v12, v54  }
0x1dc: {  	v54 =	vadd.s32 v10, v63;
	v63 =	vsel vm13, $0x1, v0;
	v10 =	vsub.f32 v6, v57  }
0x1dd: {  	vm13 =	vge.f32 v3, v1;
	(erf) = vrcp.f32 v53;
	v53 =	vadd.s32 v9, v62  }
0x1de: {  	v12 =	vadd.s32 v11, v54;
	v54 =	vadd.s32 v60, v59;
	v62 =	vsel vm12, $0x1, v0  }
0x1df: {  	v9 =	vsel vm15, $0x1, v0;
	v11 =	vsel vm4, $0x1, v0;
	vm4 =	vgt.f32 v7, v3  }
0x1e0: {  	v59 =	vsel vm11, $0x1, v0;
	vm12 =	vge.f32 v4, v1;
	vm15 =	vge.f32 v6, v2  }
0x1e1: {  	vm11 =	vgt.f32 v7, v1;
	vm0 =	vlt.u32 v53, $0x2;
	(erf) = vpow2.f32 v8  }
0x1e2: {  	v53 =	vadd.s32 v61, v12;
	v54 =	vadd.s32 v62, v54;
	v8 =	vsel vm14, $0x1, v0  }
0x1e3: {  	v12 =	vsel vm5, $0x1, v0;
	vm5 =	vge.f32 v6, v1;
	v61 =	vsel vm10, $0x1, v0  }
0x1e4: {  	v62 =	vsel vm12, $0x1, v0;
	vm14 =	vge.f32 v5, v2;
	vm10 =	vge.f32 v3, v2  }
0x1e5: {  	vm12 =	vge.f32 v1, v2;
	v54 =	vadd.s32 v63, v54;
	v55 =	vadd.s32 v9, v8  }
0x1e6: {  	vm1 =	vlt.u32 v53, $0x2;
	v9 =	vmul.f32 $1.442695020e+00, v10;
	v10 =	vsel vm6, $0x1, v0  }
0x1e7: {  	v60 =	vsel vm5, $0x1, v0;
	v63 =	vsel vm13, $0x1, v0;
	vm13 =	vgt.f32 v58, v1  }
0x1e8: {  	vm6 =	vgt.f32 v58, v2;
	v53 =	vadd.s32 v11, v54;
	v8 =	vadd.s32 v12, v55  }
0x1e9: {  	v11 =	vsub.f32 v4, v57;
	v12 =	vsel vm7, $0x1, v0;
	vm7 =	vge.f32 v4, v7  }
0x1ea: {  	(erf) = vpow2.f32 v9;
	v53 =	vadd.s32 v10, v53;
	v54 =	vadd.s32 v12, v8  }
0x1eb: {  	v9 =	vsel vm8, $0x1, v0;
	v10 =	vsel vm9, $0x1, v0;
	vm8 =	vge.f32 v4, v2  }
0x1ec: {  	vm9 =	vgt.f32 v2, v1;
	v8 =	vmul.f32 $1.442695020e+00, v11;
	v53 =	vadd.s32 v9, v53  }
0x1ed: {  	v54 =	vadd.s32 v10, v54;
	v11 =	vsel vm4, $0x1, v0;
	v9 =	vsel vm15, $0x1, v0  }
0x1ee: {  	vm15 =	vge.f32 v5, v7;
	vm2 =	vlt.u32 v53, $0x2;
	v12 =	vadd.s32 v11, v54  }
0x1ef: {  	v54 =	vadd.s32 v60, v59;
	v11 =	vsel vm8, $0x1, v0;
	v60 =	vsel vm6, $0x1, v0  }
0x1f0: {  	vm6 =	vge.f32 v1, v58;
	vm8 =	vgt.f32 v58, v7;
	(erf) = vpow2.f32 v8  }
0x1f1: {  	v53 =	vadd.s32 v61, v12;
	v54 =	vadd.s32 v62, v54;
	v8 =	vsel vm14, $0x1, v0  }
0x1f2: {  	v12 =	vsub.f32 v3, v57;
	vm14 =	vgt.f32 v7, v2;
	v62 =	vsub.f32 v2, v57  }
0x1f3: {  	v54 =	vadd.s32 v63, v54;
	v10 =	vadd.s32 v9, v8;
	v8 =	vsel vm9, $0x1, v0  }
0x1f4: {  	v9 =	vsel vm10, $0x1, v0;
	vm3 =	vlt.u32 v53, $0x2;
	vm9 =	vge.f32 v6, v7  }
0x1f5: {  	v63 =	vsel vm15, $0x1, v0;
	vm10 =	vge.f32 v3, v7;
	vm15 =	vge.f32 v3, v58  }
0x1f6: {  	v55 =	vadd.s32 v11, v10;
	v53 =	vadd.s32 v8, v54;
	v11 =	vmul.f32 $1.442695020e+00, v12  }
0x1f7: {  	v12 =	vsel vm11, $0x1, v0;
	v8 =	vsub.f32 v1, v57;
	vm11 =	vge.f32 v1, v7  }
0x1f8: {  	v10 =	vadd.s32 v9, v55;
	v9 =	vsel vm12, $0x1, v0;
	v53 =	vadd.s32 v12, v53  }
0x1f9: {  	v12 =	vsel vm14, $0x1, v0;
	vm12 =	vge.f32 v5, v58;
	vm14 =	vge.f32 v4, v58  }
0x1fa: {  	(erf) = vpow2.f32 v11;
	v54 =	vadd.s32 v9, v10;
	v10 =	vmul.f32 $1.442695020e+00, v8  }
0x1fb: {  	v11 =	vsel vm13, $0x1, v0;
	v8 =	vsel vm9, $0x1, v0;
	vm13 =	vge.f32 v6, v58  }
0x1fc: {  	v59 =	vsel vm12, $0x1, v0;
	vm9 =	vge.f32 v2, v58;
	v53 =	vadd.s32 v11, v53  }
0x1fd: {  	v54 =	vadd.s32 v12, v54;
	v9 =	vadd.s32 v8, v63;
	v11 =	vsel vm10, $0x1, v0  }
0x1fe: {  	v12 =	vsub.f32 v7, v57;
	v6 =	vsel vm13, $0x1, v0;
	v63 =	vsub.f32 v58, v57  }
0x1ff: {  	vm10 =	vge.f32 v7, v58;
	vm4 =	vlt.u32 v53, $0x2;
	(erf) = vpow2.f32 v10  }
0x200: {  	v61 =	vadd.s32 v60, v54;
	v10 =	vsel vm7, $0x1, v0;
	v54 =	vmul.f32 $1.442695020e+00, v62  }
0x201: {  	v5 =	vadd.s32 v6, v59;
	vm7 =	vge.f32 v2, v7;
	v2 =	vsel vm6, $0x1, v0  }
0x202: {  	v59 =	vsel vm9, $0x1, v0;
	vm5 =	vlt.u32 v61, $0x2;
	v55 =	vadd.s32 v10, v9  }
0x203: {  	v10 =	vsel vm11, $0x1, v0;
	v53 =	vpop (erf);
	v8 =	vadd.s32 v11, v55;
	v11 =	vmul.f32 $1.442695020e+00, v12  }
0x204: {  	v58 =	vsel vm7, $0x1, v0;
	(erf) = vpow2.f32 v54;
	v9 =	vpop (erf);
	v60 =	vadd.s32 v10, v8  }
0x205: {  	v12 =	vpop (erf);
	v55 =	vnsel vm0, $0x0, v9;
	(erf) = vpow2.f32 v11;
	v9 =	vsel vm14, $0x1, v0  }
0x206: {  	v6 =	vld [tilespmem:$0x1F0];
	v11 =	vmul.f32 $1.442695020e+00, v63;
	v4 =	vadd.s32 v58, v60;
	v54 =	vnsel vm1, $0x0, v12  }
0x207: {  	v63 =	vld [tilespmem:$0x70];
	v62 =	vpop (erf);
	v5 =	vadd.s32 v9, v5;
	v12 =	vsel vm15, $0x1, v0;
	v61 =	vadd.f32 v54, v55  }
0x208: {  	v9 =	vld [tilespmem:$0x170];
	v56 =	vnsel vm2, $0x0, v62;
	v5 =	vadd.s32 v12, v5;
	(erf) = vpow2.f32 v11;
	v10 =	vpop (erf)  }
0x209: {  	v62 =	vld [tilespmem:$0xF0];
	v2 =	vadd.s32 v2, v5;
	v3 =	vadd.f32 v61, v56;
	v57 =	vnsel vm3, $0x0, v10  }
0x20a: {  	v5 =	vld [tilespmem:$0x2F0];
	v2 =	vadd.s32 v59, v2;
	v61 =	vsel vm8, $0x1, v0;
	v10 =	vsel vm10, $0x1, v0  }
0x20b: {  	v44 =	vmul.f32 v53, v44;
	v4 =	vadd.s32 v61, v4;
	v2 =	vadd.s32 v10, v2  }
0x20c: {  	vm15 =	vgt.f32 v6, v63;
	v1 =	vadd.f32 v3, v57;
	vm11 =	vlt.u32 v4, $0x2;
	v4 =	vld [tilespmem:$0x270]  }
0x20d: {  	vm12 =	vlt.u32 v2, $0x2;
	vm14 =	vgt.f32 v9, v63;
	v61 =	vsel vm15, $0x1, v0  }
0x20e: {  	vm13 =	vgt.f32 v62, v63;
	v11 =	vsel vm14, $0x1, v0;
	vm9 =	vge.f32 v63, v62;
	v3 =	vpop (erf)  }
0x20f: {  	vm10 =	vgt.f32 v9, v62;
	vm7 =	vgt.f32 v5, v63;
	v58 =	vnsel vm4, $0x0, v3;
	v3 =	vpop (erf)  }
0x210: {  	vm14 =	vgt.f32 v5, v62;
	v1 =	vadd.f32 v1, v58;
	v59 =	vnsel vm5, $0x0, v3;
	v2 =	vpop (erf);
	v3 =	vld [tilespmem:$0x370]  }
0x211: {  	v60 =	vnsel vm11, $0x0, v2;
	v2 =	vsel vm13, $0x1, v0;
	vm6 =	vgt.f32 v4, v63  }
0x212: {  	vm13 =	vgt.f32 v4, v62;
	v1 =	vadd.f32 v1, v59;
	v2 =	vadd.s32 v2, v11  }
0x213: {  	v12 =	vpop (erf);
	v11 =	vsel vm6, $0x1, v0;
	vm6 =	vge.f32 v63, v9;
	v8 =	vadd.s32 v61, v2  }
0x214: {  	v61 =	vnsel vm12, $0x0, v12;
	v12 =	vmax.f32 v63, v62;
	v2 =	vld [tilespmem:$0x3F0];
	v1 =	vadd.f32 v1, v60  }
0x215: {  	vm12 =	vgt.f32 v6, v62;
	v7 =	vadd.s32 v11, v8;
	vm8 =	vgt.f32 v3, v63  }
0x216: {  	vm15 =	vgt.f32 v3, v62;
	v10 =	vadd.f32 v1, v61;
	v1 =	vmax.f32 v12, v9  }
0x217: {  	vm4 =	vge.f32 v4, v3;
	vm5 =	vge.f32 v5, v3;
	v1 =	vmax.f32 v1, v6  }
0x218: {  	v8 =	vsel vm8, $0x1, v0;
	v12 =	vmax.f32 v1, v4;
	v1 =	vsel vm7, $0x1, v0  }
0x219: {  	(erf) = vrcp.f32 v10;
	vm11 =	vgt.f32 v2, v63;
	vm7 =	vge.f32 v62, v9  }
0x21a: {  	vm8 =	vgt.f32 v2, v62;
	v7 =	vadd.s32 v1, v7;
	v11 =	vmax.f32 v12, v5  }
0x21b: {  	v12 =	vsel vm9, $0x1, v0;
	v1 =	vsel vm10, $0x1, v0;
	v10 =	vsel vm11, $0x1, v0  }
0x21c: {  	vm9 =	vgt.f32 v6, v9;
	vm10 =	vgt.f32 v4, v9;
	vm11 =	vgt.f32 v5, v9  }
0x21d: {  	v8 =	vadd.s32 v8, v7;
	v12 =	vadd.s32 v12, v1;
	v11 =	vmax.f32 v11, v3  }
0x21e: {  	v1 =	vsel vm12, $0x1, v0;
	vm12 =	vgt.f32 v3, v9;
	v7 =	vmax.f32 v11, v2  }
0x21f: {  	v8 =	vadd.s32 v10, v8;
	v1 =	vadd.s32 v1, v12;
	v12 =	vsel vm13, $0x1, v0  }
0x220: {  	vm13 =	vge.f32 v63, v6;
	v11 =	vsub.f32 v63, v7;
	vm0 =	vlt.u32 v8, $0x2  }
0x221: {  	v1 =	vadd.s32 v12, v1;
	v12 =	vsel vm14, $0x1, v0;
	v8 =	vsel vm6, $0x1, v0  }
0x222: {  	vm14 =	vge.f32 v62, v6;
	vm6 =	vgt.f32 v2, v9;
	v1 =	vadd.s32 v12, v1  }
0x223: {  	v12 =	vsel vm15, $0x1, v0;
	vm15 =	vge.f32 v9, v6;
	v10 =	vmul.f32 $1.442695020e+00, v11  }
0x224: {  	v1 =	vadd.s32 v12, v1;
	v12 =	vsel vm7, $0x1, v0;
	v11 =	vsub.f32 v62, v7  }
0x225: {  	vm7 =	vgt.f32 v4, v6;
	v8 =	vadd.s32 v12, v8;
	v12 =	vsel vm9, $0x1, v0  }
0x226: {  	vm9 =	vgt.f32 v3, v6;
	(erf) = vpow2.f32 v10;
	v10 =	vsel vm8, $0x1, v0  }
0x227: {  	v8 =	vadd.s32 v12, v8;
	v12 =	vsel vm10, $0x1, v0;
	vm8 =	vgt.f32 v5, v6  }
0x228: {  	vm10 =	vgt.f32 v2, v6;
	v1 =	vadd.s32 v10, v1;
	v10 =	vmul.f32 $1.442695020e+00, v11  }
0x229: {  	v11 =	vsub.f32 v9, v7;
	vm1 =	vlt.u32 v1, $0x2;
	v1 =	vadd.s32 v12, v8  }
0x22a: {  	v12 =	vsel vm11, $0x1, v0;
	v8 =	vsel vm12, $0x1, v0;
	vm11 =	vge.f32 v63, v4  }
0x22b: {  	vm12 =	vge.f32 v62, v4;
	(erf) = vpow2.f32 v10;
	v1 =	vadd.s32 v12, v1  }
0x22c: {  	v10 =	vsel vm13, $0x1, v0;
	v12 =	vsel vm14, $0x1, v0;
	vm13 =	vge.f32 v9, v4  }
0x22d: {  	vm14 =	vge.f32 v6, v4;
	v1 =	vadd.s32 v8, v1;
	v8 =	vadd.s32 v12, v10  }
0x22e: {  	v12 =	vsel vm15, $0x1, v0;
	v10 =	vsel vm6, $0x1, v0;
	vm15 =	vgt.f32 v5, v4  }
0x22f: {  	v8 =	vadd.s32 v12, v8;
	v12 =	vsel vm7, $0x1, v0;
	v1 =	vadd.s32 v10, v1  }
0x230: {  	v10 =	vmul.f32 $1.442695020e+00, v11;
	v11 =	vsel vm11, $0x1, v0;
	vm11 =	vgt.f32 v3, v4  }
0x231: {  	vm7 =	vge.f32 v63, v2;
	v8 =	vadd.s32 v12, v8;
	v12 =	vsel vm8, $0x1, v0  }
0x232: {  	vm2 =	vlt.u32 v1, $0x2;
	vm8 =	vgt.f32 v3, v5;
	v1 =	vadd.s32 v12, v8  }
0x233: {  	v12 =	vsel vm9, $0x1, v0;
	(erf) = vpow2.f32 v10;
	v8 =	vsel vm10, $0x1, v0  }
0x234: {  	v10 =	vsub.f32 v6, v7;
	vm9 =	vge.f32 v63, v5;
	vm10 =	vge.f32 v62, v5  }
0x235: {  	[tilespmem:$0x600] =	vst v49;
	v49 =	vsel vm8, $0x1, v0;
	vm8 =	vge.f32 v62, v2;
	v1 =	vadd.s32 v12, v1  }
0x236: {  	v12 =	vsel vm12, $0x1, v0;
	vm12 =	vge.f32 v9, v5;
	v1 =	vadd.s32 v8, v1  }
0x237: {  	v8 =	vadd.s32 v12, v11;
	v10 =	vmul.f32 $1.442695020e+00, v10;
	v12 =	vsel vm13, $0x1, v0  }
0x238: {  	v11 =	vsel vm9, $0x1, v0;
	vm3 =	vlt.u32 v1, $0x2;
	v1 =	vadd.s32 v12, v8  }
0x239: {  	v12 =	vsel vm14, $0x1, v0;
	v8 =	vsel vm15, $0x1, v0;
	(erf) = vpow2.f32 v10  }
0x23a: {  	[tilespmem:$0x400] =	vst v40;
	v1 =	vadd.s32 v12, v1;
	v10 =	vsub.f32 v4, v7;
	v12 =	vsel vm10, $0x1, v0  }
0x23b: {  	[tilespmem:$0x580] =	vst v48;
	v48 =	vld [tilespmem:$0x1FF50];
	v1 =	vadd.s32 v8, v1;
	v8 =	vadd.s32 v12, v11;
	v12 =	vsub.f32 v5, v7  }
0x23c: {  	[tilespmem:$0x500] =	vst v47;
	v47 =	vld [tilespmem:$0x1FF40];
	v40 =	vsel vm12, $0x1, v0;
	vm13 =	vgt.f32 v2, v4;
	v10 =	vmul.f32 $1.442695020e+00, v10  }
0x23d: {  	[tilespmem:$0x720] =	vst v17;
	vm14 =	vge.f32 v6, v5;
	vm15 =	vge.f32 v4, v5;
	v11 =	vmul.f32 $1.442695020e+00, v12  }
0x23e: {  	[tilespmem:$0x680] =	vst v50;
	v50 =	vld [tilespmem:$0x1FF60];
	v8 =	vadd.s32 v40, v8;
	v40 =	vsel vm14, $0x1, v0;
	(erf) = vpow2.f32 v10  }
0x23f: {  	[tilespmem:$0x480] =	vst v43;
	vm9 =	vgt.f32 v2, v5;
	v43 =	vsel vm15, $0x1, v0;
	(erf) = vpow2.f32 v11  }
0x240: {  	[tilespmem:$0x530] =	vst v24;
	v12 =	vsel vm11, $0x1, v0;
	v8 =	vadd.s32 v40, v8;
	v11 =	vmul.f32 v25, v48;
	v48 =	vld [tilespmem:$0x1FF70]  }
0x241: {  	[tilespmem:$0x700] =	vst v52;
	v1 =	vadd.s32 v12, v1;
	v12 =	vsel vm13, $0x1, v0;
	v10 =	vmul.f32 v25, v47;
	v40 =	vpop (erf)  }
0x242: {  	[tilespmem:$0x780] =	vst v19;
	vm12 =	vge.f32 v63, v3;
	v8 =	vadd.s32 v43, v8;
	v1 =	vadd.s32 v12, v1;
	v12 =	vld [tilespmem:$0x1FF90];
	v19 =	vpop (erf)  }
0x243: {  	v47 =	vsel vm9, $0x1, v0;
	v8 =	vadd.s32 v49, v8;
	[tilespmem:$0x410] =	vst v10;
	v10 =	vmul.f32 v25, v50;
	v50 =	vld [tilespmem:$0x1FF80];
	v52 =	vpop (erf)  }
0x244: {  	[tilespmem:$0x5B0] =	vst v28;
	v63 =	vmul.f32 v35, v23;
	vm10 =	vlt.u32 v1, $0x2;
	v1 =	vadd.s32 v47, v8;
	v49 =	vpop (erf)  }
0x245: {  	[tilespmem:$0x550] =	vst v44;
	v43 =	vnsel vm0, $0x0, v19;
	v19 =	vnsel vm1, $0x0, v52;
	v52 =	vpop (erf);
	v8 =	vmul.f32 v25, v48  }
0x246: {  	vm6 =	vgt.f32 v2, v3;
	v17 =	vsel vm8, $0x1, v0;
	[tilespmem:$0x4B0] =	vst v63;
	v47 =	vnsel vm3, $0x0, v52;
	v52 =	vld [tilespmem:$0x1FFB0]  }
0x247: {  	v23 =	vmul.f32 v35, v31;
	v48 =	vnsel vm2, $0x0, v49;
	[tilespmem:$0x590] =	vst v8;
	v8 =	vmul.f32 v25, v12;
	v49 =	vpop (erf)  }
0x248: {  	vm15 =	vge.f32 v6, v3;
	vm11 =	vlt.u32 v1, $0x2;
	[tilespmem:$0x510] =	vst v10;
	v10 =	vmul.f32 v25, v50;
	v50 =	vld [tilespmem:$0x1FFA0];
	v1 =	vpop (erf)  }
0x249: {  	vm13 =	vge.f32 v62, v3;
	v62 =	vmul.f32 v35, v21;
	[tilespmem:$0x690] =	vst v8;
	v8 =	vnsel vm11, $0x0, v1;
	v1 =	vld [tilespmem:$0x1FFC0]  }
0x24a: {  	v63 =	vmul.f32 v35, v29;
	[tilespmem:$0x6B0] =	vst v23;
	vm14 =	vge.f32 v9, v3;
	v55 =	vmul.f32 v40, v55  }
0x24b: {  	vm9 =	vge.f32 v9, v2;
	[tilespmem:$0x430] =	vst v62;
	v56 =	vmul.f32 v40, v56;
	v12 =	vmul.f32 v25, v52  }
0x24c: {  	v58 =	vmul.f32 v40, v58;
	[tilespmem:$0x610] =	vst v10;
	v49 =	vnsel vm10, $0x0, v49;
	v52 =	vmul.f32 v20, v15  }
0x24d: {  	vm10 =	vge.f32 v6, v2;
	vm11 =	vge.f32 v4, v2;
	v10 =	vmul.f32 v25, v50;
	[tilespmem:$0x790] =	vst v12  }
0x24e: {  	v15 =	vsel vm5, $0x1, v0;
	v25 =	vld [tilespmem:$0x1FFD0];
	v62 =	vsel vm11, $0x1, v0;
	[tilespmem:$0x6A0] =	vst v52;
	v1 =	vmul.f32 v20, v1  }
0x24f: {  	v50 =	vld [tilespmem:$0x1FFF0];
	v12 =	vsel vm13, $0x1, v0;
	v52 =	vmul.f32 v20, v18;
	v18 =	vsel vm7, $0x1, v0;
	[tilespmem:$0x710] =	vst v10  }
0x250: {  	vm13 =	vge.f32 v3, v2;
	v10 =	vsel vm12, $0x1, v0;
	vm12 =	vge.f32 v5, v2;
	[tilespmem:$0x420] =	vst v1;
	v1 =	vld [tilespmem:$0x1FFE0]  }
0x251: {  	[tilespmem:$0x7A0] =	vst v52;
	v52 =	vsub.f32 v3, v7;
	v7 =	vsub.f32 v2, v7;
	v2 =	vmul.f32 v35, v32  }
0x252: {  	[tilespmem:$0x490] =	vst v11;
	v3 =	vmul.f32 v35, v33;
	v29 =	vadd.s32 v12, v10;
	v32 =	vadd.f32 v19, v43  }
0x253: {  	v11 =	vmul.f32 v20, v25;
	v25 =	vsel vm14, $0x1, v0;
	v24 =	vmul.f32 $1.442695020e+00, v52;
	[tilespmem:$0x730] =	vst v2  }
0x254: {  	v31 =	vmul.f32 $1.442695020e+00, v7;
	v2 =	vmul.f32 v30, v37;
	[tilespmem:$0x7B0] =	vst v3;
	v5 =	vadd.s32 v25, v29  }
0x255: {  	[tilespmem:$0x4A0] =	vst v11;
	v11 =	vmul.f32 v20, v50;
	v50 =	vsel vm15, $0x1, v0;
	v1 =	vmul.f32 v20, v1  }
0x256: {  	v35 =	vadd.s32 v17, v18;
	(erf) = vpow2.f32 v24;
	[tilespmem:$0x440] =	vst v2;
	v3 =	vadd.s32 v50, v5  }
0x257: {  	(erf) = vpow2.f32 v31;
	[tilespmem:$0x520] =	vst v1;
	v1 =	vmul.f32 v20, v14;
	v14 =	vsel vm4, $0x1, v0  }
0x258: {  	[tilespmem:$0x5A0] =	vst v11;
	v11 =	vsel vm9, $0x1, v0;
	v2 =	vadd.s32 v14, v3;
	v3 =	vmul.f32 v30, v34  }
0x259: {  	v4 =	vadd.s32 v11, v35;
	v20 =	vsel vm10, $0x1, v0;
	v34 =	vadd.f32 v32, v48;
	[tilespmem:$0x620] =	vst v1  }
0x25a: {  	v1 =	vsel vm6, $0x1, v0;
	v2 =	vadd.s32 v15, v2;
	[tilespmem:$0x540] =	vst v3;
	v3 =	vmul.f32 v30, v41  }
0x25b: {  	[tilespmem:$0x630] =	vst v63;
	v5 =	vadd.f32 v34, v47;
	v1 =	vadd.s32 v1, v2;
	v2 =	vadd.s32 v20, v4  }
0x25c: {  	[tilespmem:$0x460] =	vst v55;
	v28 =	vsel vm12, $0x1, v0;
	vm14 =	vlt.u32 v1, $0x2;
	v1 =	vadd.s32 v62, v2  }
0x25d: {  	v41 =	vadd.f32 v5, v49;
	[tilespmem:$0x6C0] =	vst v3;
	v3 =	vsel vm13, $0x1, v0;
	v1 =	vadd.s32 v28, v1  }
0x25e: {  	[tilespmem:$0x560] =	vst v56;
	v33 =	vmul.f32 v30, v36;
	v1 =	vadd.s32 v3, v1  }
0x25f: {  	[tilespmem:$0x660] =	vst v58;
	v36 =	vmul.f32 v30, v38;
	v2 =	vpop (erf);
	v4 =	vadd.f32 v41, v8  }
0x260: {  	[tilespmem:$0x4C0] =	vst v33;
	v3 =	vmul.f32 v53, v27;
	v2 =	vnsel vm14, $0x0, v2  }
0x261: {  	v38 =	vmul.f32 v30, v42;
	[tilespmem:$0x5C0] =	vst v36;
	vm15 =	vlt.u32 v1, $0x2;
	v4 =	vadd.f32 v4, v2;
	v1 =	vpop (erf)  }
0x262: {  	[tilespmem:$0x4D0] =	vst v3;
	v3 =	vmul.f32 v53, v45;
	v1 =	vnsel vm15, $0x0, v1  }
0x263: {  	v42 =	vmul.f32 v53, v26;
	[tilespmem:$0x740] =	vst v38;
	v4 =	vadd.f32 v4, v1  }
0x264: {  	[tilespmem:$0x5D0] =	vst v3;
	v3 =	vmul.f32 v53, v22  }
0x265: {  	v37 =	vmul.f32 v30, v39;
	[tilespmem:$0x450] =	vst v42;
	(erf) = vrcp.f32 v4  }
0x266: {  	[tilespmem:$0x6D0] =	vst v3;
	v3 =	vmul.f32 v53, v16  }
0x267: {  	v39 =	vmul.f32 v30, v13;
	[tilespmem:$0x640] =	vst v37  }
0x268: {  	[tilespmem:$0x7D0] =	vst v3;
	v3 =	vmul.f32 v40, v54  }
0x269: {  	v52 =	vmul.f32 v53, v51;
	[tilespmem:$0x7C0] =	vst v39  }
0x26a: {  	[tilespmem:$0x4E0] =	vst v3;
	v3 =	vmul.f32 v40, v57  }
0x26b: {  	[tilespmem:$0x750] =	vst v52;
	v50 =	vmul.f32 v53, v46  }
0x26c: {  	[tilespmem:$0x5E0] =	vst v3;
	v3 =	vmul.f32 v40, v59  }
0x26d: {  	[tilespmem:$0x650] =	vst v50;
	v59 =	vmul.f32 v40, v60  }
0x26e: {  	[tilespmem:$0x6E0] =	vst v3;
	v3 =	vmul.f32 v40, v61;
	v60 =	vpop (erf)  }
0x26f: {  	[tilespmem:$0x760] =	vst v59;
	v61 =	vmul.f32 v60, v43  }
0x270: {  	[tilespmem:$0x7E0] =	vst v3;
	v3 =	vmul.f32 v60, v19  }
0x271: {  	v62 =	vmul.f32 v60, v48;
	[tilespmem:$0x470] =	vst v61  }
0x272: {  	v63 =	vmul.f32 v60, v49;
	[tilespmem:$0x4F0] =	vst v3  }
0x273: {  	v2 =	vmul.f32 v60, v2;
	[tilespmem:$0x570] =	vst v62  }
0x274: {  	v3 =	vmul.f32 v60, v47;
	[tilespmem:$0x670] =	vst v63  }
0x275: {  	v1 =	vmul.f32 v60, v1;
	[tilespmem:$0x770] =	vst v2  }
0x276: {  	[tilespmem:$0x5F0] =	vst v3;
	v3 =	vmul.f32 v60, v8  }
0x277: {  	p0 =	sne.s32 s5, $0x1;
	[tilespmem:$0x7F0] =	vst v1  }
.Ltmp0:
0x278: {  	[tilespmem:$0x6F0] =	vst v3;
	(pc) =	sbr.rel @p0 .LBB2_1-.Ltmp0, $4  }
0x279: {  	[hbm4b:s4+s2] =	stream.linear.scatter [tilespmem:s7], [sflag:$0x2], $0x400, $0x38;
	[tilespmem:$0x800] =	vst v63  }
0x27a: {  	_ =	swait.ge [sflag:s8], $0x400  }
0x27b: {  	[sflag:s8] =	ssyncset.done $0x0  }
0x27c: {  	s5 =	sadd.s32 $0xFFFFFFFF, s5;
	[sflag:s8] =	ssyncadd.s32 $0xFFFFFC00  }
0x27d: {  	_ =	sfence.sel $0x180000  }
0x27e: {  	[bflag:$0x0] =	sbarrier.arrive $0xFFFF  }
0x27f: {  	p0 =	sne.s32 s1, $0x0;
	_ =	strace $0x90000047  }
0x280: {  	s0 =	sadd.s32 @!p0 $0x100000, s0;
	[bflag:$0x2] =	sbarrier.arrive $0xFFFF  }
0x281: {  	[sflag:s0] =	ssyncadd.tile.s32 @!p0 $0x1;
	_ =	shalt  }
.Lfunc_end2:
_tile_overlayer_lowered:
.L_overlay_start_2:
0x282: {  	(tag) =	ssettag $0x2  }
0x283: {  	s0 =	rddreg [dreg:$0x0];
	s2 =	stileid.u32  }
0x284: {  	s1 =	rddreg [dreg:$0x1];
	p0 =	sne.s32 s2, $0x0  }
0x285: {  	s3 =	rddreg [dreg:$0x2];
	[bflag:$0x3] =	sbarrier.arrive $0xFFFF;
	s2 =	simm.s32 @!p0 $0x1C03  }
0x286: {  	[timem:s3], [sflag:s2] =	dma.local @!p0 [hbm:s0], s1  }
0x287: {  	s0 =	simm.s32 @!p0 $0x3  }
0x288: {  	_ =	swait.ge @!p0 [sflag:s0], s1  }
0x289: {  	s1 =	ssub.s32 @!p0 $0x0, s1;
	[sflag:s0] =	ssyncset.done @!p0 $0x0  }
0x28a: {  	[sflag:s0] =	ssyncadd.s32 @!p0 s1  }
0x28b: {  	[bflag:$0x3] =	sbarrier.arrive $0xFFFF  }
0x28c: {  	_ =	shalt  }

</sc_bundles>
